<compile_context>
chip_gen: v7x
topology: tpu7x:2x2x1
jax: 0.10.2.dev20260603
libtpu: 0.0.44.dev20260713+nightly
codegen_flags: <defaults>
</compile_context>

<pallas_src>
import functools

import jax
import jax.numpy as jnp
from jax import lax
from jax.experimental import pallas as pl
from jax.experimental.pallas import tpu as pltpu
from jax.experimental.pallas import tpu_sc as plsc

_ALPHA = 1.0
_BETA = 10.0
_R = 50.0
_K = 3

_KEY_NEG_INF = -2139095041
_KEY_POS_INF = 2139095040


def _softplus(x):
    return jnp.maximum(x, 0.0) + jnp.log1p(jnp.exp(-jnp.abs(x)))


def _stats_body(p_ref, th_ref, tp_ref, tt_ref,
                nps_ref, ps_ref, ns_ref, npb_ref, pb_ref, nb_ref, l1_ref):
    @pl.when(pl.program_id(0) == 0)
    def _init():
        for r in (nps_ref, ps_ref, ns_ref, npb_ref, pb_ref, nb_ref, l1_ref):
            r[...] = jnp.zeros_like(r)

    p = p_ref[...]
    th = th_ref[...]
    tp = tp_ref[...]
    tt = tt_ref[...]

    ls = _softplus(p) - tp * p
    ms = tp > 0.5
    xb = _R * (p - th)
    tb = _R * (tp - tt)
    lb = _softplus(xb) - tb * xb
    mb = tb > 0.5

    zero = jnp.zeros_like(p)
    ones_row = jnp.ones((1, p.shape[0]), jnp.float32)

    def rsum(x):
        return jax.lax.dot_general(ones_row, x, (((1,), (0,)), ((), ())),
                                   preferred_element_type=jnp.float32)

    nps_ref[...] += rsum(jnp.where(ms, jnp.ones_like(p), zero))
    ps_ref[...] += rsum(jnp.where(ms, ls, zero))
    ns_ref[...] += rsum(ls)
    npb_ref[...] += rsum(jnp.where(mb, jnp.ones_like(p), zero))
    pb_ref[...] += rsum(jnp.where(mb, lb, zero))
    nb_ref[...] += rsum(lb)
    l1_ref[...] += rsum(jnp.abs(th - tt))


def _block_rows(rows):
    for br in (256, 128, 64, 32, 16, 8):
        if rows % br == 0:
            return br
    return rows


def _stats(p, th, tp, tt):
    rows, w = p.shape
    br = _block_rows(rows)
    blk = pl.BlockSpec((br, w), lambda i: (i, 0))
    out_blk = pl.BlockSpec((1, w), lambda i: (0, 0))
    out_sh = jax.ShapeDtypeStruct((1, w), jnp.float32)
    outs = pl.pallas_call(
        _stats_body,
        grid=(rows // br,),
        in_specs=[blk, blk, blk, blk],
        out_specs=[out_blk] * 7,
        out_shape=[out_sh] * 7,
    )(p, th, tp, tt)
    return [jnp.sum(o) for o in outs]


def _negloss_s_body(p_ref, tp_ref, out_ref):
    p = p_ref[...]
    tp = tp_ref[...]
    ls = _softplus(p) - tp * p
    out_ref[...] = jnp.where(tp > 0.5, -jnp.inf, ls)


def _negloss_b_body(p_ref, th_ref, tp_ref, tt_ref, out_ref):
    xb = _R * (p_ref[...] - th_ref[...])
    tb = _R * (tp_ref[...] - tt_ref[...])
    lb = _softplus(xb) - tb * xb
    out_ref[...] = jnp.where(tb > 0.5, -jnp.inf, lb)


def _negloss(body, arrays):
    rows, w = arrays[0].shape
    br = _block_rows(rows)
    blk = pl.BlockSpec((br, w), lambda i: (i, 0))
    return pl.pallas_call(
        body,
        grid=(rows // br,),
        in_specs=[blk] * len(arrays),
        out_specs=blk,
        out_shape=jax.ShapeDtypeStruct((rows, w), jnp.float32),
    )(*arrays)


def _countsum_body(t_ref, x_ref, cnt_ref, sum_ref):
    @pl.when(pl.program_id(0) == 0)
    def _init():
        cnt_ref[...] = jnp.zeros_like(cnt_ref)
        sum_ref[...] = jnp.zeros_like(sum_ref)
    x = x_ref[...]
    t = t_ref[0, 0]
    above = x > t
    cnt_ref[...] += jnp.sum(jnp.where(above, 1.0, 0.0), axis=0, keepdims=True)
    sum_ref[...] += jnp.sum(jnp.where(above, x, 0.0), axis=0, keepdims=True)


def _countsum(negloss, t):
    rows, w = negloss.shape
    br = _block_rows(rows)
    cnt, ssum = pl.pallas_call(
        _countsum_body,
        grid=(rows // br,),
        in_specs=[
            pl.BlockSpec(memory_space=pltpu.SMEM),
            pl.BlockSpec((br, w), lambda i: (i, 0)),
        ],
        out_specs=[pl.BlockSpec((1, w), lambda i: (0, 0))] * 2,
        out_shape=[jax.ShapeDtypeStruct((1, w), jnp.float32)] * 2,
    )(t.reshape(1, 1), negloss)
    return jnp.sum(cnt), jnp.sum(ssum)



_SC_WORKERS = 32
_SC_CHUNK_ELEMS = 16 * 512


def _sc_softplus(x):
    a = jnp.abs(x)
    u = jnp.exp(-a)
    w = u / (2.0 + u)
    w2 = w * w
    log1p_u = 2.0 * w * (1.0 + w2 * (1.0 / 3.0 + w2 * (0.2 + w2 * (1.0 / 7.0))))
    return jnp.maximum(x, 0.0) + log1p_u


_SC_UNROLL = 4


def _sc_stats_body(p_hbm, th_hbm, tp_hbm, tt_hbm, out_hbm,
                   pb, thb, tpb, ttb, sem0, sem1, acc_ref):
    wid = lax.axis_index("s") * 2 + lax.axis_index("c")
    n_total = p_hbm.shape[0]
    per_w = n_total // _SC_WORKERS
    n_chunks = per_w // _SC_CHUNK_ELEMS
    base = wid * per_w
    sems = (sem0, sem1)

    def start(c):
        off = base + c * _SC_CHUNK_ELEMS
        b = c % 2
        sl = pl.ds(off, _SC_CHUNK_ELEMS)
        return [pltpu.async_copy(src.at[sl], dst.at[b], sems[b])
                for src, dst in ((p_hbm, pb), (th_hbm, thb),
                                 (tp_hbm, tpb), (tt_hbm, ttb))]

    zeros = jnp.zeros((16,), jnp.float32)
    accs = (zeros,) * 7
    handles = start(0)
    for c in range(n_chunks):
        b = c % 2
        for h in handles:
            h.wait()
        if c + 1 < n_chunks:
            handles = start(c + 1)

        def slice_step(i, accs, b=b):
            nps, ps, ts, npb_, pbs, tbs, l1 = accs
            one = jnp.ones((16,), jnp.float32)
            zero = jnp.zeros((16,), jnp.float32)
            for u in range(_SC_UNROLL):
                s = pl.ds(i * (16 * _SC_UNROLL) + u * 16, 16)
                p = pb[b, s]
                th = thb[b, s]
                tp = tpb[b, s]
                tt = ttb[b, s]
                ls = _sc_softplus(p) - tp * p
                ms = tp > 0.5
                xb = _R * (p - th)
                tb = _R * (tp - tt)
                lb = _sc_softplus(xb) - tb * xb
                mb = tb > 0.5
                nps = nps + jnp.where(ms, one, zero)
                ps = ps + jnp.where(ms, ls, zero)
                ts = ts + ls
                npb_ = npb_ + jnp.where(mb, one, zero)
                pbs = pbs + jnp.where(mb, lb, zero)
                tbs = tbs + lb
                l1 = l1 + jnp.abs(th - tt)
            return (nps, ps, ts, npb_, pbs, tbs, l1)

        accs = lax.fori_loop(0, _SC_CHUNK_ELEMS // (16 * _SC_UNROLL),
                             slice_step, accs)

    for j in range(7):
        acc_ref[j] = accs[j]
    pltpu.sync_copy(acc_ref, out_hbm.at[wid])


@functools.cache
def _sc_stats_fn():
    return pl.kernel(
        _sc_stats_body,
        out_type=jax.ShapeDtypeStruct((_SC_WORKERS, 7, 16), jnp.float32),
        mesh=plsc.VectorSubcoreMesh(core_axis_name="c", subcore_axis_name="s"),
        scratch_types=[pltpu.VMEM((2, _SC_CHUNK_ELEMS), jnp.float32)] * 4
                      + [pltpu.SemaphoreType.DMA] * 2
                      + [pltpu.VMEM((7, 16), jnp.float32)],
    )


def _decode_key(key):
    bits = jnp.where(key < 0, key ^ jnp.int32(0x7FFFFFFF), key)
    return lax.bitcast_convert_type(bits, jnp.float32)


def _topk_neg_sum(negloss, k):
    def body(_, carry):
        lo, hi = carry
        mid = (lo >> 1) + (hi >> 1) + (lo & hi & jnp.int32(1))
        c, _ = _countsum(negloss, _decode_key(mid))
        geq = c >= k
        return jnp.where(geq, mid, lo), jnp.where(geq, hi, mid)

    lo0 = jnp.int32(_KEY_NEG_INF)
    hi0 = jnp.int32(_KEY_POS_INF)
    _, hi = lax.fori_loop(0, 33, body, (lo0, hi0))
    v = _decode_key(hi)
    c, s = _countsum(negloss, v)
    return s + jnp.where(k > c, (k - c) * v, 0.0)


def _balanced(pos_sum, neg_sum_all, n_pos, n_avail, negloss_fn):
    k = jnp.minimum(n_avail, _K * n_pos)

    def fast(_):
        return neg_sum_all

    def slow(_):
        return _topk_neg_sum(negloss_fn(), k)

    neg_top = lax.cond(k < n_avail, slow, fast, None)
    return (pos_sum + neg_top) / (n_pos + k)


@jax.jit
def kernel(proba_map, thresh_map, target_proba_map, target_thresh_map):
    w = proba_map.shape[-1]
    p = proba_map.reshape(-1, w)
    th = thresh_map.reshape(-1, w)
    tp = target_proba_map.reshape(-1, w)
    tt = target_thresh_map.reshape(-1, w)
    n = jnp.float32(p.size)

    rows = p.shape[0]
    sc_rows = 2048
    use_sc = (rows > sc_rows
              and (sc_rows * w) % (_SC_WORKERS * _SC_CHUNK_ELEMS) == 0
              and (rows - sc_rows) % _block_rows(rows - sc_rows) == 0)
    if use_sc:
        sc_out = _sc_stats_fn()(
            p[:sc_rows].reshape(-1), th[:sc_rows].reshape(-1),
            tp[:sc_rows].reshape(-1), tt[:sc_rows].reshape(-1))
        stats_tc = _stats(p[sc_rows:], th[sc_rows:], tp[sc_rows:], tt[sc_rows:])
        stats = [stats_tc[i] + jnp.sum(sc_out[:, i, :]) for i in range(7)]
    else:
        stats = _stats(p, th, tp, tt)
    nps, ps, ts, npb, pb, tb, l1 = stats

    Ls = _balanced(ps, ts - ps, nps, n - nps,
                   lambda: _negloss(_negloss_s_body, (p, tp)))
    Lb = _balanced(pb, tb - pb, npb, n - npb,
                   lambda: _negloss(_negloss_b_body, (p, th, tp, tt)))
    Lt = l1 / n
    return Ls + _ALPHA * Lb + _BETA * Lt

# --- scband reference (transcript-rebuilt; emitter-appended) ---
"""Pipeline reference for scband-dbloss-11605001634022 (READ-ONLY COPY).

The authoritative reference and input builder live on the scoring server;
editing this copy changes nothing except your own understanding.
"""

import jax, jax.numpy as jnp
import numpy as np

ALPHA = 1.0
BETA = 10.0
R = 50.0
K = 3


def setup_inputs(seed: int = 0) -> dict:
    key = jax.random.key(seed)
    k1, k2, k3, k4 = jax.random.split(key, 4)
    shape = (16, 1, 512, 512)
    proba_map = jax.random.normal(k1, shape, dtype=jnp.float32)
    thresh_map = jax.random.normal(k2, shape, dtype=jnp.float32)
    target_proba_map = jax.random.uniform(k3, shape, dtype=jnp.float32)
    target_thresh_map = jax.random.uniform(k4, shape, dtype=jnp.float32)
    return {
        "proba_map": proba_map,
        "thresh_map": thresh_map,
        "target_proba_map": target_proba_map,
        "target_thresh_map": target_thresh_map,
    }


def _bce_with_logits(x, t):
    # elementwise binary cross entropy with logits:
    # loss = t*softplus(-x) + (1-t)*softplus(x)
    return t * jax.nn.softplus(-x) + (1.0 - t) * jax.nn.softplus(x)


def _balanced_bce(predicts, targets, k=K):
    target_mask = targets > 0.5
    n_positive = jnp.count_nonzero(target_mask)
    n_neg_avail = jnp.count_nonzero(~target_mask)
    n_negative = jnp.minimum(n_neg_avail, k * n_positive)
    losses = _bce_with_logits(predicts, targets)
    pos_losses = jnp.sum(jnp.where(target_mask, losses, 0.0))
    # negatives sorted descending; positives pushed to the end via -inf
    neg_vals = jnp.where(target_mask, -jnp.inf, losses).ravel()
    sorted_desc = -jnp.sort(-neg_vals)
    idx = jnp.arange(sorted_desc.shape[0])
    neg_losses = jnp.sum(jnp.where(idx < n_negative, sorted_desc, 0.0))
    denom = (n_positive + n_negative).astype(losses.dtype)
    return (pos_losses + neg_losses) / denom


def reference(proba_map, thresh_map, target_proba_map, target_thresh_map):
    bin_map = R * (proba_map - thresh_map)
    target_bin_map = R * (target_proba_map - target_thresh_map)
    Ls = _balanced_bce(proba_map, target_proba_map)
    Lb = _balanced_bce(bin_map, target_bin_map)
    Lt = jnp.mean(jnp.abs(thresh_map - target_thresh_map))
    L = Ls + ALPHA * Lb + BETA * Lt
    return L

if __name__ == "__main__":
    import jax
    _d = setup_inputs()
    print(jax.jit(kernel)(*tuple(_d.values())))

</pallas_src>

<mosaic_0001>
#map = affine_map<(d0, d1) -> (0)>
#map1 = affine_map<(d0, d1) -> (0, 0, 0)>
module attributes {stable_mosaic.version = 14 : i64} {
  func.func @_sc_stats_body(%arg0: i32, %arg1: i32, %arg2: memref<1048576xf32, #tpu.memory_space<hbm>>, %arg3: memref<1048576xf32, #tpu.memory_space<hbm>>, %arg4: memref<1048576xf32, #tpu.memory_space<hbm>>, %arg5: memref<1048576xf32, #tpu.memory_space<hbm>>, %arg6: memref<32x7x16xf32, #tpu.memory_space<hbm>>, %arg7: memref<2x8192xf32, #tpu.memory_space<vmem>>, %arg8: memref<2x8192xf32, #tpu.memory_space<vmem>>, %arg9: memref<2x8192xf32, #tpu.memory_space<vmem>>, %arg10: memref<2x8192xf32, #tpu.memory_space<vmem>>, %arg11: memref<!tpu.dma_semaphore, #tpu.memory_space<semaphore_mem>>, %arg12: memref<!tpu.dma_semaphore, #tpu.memory_space<semaphore_mem>>, %arg13: memref<7x16xf32, #tpu.memory_space<vmem>>) attributes {dimension_semantics = [#tpu.dimension_semantics<core_parallel>, #tpu.dimension_semantics<subcore_parallel>], iteration_bounds = array<i64: 2, 16>, scalar_prefetch = 0 : i64, scratch_operands = 7 : i64, tpu.core_type = #tpu.core_type<sc_vector_subcore>, window_params = [{transform_indices = #map}, {transform_indices = #map}, {transform_indices = #map}, {transform_indices = #map}, {transform_indices = #map1}]} {
    %mul3A = arith.constant 2 : i32
    %mul3A_0 = arith.muli %arg1, %mul3A : i32
    %add3A = arith.addi %mul3A_0, %arg0 : i32
    %mul3A_1 = arith.constant 32768 : i32
    %mul3A_2 = arith.muli %add3A, %mul3A_1 : i32
    %broadcast_in_dim3A = arith.constant 0.000000e+00 : f32
    %broadcast_in_dim3A_3 = vector.broadcast %broadcast_in_dim3A : f32 to vector<16xf32>
    %add3A_4 = arith.constant 0 : i32
    %add3A_5 = arith.addi %mul3A_2, %add3A_4 : i32
    %dma_start3A = arith.constant 0 : i32
    %dma_start3A_6 = arith.constant 0 : i32
    %dma_start3A_7 = tpu.memref_slice %arg7[%dma_start3A, %dma_start3A_6] : memref<2x8192xf32, #tpu.memory_space<vmem>> -> memref<1x8192xf32, #tpu.memory_space<vmem>>
    %dma_start3A_8 = tpu.memref_squeeze %dma_start3A_7 : memref<1x8192xf32, #tpu.memory_space<vmem>> -> memref<8192xf32, #tpu.memory_space<vmem>>
    %dma_start3A_9 = tpu.memref_slice %arg2[%add3A_5] : memref<1048576xf32, #tpu.memory_space<hbm>> -> memref<8192xf32, #tpu.memory_space<hbm>>
    %dma_start3A_10 = arith.constant 0 : i32
    %dma_start3A_11 = tpu.memref_slice %arg7[%dma_start3A, %dma_start3A_10] : memref<2x8192xf32, #tpu.memory_space<vmem>> -> memref<1x8192xf32, #tpu.memory_space<vmem>>
    %dma_start3A_12 = tpu.memref_squeeze %dma_start3A_11 : memref<1x8192xf32, #tpu.memory_space<vmem>> -> memref<8192xf32, #tpu.memory_space<vmem>>
    %dma_start3A_13 = tpu.memref_slice %arg2[%add3A_5] : memref<1048576xf32, #tpu.memory_space<hbm>> -> memref<8192xf32, #tpu.memory_space<hbm>>
    tpu.enqueue_dma source(%dma_start3A_13 : memref<8192xf32, #tpu.memory_space<hbm>>) target(%dma_start3A_12 : memref<8192xf32, #tpu.memory_space<vmem>>) target_semaphore(%arg11 : memref<!tpu.dma_semaphore, #tpu.memory_space<semaphore_mem>>)
    %dma_start3A_14 = arith.constant 0 : i32
    %dma_start3A_15 = arith.constant 0 : i32
    %dma_start3A_16 = tpu.memref_slice %arg8[%dma_start3A_14, %dma_start3A_15] : memref<2x8192xf32, #tpu.memory_space<vmem>> -> memref<1x8192xf32, #tpu.memory_space<vmem>>
    %dma_start3A_17 = tpu.memref_squeeze %dma_start3A_16 : memref<1x8192xf32, #tpu.memory_space<vmem>> -> memref<8192xf32, #tpu.memory_space<vmem>>
    %dma_start3A_18 = tpu.memref_slice %arg3[%add3A_5] : memref<1048576xf32, #tpu.memory_space<hbm>> -> memref<8192xf32, #tpu.memory_space<hbm>>
    %dma_start3A_19 = arith.constant 0 : i32
    %dma_start3A_20 = tpu.memref_slice %arg8[%dma_start3A_14, %dma_start3A_19] : memref<2x8192xf32, #tpu.memory_space<vmem>> -> memref<1x8192xf32, #tpu.memory_space<vmem>>
    %dma_start3A_21 = tpu.memref_squeeze %dma_start3A_20 : memref<1x8192xf32, #tpu.memory_space<vmem>> -> memref<8192xf32, #tpu.memory_space<vmem>>
    %dma_start3A_22 = tpu.memref_slice %arg3[%add3A_5] : memref<1048576xf32, #tpu.memory_space<hbm>> -> memref<8192xf32, #tpu.memory_space<hbm>>
    tpu.enqueue_dma source(%dma_start3A_22 : memref<8192xf32, #tpu.memory_space<hbm>>) target(%dma_start3A_21 : memref<8192xf32, #tpu.memory_space<vmem>>) target_semaphore(%arg11 : memref<!tpu.dma_semaphore, #tpu.memory_space<semaphore_mem>>)
    %dma_start3A_23 = arith.constant 0 : i32
    %dma_start3A_24 = arith.constant 0 : i32
    %dma_start3A_25 = tpu.memref_slice %arg9[%dma_start3A_23, %dma_start3A_24] : memref<2x8192xf32, #tpu.memory_space<vmem>> -> memref<1x8192xf32, #tpu.memory_space<vmem>>
    %dma_start3A_26 = tpu.memref_squeeze %dma_start3A_25 : memref<1x8192xf32, #tpu.memory_space<vmem>> -> memref<8192xf32, #tpu.memory_space<vmem>>
    %dma_start3A_27 = tpu.memref_slice %arg4[%add3A_5] : memref<1048576xf32, #tpu.memory_space<hbm>> -> memref<8192xf32, #tpu.memory_space<hbm>>
    %dma_start3A_28 = arith.constant 0 : i32
    %dma_start3A_29 = tpu.memref_slice %arg9[%dma_start3A_23, %dma_start3A_28] : memref<2x8192xf32, #tpu.memory_space<vmem>> -> memref<1x8192xf32, #tpu.memory_space<vmem>>
    %dma_start3A_30 = tpu.memref_squeeze %dma_start3A_29 : memref<1x8192xf32, #tpu.memory_space<vmem>> -> memref<8192xf32, #tpu.memory_space<vmem>>
    %dma_start3A_31 = tpu.memref_slice %arg4[%add3A_5] : memref<1048576xf32, #tpu.memory_space<hbm>> -> memref<8192xf32, #tpu.memory_space<hbm>>
    tpu.enqueue_dma source(%dma_start3A_31 : memref<8192xf32, #tpu.memory_space<hbm>>) target(%dma_start3A_30 : memref<8192xf32, #tpu.memory_space<vmem>>) target_semaphore(%arg11 : memref<!tpu.dma_semaphore, #tpu.memory_space<semaphore_mem>>)
    %dma_start3A_32 = arith.constant 0 : i32
    %dma_start3A_33 = arith.constant 0 : i32
    %dma_start3A_34 = tpu.memref_slice %arg10[%dma_start3A_32, %dma_start3A_33] : memref<2x8192xf32, #tpu.memory_space<vmem>> -> memref<1x8192xf32, #tpu.memory_space<vmem>>
    %dma_start3A_35 = tpu.memref_squeeze %dma_start3A_34 : memref<1x8192xf32, #tpu.memory_space<vmem>> -> memref<8192xf32, #tpu.memory_space<vmem>>
    %dma_start3A_36 = tpu.memref_slice %arg5[%add3A_5] : memref<1048576xf32, #tpu.memory_space<hbm>> -> memref<8192xf32, #tpu.memory_space<hbm>>
    %dma_start3A_37 = arith.constant 0 : i32
    %dma_start3A_38 = tpu.memref_slice %arg10[%dma_start3A_32, %dma_start3A_37] : memref<2x8192xf32, #tpu.memory_space<vmem>> -> memref<1x8192xf32, #tpu.memory_space<vmem>>
    %dma_start3A_39 = tpu.memref_squeeze %dma_start3A_38 : memref<1x8192xf32, #tpu.memory_space<vmem>> -> memref<8192xf32, #tpu.memory_space<vmem>>
    %dma_start3A_40 = tpu.memref_slice %arg5[%add3A_5] : memref<1048576xf32, #tpu.memory_space<hbm>> -> memref<8192xf32, #tpu.memory_space<hbm>>
    tpu.enqueue_dma source(%dma_start3A_40 : memref<8192xf32, #tpu.memory_space<hbm>>) target(%dma_start3A_39 : memref<8192xf32, #tpu.memory_space<vmem>>) target_semaphore(%arg11 : memref<!tpu.dma_semaphore, #tpu.memory_space<semaphore_mem>>)
    %dma_wait3A = arith.constant 0 : i32
    %dma_wait3A_41 = arith.constant 0 : i32
    %dma_wait3A_42 = tpu.memref_slice %arg7[%dma_wait3A, %dma_wait3A_41] : memref<2x8192xf32, #tpu.memory_space<vmem>> -> memref<1x8192xf32, #tpu.memory_space<vmem>>
    %dma_wait3A_43 = tpu.memref_squeeze %dma_wait3A_42 : memref<1x8192xf32, #tpu.memory_space<vmem>> -> memref<8192xf32, #tpu.memory_space<vmem>>
    %dma_wait3A_44 = tpu.memref_slice %arg2[%add3A_5] : memref<1048576xf32, #tpu.memory_space<hbm>> -> memref<8192xf32, #tpu.memory_space<hbm>>
    %dma_wait3A_45 = arith.constant 0 : i32
    %dma_wait3A_46 = tpu.memref_slice %arg7[%dma_wait3A, %dma_wait3A_45] : memref<2x8192xf32, #tpu.memory_space<vmem>> -> memref<1x8192xf32, #tpu.memory_space<vmem>>
    %dma_wait3A_47 = tpu.memref_squeeze %dma_wait3A_46 : memref<1x8192xf32, #tpu.memory_space<vmem>> -> memref<8192xf32, #tpu.memory_space<vmem>>
    %dma_wait3A_48 = tpu.memref_slice %arg2[%add3A_5] : memref<1048576xf32, #tpu.memory_space<hbm>> -> memref<8192xf32, #tpu.memory_space<hbm>>
    tpu.wait_dma2 semaphore(%arg11 : memref<!tpu.dma_semaphore, #tpu.memory_space<semaphore_mem>>) src(%dma_wait3A_48 : memref<8192xf32, #tpu.memory_space<hbm>>) dst(%dma_wait3A_47 : memref<8192xf32, #tpu.memory_space<vmem>>)
    %dma_wait3A_49 = arith.constant 0 : i32
    %dma_wait3A_50 = arith.constant 0 : i32
    %dma_wait3A_51 = tpu.memref_slice %arg8[%dma_wait3A_49, %dma_wait3A_50] : memref<2x8192xf32, #tpu.memory_space<vmem>> -> memref<1x8192xf32, #tpu.memory_space<vmem>>
    %dma_wait3A_52 = tpu.memref_squeeze %dma_wait3A_51 : memref<1x8192xf32, #tpu.memory_space<vmem>> -> memref<8192xf32, #tpu.memory_space<vmem>>
    %dma_wait3A_53 = tpu.memref_slice %arg3[%add3A_5] : memref<1048576xf32, #tpu.memory_space<hbm>> -> memref<8192xf32, #tpu.memory_space<hbm>>
    %dma_wait3A_54 = arith.constant 0 : i32
    %dma_wait3A_55 = tpu.memref_slice %arg8[%dma_wait3A_49, %dma_wait3A_54] : memref<2x8192xf32, #tpu.memory_space<vmem>> -> memref<1x8192xf32, #tpu.memory_space<vmem>>
    %dma_wait3A_56 = tpu.memref_squeeze %dma_wait3A_55 : memref<1x8192xf32, #tpu.memory_space<vmem>> -> memref<8192xf32, #tpu.memory_space<vmem>>
    %dma_wait3A_57 = tpu.memref_slice %arg3[%add3A_5] : memref<1048576xf32, #tpu.memory_space<hbm>> -> memref<8192xf32, #tpu.memory_space<hbm>>
    tpu.wait_dma2 semaphore(%arg11 : memref<!tpu.dma_semaphore, #tpu.memory_space<semaphore_mem>>) src(%dma_wait3A_57 : memref<8192xf32, #tpu.memory_space<hbm>>) dst(%dma_wait3A_56 : memref<8192xf32, #tpu.memory_space<vmem>>)
    %dma_wait3A_58 = arith.constant 0 : i32
    %dma_wait3A_59 = arith.constant 0 : i32
    %dma_wait3A_60 = tpu.memref_slice %arg9[%dma_wait3A_58, %dma_wait3A_59] : memref<2x8192xf32, #tpu.memory_space<vmem>> -> memref<1x8192xf32, #tpu.memory_space<vmem>>
    %dma_wait3A_61 = tpu.memref_squeeze %dma_wait3A_60 : memref<1x8192xf32, #tpu.memory_space<vmem>> -> memref<8192xf32, #tpu.memory_space<vmem>>
    %dma_wait3A_62 = tpu.memref_slice %arg4[%add3A_5] : memref<1048576xf32, #tpu.memory_space<hbm>> -> memref<8192xf32, #tpu.memory_space<hbm>>
    %dma_wait3A_63 = arith.constant 0 : i32
    %dma_wait3A_64 = tpu.memref_slice %arg9[%dma_wait3A_58, %dma_wait3A_63] : memref<2x8192xf32, #tpu.memory_space<vmem>> -> memref<1x8192xf32, #tpu.memory_space<vmem>>
    %dma_wait3A_65 = tpu.memref_squeeze %dma_wait3A_64 : memref<1x8192xf32, #tpu.memory_space<vmem>> -> memref<8192xf32, #tpu.memory_space<vmem>>
    %dma_wait3A_66 = tpu.memref_slice %arg4[%add3A_5] : memref<1048576xf32, #tpu.memory_space<hbm>> -> memref<8192xf32, #tpu.memory_space<hbm>>
    tpu.wait_dma2 semaphore(%arg11 : memref<!tpu.dma_semaphore, #tpu.memory_space<semaphore_mem>>) src(%dma_wait3A_66 : memref<8192xf32, #tpu.memory_space<hbm>>) dst(%dma_wait3A_65 : memref<8192xf32, #tpu.memory_space<vmem>>)
    %dma_wait3A_67 = arith.constant 0 : i32
    %dma_wait3A_68 = arith.constant 0 : i32
    %dma_wait3A_69 = tpu.memref_slice %arg10[%dma_wait3A_67, %dma_wait3A_68] : memref<2x8192xf32, #tpu.memory_space<vmem>> -> memref<1x8192xf32, #tpu.memory_space<vmem>>
    %dma_wait3A_70 = tpu.memref_squeeze %dma_wait3A_69 : memref<1x8192xf32, #tpu.memory_space<vmem>> -> memref<8192xf32, #tpu.memory_space<vmem>>
    %dma_wait3A_71 = tpu.memref_slice %arg5[%add3A_5] : memref<1048576xf32, #tpu.memory_space<hbm>> -> memref<8192xf32, #tpu.memory_space<hbm>>
    %dma_wait3A_72 = arith.constant 0 : i32
    %dma_wait3A_73 = tpu.memref_slice %arg10[%dma_wait3A_67, %dma_wait3A_72] : memref<2x8192xf32, #tpu.memory_space<vmem>> -> memref<1x8192xf32, #tpu.memory_space<vmem>>
    %dma_wait3A_74 = tpu.memref_squeeze %dma_wait3A_73 : memref<1x8192xf32, #tpu.memory_space<vmem>> -> memref<8192xf32, #tpu.memory_space<vmem>>
    %dma_wait3A_75 = tpu.memref_slice %arg5[%add3A_5] : memref<1048576xf32, #tpu.memory_space<hbm>> -> memref<8192xf32, #tpu.memory_space<hbm>>
    tpu.wait_dma2 semaphore(%arg11 : memref<!tpu.dma_semaphore, #tpu.memory_space<semaphore_mem>>) src(%dma_wait3A_75 : memref<8192xf32, #tpu.memory_space<hbm>>) dst(%dma_wait3A_74 : memref<8192xf32, #tpu.memory_space<vmem>>)
    %add3A_76 = arith.constant 8192 : i32
    %add3A_77 = arith.addi %mul3A_2, %add3A_76 : i32
    %dma_start3A_78 = arith.constant 1 : i32
    %dma_start3A_79 = arith.constant 0 : i32
    %dma_start3A_80 = tpu.memref_slice %arg7[%dma_start3A_78, %dma_start3A_79] : memref<2x8192xf32, #tpu.memory_space<vmem>> -> memref<1x8192xf32, #tpu.memory_space<vmem>>
    %dma_start3A_81 = tpu.memref_squeeze %dma_start3A_80 : memref<1x8192xf32, #tpu.memory_space<vmem>> -> memref<8192xf32, #tpu.memory_space<vmem>>
    %dma_start3A_82 = tpu.memref_slice %arg2[%add3A_77] : memref<1048576xf32, #tpu.memory_space<hbm>> -> memref<8192xf32, #tpu.memory_space<hbm>>
    %dma_start3A_83 = arith.constant 0 : i32
    %dma_start3A_84 = tpu.memref_slice %arg7[%dma_start3A_78, %dma_start3A_83] : memref<2x8192xf32, #tpu.memory_space<vmem>> -> memref<1x8192xf32, #tpu.memory_space<vmem>>
    %dma_start3A_85 = tpu.memref_squeeze %dma_start3A_84 : memref<1x8192xf32, #tpu.memory_space<vmem>> -> memref<8192xf32, #tpu.memory_space<vmem>>
    %dma_start3A_86 = tpu.memref_slice %arg2[%add3A_77] : memref<1048576xf32, #tpu.memory_space<hbm>> -> memref<8192xf32, #tpu.memory_space<hbm>>
    tpu.enqueue_dma source(%dma_start3A_86 : memref<8192xf32, #tpu.memory_space<hbm>>) target(%dma_start3A_85 : memref<8192xf32, #tpu.memory_space<vmem>>) target_semaphore(%arg12 : memref<!tpu.dma_semaphore, #tpu.memory_space<semaphore_mem>>)
    %dma_start3A_87 = arith.constant 1 : i32
    %dma_start3A_88 = arith.constant 0 : i32
    %dma_start3A_89 = tpu.memref_slice %arg8[%dma_start3A_87, %dma_start3A_88] : memref<2x8192xf32, #tpu.memory_space<vmem>> -> memref<1x8192xf32, #tpu.memory_space<vmem>>
    %dma_start3A_90 = tpu.memref_squeeze %dma_start3A_89 : memref<1x8192xf32, #tpu.memory_space<vmem>> -> memref<8192xf32, #tpu.memory_space<vmem>>
    %dma_start3A_91 = tpu.memref_slice %arg3[%add3A_77] : memref<1048576xf32, #tpu.memory_space<hbm>> -> memref<8192xf32, #tpu.memory_space<hbm>>
    %dma_start3A_92 = arith.constant 0 : i32
    %dma_start3A_93 = tpu.memref_slice %arg8[%dma_start3A_87, %dma_start3A_92] : memref<2x8192xf32, #tpu.memory_space<vmem>> -> memref<1x8192xf32, #tpu.memory_space<vmem>>
    %dma_start3A_94 = tpu.memref_squeeze %dma_start3A_93 : memref<1x8192xf32, #tpu.memory_space<vmem>> -> memref<8192xf32, #tpu.memory_space<vmem>>
    %dma_start3A_95 = tpu.memref_slice %arg3[%add3A_77] : memref<1048576xf32, #tpu.memory_space<hbm>> -> memref<8192xf32, #tpu.memory_space<hbm>>
    tpu.enqueue_dma source(%dma_start3A_95 : memref<8192xf32, #tpu.memory_space<hbm>>) target(%dma_start3A_94 : memref<8192xf32, #tpu.memory_space<vmem>>) target_semaphore(%arg12 : memref<!tpu.dma_semaphore, #tpu.memory_space<semaphore_mem>>)
    %dma_start3A_96 = arith.constant 1 : i32
    %dma_start3A_97 = arith.constant 0 : i32
    %dma_start3A_98 = tpu.memref_slice %arg9[%dma_start3A_96, %dma_start3A_97] : memref<2x8192xf32, #tpu.memory_space<vmem>> -> memref<1x8192xf32, #tpu.memory_space<vmem>>
    %dma_start3A_99 = tpu.memref_squeeze %dma_start3A_98 : memref<1x8192xf32, #tpu.memory_space<vmem>> -> memref<8192xf32, #tpu.memory_space<vmem>>
    %dma_start3A_100 = tpu.memref_slice %arg4[%add3A_77] : memref<1048576xf32, #tpu.memory_space<hbm>> -> memref<8192xf32, #tpu.memory_space<hbm>>
    %dma_start3A_101 = arith.constant 0 : i32
    %dma_start3A_102 = tpu.memref_slice %arg9[%dma_start3A_96, %dma_start3A_101] : memref<2x8192xf32, #tpu.memory_space<vmem>> -> memref<1x8192xf32, #tpu.memory_space<vmem>>
    %dma_start3A_103 = tpu.memref_squeeze %dma_start3A_102 : memref<1x8192xf32, #tpu.memory_space<vmem>> -> memref<8192xf32, #tpu.memory_space<vmem>>
    %dma_start3A_104 = tpu.memref_slice %arg4[%add3A_77] : memref<1048576xf32, #tpu.memory_space<hbm>> -> memref<8192xf32, #tpu.memory_space<hbm>>
    tpu.enqueue_dma source(%dma_start3A_104 : memref<8192xf32, #tpu.memory_space<hbm>>) target(%dma_start3A_103 : memref<8192xf32, #tpu.memory_space<vmem>>) target_semaphore(%arg12 : memref<!tpu.dma_semaphore, #tpu.memory_space<semaphore_mem>>)
    %dma_start3A_105 = arith.constant 1 : i32
    %dma_start3A_106 = arith.constant 0 : i32
    %dma_start3A_107 = tpu.memref_slice %arg10[%dma_start3A_105, %dma_start3A_106] : memref<2x8192xf32, #tpu.memory_space<vmem>> -> memref<1x8192xf32, #tpu.memory_space<vmem>>
    %dma_start3A_108 = tpu.memref_squeeze %dma_start3A_107 : memref<1x8192xf32, #tpu.memory_space<vmem>> -> memref<8192xf32, #tpu.memory_space<vmem>>
    %dma_start3A_109 = tpu.memref_slice %arg5[%add3A_77] : memref<1048576xf32, #tpu.memory_space<hbm>> -> memref<8192xf32, #tpu.memory_space<hbm>>
    %dma_start3A_110 = arith.constant 0 : i32
    %dma_start3A_111 = tpu.memref_slice %arg10[%dma_start3A_105, %dma_start3A_110] : memref<2x8192xf32, #tpu.memory_space<vmem>> -> memref<1x8192xf32, #tpu.memory_space<vmem>>
    %dma_start3A_112 = tpu.memref_squeeze %dma_start3A_111 : memref<1x8192xf32, #tpu.memory_space<vmem>> -> memref<8192xf32, #tpu.memory_space<vmem>>
    %dma_start3A_113 = tpu.memref_slice %arg5[%add3A_77] : memref<1048576xf32, #tpu.memory_space<hbm>> -> memref<8192xf32, #tpu.memory_space<hbm>>
    tpu.enqueue_dma source(%dma_start3A_113 : memref<8192xf32, #tpu.memory_space<hbm>>) target(%dma_start3A_112 : memref<8192xf32, #tpu.memory_space<vmem>>) target_semaphore(%arg12 : memref<!tpu.dma_semaphore, #tpu.memory_space<semaphore_mem>>)
    %scan3A = arith.constant 0 : i32
    %scan3A_114 = arith.constant 128 : i32
    %scan3A_115 = arith.addi %scan3A, %scan3A_114 : i32
    %scan3A_116 = arith.constant 1 : i32
    %scan3A_117:7 = scf.for %scan3A_362 = %scan3A to %scan3A_115 step %scan3A_116 iter_args(%scan3A_363 = %broadcast_in_dim3A_3, %scan3A_364 = %broadcast_in_dim3A_3, %scan3A_365 = %broadcast_in_dim3A_3, %scan3A_366 = %broadcast_in_dim3A_3, %scan3A_367 = %broadcast_in_dim3A_3, %scan3A_368 = %broadcast_in_dim3A_3, %scan3A_369 = %broadcast_in_dim3A_3) -> (vector<16xf32>, vector<16xf32>, vector<16xf32>, vector<16xf32>, vector<16xf32>, vector<16xf32>, vector<16xf32>)  : i32 {
      %broadcast_in_dim3A_370 = arith.constant 1.000000e+00 : f32
      %broadcast_in_dim3A_371 = vector.broadcast %broadcast_in_dim3A_370 : f32 to vector<16xf32>
      %broadcast_in_dim3A_372 = arith.constant 0.000000e+00 : f32
      %broadcast_in_dim3A_373 = vector.broadcast %broadcast_in_dim3A_372 : f32 to vector<16xf32>
      %mul3A_374 = arith.constant 64 : i32
      %mul3A_375 = arith.muli %scan3A_362, %mul3A_374 : i32
      %add3A_376 = arith.constant 0 : i32
      %add3A_377 = arith.addi %mul3A_375, %add3A_376 : i32
      %get3A = arith.constant 0 : i32
      %get3A_378 = arith.index_cast %get3A : i32 to index
      %get3A_379 = arith.index_cast %add3A_377 : i32 to index
      %get3A_380 = tpu.vector_load %arg7[%get3A_378, %get3A_379] {strides = array<i32>} : memref<2x8192xf32, #tpu.memory_space<vmem>>, vector<1x16xf32>,
      %get3A_381 = vector.shape_cast %get3A_380 : vector<1x16xf32> to vector<16xf32>
      %get3A_382 = arith.constant 0 : i32
      %get3A_383 = arith.index_cast %get3A_382 : i32 to index
      %get3A_384 = arith.index_cast %add3A_377 : i32 to index
      %get3A_385 = tpu.vector_load %arg8[%get3A_383, %get3A_384] {strides = array<i32>} : memref<2x8192xf32, #tpu.memory_space<vmem>>, vector<1x16xf32>,
      %get3A_386 = vector.shape_cast %get3A_385 : vector<1x16xf32> to vector<16xf32>
      %get3A_387 = arith.constant 0 : i32
      %get3A_388 = arith.index_cast %get3A_387 : i32 to index
      %get3A_389 = arith.index_cast %add3A_377 : i32 to index
      %get3A_390 = tpu.vector_load %arg9[%get3A_388, %get3A_389] {strides = array<i32>} : memref<2x8192xf32, #tpu.memory_space<vmem>>, vector<1x16xf32>,
      %get3A_391 = vector.shape_cast %get3A_390 : vector<1x16xf32> to vector<16xf32>
      %get3A_392 = arith.constant 0 : i32
      %get3A_393 = arith.index_cast %get3A_392 : i32 to index
      %get3A_394 = arith.index_cast %add3A_377 : i32 to index
      %get3A_395 = tpu.vector_load %arg10[%get3A_393, %get3A_394] {strides = array<i32>} : memref<2x8192xf32, #tpu.memory_space<vmem>>, vector<1x16xf32>,
      %get3A_396 = vector.shape_cast %get3A_395 : vector<1x16xf32> to vector<16xf32>
      %abs3A = math.absf %get3A_381 : vector<16xf32>
      %neg3A = arith.constant 0.000000e+00 : f32
      %neg3A_397 = vector.broadcast %neg3A : f32 to vector<16xf32>
      %neg3A_398 = arith.subf %neg3A_397, %abs3A : vector<16xf32>
      %exp3A = math.exp %neg3A_398 : vector<16xf32>
      %add3A_399 = arith.constant 2.000000e+00 : f32
      %add3A_400 = vector.broadcast %add3A_399 : f32 to vector<16xf32>
      %add3A_401 = arith.addf %add3A_400, %exp3A : vector<16xf32>
      %div3A = arith.divf %exp3A, %add3A_401 : vector<16xf32>
      %mul3A_402 = arith.mulf %div3A, %div3A : vector<16xf32>
      %mul3A_403 = arith.constant 2.000000e+00 : f32
      %mul3A_404 = vector.broadcast %mul3A_403 : f32 to vector<16xf32>
      %mul3A_405 = arith.mulf %mul3A_404, %div3A : vector<16xf32>
      %mul3A_406 = arith.constant 0.142857149 : f32
      %mul3A_407 = vector.broadcast %mul3A_406 : f32 to vector<16xf32>
      %mul3A_408 = arith.mulf %mul3A_402, %mul3A_407 : vector<16xf32>
      %add3A_409 = arith.constant 2.000000e-01 : f32
      %add3A_410 = vector.broadcast %add3A_409 : f32 to vector<16xf32>
      %add3A_411 = arith.addf %add3A_410, %mul3A_408 : vector<16xf32>
      %mul3A_412 = arith.mulf %mul3A_402, %add3A_411 : vector<16xf32>
      %add3A_413 = arith.constant 0.333333343 : f32
      %add3A_414 = vector.broadcast %add3A_413 : f32 to vector<16xf32>
      %add3A_415 = arith.addf %add3A_414, %mul3A_412 : vector<16xf32>
      %mul3A_416 = arith.mulf %mul3A_402, %add3A_415 : vector<16xf32>
      %add3A_417 = arith.constant 1.000000e+00 : f32
      %add3A_418 = vector.broadcast %add3A_417 : f32 to vector<16xf32>
      %add3A_419 = arith.addf %add3A_418, %mul3A_416 : vector<16xf32>
      %mul3A_420 = arith.mulf %mul3A_405, %add3A_419 : vector<16xf32>
      %max3A = arith.constant 0.000000e+00 : f32
      %max3A_421 = vector.broadcast %max3A : f32 to vector<16xf32>
      %max3A_422 = arith.maximumf %get3A_381, %max3A_421 : vector<16xf32>
      %add3A_423 = arith.addf %max3A_422, %mul3A_420 : vector<16xf32>
      %mul3A_424 = arith.mulf %get3A_391, %get3A_381 : vector<16xf32>
      %sub3A = arith.subf %add3A_423, %mul3A_424 : vector<16xf32>
      %gt3A = arith.constant 5.000000e-01 : f32
      %gt3A_425 = vector.broadcast %gt3A : f32 to vector<16xf32>
      %gt3A_426 = arith.cmpf ogt, %get3A_391, %gt3A_425 : vector<16xf32>
      %sub3A_427 = arith.subf %get3A_381, %get3A_386 : vector<16xf32>
      %mul3A_428 = arith.constant 5.000000e+01 : f32
      %mul3A_429 = vector.broadcast %mul3A_428 : f32 to vector<16xf32>
      %mul3A_430 = arith.mulf %mul3A_429, %sub3A_427 : vector<16xf32>
      %sub3A_431 = arith.subf %get3A_391, %get3A_396 : vector<16xf32>
      %mul3A_432 = arith.constant 5.000000e+01 : f32
      %mul3A_433 = vector.broadcast %mul3A_432 : f32 to vector<16xf32>
      %mul3A_434 = arith.mulf %mul3A_433, %sub3A_431 : vector<16xf32>
      %abs3A_435 = math.absf %mul3A_430 : vector<16xf32>
      %neg3A_436 = arith.constant 0.000000e+00 : f32
      %neg3A_437 = vector.broadcast %neg3A_436 : f32 to vector<16xf32>
      %neg3A_438 = arith.subf %neg3A_437, %abs3A_435 : vector<16xf32>
      %exp3A_439 = math.exp %neg3A_438 : vector<16xf32>
      %add3A_440 = arith.constant 2.000000e+00 : f32
      %add3A_441 = vector.broadcast %add3A_440 : f32 to vector<16xf32>
      %add3A_442 = arith.addf %add3A_441, %exp3A_439 : vector<16xf32>
      %div3A_443 = arith.divf %exp3A_439, %add3A_442 : vector<16xf32>
      %mul3A_444 = arith.mulf %div3A_443, %div3A_443 : vector<16xf32>
      %mul3A_445 = arith.constant 2.000000e+00 : f32
      %mul3A_446 = vector.broadcast %mul3A_445 : f32 to vector<16xf32>
      %mul3A_447 = arith.mulf %mul3A_446, %div3A_443 : vector<16xf32>
      %mul3A_448 = arith.constant 0.142857149 : f32
      %mul3A_449 = vector.broadcast %mul3A_448 : f32 to vector<16xf32>
      %mul3A_450 = arith.mulf %mul3A_444, %mul3A_449 : vector<16xf32>
      %add3A_451 = arith.constant 2.000000e-01 : f32
      %add3A_452 = vector.broadcast %add3A_451 : f32 to vector<16xf32>
      %add3A_453 = arith.addf %add3A_452, %mul3A_450 : vector<16xf32>
      %mul3A_454 = arith.mulf %mul3A_444, %add3A_453 : vector<16xf32>
      %add3A_455 = arith.constant 0.333333343 : f32
      %add3A_456 = vector.broadcast %add3A_455 : f32 to vector<16xf32>
      %add3A_457 = arith.addf %add3A_456, %mul3A_454 : vector<16xf32>
      %mul3A_458 = arith.mulf %mul3A_444, %add3A_457 : vector<16xf32>
      %add3A_459 = arith.constant 1.000000e+00 : f32
      %add3A_460 = vector.broadcast %add3A_459 : f32 to vector<16xf32>
      %add3A_461 = arith.addf %add3A_460, %mul3A_458 : vector<16xf32>
      %mul3A_462 = arith.mulf %mul3A_447, %add3A_461 : vector<16xf32>
      %max3A_463 = arith.constant 0.000000e+00 : f32
      %max3A_464 = vector.broadcast %max3A_463 : f32 to vector<16xf32>
      %max3A_465 = arith.maximumf %mul3A_430, %max3A_464 : vector<16xf32>
      %add3A_466 = arith.addf %max3A_465, %mul3A_462 : vector<16xf32>
      %mul3A_467 = arith.mulf %mul3A_434, %mul3A_430 : vector<16xf32>
      %sub3A_468 = arith.subf %add3A_466, %mul3A_467 : vector<16xf32>
      %gt3A_469 = arith.constant 5.000000e-01 : f32
      %gt3A_470 = vector.broadcast %gt3A_469 : f32 to vector<16xf32>
      %gt3A_471 = arith.cmpf ogt, %mul3A_434, %gt3A_470 : vector<16xf32>
      %select_n3A = arith.select %gt3A_426, %broadcast_in_dim3A_371, %broadcast_in_dim3A_373 : vector<16xi1>, vector<16xf32>
      %add3A_472 = arith.addf %scan3A_363, %select_n3A : vector<16xf32>
      %select_n3A_473 = arith.select %gt3A_426, %sub3A, %broadcast_in_dim3A_373 : vector<16xi1>, vector<16xf32>
      %add3A_474 = arith.addf %scan3A_364, %select_n3A_473 : vector<16xf32>
      %add3A_475 = arith.addf %scan3A_365, %sub3A : vector<16xf32>
      %select_n3A_476 = arith.select %gt3A_471, %broadcast_in_dim3A_371, %broadcast_in_dim3A_373 : vector<16xi1>, vector<16xf32>
      %add3A_477 = arith.addf %scan3A_366, %select_n3A_476 : vector<16xf32>
      %select_n3A_478 = arith.select %gt3A_471, %sub3A_468, %broadcast_in_dim3A_373 : vector<16xi1>, vector<16xf32>
      %add3A_479 = arith.addf %scan3A_367, %select_n3A_478 : vector<16xf32>
      %add3A_480 = arith.addf %scan3A_368, %sub3A_468 : vector<16xf32>
      %sub3A_481 = arith.subf %get3A_386, %get3A_396 : vector<16xf32>
      %abs3A_482 = math.absf %sub3A_481 : vector<16xf32>
      %add3A_483 = arith.addf %scan3A_369, %abs3A_482 : vector<16xf32>
      %mul3A_484 = arith.constant 64 : i32
      %mul3A_485 = arith.muli %scan3A_362, %mul3A_484 : i32
      %add3A_486 = arith.constant 16 : i32
      %add3A_487 = arith.addi %mul3A_485, %add3A_486 : i32
      %get3A_488 = arith.constant 0 : i32
      %get3A_489 = arith.index_cast %get3A_488 : i32 to index
      %get3A_490 = arith.index_cast %add3A_487 : i32 to index
      %get3A_491 = tpu.vector_load %arg7[%get3A_489, %get3A_490] {strides = array<i32>} : memref<2x8192xf32, #tpu.memory_space<vmem>>, vector<1x16xf32>,
      %get3A_492 = vector.shape_cast %get3A_491 : vector<1x16xf32> to vector<16xf32>
      %get3A_493 = arith.constant 0 : i32
      %get3A_494 = arith.index_cast %get3A_493 : i32 to index
      %get3A_495 = arith.index_cast %add3A_487 : i32 to index
      %get3A_496 = tpu.vector_load %arg8[%get3A_494, %get3A_495] {strides = array<i32>} : memref<2x8192xf32, #tpu.memory_space<vmem>>, vector<1x16xf32>,
      %get3A_497 = vector.shape_cast %get3A_496 : vector<1x16xf32> to vector<16xf32>
      %get3A_498 = arith.constant 0 : i32
      %get3A_499 = arith.index_cast %get3A_498 : i32 to index
      %get3A_500 = arith.index_cast %add3A_487 : i32 to index
      %get3A_501 = tpu.vector_load %arg9[%get3A_499, %get3A_500] {strides = array<i32>} : memref<2x8192xf32, #tpu.memory_space<vmem>>, vector<1x16xf32>,
      %get3A_502 = vector.shape_cast %get3A_501 : vector<1x16xf32> to vector<16xf32>
      %get3A_503 = arith.constant 0 : i32
      %get3A_504 = arith.index_cast %get3A_503 : i32 to index
      %get3A_505 = arith.index_cast %add3A_487 : i32 to index
      %get3A_506 = tpu.vector_load %arg10[%get3A_504, %get3A_505] {strides = array<i32>} : memref<2x8192xf32, #tpu.memory_space<vmem>>, vector<1x16xf32>,
      %get3A_507 = vector.shape_cast %get3A_506 : vector<1x16xf32> to vector<16xf32>
      %abs3A_508 = math.absf %get3A_492 : vector<16xf32>
      %neg3A_509 = arith.constant 0.000000e+00 : f32
      %neg3A_510 = vector.broadcast %neg3A_509 : f32 to vector<16xf32>
      %neg3A_511 = arith.subf %neg3A_510, %abs3A_508 : vector<16xf32>
      %exp3A_512 = math.exp %neg3A_511 : vector<16xf32>
      %add3A_513 = arith.constant 2.000000e+00 : f32
      %add3A_514 = vector.broadcast %add3A_513 : f32 to vector<16xf32>
      %add3A_515 = arith.addf %add3A_514, %exp3A_512 : vector<16xf32>
      %div3A_516 = arith.divf %exp3A_512, %add3A_515 : vector<16xf32>
      %mul3A_517 = arith.mulf %div3A_516, %div3A_516 : vector<16xf32>
      %mul3A_518 = arith.constant 2.000000e+00 : f32
      %mul3A_519 = vector.broadcast %mul3A_518 : f32 to vector<16xf32>
      %mul3A_520 = arith.mulf %mul3A_519, %div3A_516 : vector<16xf32>
      %mul3A_521 = arith.constant 0.142857149 : f32
      %mul3A_522 = vector.broadcast %mul3A_521 : f32 to vector<16xf32>
      %mul3A_523 = arith.mulf %mul3A_517, %mul3A_522 : vector<16xf32>
      %add3A_524 = arith.constant 2.000000e-01 : f32
      %add3A_525 = vector.broadcast %add3A_524 : f32 to vector<16xf32>
      %add3A_526 = arith.addf %add3A_525, %mul3A_523 : vector<16xf32>
      %mul3A_527 = arith.mulf %mul3A_517, %add3A_526 : vector<16xf32>
      %add3A_528 = arith.constant 0.333333343 : f32
      %add3A_529 = vector.broadcast %add3A_528 : f32 to vector<16xf32>
      %add3A_530 = arith.addf %add3A_529, %mul3A_527 : vector<16xf32>
      %mul3A_531 = arith.mulf %mul3A_517, %add3A_530 : vector<16xf32>
      %add3A_532 = arith.constant 1.000000e+00 : f32
      %add3A_533 = vector.broadcast %add3A_532 : f32 to vector<16xf32>
      %add3A_534 = arith.addf %add3A_533, %mul3A_531 : vector<16xf32>
      %mul3A_535 = arith.mulf %mul3A_520, %add3A_534 : vector<16xf32>
      %max3A_536 = arith.constant 0.000000e+00 : f32
      %max3A_537 = vector.broadcast %max3A_536 : f32 to vector<16xf32>
      %max3A_538 = arith.maximumf %get3A_492, %max3A_537 : vector<16xf32>
      %add3A_539 = arith.addf %max3A_538, %mul3A_535 : vector<16xf32>
      %mul3A_540 = arith.mulf %get3A_502, %get3A_492 : vector<16xf32>
      %sub3A_541 = arith.subf %add3A_539, %mul3A_540 : vector<16xf32>
      %gt3A_542 = arith.constant 5.000000e-01 : f32
      %gt3A_543 = vector.broadcast %gt3A_542 : f32 to vector<16xf32>
      %gt3A_544 = arith.cmpf ogt, %get3A_502, %gt3A_543 : vector<16xf32>
      %sub3A_545 = arith.subf %get3A_492, %get3A_497 : vector<16xf32>
      %mul3A_546 = arith.constant 5.000000e+01 : f32
      %mul3A_547 = vector.broadcast %mul3A_546 : f32 to vector<16xf32>
      %mul3A_548 = arith.mulf %mul3A_547, %sub3A_545 : vector<16xf32>
      %sub3A_549 = arith.subf %get3A_502, %get3A_507 : vector<16xf32>
      %mul3A_550 = arith.constant 5.000000e+01 : f32
      %mul3A_551 = vector.broadcast %mul3A_550 : f32 to vector<16xf32>
      %mul3A_552 = arith.mulf %mul3A_551, %sub3A_549 : vector<16xf32>
      %abs3A_553 = math.absf %mul3A_548 : vector<16xf32>
      %neg3A_554 = arith.constant 0.000000e+00 : f32
      %neg3A_555 = vector.broadcast %neg3A_554 : f32 to vector<16xf32>
      %neg3A_556 = arith.subf %neg3A_555, %abs3A_553 : vector<16xf32>
      %exp3A_557 = math.exp %neg3A_556 : vector<16xf32>
      %add3A_558 = arith.constant 2.000000e+00 : f32
      %add3A_559 = vector.broadcast %add3A_558 : f32 to vector<16xf32>
      %add3A_560 = arith.addf %add3A_559, %exp3A_557 : vector<16xf32>
      %div3A_561 = arith.divf %exp3A_557, %add3A_560 : vector<16xf32>
      %mul3A_562 = arith.mulf %div3A_561, %div3A_561 : vector<16xf32>
      %mul3A_563 = arith.constant 2.000000e+00 : f32
      %mul3A_564 = vector.broadcast %mul3A_563 : f32 to vector<16xf32>
      %mul3A_565 = arith.mulf %mul3A_564, %div3A_561 : vector<16xf32>
      %mul3A_566 = arith.constant 0.142857149 : f32
      %mul3A_567 = vector.broadcast %mul3A_566 : f32 to vector<16xf32>
      %mul3A_568 = arith.mulf %mul3A_562, %mul3A_567 : vector<16xf32>
      %add3A_569 = arith.constant 2.000000e-01 : f32
      %add3A_570 = vector.broadcast %add3A_569 : f32 to vector<16xf32>
      %add3A_571 = arith.addf %add3A_570, %mul3A_568 : vector<16xf32>
      %mul3A_572 = arith.mulf %mul3A_562, %add3A_571 : vector<16xf32>
      %add3A_573 = arith.constant 0.333333343 : f32
      %add3A_574 = vector.broadcast %add3A_573 : f32 to vector<16xf32>
      %add3A_575 = arith.addf %add3A_574, %mul3A_572 : vector<16xf32>
      %mul3A_576 = arith.mulf %mul3A_562, %add3A_575 : vector<16xf32>
      %add3A_577 = arith.constant 1.000000e+00 : f32
      %add3A_578 = vector.broadcast %add3A_577 : f32 to vector<16xf32>
      %add3A_579 = arith.addf %add3A_578, %mul3A_576 : vector<16xf32>
      %mul3A_580 = arith.mulf %mul3A_565, %add3A_579 : vector<16xf32>
      %max3A_581 = arith.constant 0.000000e+00 : f32
      %max3A_582 = vector.broadcast %max3A_581 : f32 to vector<16xf32>
      %max3A_583 = arith.maximumf %mul3A_548, %max3A_582 : vector<16xf32>
      %add3A_584 = arith.addf %max3A_583, %mul3A_580 : vector<16xf32>
      %mul3A_585 = arith.mulf %mul3A_552, %mul3A_548 : vector<16xf32>
      %sub3A_586 = arith.subf %add3A_584, %mul3A_585 : vector<16xf32>
      %gt3A_587 = arith.constant 5.000000e-01 : f32
      %gt3A_588 = vector.broadcast %gt3A_587 : f32 to vector<16xf32>
      %gt3A_589 = arith.cmpf ogt, %mul3A_552, %gt3A_588 : vector<16xf32>
      %select_n3A_590 = arith.select %gt3A_544, %broadcast_in_dim3A_371, %broadcast_in_dim3A_373 : vector<16xi1>, vector<16xf32>
      %add3A_591 = arith.addf %add3A_472, %select_n3A_590 : vector<16xf32>
      %select_n3A_592 = arith.select %gt3A_544, %sub3A_541, %broadcast_in_dim3A_373 : vector<16xi1>, vector<16xf32>
      %add3A_593 = arith.addf %add3A_474, %select_n3A_592 : vector<16xf32>
      %add3A_594 = arith.addf %add3A_475, %sub3A_541 : vector<16xf32>
      %select_n3A_595 = arith.select %gt3A_589, %broadcast_in_dim3A_371, %broadcast_in_dim3A_373 : vector<16xi1>, vector<16xf32>
      %add3A_596 = arith.addf %add3A_477, %select_n3A_595 : vector<16xf32>
      %select_n3A_597 = arith.select %gt3A_589, %sub3A_586, %broadcast_in_dim3A_373 : vector<16xi1>, vector<16xf32>
      %add3A_598 = arith.addf %add3A_479, %select_n3A_597 : vector<16xf32>
      %add3A_599 = arith.addf %add3A_480, %sub3A_586 : vector<16xf32>
      %sub3A_600 = arith.subf %get3A_497, %get3A_507 : vector<16xf32>
      %abs3A_601 = math.absf %sub3A_600 : vector<16xf32>
      %add3A_602 = arith.addf %add3A_483, %abs3A_601 : vector<16xf32>
      %mul3A_603 = arith.constant 64 : i32
      %mul3A_604 = arith.muli %scan3A_362, %mul3A_603 : i32
      %add3A_605 = arith.constant 32 : i32
      %add3A_606 = arith.addi %mul3A_604, %add3A_605 : i32
      %get3A_607 = arith.constant 0 : i32
      %get3A_608 = arith.index_cast %get3A_607 : i32 to index
      %get3A_609 = arith.index_cast %add3A_606 : i32 to index
      %get3A_610 = tpu.vector_load %arg7[%get3A_608, %get3A_609] {strides = array<i32>} : memref<2x8192xf32, #tpu.memory_space<vmem>>, vector<1x16xf32>,
      %get3A_611 = vector.shape_cast %get3A_610 : vector<1x16xf32> to vector<16xf32>
      %get3A_612 = arith.constant 0 : i32
      %get3A_613 = arith.index_cast %get3A_612 : i32 to index
      %get3A_614 = arith.index_cast %add3A_606 : i32 to index
      %get3A_615 = tpu.vector_load %arg8[%get3A_613, %get3A_614] {strides = array<i32>} : memref<2x8192xf32, #tpu.memory_space<vmem>>, vector<1x16xf32>,
      %get3A_616 = vector.shape_cast %get3A_615 : vector<1x16xf32> to vector<16xf32>
      %get3A_617 = arith.constant 0 : i32
      %get3A_618 = arith.index_cast %get3A_617 : i32 to index
      %get3A_619 = arith.index_cast %add3A_606 : i32 to index
      %get3A_620 = tpu.vector_load %arg9[%get3A_618, %get3A_619] {strides = array<i32>} : memref<2x8192xf32, #tpu.memory_space<vmem>>, vector<1x16xf32>,
      %get3A_621 = vector.shape_cast %get3A_620 : vector<1x16xf32> to vector<16xf32>
      %get3A_622 = arith.constant 0 : i32
      %get3A_623 = arith.index_cast %get3A_622 : i32 to index
      %get3A_624 = arith.index_cast %add3A_606 : i32 to index
      %get3A_625 = tpu.vector_load %arg10[%get3A_623, %get3A_624] {strides = array<i32>} : memref<2x8192xf32, #tpu.memory_space<vmem>>, vector<1x16xf32>,
      %get3A_626 = vector.shape_cast %get3A_625 : vector<1x16xf32> to vector<16xf32>
      %abs3A_627 = math.absf %get3A_611 : vector<16xf32>
      %neg3A_628 = arith.constant 0.000000e+00 : f32
      %neg3A_629 = vector.broadcast %neg3A_628 : f32 to vector<16xf32>
      %neg3A_630 = arith.subf %neg3A_629, %abs3A_627 : vector<16xf32>
      %exp3A_631 = math.exp %neg3A_630 : vector<16xf32>
      %add3A_632 = arith.constant 2.000000e+00 : f32
      %add3A_633 = vector.broadcast %add3A_632 : f32 to vector<16xf32>
      %add3A_634 = arith.addf %add3A_633, %exp3A_631 : vector<16xf32>
      %div3A_635 = arith.divf %exp3A_631, %add3A_634 : vector<16xf32>
      %mul3A_636 = arith.mulf %div3A_635, %div3A_635 : vector<16xf32>
      %mul3A_637 = arith.constant 2.000000e+00 : f32
      %mul3A_638 = vector.broadcast %mul3A_637 : f32 to vector<16xf32>
      %mul3A_639 = arith.mulf %mul3A_638, %div3A_635 : vector<16xf32>
      %mul3A_640 = arith.constant 0.142857149 : f32
      %mul3A_641 = vector.broadcast %mul3A_640 : f32 to vector<16xf32>
      %mul3A_642 = arith.mulf %mul3A_636, %mul3A_641 : vector<16xf32>
      %add3A_643 = arith.constant 2.000000e-01 : f32
      %add3A_644 = vector.broadcast %add3A_643 : f32 to vector<16xf32>
      %add3A_645 = arith.addf %add3A_644, %mul3A_642 : vector<16xf32>
      %mul3A_646 = arith.mulf %mul3A_636, %add3A_645 : vector<16xf32>
      %add3A_647 = arith.constant 0.333333343 : f32
      %add3A_648 = vector.broadcast %add3A_647 : f32 to vector<16xf32>
      %add3A_649 = arith.addf %add3A_648, %mul3A_646 : vector<16xf32>
      %mul3A_650 = arith.mulf %mul3A_636, %add3A_649 : vector<16xf32>
      %add3A_651 = arith.constant 1.000000e+00 : f32
      %add3A_652 = vector.broadcast %add3A_651 : f32 to vector<16xf32>
      %add3A_653 = arith.addf %add3A_652, %mul3A_650 : vector<16xf32>
      %mul3A_654 = arith.mulf %mul3A_639, %add3A_653 : vector<16xf32>
      %max3A_655 = arith.constant 0.000000e+00 : f32
      %max3A_656 = vector.broadcast %max3A_655 : f32 to vector<16xf32>
      %max3A_657 = arith.maximumf %get3A_611, %max3A_656 : vector<16xf32>
      %add3A_658 = arith.addf %max3A_657, %mul3A_654 : vector<16xf32>
      %mul3A_659 = arith.mulf %get3A_621, %get3A_611 : vector<16xf32>
      %sub3A_660 = arith.subf %add3A_658, %mul3A_659 : vector<16xf32>
      %gt3A_661 = arith.constant 5.000000e-01 : f32
      %gt3A_662 = vector.broadcast %gt3A_661 : f32 to vector<16xf32>
      %gt3A_663 = arith.cmpf ogt, %get3A_621, %gt3A_662 : vector<16xf32>
      %sub3A_664 = arith.subf %get3A_611, %get3A_616 : vector<16xf32>
      %mul3A_665 = arith.constant 5.000000e+01 : f32
      %mul3A_666 = vector.broadcast %mul3A_665 : f32 to vector<16xf32>
      %mul3A_667 = arith.mulf %mul3A_666, %sub3A_664 : vector<16xf32>
      %sub3A_668 = arith.subf %get3A_621, %get3A_626 : vector<16xf32>
      %mul3A_669 = arith.constant 5.000000e+01 : f32
      %mul3A_670 = vector.broadcast %mul3A_669 : f32 to vector<16xf32>
      %mul3A_671 = arith.mulf %mul3A_670, %sub3A_668 : vector<16xf32>
      %abs3A_672 = math.absf %mul3A_667 : vector<16xf32>
      %neg3A_673 = arith.constant 0.000000e+00 : f32
      %neg3A_674 = vector.broadcast %neg3A_673 : f32 to vector<16xf32>
      %neg3A_675 = arith.subf %neg3A_674, %abs3A_672 : vector<16xf32>
      %exp3A_676 = math.exp %neg3A_675 : vector<16xf32>
      %add3A_677 = arith.constant 2.000000e+00 : f32
      %add3A_678 = vector.broadcast %add3A_677 : f32 to vector<16xf32>
      %add3A_679 = arith.addf %add3A_678, %exp3A_676 : vector<16xf32>
      %div3A_680 = arith.divf %exp3A_676, %add3A_679 : vector<16xf32>
      %mul3A_681 = arith.mulf %div3A_680, %div3A_680 : vector<16xf32>
      %mul3A_682 = arith.constant 2.000000e+00 : f32
      %mul3A_683 = vector.broadcast %mul3A_682 : f32 to vector<16xf32>
      %mul3A_684 = arith.mulf %mul3A_683, %div3A_680 : vector<16xf32>
      %mul3A_685 = arith.constant 0.142857149 : f32
      %mul3A_686 = vector.broadcast %mul3A_685 : f32 to vector<16xf32>
      %mul3A_687 = arith.mulf %mul3A_681, %mul3A_686 : vector<16xf32>
      %add3A_688 = arith.constant 2.000000e-01 : f32
      %add3A_689 = vector.broadcast %add3A_688 : f32 to vector<16xf32>
      %add3A_690 = arith.addf %add3A_689, %mul3A_687 : vector<16xf32>
      %mul3A_691 = arith.mulf %mul3A_681, %add3A_690 : vector<16xf32>
      %add3A_692 = arith.constant 0.333333343 : f32
      %add3A_693 = vector.broadcast %add3A_692 : f32 to vector<16xf32>
      %add3A_694 = arith.addf %add3A_693, %mul3A_691 : vector<16xf32>
      %mul3A_695 = arith.mulf %mul3A_681, %add3A_694 : vector<16xf32>
      %add3A_696 = arith.constant 1.000000e+00 : f32
      %add3A_697 = vector.broadcast %add3A_696 : f32 to vector<16xf32>
      %add3A_698 = arith.addf %add3A_697, %mul3A_695 : vector<16xf32>
      %mul3A_699 = arith.mulf %mul3A_684, %add3A_698 : vector<16xf32>
      %max3A_700 = arith.constant 0.000000e+00 : f32
      %max3A_701 = vector.broadcast %max3A_700 : f32 to vector<16xf32>
      %max3A_702 = arith.maximumf %mul3A_667, %max3A_701 : vector<16xf32>
      %add3A_703 = arith.addf %max3A_702, %mul3A_699 : vector<16xf32>
      %mul3A_704 = arith.mulf %mul3A_671, %mul3A_667 : vector<16xf32>
      %sub3A_705 = arith.subf %add3A_703, %mul3A_704 : vector<16xf32>
      %gt3A_706 = arith.constant 5.000000e-01 : f32
      %gt3A_707 = vector.broadcast %gt3A_706 : f32 to vector<16xf32>
      %gt3A_708 = arith.cmpf ogt, %mul3A_671, %gt3A_707 : vector<16xf32>
      %select_n3A_709 = arith.select %gt3A_663, %broadcast_in_dim3A_371, %broadcast_in_dim3A_373 : vector<16xi1>, vector<16xf32>
      %add3A_710 = arith.addf %add3A_591, %select_n3A_709 : vector<16xf32>
      %select_n3A_711 = arith.select %gt3A_663, %sub3A_660, %broadcast_in_dim3A_373 : vector<16xi1>, vector<16xf32>
      %add3A_712 = arith.addf %add3A_593, %select_n3A_711 : vector<16xf32>
      %add3A_713 = arith.addf %add3A_594, %sub3A_660 : vector<16xf32>
      %select_n3A_714 = arith.select %gt3A_708, %broadcast_in_dim3A_371, %broadcast_in_dim3A_373 : vector<16xi1>, vector<16xf32>
      %add3A_715 = arith.addf %add3A_596, %select_n3A_714 : vector<16xf32>
      %select_n3A_716 = arith.select %gt3A_708, %sub3A_705, %broadcast_in_dim3A_373 : vector<16xi1>, vector<16xf32>
      %add3A_717 = arith.addf %add3A_598, %select_n3A_716 : vector<16xf32>
      %add3A_718 = arith.addf %add3A_599, %sub3A_705 : vector<16xf32>
      %sub3A_719 = arith.subf %get3A_616, %get3A_626 : vector<16xf32>
      %abs3A_720 = math.absf %sub3A_719 : vector<16xf32>
      %add3A_721 = arith.addf %add3A_602, %abs3A_720 : vector<16xf32>
      %mul3A_722 = arith.constant 64 : i32
      %mul3A_723 = arith.muli %scan3A_362, %mul3A_722 : i32
      %add3A_724 = arith.constant 48 : i32
      %add3A_725 = arith.addi %mul3A_723, %add3A_724 : i32
      %get3A_726 = arith.constant 0 : i32
      %get3A_727 = arith.index_cast %get3A_726 : i32 to index
      %get3A_728 = arith.index_cast %add3A_725 : i32 to index
      %get3A_729 = tpu.vector_load %arg7[%get3A_727, %get3A_728] {strides = array<i32>} : memref<2x8192xf32, #tpu.memory_space<vmem>>, vector<1x16xf32>,
      %get3A_730 = vector.shape_cast %get3A_729 : vector<1x16xf32> to vector<16xf32>
      %get3A_731 = arith.constant 0 : i32
      %get3A_732 = arith.index_cast %get3A_731 : i32 to index
      %get3A_733 = arith.index_cast %add3A_725 : i32 to index
      %get3A_734 = tpu.vector_load %arg8[%get3A_732, %get3A_733] {strides = array<i32>} : memref<2x8192xf32, #tpu.memory_space<vmem>>, vector<1x16xf32>,
      %get3A_735 = vector.shape_cast %get3A_734 : vector<1x16xf32> to vector<16xf32>
      %get3A_736 = arith.constant 0 : i32
      %get3A_737 = arith.index_cast %get3A_736 : i32 to index
      %get3A_738 = arith.index_cast %add3A_725 : i32 to index
      %get3A_739 = tpu.vector_load %arg9[%get3A_737, %get3A_738] {strides = array<i32>} : memref<2x8192xf32, #tpu.memory_space<vmem>>, vector<1x16xf32>,
      %get3A_740 = vector.shape_cast %get3A_739 : vector<1x16xf32> to vector<16xf32>
      %get3A_741 = arith.constant 0 : i32
      %get3A_742 = arith.index_cast %get3A_741 : i32 to index
      %get3A_743 = arith.index_cast %add3A_725 : i32 to index
      %get3A_744 = tpu.vector_load %arg10[%get3A_742, %get3A_743] {strides = array<i32>} : memref<2x8192xf32, #tpu.memory_space<vmem>>, vector<1x16xf32>,
      %get3A_745 = vector.shape_cast %get3A_744 : vector<1x16xf32> to vector<16xf32>
      %abs3A_746 = math.absf %get3A_730 : vector<16xf32>
      %neg3A_747 = arith.constant 0.000000e+00 : f32
      %neg3A_748 = vector.broadcast %neg3A_747 : f32 to vector<16xf32>
      %neg3A_749 = arith.subf %neg3A_748, %abs3A_746 : vector<16xf32>
      %exp3A_750 = math.exp %neg3A_749 : vector<16xf32>
      %add3A_751 = arith.constant 2.000000e+00 : f32
      %add3A_752 = vector.broadcast %add3A_751 : f32 to vector<16xf32>
      %add3A_753 = arith.addf %add3A_752, %exp3A_750 : vector<16xf32>
      %div3A_754 = arith.divf %exp3A_750, %add3A_753 : vector<16xf32>
      %mul3A_755 = arith.mulf %div3A_754, %div3A_754 : vector<16xf32>
      %mul3A_756 = arith.constant 2.000000e+00 : f32
      %mul3A_757 = vector.broadcast %mul3A_756 : f32 to vector<16xf32>
      %mul3A_758 = arith.mulf %mul3A_757, %div3A_754 : vector<16xf32>
      %mul3A_759 = arith.constant 0.142857149 : f32
      %mul3A_760 = vector.broadcast %mul3A_759 : f32 to vector<16xf32>
      %mul3A_761 = arith.mulf %mul3A_755, %mul3A_760 : vector<16xf32>
      %add3A_762 = arith.constant 2.000000e-01 : f32
      %add3A_763 = vector.broadcast %add3A_762 : f32 to vector<16xf32>
      %add3A_764 = arith.addf %add3A_763, %mul3A_761 : vector<16xf32>
      %mul3A_765 = arith.mulf %mul3A_755, %add3A_764 : vector<16xf32>
      %add3A_766 = arith.constant 0.333333343 : f32
      %add3A_767 = vector.broadcast %add3A_766 : f32 to vector<16xf32>
      %add3A_768 = arith.addf %add3A_767, %mul3A_765 : vector<16xf32>
      %mul3A_769 = arith.mulf %mul3A_755, %add3A_768 : vector<16xf32>
      %add3A_770 = arith.constant 1.000000e+00 : f32
      %add3A_771 = vector.broadcast %add3A_770 : f32 to vector<16xf32>
      %add3A_772 = arith.addf %add3A_771, %mul3A_769 : vector<16xf32>
      %mul3A_773 = arith.mulf %mul3A_758, %add3A_772 : vector<16xf32>
      %max3A_774 = arith.constant 0.000000e+00 : f32
      %max3A_775 = vector.broadcast %max3A_774 : f32 to vector<16xf32>
      %max3A_776 = arith.maximumf %get3A_730, %max3A_775 : vector<16xf32>
      %add3A_777 = arith.addf %max3A_776, %mul3A_773 : vector<16xf32>
      %mul3A_778 = arith.mulf %get3A_740, %get3A_730 : vector<16xf32>
      %sub3A_779 = arith.subf %add3A_777, %mul3A_778 : vector<16xf32>
      %gt3A_780 = arith.constant 5.000000e-01 : f32
      %gt3A_781 = vector.broadcast %gt3A_780 : f32 to vector<16xf32>
      %gt3A_782 = arith.cmpf ogt, %get3A_740, %gt3A_781 : vector<16xf32>
      %sub3A_783 = arith.subf %get3A_730, %get3A_735 : vector<16xf32>
      %mul3A_784 = arith.constant 5.000000e+01 : f32
      %mul3A_785 = vector.broadcast %mul3A_784 : f32 to vector<16xf32>
      %mul3A_786 = arith.mulf %mul3A_785, %sub3A_783 : vector<16xf32>
      %sub3A_787 = arith.subf %get3A_740, %get3A_745 : vector<16xf32>
      %mul3A_788 = arith.constant 5.000000e+01 : f32
      %mul3A_789 = vector.broadcast %mul3A_788 : f32 to vector<16xf32>
      %mul3A_790 = arith.mulf %mul3A_789, %sub3A_787 : vector<16xf32>
      %abs3A_791 = math.absf %mul3A_786 : vector<16xf32>
      %neg3A_792 = arith.constant 0.000000e+00 : f32
      %neg3A_793 = vector.broadcast %neg3A_792 : f32 to vector<16xf32>
      %neg3A_794 = arith.subf %neg3A_793, %abs3A_791 : vector<16xf32>
      %exp3A_795 = math.exp %neg3A_794 : vector<16xf32>
      %add3A_796 = arith.constant 2.000000e+00 : f32
      %add3A_797 = vector.broadcast %add3A_796 : f32 to vector<16xf32>
      %add3A_798 = arith.addf %add3A_797, %exp3A_795 : vector<16xf32>
      %div3A_799 = arith.divf %exp3A_795, %add3A_798 : vector<16xf32>
      %mul3A_800 = arith.mulf %div3A_799, %div3A_799 : vector<16xf32>
      %mul3A_801 = arith.constant 2.000000e+00 : f32
      %mul3A_802 = vector.broadcast %mul3A_801 : f32 to vector<16xf32>
      %mul3A_803 = arith.mulf %mul3A_802, %div3A_799 : vector<16xf32>
      %mul3A_804 = arith.constant 0.142857149 : f32
      %mul3A_805 = vector.broadcast %mul3A_804 : f32 to vector<16xf32>
      %mul3A_806 = arith.mulf %mul3A_800, %mul3A_805 : vector<16xf32>
      %add3A_807 = arith.constant 2.000000e-01 : f32
      %add3A_808 = vector.broadcast %add3A_807 : f32 to vector<16xf32>
      %add3A_809 = arith.addf %add3A_808, %mul3A_806 : vector<16xf32>
      %mul3A_810 = arith.mulf %mul3A_800, %add3A_809 : vector<16xf32>
      %add3A_811 = arith.constant 0.333333343 : f32
      %add3A_812 = vector.broadcast %add3A_811 : f32 to vector<16xf32>
      %add3A_813 = arith.addf %add3A_812, %mul3A_810 : vector<16xf32>
      %mul3A_814 = arith.mulf %mul3A_800, %add3A_813 : vector<16xf32>
      %add3A_815 = arith.constant 1.000000e+00 : f32
      %add3A_816 = vector.broadcast %add3A_815 : f32 to vector<16xf32>
      %add3A_817 = arith.addf %add3A_816, %mul3A_814 : vector<16xf32>
      %mul3A_818 = arith.mulf %mul3A_803, %add3A_817 : vector<16xf32>
      %max3A_819 = arith.constant 0.000000e+00 : f32
      %max3A_820 = vector.broadcast %max3A_819 : f32 to vector<16xf32>
      %max3A_821 = arith.maximumf %mul3A_786, %max3A_820 : vector<16xf32>
      %add3A_822 = arith.addf %max3A_821, %mul3A_818 : vector<16xf32>
      %mul3A_823 = arith.mulf %mul3A_790, %mul3A_786 : vector<16xf32>
      %sub3A_824 = arith.subf %add3A_822, %mul3A_823 : vector<16xf32>
      %gt3A_825 = arith.constant 5.000000e-01 : f32
      %gt3A_826 = vector.broadcast %gt3A_825 : f32 to vector<16xf32>
      %gt3A_827 = arith.cmpf ogt, %mul3A_790, %gt3A_826 : vector<16xf32>
      %select_n3A_828 = arith.select %gt3A_782, %broadcast_in_dim3A_371, %broadcast_in_dim3A_373 : vector<16xi1>, vector<16xf32>
      %add3A_829 = arith.addf %add3A_710, %select_n3A_828 : vector<16xf32>
      %select_n3A_830 = arith.select %gt3A_782, %sub3A_779, %broadcast_in_dim3A_373 : vector<16xi1>, vector<16xf32>
      %add3A_831 = arith.addf %add3A_712, %select_n3A_830 : vector<16xf32>
      %add3A_832 = arith.addf %add3A_713, %sub3A_779 : vector<16xf32>
      %select_n3A_833 = arith.select %gt3A_827, %broadcast_in_dim3A_371, %broadcast_in_dim3A_373 : vector<16xi1>, vector<16xf32>
      %add3A_834 = arith.addf %add3A_715, %select_n3A_833 : vector<16xf32>
      %select_n3A_835 = arith.select %gt3A_827, %sub3A_824, %broadcast_in_dim3A_373 : vector<16xi1>, vector<16xf32>
      %add3A_836 = arith.addf %add3A_717, %select_n3A_835 : vector<16xf32>
      %add3A_837 = arith.addf %add3A_718, %sub3A_824 : vector<16xf32>
      %sub3A_838 = arith.subf %get3A_735, %get3A_745 : vector<16xf32>
      %abs3A_839 = math.absf %sub3A_838 : vector<16xf32>
      %add3A_840 = arith.addf %add3A_721, %abs3A_839 : vector<16xf32>
      scf.yield %add3A_829, %add3A_831, %add3A_832, %add3A_834, %add3A_836, %add3A_837, %add3A_840 : vector<16xf32>, vector<16xf32>, vector<16xf32>, vector<16xf32>, vector<16xf32>, vector<16xf32>, vector<16xf32>
    }
    %scan3A_118 = arith.constant 128 : i32
    %dma_wait3A_119 = arith.constant 1 : i32
    %dma_wait3A_120 = arith.constant 0 : i32
    %dma_wait3A_121 = tpu.memref_slice %arg7[%dma_wait3A_119, %dma_wait3A_120] : memref<2x8192xf32, #tpu.memory_space<vmem>> -> memref<1x8192xf32, #tpu.memory_space<vmem>>
    %dma_wait3A_122 = tpu.memref_squeeze %dma_wait3A_121 : memref<1x8192xf32, #tpu.memory_space<vmem>> -> memref<8192xf32, #tpu.memory_space<vmem>>
    %dma_wait3A_123 = tpu.memref_slice %arg2[%add3A_77] : memref<1048576xf32, #tpu.memory_space<hbm>> -> memref<8192xf32, #tpu.memory_space<hbm>>
    %dma_wait3A_124 = arith.constant 0 : i32
    %dma_wait3A_125 = tpu.memref_slice %arg7[%dma_wait3A_119, %dma_wait3A_124] : memref<2x8192xf32, #tpu.memory_space<vmem>> -> memref<1x8192xf32, #tpu.memory_space<vmem>>
    %dma_wait3A_126 = tpu.memref_squeeze %dma_wait3A_125 : memref<1x8192xf32, #tpu.memory_space<vmem>> -> memref<8192xf32, #tpu.memory_space<vmem>>
    %dma_wait3A_127 = tpu.memref_slice %arg2[%add3A_77] : memref<1048576xf32, #tpu.memory_space<hbm>> -> memref<8192xf32, #tpu.memory_space<hbm>>
    tpu.wait_dma2 semaphore(%arg12 : memref<!tpu.dma_semaphore, #tpu.memory_space<semaphore_mem>>) src(%dma_wait3A_127 : memref<8192xf32, #tpu.memory_space<hbm>>) dst(%dma_wait3A_126 : memref<8192xf32, #tpu.memory_space<vmem>>)
    %dma_wait3A_128 = arith.constant 1 : i32
    %dma_wait3A_129 = arith.constant 0 : i32
    %dma_wait3A_130 = tpu.memref_slice %arg8[%dma_wait3A_128, %dma_wait3A_129] : memref<2x8192xf32, #tpu.memory_space<vmem>> -> memref<1x8192xf32, #tpu.memory_space<vmem>>
    %dma_wait3A_131 = tpu.memref_squeeze %dma_wait3A_130 : memref<1x8192xf32, #tpu.memory_space<vmem>> -> memref<8192xf32, #tpu.memory_space<vmem>>
    %dma_wait3A_132 = tpu.memref_slice %arg3[%add3A_77] : memref<1048576xf32, #tpu.memory_space<hbm>> -> memref<8192xf32, #tpu.memory_space<hbm>>
    %dma_wait3A_133 = arith.constant 0 : i32
    %dma_wait3A_134 = tpu.memref_slice %arg8[%dma_wait3A_128, %dma_wait3A_133] : memref<2x8192xf32, #tpu.memory_space<vmem>> -> memref<1x8192xf32, #tpu.memory_space<vmem>>
    %dma_wait3A_135 = tpu.memref_squeeze %dma_wait3A_134 : memref<1x8192xf32, #tpu.memory_space<vmem>> -> memref<8192xf32, #tpu.memory_space<vmem>>
    %dma_wait3A_136 = tpu.memref_slice %arg3[%add3A_77] : memref<1048576xf32, #tpu.memory_space<hbm>> -> memref<8192xf32, #tpu.memory_space<hbm>>
    tpu.wait_dma2 semaphore(%arg12 : memref<!tpu.dma_semaphore, #tpu.memory_space<semaphore_mem>>) src(%dma_wait3A_136 : memref<8192xf32, #tpu.memory_space<hbm>>) dst(%dma_wait3A_135 : memref<8192xf32, #tpu.memory_space<vmem>>)
    %dma_wait3A_137 = arith.constant 1 : i32
    %dma_wait3A_138 = arith.constant 0 : i32
    %dma_wait3A_139 = tpu.memref_slice %arg9[%dma_wait3A_137, %dma_wait3A_138] : memref<2x8192xf32, #tpu.memory_space<vmem>> -> memref<1x8192xf32, #tpu.memory_space<vmem>>
    %dma_wait3A_140 = tpu.memref_squeeze %dma_wait3A_139 : memref<1x8192xf32, #tpu.memory_space<vmem>> -> memref<8192xf32, #tpu.memory_space<vmem>>
    %dma_wait3A_141 = tpu.memref_slice %arg4[%add3A_77] : memref<1048576xf32, #tpu.memory_space<hbm>> -> memref<8192xf32, #tpu.memory_space<hbm>>
    %dma_wait3A_142 = arith.constant 0 : i32
    %dma_wait3A_143 = tpu.memref_slice %arg9[%dma_wait3A_137, %dma_wait3A_142] : memref<2x8192xf32, #tpu.memory_space<vmem>> -> memref<1x8192xf32, #tpu.memory_space<vmem>>
    %dma_wait3A_144 = tpu.memref_squeeze %dma_wait3A_143 : memref<1x8192xf32, #tpu.memory_space<vmem>> -> memref<8192xf32, #tpu.memory_space<vmem>>
    %dma_wait3A_145 = tpu.memref_slice %arg4[%add3A_77] : memref<1048576xf32, #tpu.memory_space<hbm>> -> memref<8192xf32, #tpu.memory_space<hbm>>
    tpu.wait_dma2 semaphore(%arg12 : memref<!tpu.dma_semaphore, #tpu.memory_space<semaphore_mem>>) src(%dma_wait3A_145 : memref<8192xf32, #tpu.memory_space<hbm>>) dst(%dma_wait3A_144 : memref<8192xf32, #tpu.memory_space<vmem>>)
    %dma_wait3A_146 = arith.constant 1 : i32
    %dma_wait3A_147 = arith.constant 0 : i32
    %dma_wait3A_148 = tpu.memref_slice %arg10[%dma_wait3A_146, %dma_wait3A_147] : memref<2x8192xf32, #tpu.memory_space<vmem>> -> memref<1x8192xf32, #tpu.memory_space<vmem>>
    %dma_wait3A_149 = tpu.memref_squeeze %dma_wait3A_148 : memref<1x8192xf32, #tpu.memory_space<vmem>> -> memref<8192xf32, #tpu.memory_space<vmem>>
    %dma_wait3A_150 = tpu.memref_slice %arg5[%add3A_77] : memref<1048576xf32, #tpu.memory_space<hbm>> -> memref<8192xf32, #tpu.memory_space<hbm>>
    %dma_wait3A_151 = arith.constant 0 : i32
    %dma_wait3A_152 = tpu.memref_slice %arg10[%dma_wait3A_146, %dma_wait3A_151] : memref<2x8192xf32, #tpu.memory_space<vmem>> -> memref<1x8192xf32, #tpu.memory_space<vmem>>
    %dma_wait3A_153 = tpu.memref_squeeze %dma_wait3A_152 : memref<1x8192xf32, #tpu.memory_space<vmem>> -> memref<8192xf32, #tpu.memory_space<vmem>>
    %dma_wait3A_154 = tpu.memref_slice %arg5[%add3A_77] : memref<1048576xf32, #tpu.memory_space<hbm>> -> memref<8192xf32, #tpu.memory_space<hbm>>
    tpu.wait_dma2 semaphore(%arg12 : memref<!tpu.dma_semaphore, #tpu.memory_space<semaphore_mem>>) src(%dma_wait3A_154 : memref<8192xf32, #tpu.memory_space<hbm>>) dst(%dma_wait3A_153 : memref<8192xf32, #tpu.memory_space<vmem>>)
    %add3A_155 = arith.constant 16384 : i32
    %add3A_156 = arith.addi %mul3A_2, %add3A_155 : i32
    %dma_start3A_157 = arith.constant 0 : i32
    %dma_start3A_158 = arith.constant 0 : i32
    %dma_start3A_159 = tpu.memref_slice %arg7[%dma_start3A_157, %dma_start3A_158] : memref<2x8192xf32, #tpu.memory_space<vmem>> -> memref<1x8192xf32, #tpu.memory_space<vmem>>
    %dma_start3A_160 = tpu.memref_squeeze %dma_start3A_159 : memref<1x8192xf32, #tpu.memory_space<vmem>> -> memref<8192xf32, #tpu.memory_space<vmem>>
    %dma_start3A_161 = tpu.memref_slice %arg2[%add3A_156] : memref<1048576xf32, #tpu.memory_space<hbm>> -> memref<8192xf32, #tpu.memory_space<hbm>>
    %dma_start3A_162 = arith.constant 0 : i32
    %dma_start3A_163 = tpu.memref_slice %arg7[%dma_start3A_157, %dma_start3A_162] : memref<2x8192xf32, #tpu.memory_space<vmem>> -> memref<1x8192xf32, #tpu.memory_space<vmem>>
    %dma_start3A_164 = tpu.memref_squeeze %dma_start3A_163 : memref<1x8192xf32, #tpu.memory_space<vmem>> -> memref<8192xf32, #tpu.memory_space<vmem>>
    %dma_start3A_165 = tpu.memref_slice %arg2[%add3A_156] : memref<1048576xf32, #tpu.memory_space<hbm>> -> memref<8192xf32, #tpu.memory_space<hbm>>
    tpu.enqueue_dma source(%dma_start3A_165 : memref<8192xf32, #tpu.memory_space<hbm>>) target(%dma_start3A_164 : memref<8192xf32, #tpu.memory_space<vmem>>) target_semaphore(%arg11 : memref<!tpu.dma_semaphore, #tpu.memory_space<semaphore_mem>>)
    %dma_start3A_166 = arith.constant 0 : i32
    %dma_start3A_167 = arith.constant 0 : i32
    %dma_start3A_168 = tpu.memref_slice %arg8[%dma_start3A_166, %dma_start3A_167] : memref<2x8192xf32, #tpu.memory_space<vmem>> -> memref<1x8192xf32, #tpu.memory_space<vmem>>
    %dma_start3A_169 = tpu.memref_squeeze %dma_start3A_168 : memref<1x8192xf32, #tpu.memory_space<vmem>> -> memref<8192xf32, #tpu.memory_space<vmem>>
    %dma_start3A_170 = tpu.memref_slice %arg3[%add3A_156] : memref<1048576xf32, #tpu.memory_space<hbm>> -> memref<8192xf32, #tpu.memory_space<hbm>>
    %dma_start3A_171 = arith.constant 0 : i32
    %dma_start3A_172 = tpu.memref_slice %arg8[%dma_start3A_166, %dma_start3A_171] : memref<2x8192xf32, #tpu.memory_space<vmem>> -> memref<1x8192xf32, #tpu.memory_space<vmem>>
    %dma_start3A_173 = tpu.memref_squeeze %dma_start3A_172 : memref<1x8192xf32, #tpu.memory_space<vmem>> -> memref<8192xf32, #tpu.memory_space<vmem>>
    %dma_start3A_174 = tpu.memref_slice %arg3[%add3A_156] : memref<1048576xf32, #tpu.memory_space<hbm>> -> memref<8192xf32, #tpu.memory_space<hbm>>
    tpu.enqueue_dma source(%dma_start3A_174 : memref<8192xf32, #tpu.memory_space<hbm>>) target(%dma_start3A_173 : memref<8192xf32, #tpu.memory_space<vmem>>) target_semaphore(%arg11 : memref<!tpu.dma_semaphore, #tpu.memory_space<semaphore_mem>>)
    %dma_start3A_175 = arith.constant 0 : i32
    %dma_start3A_176 = arith.constant 0 : i32
    %dma_start3A_177 = tpu.memref_slice %arg9[%dma_start3A_175, %dma_start3A_176] : memref<2x8192xf32, #tpu.memory_space<vmem>> -> memref<1x8192xf32, #tpu.memory_space<vmem>>
    %dma_start3A_178 = tpu.memref_squeeze %dma_start3A_177 : memref<1x8192xf32, #tpu.memory_space<vmem>> -> memref<8192xf32, #tpu.memory_space<vmem>>
    %dma_start3A_179 = tpu.memref_slice %arg4[%add3A_156] : memref<1048576xf32, #tpu.memory_space<hbm>> -> memref<8192xf32, #tpu.memory_space<hbm>>
    %dma_start3A_180 = arith.constant 0 : i32
    %dma_start3A_181 = tpu.memref_slice %arg9[%dma_start3A_175, %dma_start3A_180] : memref<2x8192xf32, #tpu.memory_space<vmem>> -> memref<1x8192xf32, #tpu.memory_space<vmem>>
    %dma_start3A_182 = tpu.memref_squeeze %dma_start3A_181 : memref<1x8192xf32, #tpu.memory_space<vmem>> -> memref<8192xf32, #tpu.memory_space<vmem>>
    %dma_start3A_183 = tpu.memref_slice %arg4[%add3A_156] : memref<1048576xf32, #tpu.memory_space<hbm>> -> memref<8192xf32, #tpu.memory_space<hbm>>
    tpu.enqueue_dma source(%dma_start3A_183 : memref<8192xf32, #tpu.memory_space<hbm>>) target(%dma_start3A_182 : memref<8192xf32, #tpu.memory_space<vmem>>) target_semaphore(%arg11 : memref<!tpu.dma_semaphore, #tpu.memory_space<semaphore_mem>>)
    %dma_start3A_184 = arith.constant 0 : i32
    %dma_start3A_185 = arith.constant 0 : i32
    %dma_start3A_186 = tpu.memref_slice %arg10[%dma_start3A_184, %dma_start3A_185] : memref<2x8192xf32, #tpu.memory_space<vmem>> -> memref<1x8192xf32, #tpu.memory_space<vmem>>
    %dma_start3A_187 = tpu.memref_squeeze %dma_start3A_186 : memref<1x8192xf32, #tpu.memory_space<vmem>> -> memref<8192xf32, #tpu.memory_space<vmem>>
    %dma_start3A_188 = tpu.memref_slice %arg5[%add3A_156] : memref<1048576xf32, #tpu.memory_space<hbm>> -> memref<8192xf32, #tpu.memory_space<hbm>>
    %dma_start3A_189 = arith.constant 0 : i32
    %dma_start3A_190 = tpu.memref_slice %arg10[%dma_start3A_184, %dma_start3A_189] : memref<2x8192xf32, #tpu.memory_space<vmem>> -> memref<1x8192xf32, #tpu.memory_space<vmem>>
    %dma_start3A_191 = tpu.memref_squeeze %dma_start3A_190 : memref<1x8192xf32, #tpu.memory_space<vmem>> -> memref<8192xf32, #tpu.memory_space<vmem>>
    %dma_start3A_192 = tpu.memref_slice %arg5[%add3A_156] : memref<1048576xf32, #tpu.memory_space<hbm>> -> memref<8192xf32, #tpu.memory_space<hbm>>
    tpu.enqueue_dma source(%dma_start3A_192 : memref<8192xf32, #tpu.memory_space<hbm>>) target(%dma_start3A_191 : memref<8192xf32, #tpu.memory_space<vmem>>) target_semaphore(%arg11 : memref<!tpu.dma_semaphore, #tpu.memory_space<semaphore_mem>>)
    %scan3A_193 = arith.constant 0 : i32
    %scan3A_194 = arith.constant 128 : i32
    %scan3A_195 = arith.addi %scan3A_193, %scan3A_194 : i32
    %scan3A_196 = arith.constant 1 : i32
    %scan3A_197:7 = scf.for %scan3A_362 = %scan3A_193 to %scan3A_195 step %scan3A_196 iter_args(%scan3A_363 = %scan3A_117#0, %scan3A_364 = %scan3A_117#1, %scan3A_365 = %scan3A_117#2, %scan3A_366 = %scan3A_117#3, %scan3A_367 = %scan3A_117#4, %scan3A_368 = %scan3A_117#5, %scan3A_369 = %scan3A_117#6) -> (vector<16xf32>, vector<16xf32>, vector<16xf32>, vector<16xf32>, vector<16xf32>, vector<16xf32>, vector<16xf32>)  : i32 {
      %broadcast_in_dim3A_370 = arith.constant 1.000000e+00 : f32
      %broadcast_in_dim3A_371 = vector.broadcast %broadcast_in_dim3A_370 : f32 to vector<16xf32>
      %broadcast_in_dim3A_372 = arith.constant 0.000000e+00 : f32
      %broadcast_in_dim3A_373 = vector.broadcast %broadcast_in_dim3A_372 : f32 to vector<16xf32>
      %mul3A_374 = arith.constant 64 : i32
      %mul3A_375 = arith.muli %scan3A_362, %mul3A_374 : i32
      %add3A_376 = arith.constant 0 : i32
      %add3A_377 = arith.addi %mul3A_375, %add3A_376 : i32
      %get3A = arith.constant 1 : i32
      %get3A_378 = arith.index_cast %get3A : i32 to index
      %get3A_379 = arith.index_cast %add3A_377 : i32 to index
      %get3A_380 = tpu.vector_load %arg7[%get3A_378, %get3A_379] {strides = array<i32>} : memref<2x8192xf32, #tpu.memory_space<vmem>>, vector<1x16xf32>,
      %get3A_381 = vector.shape_cast %get3A_380 : vector<1x16xf32> to vector<16xf32>
      %get3A_382 = arith.constant 1 : i32
      %get3A_383 = arith.index_cast %get3A_382 : i32 to index
      %get3A_384 = arith.index_cast %add3A_377 : i32 to index
      %get3A_385 = tpu.vector_load %arg8[%get3A_383, %get3A_384] {strides = array<i32>} : memref<2x8192xf32, #tpu.memory_space<vmem>>, vector<1x16xf32>,
      %get3A_386 = vector.shape_cast %get3A_385 : vector<1x16xf32> to vector<16xf32>
      %get3A_387 = arith.constant 1 : i32
      %get3A_388 = arith.index_cast %get3A_387 : i32 to index
      %get3A_389 = arith.index_cast %add3A_377 : i32 to index
      %get3A_390 = tpu.vector_load %arg9[%get3A_388, %get3A_389] {strides = array<i32>} : memref<2x8192xf32, #tpu.memory_space<vmem>>, vector<1x16xf32>,
      %get3A_391 = vector.shape_cast %get3A_390 : vector<1x16xf32> to vector<16xf32>
      %get3A_392 = arith.constant 1 : i32
      %get3A_393 = arith.index_cast %get3A_392 : i32 to index
      %get3A_394 = arith.index_cast %add3A_377 : i32 to index
      %get3A_395 = tpu.vector_load %arg10[%get3A_393, %get3A_394] {strides = array<i32>} : memref<2x8192xf32, #tpu.memory_space<vmem>>, vector<1x16xf32>,
      %get3A_396 = vector.shape_cast %get3A_395 : vector<1x16xf32> to vector<16xf32>
      %abs3A = math.absf %get3A_381 : vector<16xf32>
      %neg3A = arith.constant 0.000000e+00 : f32
      %neg3A_397 = vector.broadcast %neg3A : f32 to vector<16xf32>
      %neg3A_398 = arith.subf %neg3A_397, %abs3A : vector<16xf32>
      %exp3A = math.exp %neg3A_398 : vector<16xf32>
      %add3A_399 = arith.constant 2.000000e+00 : f32
      %add3A_400 = vector.broadcast %add3A_399 : f32 to vector<16xf32>
      %add3A_401 = arith.addf %add3A_400, %exp3A : vector<16xf32>
      %div3A = arith.divf %exp3A, %add3A_401 : vector<16xf32>
      %mul3A_402 = arith.mulf %div3A, %div3A : vector<16xf32>
      %mul3A_403 = arith.constant 2.000000e+00 : f32
      %mul3A_404 = vector.broadcast %mul3A_403 : f32 to vector<16xf32>
      %mul3A_405 = arith.mulf %mul3A_404, %div3A : vector<16xf32>
      %mul3A_406 = arith.constant 0.142857149 : f32
      %mul3A_407 = vector.broadcast %mul3A_406 : f32 to vector<16xf32>
      %mul3A_408 = arith.mulf %mul3A_402, %mul3A_407 : vector<16xf32>
      %add3A_409 = arith.constant 2.000000e-01 : f32
      %add3A_410 = vector.broadcast %add3A_409 : f32 to vector<16xf32>
      %add3A_411 = arith.addf %add3A_410, %mul3A_408 : vector<16xf32>
      %mul3A_412 = arith.mulf %mul3A_402, %add3A_411 : vector<16xf32>
      %add3A_413 = arith.constant 0.333333343 : f32
      %add3A_414 = vector.broadcast %add3A_413 : f32 to vector<16xf32>
      %add3A_415 = arith.addf %add3A_414, %mul3A_412 : vector<16xf32>
      %mul3A_416 = arith.mulf %mul3A_402, %add3A_415 : vector<16xf32>
      %add3A_417 = arith.constant 1.000000e+00 : f32
      %add3A_418 = vector.broadcast %add3A_417 : f32 to vector<16xf32>
      %add3A_419 = arith.addf %add3A_418, %mul3A_416 : vector<16xf32>
      %mul3A_420 = arith.mulf %mul3A_405, %add3A_419 : vector<16xf32>
      %max3A = arith.constant 0.000000e+00 : f32
      %max3A_421 = vector.broadcast %max3A : f32 to vector<16xf32>
      %max3A_422 = arith.maximumf %get3A_381, %max3A_421 : vector<16xf32>
      %add3A_423 = arith.addf %max3A_422, %mul3A_420 : vector<16xf32>
      %mul3A_424 = arith.mulf %get3A_391, %get3A_381 : vector<16xf32>
      %sub3A = arith.subf %add3A_423, %mul3A_424 : vector<16xf32>
      %gt3A = arith.constant 5.000000e-01 : f32
      %gt3A_425 = vector.broadcast %gt3A : f32 to vector<16xf32>
      %gt3A_426 = arith.cmpf ogt, %get3A_391, %gt3A_425 : vector<16xf32>
      %sub3A_427 = arith.subf %get3A_381, %get3A_386 : vector<16xf32>
      %mul3A_428 = arith.constant 5.000000e+01 : f32
      %mul3A_429 = vector.broadcast %mul3A_428 : f32 to vector<16xf32>
      %mul3A_430 = arith.mulf %mul3A_429, %sub3A_427 : vector<16xf32>
      %sub3A_431 = arith.subf %get3A_391, %get3A_396 : vector<16xf32>
      %mul3A_432 = arith.constant 5.000000e+01 : f32
      %mul3A_433 = vector.broadcast %mul3A_432 : f32 to vector<16xf32>
      %mul3A_434 = arith.mulf %mul3A_433, %sub3A_431 : vector<16xf32>
      %abs3A_435 = math.absf %mul3A_430 : vector<16xf32>
      %neg3A_436 = arith.constant 0.000000e+00 : f32
      %neg3A_437 = vector.broadcast %neg3A_436 : f32 to vector<16xf32>
      %neg3A_438 = arith.subf %neg3A_437, %abs3A_435 : vector<16xf32>
      %exp3A_439 = math.exp %neg3A_438 : vector<16xf32>
      %add3A_440 = arith.constant 2.000000e+00 : f32
      %add3A_441 = vector.broadcast %add3A_440 : f32 to vector<16xf32>
      %add3A_442 = arith.addf %add3A_441, %exp3A_439 : vector<16xf32>
      %div3A_443 = arith.divf %exp3A_439, %add3A_442 : vector<16xf32>
      %mul3A_444 = arith.mulf %div3A_443, %div3A_443 : vector<16xf32>
      %mul3A_445 = arith.constant 2.000000e+00 : f32
      %mul3A_446 = vector.broadcast %mul3A_445 : f32 to vector<16xf32>
      %mul3A_447 = arith.mulf %mul3A_446, %div3A_443 : vector<16xf32>
      %mul3A_448 = arith.constant 0.142857149 : f32
      %mul3A_449 = vector.broadcast %mul3A_448 : f32 to vector<16xf32>
      %mul3A_450 = arith.mulf %mul3A_444, %mul3A_449 : vector<16xf32>
      %add3A_451 = arith.constant 2.000000e-01 : f32
      %add3A_452 = vector.broadcast %add3A_451 : f32 to vector<16xf32>
      %add3A_453 = arith.addf %add3A_452, %mul3A_450 : vector<16xf32>
      %mul3A_454 = arith.mulf %mul3A_444, %add3A_453 : vector<16xf32>
      %add3A_455 = arith.constant 0.333333343 : f32
      %add3A_456 = vector.broadcast %add3A_455 : f32 to vector<16xf32>
      %add3A_457 = arith.addf %add3A_456, %mul3A_454 : vector<16xf32>
      %mul3A_458 = arith.mulf %mul3A_444, %add3A_457 : vector<16xf32>
      %add3A_459 = arith.constant 1.000000e+00 : f32
      %add3A_460 = vector.broadcast %add3A_459 : f32 to vector<16xf32>
      %add3A_461 = arith.addf %add3A_460, %mul3A_458 : vector<16xf32>
      %mul3A_462 = arith.mulf %mul3A_447, %add3A_461 : vector<16xf32>
      %max3A_463 = arith.constant 0.000000e+00 : f32
      %max3A_464 = vector.broadcast %max3A_463 : f32 to vector<16xf32>
      %max3A_465 = arith.maximumf %mul3A_430, %max3A_464 : vector<16xf32>
      %add3A_466 = arith.addf %max3A_465, %mul3A_462 : vector<16xf32>
      %mul3A_467 = arith.mulf %mul3A_434, %mul3A_430 : vector<16xf32>
      %sub3A_468 = arith.subf %add3A_466, %mul3A_467 : vector<16xf32>
      %gt3A_469 = arith.constant 5.000000e-01 : f32
      %gt3A_470 = vector.broadcast %gt3A_469 : f32 to vector<16xf32>
      %gt3A_471 = arith.cmpf ogt, %mul3A_434, %gt3A_470 : vector<16xf32>
      %select_n3A = arith.select %gt3A_426, %broadcast_in_dim3A_371, %broadcast_in_dim3A_373 : vector<16xi1>, vector<16xf32>
      %add3A_472 = arith.addf %scan3A_363, %select_n3A : vector<16xf32>
      %select_n3A_473 = arith.select %gt3A_426, %sub3A, %broadcast_in_dim3A_373 : vector<16xi1>, vector<16xf32>
      %add3A_474 = arith.addf %scan3A_364, %select_n3A_473 : vector<16xf32>
      %add3A_475 = arith.addf %scan3A_365, %sub3A : vector<16xf32>
      %select_n3A_476 = arith.select %gt3A_471, %broadcast_in_dim3A_371, %broadcast_in_dim3A_373 : vector<16xi1>, vector<16xf32>
      %add3A_477 = arith.addf %scan3A_366, %select_n3A_476 : vector<16xf32>
      %select_n3A_478 = arith.select %gt3A_471, %sub3A_468, %broadcast_in_dim3A_373 : vector<16xi1>, vector<16xf32>
      %add3A_479 = arith.addf %scan3A_367, %select_n3A_478 : vector<16xf32>
      %add3A_480 = arith.addf %scan3A_368, %sub3A_468 : vector<16xf32>
      %sub3A_481 = arith.subf %get3A_386, %get3A_396 : vector<16xf32>
      %abs3A_482 = math.absf %sub3A_481 : vector<16xf32>
      %add3A_483 = arith.addf %scan3A_369, %abs3A_482 : vector<16xf32>
      %mul3A_484 = arith.constant 64 : i32
      %mul3A_485 = arith.muli %scan3A_362, %mul3A_484 : i32
      %add3A_486 = arith.constant 16 : i32
      %add3A_487 = arith.addi %mul3A_485, %add3A_486 : i32
      %get3A_488 = arith.constant 1 : i32
      %get3A_489 = arith.index_cast %get3A_488 : i32 to index
      %get3A_490 = arith.index_cast %add3A_487 : i32 to index
      %get3A_491 = tpu.vector_load %arg7[%get3A_489, %get3A_490] {strides = array<i32>} : memref<2x8192xf32, #tpu.memory_space<vmem>>, vector<1x16xf32>,
      %get3A_492 = vector.shape_cast %get3A_491 : vector<1x16xf32> to vector<16xf32>
      %get3A_493 = arith.constant 1 : i32
      %get3A_494 = arith.index_cast %get3A_493 : i32 to index
      %get3A_495 = arith.index_cast %add3A_487 : i32 to index
      %get3A_496 = tpu.vector_load %arg8[%get3A_494, %get3A_495] {strides = array<i32>} : memref<2x8192xf32, #tpu.memory_space<vmem>>, vector<1x16xf32>,
      %get3A_497 = vector.shape_cast %get3A_496 : vector<1x16xf32> to vector<16xf32>
      %get3A_498 = arith.constant 1 : i32
      %get3A_499 = arith.index_cast %get3A_498 : i32 to index
      %get3A_500 = arith.index_cast %add3A_487 : i32 to index
      %get3A_501 = tpu.vector_load %arg9[%get3A_499, %get3A_500] {strides = array<i32>} : memref<2x8192xf32, #tpu.memory_space<vmem>>, vector<1x16xf32>,
      %get3A_502 = vector.shape_cast %get3A_501 : vector<1x16xf32> to vector<16xf32>
      %get3A_503 = arith.constant 1 : i32
      %get3A_504 = arith.index_cast %get3A_503 : i32 to index
      %get3A_505 = arith.index_cast %add3A_487 : i32 to index
      %get3A_506 = tpu.vector_load %arg10[%get3A_504, %get3A_505] {strides = array<i32>} : memref<2x8192xf32, #tpu.memory_space<vmem>>, vector<1x16xf32>,
      %get3A_507 = vector.shape_cast %get3A_506 : vector<1x16xf32> to vector<16xf32>
      %abs3A_508 = math.absf %get3A_492 : vector<16xf32>
      %neg3A_509 = arith.constant 0.000000e+00 : f32
      %neg3A_510 = vector.broadcast %neg3A_509 : f32 to vector<16xf32>
      %neg3A_511 = arith.subf %neg3A_510, %abs3A_508 : vector<16xf32>
      %exp3A_512 = math.exp %neg3A_511 : vector<16xf32>
      %add3A_513 = arith.constant 2.000000e+00 : f32
      %add3A_514 = vector.broadcast %add3A_513 : f32 to vector<16xf32>
      %add3A_515 = arith.addf %add3A_514, %exp3A_512 : vector<16xf32>
      %div3A_516 = arith.divf %exp3A_512, %add3A_515 : vector<16xf32>
      %mul3A_517 = arith.mulf %div3A_516, %div3A_516 : vector<16xf32>
      %mul3A_518 = arith.constant 2.000000e+00 : f32
      %mul3A_519 = vector.broadcast %mul3A_518 : f32 to vector<16xf32>
      %mul3A_520 = arith.mulf %mul3A_519, %div3A_516 : vector<16xf32>
      %mul3A_521 = arith.constant 0.142857149 : f32
      %mul3A_522 = vector.broadcast %mul3A_521 : f32 to vector<16xf32>
      %mul3A_523 = arith.mulf %mul3A_517, %mul3A_522 : vector<16xf32>
      %add3A_524 = arith.constant 2.000000e-01 : f32
      %add3A_525 = vector.broadcast %add3A_524 : f32 to vector<16xf32>
      %add3A_526 = arith.addf %add3A_525, %mul3A_523 : vector<16xf32>
      %mul3A_527 = arith.mulf %mul3A_517, %add3A_526 : vector<16xf32>
      %add3A_528 = arith.constant 0.333333343 : f32
      %add3A_529 = vector.broadcast %add3A_528 : f32 to vector<16xf32>
      %add3A_530 = arith.addf %add3A_529, %mul3A_527 : vector<16xf32>
      %mul3A_531 = arith.mulf %mul3A_517, %add3A_530 : vector<16xf32>
      %add3A_532 = arith.constant 1.000000e+00 : f32
      %add3A_533 = vector.broadcast %add3A_532 : f32 to vector<16xf32>
      %add3A_534 = arith.addf %add3A_533, %mul3A_531 : vector<16xf32>
      %mul3A_535 = arith.mulf %mul3A_520, %add3A_534 : vector<16xf32>
      %max3A_536 = arith.constant 0.000000e+00 : f32
      %max3A_537 = vector.broadcast %max3A_536 : f32 to vector<16xf32>
      %max3A_538 = arith.maximumf %get3A_492, %max3A_537 : vector<16xf32>
      %add3A_539 = arith.addf %max3A_538, %mul3A_535 : vector<16xf32>
      %mul3A_540 = arith.mulf %get3A_502, %get3A_492 : vector<16xf32>
      %sub3A_541 = arith.subf %add3A_539, %mul3A_540 : vector<16xf32>
      %gt3A_542 = arith.constant 5.000000e-01 : f32
      %gt3A_543 = vector.broadcast %gt3A_542 : f32 to vector<16xf32>
      %gt3A_544 = arith.cmpf ogt, %get3A_502, %gt3A_543 : vector<16xf32>
      %sub3A_545 = arith.subf %get3A_492, %get3A_497 : vector<16xf32>
      %mul3A_546 = arith.constant 5.000000e+01 : f32
      %mul3A_547 = vector.broadcast %mul3A_546 : f32 to vector<16xf32>
      %mul3A_548 = arith.mulf %mul3A_547, %sub3A_545 : vector<16xf32>
      %sub3A_549 = arith.subf %get3A_502, %get3A_507 : vector<16xf32>
      %mul3A_550 = arith.constant 5.000000e+01 : f32
      %mul3A_551 = vector.broadcast %mul3A_550 : f32 to vector<16xf32>
      %mul3A_552 = arith.mulf %mul3A_551, %sub3A_549 : vector<16xf32>
      %abs3A_553 = math.absf %mul3A_548 : vector<16xf32>
      %neg3A_554 = arith.constant 0.000000e+00 : f32
      %neg3A_555 = vector.broadcast %neg3A_554 : f32 to vector<16xf32>
      %neg3A_556 = arith.subf %neg3A_555, %abs3A_553 : vector<16xf32>
      %exp3A_557 = math.exp %neg3A_556 : vector<16xf32>
      %add3A_558 = arith.constant 2.000000e+00 : f32
      %add3A_559 = vector.broadcast %add3A_558 : f32 to vector<16xf32>
      %add3A_560 = arith.addf %add3A_559, %exp3A_557 : vector<16xf32>
      %div3A_561 = arith.divf %exp3A_557, %add3A_560 : vector<16xf32>
      %mul3A_562 = arith.mulf %div3A_561, %div3A_561 : vector<16xf32>
      %mul3A_563 = arith.constant 2.000000e+00 : f32
      %mul3A_564 = vector.broadcast %mul3A_563 : f32 to vector<16xf32>
      %mul3A_565 = arith.mulf %mul3A_564, %div3A_561 : vector<16xf32>
      %mul3A_566 = arith.constant 0.142857149 : f32
      %mul3A_567 = vector.broadcast %mul3A_566 : f32 to vector<16xf32>
      %mul3A_568 = arith.mulf %mul3A_562, %mul3A_567 : vector<16xf32>
      %add3A_569 = arith.constant 2.000000e-01 : f32
      %add3A_570 = vector.broadcast %add3A_569 : f32 to vector<16xf32>
      %add3A_571 = arith.addf %add3A_570, %mul3A_568 : vector<16xf32>
      %mul3A_572 = arith.mulf %mul3A_562, %add3A_571 : vector<16xf32>
      %add3A_573 = arith.constant 0.333333343 : f32
      %add3A_574 = vector.broadcast %add3A_573 : f32 to vector<16xf32>
      %add3A_575 = arith.addf %add3A_574, %mul3A_572 : vector<16xf32>
      %mul3A_576 = arith.mulf %mul3A_562, %add3A_575 : vector<16xf32>
      %add3A_577 = arith.constant 1.000000e+00 : f32
      %add3A_578 = vector.broadcast %add3A_577 : f32 to vector<16xf32>
      %add3A_579 = arith.addf %add3A_578, %mul3A_576 : vector<16xf32>
      %mul3A_580 = arith.mulf %mul3A_565, %add3A_579 : vector<16xf32>
      %max3A_581 = arith.constant 0.000000e+00 : f32
      %max3A_582 = vector.broadcast %max3A_581 : f32 to vector<16xf32>
      %max3A_583 = arith.maximumf %mul3A_548, %max3A_582 : vector<16xf32>
      %add3A_584 = arith.addf %max3A_583, %mul3A_580 : vector<16xf32>
      %mul3A_585 = arith.mulf %mul3A_552, %mul3A_548 : vector<16xf32>
      %sub3A_586 = arith.subf %add3A_584, %mul3A_585 : vector<16xf32>
      %gt3A_587 = arith.constant 5.000000e-01 : f32
      %gt3A_588 = vector.broadcast %gt3A_587 : f32 to vector<16xf32>
      %gt3A_589 = arith.cmpf ogt, %mul3A_552, %gt3A_588 : vector<16xf32>
      %select_n3A_590 = arith.select %gt3A_544, %broadcast_in_dim3A_371, %broadcast_in_dim3A_373 : vector<16xi1>, vector<16xf32>
      %add3A_591 = arith.addf %add3A_472, %select_n3A_590 : vector<16xf32>
      %select_n3A_592 = arith.select %gt3A_544, %sub3A_541, %broadcast_in_dim3A_373 : vector<16xi1>, vector<16xf32>
      %add3A_593 = arith.addf %add3A_474, %select_n3A_592 : vector<16xf32>
      %add3A_594 = arith.addf %add3A_475, %sub3A_541 : vector<16xf32>
      %select_n3A_595 = arith.select %gt3A_589, %broadcast_in_dim3A_371, %broadcast_in_dim3A_373 : vector<16xi1>, vector<16xf32>
      %add3A_596 = arith.addf %add3A_477, %select_n3A_595 : vector<16xf32>
      %select_n3A_597 = arith.select %gt3A_589, %sub3A_586, %broadcast_in_dim3A_373 : vector<16xi1>, vector<16xf32>
      %add3A_598 = arith.addf %add3A_479, %select_n3A_597 : vector<16xf32>
      %add3A_599 = arith.addf %add3A_480, %sub3A_586 : vector<16xf32>
      %sub3A_600 = arith.subf %get3A_497, %get3A_507 : vector<16xf32>
      %abs3A_601 = math.absf %sub3A_600 : vector<16xf32>
      %add3A_602 = arith.addf %add3A_483, %abs3A_601 : vector<16xf32>
      %mul3A_603 = arith.constant 64 : i32
      %mul3A_604 = arith.muli %scan3A_362, %mul3A_603 : i32
      %add3A_605 = arith.constant 32 : i32
      %add3A_606 = arith.addi %mul3A_604, %add3A_605 : i32
      %get3A_607 = arith.constant 1 : i32
      %get3A_608 = arith.index_cast %get3A_607 : i32 to index
      %get3A_609 = arith.index_cast %add3A_606 : i32 to index
      %get3A_610 = tpu.vector_load %arg7[%get3A_608, %get3A_609] {strides = array<i32>} : memref<2x8192xf32, #tpu.memory_space<vmem>>, vector<1x16xf32>,
      %get3A_611 = vector.shape_cast %get3A_610 : vector<1x16xf32> to vector<16xf32>
      %get3A_612 = arith.constant 1 : i32
      %get3A_613 = arith.index_cast %get3A_612 : i32 to index
      %get3A_614 = arith.index_cast %add3A_606 : i32 to index
      %get3A_615 = tpu.vector_load %arg8[%get3A_613, %get3A_614] {strides = array<i32>} : memref<2x8192xf32, #tpu.memory_space<vmem>>, vector<1x16xf32>,
      %get3A_616 = vector.shape_cast %get3A_615 : vector<1x16xf32> to vector<16xf32>
      %get3A_617 = arith.constant 1 : i32
      %get3A_618 = arith.index_cast %get3A_617 : i32 to index
      %get3A_619 = arith.index_cast %add3A_606 : i32 to index
      %get3A_620 = tpu.vector_load %arg9[%get3A_618, %get3A_619] {strides = array<i32>} : memref<2x8192xf32, #tpu.memory_space<vmem>>, vector<1x16xf32>,
      %get3A_621 = vector.shape_cast %get3A_620 : vector<1x16xf32> to vector<16xf32>
      %get3A_622 = arith.constant 1 : i32
      %get3A_623 = arith.index_cast %get3A_622 : i32 to index
      %get3A_624 = arith.index_cast %add3A_606 : i32 to index
      %get3A_625 = tpu.vector_load %arg10[%get3A_623, %get3A_624] {strides = array<i32>} : memref<2x8192xf32, #tpu.memory_space<vmem>>, vector<1x16xf32>,
      %get3A_626 = vector.shape_cast %get3A_625 : vector<1x16xf32> to vector<16xf32>
      %abs3A_627 = math.absf %get3A_611 : vector<16xf32>
      %neg3A_628 = arith.constant 0.000000e+00 : f32
      %neg3A_629 = vector.broadcast %neg3A_628 : f32 to vector<16xf32>
      %neg3A_630 = arith.subf %neg3A_629, %abs3A_627 : vector<16xf32>
      %exp3A_631 = math.exp %neg3A_630 : vector<16xf32>
      %add3A_632 = arith.constant 2.000000e+00 : f32
      %add3A_633 = vector.broadcast %add3A_632 : f32 to vector<16xf32>
      %add3A_634 = arith.addf %add3A_633, %exp3A_631 : vector<16xf32>
      %div3A_635 = arith.divf %exp3A_631, %add3A_634 : vector<16xf32>
      %mul3A_636 = arith.mulf %div3A_635, %div3A_635 : vector<16xf32>
      %mul3A_637 = arith.constant 2.000000e+00 : f32
      %mul3A_638 = vector.broadcast %mul3A_637 : f32 to vector<16xf32>
      %mul3A_639 = arith.mulf %mul3A_638, %div3A_635 : vector<16xf32>
      %mul3A_640 = arith.constant 0.142857149 : f32
      %mul3A_641 = vector.broadcast %mul3A_640 : f32 to vector<16xf32>
      %mul3A_642 = arith.mulf %mul3A_636, %mul3A_641 : vector<16xf32>
      %add3A_643 = arith.constant 2.000000e-01 : f32
      %add3A_644 = vector.broadcast %add3A_643 : f32 to vector<16xf32>
      %add3A_645 = arith.addf %add3A_644, %mul3A_642 : vector<16xf32>
      %mul3A_646 = arith.mulf %mul3A_636, %add3A_645 : vector<16xf32>
      %add3A_647 = arith.constant 0.333333343 : f32
      %add3A_648 = vector.broadcast %add3A_647 : f32 to vector<16xf32>
      %add3A_649 = arith.addf %add3A_648, %mul3A_646 : vector<16xf32>
      %mul3A_650 = arith.mulf %mul3A_636, %add3A_649 : vector<16xf32>
      %add3A_651 = arith.constant 1.000000e+00 : f32
      %add3A_652 = vector.broadcast %add3A_651 : f32 to vector<16xf32>
      %add3A_653 = arith.addf %add3A_652, %mul3A_650 : vector<16xf32>
      %mul3A_654 = arith.mulf %mul3A_639, %add3A_653 : vector<16xf32>
      %max3A_655 = arith.constant 0.000000e+00 : f32
      %max3A_656 = vector.broadcast %max3A_655 : f32 to vector<16xf32>
      %max3A_657 = arith.maximumf %get3A_611, %max3A_656 : vector<16xf32>
      %add3A_658 = arith.addf %max3A_657, %mul3A_654 : vector<16xf32>
      %mul3A_659 = arith.mulf %get3A_621, %get3A_611 : vector<16xf32>
      %sub3A_660 = arith.subf %add3A_658, %mul3A_659 : vector<16xf32>
      %gt3A_661 = arith.constant 5.000000e-01 : f32
      %gt3A_662 = vector.broadcast %gt3A_661 : f32 to vector<16xf32>
      %gt3A_663 = arith.cmpf ogt, %get3A_621, %gt3A_662 : vector<16xf32>
      %sub3A_664 = arith.subf %get3A_611, %get3A_616 : vector<16xf32>
      %mul3A_665 = arith.constant 5.000000e+01 : f32
      %mul3A_666 = vector.broadcast %mul3A_665 : f32 to vector<16xf32>
      %mul3A_667 = arith.mulf %mul3A_666, %sub3A_664 : vector<16xf32>
      %sub3A_668 = arith.subf %get3A_621, %get3A_626 : vector<16xf32>
      %mul3A_669 = arith.constant 5.000000e+01 : f32
      %mul3A_670 = vector.broadcast %mul3A_669 : f32 to vector<16xf32>
      %mul3A_671 = arith.mulf %mul3A_670, %sub3A_668 : vector<16xf32>
      %abs3A_672 = math.absf %mul3A_667 : vector<16xf32>
      %neg3A_673 = arith.constant 0.000000e+00 : f32
      %neg3A_674 = vector.broadcast %neg3A_673 : f32 to vector<16xf32>
      %neg3A_675 = arith.subf %neg3A_674, %abs3A_672 : vector<16xf32>
      %exp3A_676 = math.exp %neg3A_675 : vector<16xf32>
      %add3A_677 = arith.constant 2.000000e+00 : f32
      %add3A_678 = vector.broadcast %add3A_677 : f32 to vector<16xf32>
      %add3A_679 = arith.addf %add3A_678, %exp3A_676 : vector<16xf32>
      %div3A_680 = arith.divf %exp3A_676, %add3A_679 : vector<16xf32>
      %mul3A_681 = arith.mulf %div3A_680, %div3A_680 : vector<16xf32>
      %mul3A_682 = arith.constant 2.000000e+00 : f32
      %mul3A_683 = vector.broadcast %mul3A_682 : f32 to vector<16xf32>
      %mul3A_684 = arith.mulf %mul3A_683, %div3A_680 : vector<16xf32>
      %mul3A_685 = arith.constant 0.142857149 : f32
      %mul3A_686 = vector.broadcast %mul3A_685 : f32 to vector<16xf32>
      %mul3A_687 = arith.mulf %mul3A_681, %mul3A_686 : vector<16xf32>
      %add3A_688 = arith.constant 2.000000e-01 : f32
      %add3A_689 = vector.broadcast %add3A_688 : f32 to vector<16xf32>
      %add3A_690 = arith.addf %add3A_689, %mul3A_687 : vector<16xf32>
      %mul3A_691 = arith.mulf %mul3A_681, %add3A_690 : vector<16xf32>
      %add3A_692 = arith.constant 0.333333343 : f32
      %add3A_693 = vector.broadcast %add3A_692 : f32 to vector<16xf32>
      %add3A_694 = arith.addf %add3A_693, %mul3A_691 : vector<16xf32>
      %mul3A_695 = arith.mulf %mul3A_681, %add3A_694 : vector<16xf32>
      %add3A_696 = arith.constant 1.000000e+00 : f32
      %add3A_697 = vector.broadcast %add3A_696 : f32 to vector<16xf32>
      %add3A_698 = arith.addf %add3A_697, %mul3A_695 : vector<16xf32>
      %mul3A_699 = arith.mulf %mul3A_684, %add3A_698 : vector<16xf32>
      %max3A_700 = arith.constant 0.000000e+00 : f32
      %max3A_701 = vector.broadcast %max3A_700 : f32 to vector<16xf32>
      %max3A_702 = arith.maximumf %mul3A_667, %max3A_701 : vector<16xf32>
      %add3A_703 = arith.addf %max3A_702, %mul3A_699 : vector<16xf32>
      %mul3A_704 = arith.mulf %mul3A_671, %mul3A_667 : vector<16xf32>
      %sub3A_705 = arith.subf %add3A_703, %mul3A_704 : vector<16xf32>
      %gt3A_706 = arith.constant 5.000000e-01 : f32
      %gt3A_707 = vector.broadcast %gt3A_706 : f32 to vector<16xf32>
      %gt3A_708 = arith.cmpf ogt, %mul3A_671, %gt3A_707 : vector<16xf32>
      %select_n3A_709 = arith.select %gt3A_663, %broadcast_in_dim3A_371, %broadcast_in_dim3A_373 : vector<16xi1>, vector<16xf32>
      %add3A_710 = arith.addf %add3A_591, %select_n3A_709 : vector<16xf32>
      %select_n3A_711 = arith.select %gt3A_663, %sub3A_660, %broadcast_in_dim3A_373 : vector<16xi1>, vector<16xf32>
      %add3A_712 = arith.addf %add3A_593, %select_n3A_711 : vector<16xf32>
      %add3A_713 = arith.addf %add3A_594, %sub3A_660 : vector<16xf32>
      %select_n3A_714 = arith.select %gt3A_708, %broadcast_in_dim3A_371, %broadcast_in_dim3A_373 : vector<16xi1>, vector<16xf32>
      %add3A_715 = arith.addf %add3A_596, %select_n3A_714 : vector<16xf32>
      %select_n3A_716 = arith.select %gt3A_708, %sub3A_705, %broadcast_in_dim3A_373 : vector<16xi1>, vector<16xf32>
      %add3A_717 = arith.addf %add3A_598, %select_n3A_716 : vector<16xf32>
      %add3A_718 = arith.addf %add3A_599, %sub3A_705 : vector<16xf32>
      %sub3A_719 = arith.subf %get3A_616, %get3A_626 : vector<16xf32>
      %abs3A_720 = math.absf %sub3A_719 : vector<16xf32>
      %add3A_721 = arith.addf %add3A_602, %abs3A_720 : vector<16xf32>
      %mul3A_722 = arith.constant 64 : i32
      %mul3A_723 = arith.muli %scan3A_362, %mul3A_722 : i32
      %add3A_724 = arith.constant 48 : i32
      %add3A_725 = arith.addi %mul3A_723, %add3A_724 : i32
      %get3A_726 = arith.constant 1 : i32
      %get3A_727 = arith.index_cast %get3A_726 : i32 to index
      %get3A_728 = arith.index_cast %add3A_725 : i32 to index
      %get3A_729 = tpu.vector_load %arg7[%get3A_727, %get3A_728] {strides = array<i32>} : memref<2x8192xf32, #tpu.memory_space<vmem>>, vector<1x16xf32>,
      %get3A_730 = vector.shape_cast %get3A_729 : vector<1x16xf32> to vector<16xf32>
      %get3A_731 = arith.constant 1 : i32
      %get3A_732 = arith.index_cast %get3A_731 : i32 to index
      %get3A_733 = arith.index_cast %add3A_725 : i32 to index
      %get3A_734 = tpu.vector_load %arg8[%get3A_732, %get3A_733] {strides = array<i32>} : memref<2x8192xf32, #tpu.memory_space<vmem>>, vector<1x16xf32>,
      %get3A_735 = vector.shape_cast %get3A_734 : vector<1x16xf32> to vector<16xf32>
      %get3A_736 = arith.constant 1 : i32
      %get3A_737 = arith.index_cast %get3A_736 : i32 to index
      %get3A_738 = arith.index_cast %add3A_725 : i32 to index
      %get3A_739 = tpu.vector_load %arg9[%get3A_737, %get3A_738] {strides = array<i32>} : memref<2x8192xf32, #tpu.memory_space<vmem>>, vector<1x16xf32>,
      %get3A_740 = vector.shape_cast %get3A_739 : vector<1x16xf32> to vector<16xf32>
      %get3A_741 = arith.constant 1 : i32
      %get3A_742 = arith.index_cast %get3A_741 : i32 to index
      %get3A_743 = arith.index_cast %add3A_725 : i32 to index
      %get3A_744 = tpu.vector_load %arg10[%get3A_742, %get3A_743] {strides = array<i32>} : memref<2x8192xf32, #tpu.memory_space<vmem>>, vector<1x16xf32>,
      %get3A_745 = vector.shape_cast %get3A_744 : vector<1x16xf32> to vector<16xf32>
      %abs3A_746 = math.absf %get3A_730 : vector<16xf32>
      %neg3A_747 = arith.constant 0.000000e+00 : f32
      %neg3A_748 = vector.broadcast %neg3A_747 : f32 to vector<16xf32>
      %neg3A_749 = arith.subf %neg3A_748, %abs3A_746 : vector<16xf32>
      %exp3A_750 = math.exp %neg3A_749 : vector<16xf32>
      %add3A_751 = arith.constant 2.000000e+00 : f32
      %add3A_752 = vector.broadcast %add3A_751 : f32 to vector<16xf32>
      %add3A_753 = arith.addf %add3A_752, %exp3A_750 : vector<16xf32>
      %div3A_754 = arith.divf %exp3A_750, %add3A_753 : vector<16xf32>
      %mul3A_755 = arith.mulf %div3A_754, %div3A_754 : vector<16xf32>
      %mul3A_756 = arith.constant 2.000000e+00 : f32
      %mul3A_757 = vector.broadcast %mul3A_756 : f32 to vector<16xf32>
      %mul3A_758 = arith.mulf %mul3A_757, %div3A_754 : vector<16xf32>
      %mul3A_759 = arith.constant 0.142857149 : f32
      %mul3A_760 = vector.broadcast %mul3A_759 : f32 to vector<16xf32>
      %mul3A_761 = arith.mulf %mul3A_755, %mul3A_760 : vector<16xf32>
      %add3A_762 = arith.constant 2.000000e-01 : f32
      %add3A_763 = vector.broadcast %add3A_762 : f32 to vector<16xf32>
      %add3A_764 = arith.addf %add3A_763, %mul3A_761 : vector<16xf32>
      %mul3A_765 = arith.mulf %mul3A_755, %add3A_764 : vector<16xf32>
      %add3A_766 = arith.constant 0.333333343 : f32
      %add3A_767 = vector.broadcast %add3A_766 : f32 to vector<16xf32>
      %add3A_768 = arith.addf %add3A_767, %mul3A_765 : vector<16xf32>
      %mul3A_769 = arith.mulf %mul3A_755, %add3A_768 : vector<16xf32>
      %add3A_770 = arith.constant 1.000000e+00 : f32
      %add3A_771 = vector.broadcast %add3A_770 : f32 to vector<16xf32>
      %add3A_772 = arith.addf %add3A_771, %mul3A_769 : vector<16xf32>
      %mul3A_773 = arith.mulf %mul3A_758, %add3A_772 : vector<16xf32>
      %max3A_774 = arith.constant 0.000000e+00 : f32
      %max3A_775 = vector.broadcast %max3A_774 : f32 to vector<16xf32>
      %max3A_776 = arith.maximumf %get3A_730, %max3A_775 : vector<16xf32>
      %add3A_777 = arith.addf %max3A_776, %mul3A_773 : vector<16xf32>
      %mul3A_778 = arith.mulf %get3A_740, %get3A_730 : vector<16xf32>
      %sub3A_779 = arith.subf %add3A_777, %mul3A_778 : vector<16xf32>
      %gt3A_780 = arith.constant 5.000000e-01 : f32
      %gt3A_781 = vector.broadcast %gt3A_780 : f32 to vector<16xf32>
      %gt3A_782 = arith.cmpf ogt, %get3A_740, %gt3A_781 : vector<16xf32>
      %sub3A_783 = arith.subf %get3A_730, %get3A_735 : vector<16xf32>
      %mul3A_784 = arith.constant 5.000000e+01 : f32
      %mul3A_785 = vector.broadcast %mul3A_784 : f32 to vector<16xf32>
      %mul3A_786 = arith.mulf %mul3A_785, %sub3A_783 : vector<16xf32>
      %sub3A_787 = arith.subf %get3A_740, %get3A_745 : vector<16xf32>
      %mul3A_788 = arith.constant 5.000000e+01 : f32
      %mul3A_789 = vector.broadcast %mul3A_788 : f32 to vector<16xf32>
      %mul3A_790 = arith.mulf %mul3A_789, %sub3A_787 : vector<16xf32>
      %abs3A_791 = math.absf %mul3A_786 : vector<16xf32>
      %neg3A_792 = arith.constant 0.000000e+00 : f32
      %neg3A_793 = vector.broadcast %neg3A_792 : f32 to vector<16xf32>
      %neg3A_794 = arith.subf %neg3A_793, %abs3A_791 : vector<16xf32>
      %exp3A_795 = math.exp %neg3A_794 : vector<16xf32>
      %add3A_796 = arith.constant 2.000000e+00 : f32
      %add3A_797 = vector.broadcast %add3A_796 : f32 to vector<16xf32>
      %add3A_798 = arith.addf %add3A_797, %exp3A_795 : vector<16xf32>
      %div3A_799 = arith.divf %exp3A_795, %add3A_798 : vector<16xf32>
      %mul3A_800 = arith.mulf %div3A_799, %div3A_799 : vector<16xf32>
      %mul3A_801 = arith.constant 2.000000e+00 : f32
      %mul3A_802 = vector.broadcast %mul3A_801 : f32 to vector<16xf32>
      %mul3A_803 = arith.mulf %mul3A_802, %div3A_799 : vector<16xf32>
      %mul3A_804 = arith.constant 0.142857149 : f32
      %mul3A_805 = vector.broadcast %mul3A_804 : f32 to vector<16xf32>
      %mul3A_806 = arith.mulf %mul3A_800, %mul3A_805 : vector<16xf32>
      %add3A_807 = arith.constant 2.000000e-01 : f32
      %add3A_808 = vector.broadcast %add3A_807 : f32 to vector<16xf32>
      %add3A_809 = arith.addf %add3A_808, %mul3A_806 : vector<16xf32>
      %mul3A_810 = arith.mulf %mul3A_800, %add3A_809 : vector<16xf32>
      %add3A_811 = arith.constant 0.333333343 : f32
      %add3A_812 = vector.broadcast %add3A_811 : f32 to vector<16xf32>
      %add3A_813 = arith.addf %add3A_812, %mul3A_810 : vector<16xf32>
      %mul3A_814 = arith.mulf %mul3A_800, %add3A_813 : vector<16xf32>
      %add3A_815 = arith.constant 1.000000e+00 : f32
      %add3A_816 = vector.broadcast %add3A_815 : f32 to vector<16xf32>
      %add3A_817 = arith.addf %add3A_816, %mul3A_814 : vector<16xf32>
      %mul3A_818 = arith.mulf %mul3A_803, %add3A_817 : vector<16xf32>
      %max3A_819 = arith.constant 0.000000e+00 : f32
      %max3A_820 = vector.broadcast %max3A_819 : f32 to vector<16xf32>
      %max3A_821 = arith.maximumf %mul3A_786, %max3A_820 : vector<16xf32>
      %add3A_822 = arith.addf %max3A_821, %mul3A_818 : vector<16xf32>
      %mul3A_823 = arith.mulf %mul3A_790, %mul3A_786 : vector<16xf32>
      %sub3A_824 = arith.subf %add3A_822, %mul3A_823 : vector<16xf32>
      %gt3A_825 = arith.constant 5.000000e-01 : f32
      %gt3A_826 = vector.broadcast %gt3A_825 : f32 to vector<16xf32>
      %gt3A_827 = arith.cmpf ogt, %mul3A_790, %gt3A_826 : vector<16xf32>
      %select_n3A_828 = arith.select %gt3A_782, %broadcast_in_dim3A_371, %broadcast_in_dim3A_373 : vector<16xi1>, vector<16xf32>
      %add3A_829 = arith.addf %add3A_710, %select_n3A_828 : vector<16xf32>
      %select_n3A_830 = arith.select %gt3A_782, %sub3A_779, %broadcast_in_dim3A_373 : vector<16xi1>, vector<16xf32>
      %add3A_831 = arith.addf %add3A_712, %select_n3A_830 : vector<16xf32>
      %add3A_832 = arith.addf %add3A_713, %sub3A_779 : vector<16xf32>
      %select_n3A_833 = arith.select %gt3A_827, %broadcast_in_dim3A_371, %broadcast_in_dim3A_373 : vector<16xi1>, vector<16xf32>
      %add3A_834 = arith.addf %add3A_715, %select_n3A_833 : vector<16xf32>
      %select_n3A_835 = arith.select %gt3A_827, %sub3A_824, %broadcast_in_dim3A_373 : vector<16xi1>, vector<16xf32>
      %add3A_836 = arith.addf %add3A_717, %select_n3A_835 : vector<16xf32>
      %add3A_837 = arith.addf %add3A_718, %sub3A_824 : vector<16xf32>
      %sub3A_838 = arith.subf %get3A_735, %get3A_745 : vector<16xf32>
      %abs3A_839 = math.absf %sub3A_838 : vector<16xf32>
      %add3A_840 = arith.addf %add3A_721, %abs3A_839 : vector<16xf32>
      scf.yield %add3A_829, %add3A_831, %add3A_832, %add3A_834, %add3A_836, %add3A_837, %add3A_840 : vector<16xf32>, vector<16xf32>, vector<16xf32>, vector<16xf32>, vector<16xf32>, vector<16xf32>, vector<16xf32>
    }
    %scan3A_198 = arith.constant 128 : i32
    %dma_wait3A_199 = arith.constant 0 : i32
    %dma_wait3A_200 = arith.constant 0 : i32
    %dma_wait3A_201 = tpu.memref_slice %arg7[%dma_wait3A_199, %dma_wait3A_200] : memref<2x8192xf32, #tpu.memory_space<vmem>> -> memref<1x8192xf32, #tpu.memory_space<vmem>>
    %dma_wait3A_202 = tpu.memref_squeeze %dma_wait3A_201 : memref<1x8192xf32, #tpu.memory_space<vmem>> -> memref<8192xf32, #tpu.memory_space<vmem>>
    %dma_wait3A_203 = tpu.memref_slice %arg2[%add3A_156] : memref<1048576xf32, #tpu.memory_space<hbm>> -> memref<8192xf32, #tpu.memory_space<hbm>>
    %dma_wait3A_204 = arith.constant 0 : i32
    %dma_wait3A_205 = tpu.memref_slice %arg7[%dma_wait3A_199, %dma_wait3A_204] : memref<2x8192xf32, #tpu.memory_space<vmem>> -> memref<1x8192xf32, #tpu.memory_space<vmem>>
    %dma_wait3A_206 = tpu.memref_squeeze %dma_wait3A_205 : memref<1x8192xf32, #tpu.memory_space<vmem>> -> memref<8192xf32, #tpu.memory_space<vmem>>
    %dma_wait3A_207 = tpu.memref_slice %arg2[%add3A_156] : memref<1048576xf32, #tpu.memory_space<hbm>> -> memref<8192xf32, #tpu.memory_space<hbm>>
    tpu.wait_dma2 semaphore(%arg11 : memref<!tpu.dma_semaphore, #tpu.memory_space<semaphore_mem>>) src(%dma_wait3A_207 : memref<8192xf32, #tpu.memory_space<hbm>>) dst(%dma_wait3A_206 : memref<8192xf32, #tpu.memory_space<vmem>>)
    %dma_wait3A_208 = arith.constant 0 : i32
    %dma_wait3A_209 = arith.constant 0 : i32
    %dma_wait3A_210 = tpu.memref_slice %arg8[%dma_wait3A_208, %dma_wait3A_209] : memref<2x8192xf32, #tpu.memory_space<vmem>> -> memref<1x8192xf32, #tpu.memory_space<vmem>>
    %dma_wait3A_211 = tpu.memref_squeeze %dma_wait3A_210 : memref<1x8192xf32, #tpu.memory_space<vmem>> -> memref<8192xf32, #tpu.memory_space<vmem>>
    %dma_wait3A_212 = tpu.memref_slice %arg3[%add3A_156] : memref<1048576xf32, #tpu.memory_space<hbm>> -> memref<8192xf32, #tpu.memory_space<hbm>>
    %dma_wait3A_213 = arith.constant 0 : i32
    %dma_wait3A_214 = tpu.memref_slice %arg8[%dma_wait3A_208, %dma_wait3A_213] : memref<2x8192xf32, #tpu.memory_space<vmem>> -> memref<1x8192xf32, #tpu.memory_space<vmem>>
    %dma_wait3A_215 = tpu.memref_squeeze %dma_wait3A_214 : memref<1x8192xf32, #tpu.memory_space<vmem>> -> memref<8192xf32, #tpu.memory_space<vmem>>
    %dma_wait3A_216 = tpu.memref_slice %arg3[%add3A_156] : memref<1048576xf32, #tpu.memory_space<hbm>> -> memref<8192xf32, #tpu.memory_space<hbm>>
    tpu.wait_dma2 semaphore(%arg11 : memref<!tpu.dma_semaphore, #tpu.memory_space<semaphore_mem>>) src(%dma_wait3A_216 : memref<8192xf32, #tpu.memory_space<hbm>>) dst(%dma_wait3A_215 : memref<8192xf32, #tpu.memory_space<vmem>>)
    %dma_wait3A_217 = arith.constant 0 : i32
    %dma_wait3A_218 = arith.constant 0 : i32
    %dma_wait3A_219 = tpu.memref_slice %arg9[%dma_wait3A_217, %dma_wait3A_218] : memref<2x8192xf32, #tpu.memory_space<vmem>> -> memref<1x8192xf32, #tpu.memory_space<vmem>>
    %dma_wait3A_220 = tpu.memref_squeeze %dma_wait3A_219 : memref<1x8192xf32, #tpu.memory_space<vmem>> -> memref<8192xf32, #tpu.memory_space<vmem>>
    %dma_wait3A_221 = tpu.memref_slice %arg4[%add3A_156] : memref<1048576xf32, #tpu.memory_space<hbm>> -> memref<8192xf32, #tpu.memory_space<hbm>>
    %dma_wait3A_222 = arith.constant 0 : i32
    %dma_wait3A_223 = tpu.memref_slice %arg9[%dma_wait3A_217, %dma_wait3A_222] : memref<2x8192xf32, #tpu.memory_space<vmem>> -> memref<1x8192xf32, #tpu.memory_space<vmem>>
    %dma_wait3A_224 = tpu.memref_squeeze %dma_wait3A_223 : memref<1x8192xf32, #tpu.memory_space<vmem>> -> memref<8192xf32, #tpu.memory_space<vmem>>
    %dma_wait3A_225 = tpu.memref_slice %arg4[%add3A_156] : memref<1048576xf32, #tpu.memory_space<hbm>> -> memref<8192xf32, #tpu.memory_space<hbm>>
    tpu.wait_dma2 semaphore(%arg11 : memref<!tpu.dma_semaphore, #tpu.memory_space<semaphore_mem>>) src(%dma_wait3A_225 : memref<8192xf32, #tpu.memory_space<hbm>>) dst(%dma_wait3A_224 : memref<8192xf32, #tpu.memory_space<vmem>>)
    %dma_wait3A_226 = arith.constant 0 : i32
    %dma_wait3A_227 = arith.constant 0 : i32
    %dma_wait3A_228 = tpu.memref_slice %arg10[%dma_wait3A_226, %dma_wait3A_227] : memref<2x8192xf32, #tpu.memory_space<vmem>> -> memref<1x8192xf32, #tpu.memory_space<vmem>>
    %dma_wait3A_229 = tpu.memref_squeeze %dma_wait3A_228 : memref<1x8192xf32, #tpu.memory_space<vmem>> -> memref<8192xf32, #tpu.memory_space<vmem>>
    %dma_wait3A_230 = tpu.memref_slice %arg5[%add3A_156] : memref<1048576xf32, #tpu.memory_space<hbm>> -> memref<8192xf32, #tpu.memory_space<hbm>>
    %dma_wait3A_231 = arith.constant 0 : i32
    %dma_wait3A_232 = tpu.memref_slice %arg10[%dma_wait3A_226, %dma_wait3A_231] : memref<2x8192xf32, #tpu.memory_space<vmem>> -> memref<1x8192xf32, #tpu.memory_space<vmem>>
    %dma_wait3A_233 = tpu.memref_squeeze %dma_wait3A_232 : memref<1x8192xf32, #tpu.memory_space<vmem>> -> memref<8192xf32, #tpu.memory_space<vmem>>
    %dma_wait3A_234 = tpu.memref_slice %arg5[%add3A_156] : memref<1048576xf32, #tpu.memory_space<hbm>> -> memref<8192xf32, #tpu.memory_space<hbm>>
    tpu.wait_dma2 semaphore(%arg11 : memref<!tpu.dma_semaphore, #tpu.memory_space<semaphore_mem>>) src(%dma_wait3A_234 : memref<8192xf32, #tpu.memory_space<hbm>>) dst(%dma_wait3A_233 : memref<8192xf32, #tpu.memory_space<vmem>>)
    %add3A_235 = arith.constant 24576 : i32
    %add3A_236 = arith.addi %mul3A_2, %add3A_235 : i32
    %dma_start3A_237 = arith.constant 1 : i32
    %dma_start3A_238 = arith.constant 0 : i32
    %dma_start3A_239 = tpu.memref_slice %arg7[%dma_start3A_237, %dma_start3A_238] : memref<2x8192xf32, #tpu.memory_space<vmem>> -> memref<1x8192xf32, #tpu.memory_space<vmem>>
    %dma_start3A_240 = tpu.memref_squeeze %dma_start3A_239 : memref<1x8192xf32, #tpu.memory_space<vmem>> -> memref<8192xf32, #tpu.memory_space<vmem>>
    %dma_start3A_241 = tpu.memref_slice %arg2[%add3A_236] : memref<1048576xf32, #tpu.memory_space<hbm>> -> memref<8192xf32, #tpu.memory_space<hbm>>
    %dma_start3A_242 = arith.constant 0 : i32
    %dma_start3A_243 = tpu.memref_slice %arg7[%dma_start3A_237, %dma_start3A_242] : memref<2x8192xf32, #tpu.memory_space<vmem>> -> memref<1x8192xf32, #tpu.memory_space<vmem>>
    %dma_start3A_244 = tpu.memref_squeeze %dma_start3A_243 : memref<1x8192xf32, #tpu.memory_space<vmem>> -> memref<8192xf32, #tpu.memory_space<vmem>>
    %dma_start3A_245 = tpu.memref_slice %arg2[%add3A_236] : memref<1048576xf32, #tpu.memory_space<hbm>> -> memref<8192xf32, #tpu.memory_space<hbm>>
    tpu.enqueue_dma source(%dma_start3A_245 : memref<8192xf32, #tpu.memory_space<hbm>>) target(%dma_start3A_244 : memref<8192xf32, #tpu.memory_space<vmem>>) target_semaphore(%arg12 : memref<!tpu.dma_semaphore, #tpu.memory_space<semaphore_mem>>)
    %dma_start3A_246 = arith.constant 1 : i32
    %dma_start3A_247 = arith.constant 0 : i32
    %dma_start3A_248 = tpu.memref_slice %arg8[%dma_start3A_246, %dma_start3A_247] : memref<2x8192xf32, #tpu.memory_space<vmem>> -> memref<1x8192xf32, #tpu.memory_space<vmem>>
    %dma_start3A_249 = tpu.memref_squeeze %dma_start3A_248 : memref<1x8192xf32, #tpu.memory_space<vmem>> -> memref<8192xf32, #tpu.memory_space<vmem>>
    %dma_start3A_250 = tpu.memref_slice %arg3[%add3A_236] : memref<1048576xf32, #tpu.memory_space<hbm>> -> memref<8192xf32, #tpu.memory_space<hbm>>
    %dma_start3A_251 = arith.constant 0 : i32
    %dma_start3A_252 = tpu.memref_slice %arg8[%dma_start3A_246, %dma_start3A_251] : memref<2x8192xf32, #tpu.memory_space<vmem>> -> memref<1x8192xf32, #tpu.memory_space<vmem>>
    %dma_start3A_253 = tpu.memref_squeeze %dma_start3A_252 : memref<1x8192xf32, #tpu.memory_space<vmem>> -> memref<8192xf32, #tpu.memory_space<vmem>>
    %dma_start3A_254 = tpu.memref_slice %arg3[%add3A_236] : memref<1048576xf32, #tpu.memory_space<hbm>> -> memref<8192xf32, #tpu.memory_space<hbm>>
    tpu.enqueue_dma source(%dma_start3A_254 : memref<8192xf32, #tpu.memory_space<hbm>>) target(%dma_start3A_253 : memref<8192xf32, #tpu.memory_space<vmem>>) target_semaphore(%arg12 : memref<!tpu.dma_semaphore, #tpu.memory_space<semaphore_mem>>)
    %dma_start3A_255 = arith.constant 1 : i32
    %dma_start3A_256 = arith.constant 0 : i32
    %dma_start3A_257 = tpu.memref_slice %arg9[%dma_start3A_255, %dma_start3A_256] : memref<2x8192xf32, #tpu.memory_space<vmem>> -> memref<1x8192xf32, #tpu.memory_space<vmem>>
    %dma_start3A_258 = tpu.memref_squeeze %dma_start3A_257 : memref<1x8192xf32, #tpu.memory_space<vmem>> -> memref<8192xf32, #tpu.memory_space<vmem>>
    %dma_start3A_259 = tpu.memref_slice %arg4[%add3A_236] : memref<1048576xf32, #tpu.memory_space<hbm>> -> memref<8192xf32, #tpu.memory_space<hbm>>
    %dma_start3A_260 = arith.constant 0 : i32
    %dma_start3A_261 = tpu.memref_slice %arg9[%dma_start3A_255, %dma_start3A_260] : memref<2x8192xf32, #tpu.memory_space<vmem>> -> memref<1x8192xf32, #tpu.memory_space<vmem>>
    %dma_start3A_262 = tpu.memref_squeeze %dma_start3A_261 : memref<1x8192xf32, #tpu.memory_space<vmem>> -> memref<8192xf32, #tpu.memory_space<vmem>>
    %dma_start3A_263 = tpu.memref_slice %arg4[%add3A_236] : memref<1048576xf32, #tpu.memory_space<hbm>> -> memref<8192xf32, #tpu.memory_space<hbm>>
    tpu.enqueue_dma source(%dma_start3A_263 : memref<8192xf32, #tpu.memory_space<hbm>>) target(%dma_start3A_262 : memref<8192xf32, #tpu.memory_space<vmem>>) target_semaphore(%arg12 : memref<!tpu.dma_semaphore, #tpu.memory_space<semaphore_mem>>)
    %dma_start3A_264 = arith.constant 1 : i32
    %dma_start3A_265 = arith.constant 0 : i32
    %dma_start3A_266 = tpu.memref_slice %arg10[%dma_start3A_264, %dma_start3A_265] : memref<2x8192xf32, #tpu.memory_space<vmem>> -> memref<1x8192xf32, #tpu.memory_space<vmem>>
    %dma_start3A_267 = tpu.memref_squeeze %dma_start3A_266 : memref<1x8192xf32, #tpu.memory_space<vmem>> -> memref<8192xf32, #tpu.memory_space<vmem>>
    %dma_start3A_268 = tpu.memref_slice %arg5[%add3A_236] : memref<1048576xf32, #tpu.memory_space<hbm>> -> memref<8192xf32, #tpu.memory_space<hbm>>
    %dma_start3A_269 = arith.constant 0 : i32
    %dma_start3A_270 = tpu.memref_slice %arg10[%dma_start3A_264, %dma_start3A_269] : memref<2x8192xf32, #tpu.memory_space<vmem>> -> memref<1x8192xf32, #tpu.memory_space<vmem>>
    %dma_start3A_271 = tpu.memref_squeeze %dma_start3A_270 : memref<1x8192xf32, #tpu.memory_space<vmem>> -> memref<8192xf32, #tpu.memory_space<vmem>>
    %dma_start3A_272 = tpu.memref_slice %arg5[%add3A_236] : memref<1048576xf32, #tpu.memory_space<hbm>> -> memref<8192xf32, #tpu.memory_space<hbm>>
    tpu.enqueue_dma source(%dma_start3A_272 : memref<8192xf32, #tpu.memory_space<hbm>>) target(%dma_start3A_271 : memref<8192xf32, #tpu.memory_space<vmem>>) target_semaphore(%arg12 : memref<!tpu.dma_semaphore, #tpu.memory_space<semaphore_mem>>)
    %scan3A_273 = arith.constant 0 : i32
    %scan3A_274 = arith.constant 128 : i32
    %scan3A_275 = arith.addi %scan3A_273, %scan3A_274 : i32
    %scan3A_276 = arith.constant 1 : i32
    %scan3A_277:7 = scf.for %scan3A_362 = %scan3A_273 to %scan3A_275 step %scan3A_276 iter_args(%scan3A_363 = %scan3A_197#0, %scan3A_364 = %scan3A_197#1, %scan3A_365 = %scan3A_197#2, %scan3A_366 = %scan3A_197#3, %scan3A_367 = %scan3A_197#4, %scan3A_368 = %scan3A_197#5, %scan3A_369 = %scan3A_197#6) -> (vector<16xf32>, vector<16xf32>, vector<16xf32>, vector<16xf32>, vector<16xf32>, vector<16xf32>, vector<16xf32>)  : i32 {
      %broadcast_in_dim3A_370 = arith.constant 1.000000e+00 : f32
      %broadcast_in_dim3A_371 = vector.broadcast %broadcast_in_dim3A_370 : f32 to vector<16xf32>
      %broadcast_in_dim3A_372 = arith.constant 0.000000e+00 : f32
      %broadcast_in_dim3A_373 = vector.broadcast %broadcast_in_dim3A_372 : f32 to vector<16xf32>
      %mul3A_374 = arith.constant 64 : i32
      %mul3A_375 = arith.muli %scan3A_362, %mul3A_374 : i32
      %add3A_376 = arith.constant 0 : i32
      %add3A_377 = arith.addi %mul3A_375, %add3A_376 : i32
      %get3A = arith.constant 0 : i32
      %get3A_378 = arith.index_cast %get3A : i32 to index
      %get3A_379 = arith.index_cast %add3A_377 : i32 to index
      %get3A_380 = tpu.vector_load %arg7[%get3A_378, %get3A_379] {strides = array<i32>} : memref<2x8192xf32, #tpu.memory_space<vmem>>, vector<1x16xf32>,
      %get3A_381 = vector.shape_cast %get3A_380 : vector<1x16xf32> to vector<16xf32>
      %get3A_382 = arith.constant 0 : i32
      %get3A_383 = arith.index_cast %get3A_382 : i32 to index
      %get3A_384 = arith.index_cast %add3A_377 : i32 to index
      %get3A_385 = tpu.vector_load %arg8[%get3A_383, %get3A_384] {strides = array<i32>} : memref<2x8192xf32, #tpu.memory_space<vmem>>, vector<1x16xf32>,
      %get3A_386 = vector.shape_cast %get3A_385 : vector<1x16xf32> to vector<16xf32>
      %get3A_387 = arith.constant 0 : i32
      %get3A_388 = arith.index_cast %get3A_387 : i32 to index
      %get3A_389 = arith.index_cast %add3A_377 : i32 to index
      %get3A_390 = tpu.vector_load %arg9[%get3A_388, %get3A_389] {strides = array<i32>} : memref<2x8192xf32, #tpu.memory_space<vmem>>, vector<1x16xf32>,
      %get3A_391 = vector.shape_cast %get3A_390 : vector<1x16xf32> to vector<16xf32>
      %get3A_392 = arith.constant 0 : i32
      %get3A_393 = arith.index_cast %get3A_392 : i32 to index
      %get3A_394 = arith.index_cast %add3A_377 : i32 to index
      %get3A_395 = tpu.vector_load %arg10[%get3A_393, %get3A_394] {strides = array<i32>} : memref<2x8192xf32, #tpu.memory_space<vmem>>, vector<1x16xf32>,
      %get3A_396 = vector.shape_cast %get3A_395 : vector<1x16xf32> to vector<16xf32>
      %abs3A = math.absf %get3A_381 : vector<16xf32>
      %neg3A = arith.constant 0.000000e+00 : f32
      %neg3A_397 = vector.broadcast %neg3A : f32 to vector<16xf32>
      %neg3A_398 = arith.subf %neg3A_397, %abs3A : vector<16xf32>
      %exp3A = math.exp %neg3A_398 : vector<16xf32>
      %add3A_399 = arith.constant 2.000000e+00 : f32
      %add3A_400 = vector.broadcast %add3A_399 : f32 to vector<16xf32>
      %add3A_401 = arith.addf %add3A_400, %exp3A : vector<16xf32>
      %div3A = arith.divf %exp3A, %add3A_401 : vector<16xf32>
      %mul3A_402 = arith.mulf %div3A, %div3A : vector<16xf32>
      %mul3A_403 = arith.constant 2.000000e+00 : f32
      %mul3A_404 = vector.broadcast %mul3A_403 : f32 to vector<16xf32>
      %mul3A_405 = arith.mulf %mul3A_404, %div3A : vector<16xf32>
      %mul3A_406 = arith.constant 0.142857149 : f32
      %mul3A_407 = vector.broadcast %mul3A_406 : f32 to vector<16xf32>
      %mul3A_408 = arith.mulf %mul3A_402, %mul3A_407 : vector<16xf32>
      %add3A_409 = arith.constant 2.000000e-01 : f32
      %add3A_410 = vector.broadcast %add3A_409 : f32 to vector<16xf32>
      %add3A_411 = arith.addf %add3A_410, %mul3A_408 : vector<16xf32>
      %mul3A_412 = arith.mulf %mul3A_402, %add3A_411 : vector<16xf32>
      %add3A_413 = arith.constant 0.333333343 : f32
      %add3A_414 = vector.broadcast %add3A_413 : f32 to vector<16xf32>
      %add3A_415 = arith.addf %add3A_414, %mul3A_412 : vector<16xf32>
      %mul3A_416 = arith.mulf %mul3A_402, %add3A_415 : vector<16xf32>
      %add3A_417 = arith.constant 1.000000e+00 : f32
      %add3A_418 = vector.broadcast %add3A_417 : f32 to vector<16xf32>
      %add3A_419 = arith.addf %add3A_418, %mul3A_416 : vector<16xf32>
      %mul3A_420 = arith.mulf %mul3A_405, %add3A_419 : vector<16xf32>
      %max3A = arith.constant 0.000000e+00 : f32
      %max3A_421 = vector.broadcast %max3A : f32 to vector<16xf32>
      %max3A_422 = arith.maximumf %get3A_381, %max3A_421 : vector<16xf32>
      %add3A_423 = arith.addf %max3A_422, %mul3A_420 : vector<16xf32>
      %mul3A_424 = arith.mulf %get3A_391, %get3A_381 : vector<16xf32>
      %sub3A = arith.subf %add3A_423, %mul3A_424 : vector<16xf32>
      %gt3A = arith.constant 5.000000e-01 : f32
      %gt3A_425 = vector.broadcast %gt3A : f32 to vector<16xf32>
      %gt3A_426 = arith.cmpf ogt, %get3A_391, %gt3A_425 : vector<16xf32>
      %sub3A_427 = arith.subf %get3A_381, %get3A_386 : vector<16xf32>
      %mul3A_428 = arith.constant 5.000000e+01 : f32
      %mul3A_429 = vector.broadcast %mul3A_428 : f32 to vector<16xf32>
      %mul3A_430 = arith.mulf %mul3A_429, %sub3A_427 : vector<16xf32>
      %sub3A_431 = arith.subf %get3A_391, %get3A_396 : vector<16xf32>
      %mul3A_432 = arith.constant 5.000000e+01 : f32
      %mul3A_433 = vector.broadcast %mul3A_432 : f32 to vector<16xf32>
      %mul3A_434 = arith.mulf %mul3A_433, %sub3A_431 : vector<16xf32>
      %abs3A_435 = math.absf %mul3A_430 : vector<16xf32>
      %neg3A_436 = arith.constant 0.000000e+00 : f32
      %neg3A_437 = vector.broadcast %neg3A_436 : f32 to vector<16xf32>
      %neg3A_438 = arith.subf %neg3A_437, %abs3A_435 : vector<16xf32>
      %exp3A_439 = math.exp %neg3A_438 : vector<16xf32>
      %add3A_440 = arith.constant 2.000000e+00 : f32
      %add3A_441 = vector.broadcast %add3A_440 : f32 to vector<16xf32>
      %add3A_442 = arith.addf %add3A_441, %exp3A_439 : vector<16xf32>
      %div3A_443 = arith.divf %exp3A_439, %add3A_442 : vector<16xf32>
      %mul3A_444 = arith.mulf %div3A_443, %div3A_443 : vector<16xf32>
      %mul3A_445 = arith.constant 2.000000e+00 : f32
      %mul3A_446 = vector.broadcast %mul3A_445 : f32 to vector<16xf32>
      %mul3A_447 = arith.mulf %mul3A_446, %div3A_443 : vector<16xf32>
      %mul3A_448 = arith.constant 0.142857149 : f32
      %mul3A_449 = vector.broadcast %mul3A_448 : f32 to vector<16xf32>
      %mul3A_450 = arith.mulf %mul3A_444, %mul3A_449 : vector<16xf32>
      %add3A_451 = arith.constant 2.000000e-01 : f32
      %add3A_452 = vector.broadcast %add3A_451 : f32 to vector<16xf32>
      %add3A_453 = arith.addf %add3A_452, %mul3A_450 : vector<16xf32>
      %mul3A_454 = arith.mulf %mul3A_444, %add3A_453 : vector<16xf32>
      %add3A_455 = arith.constant 0.333333343 : f32
      %add3A_456 = vector.broadcast %add3A_455 : f32 to vector<16xf32>
      %add3A_457 = arith.addf %add3A_456, %mul3A_454 : vector<16xf32>
      %mul3A_458 = arith.mulf %mul3A_444, %add3A_457 : vector<16xf32>
      %add3A_459 = arith.constant 1.000000e+00 : f32
      %add3A_460 = vector.broadcast %add3A_459 : f32 to vector<16xf32>
      %add3A_461 = arith.addf %add3A_460, %mul3A_458 : vector<16xf32>
      %mul3A_462 = arith.mulf %mul3A_447, %add3A_461 : vector<16xf32>
      %max3A_463 = arith.constant 0.000000e+00 : f32
      %max3A_464 = vector.broadcast %max3A_463 : f32 to vector<16xf32>
      %max3A_465 = arith.maximumf %mul3A_430, %max3A_464 : vector<16xf32>
      %add3A_466 = arith.addf %max3A_465, %mul3A_462 : vector<16xf32>
      %mul3A_467 = arith.mulf %mul3A_434, %mul3A_430 : vector<16xf32>
      %sub3A_468 = arith.subf %add3A_466, %mul3A_467 : vector<16xf32>
      %gt3A_469 = arith.constant 5.000000e-01 : f32
      %gt3A_470 = vector.broadcast %gt3A_469 : f32 to vector<16xf32>
      %gt3A_471 = arith.cmpf ogt, %mul3A_434, %gt3A_470 : vector<16xf32>
      %select_n3A = arith.select %gt3A_426, %broadcast_in_dim3A_371, %broadcast_in_dim3A_373 : vector<16xi1>, vector<16xf32>
      %add3A_472 = arith.addf %scan3A_363, %select_n3A : vector<16xf32>
      %select_n3A_473 = arith.select %gt3A_426, %sub3A, %broadcast_in_dim3A_373 : vector<16xi1>, vector<16xf32>
      %add3A_474 = arith.addf %scan3A_364, %select_n3A_473 : vector<16xf32>
      %add3A_475 = arith.addf %scan3A_365, %sub3A : vector<16xf32>
      %select_n3A_476 = arith.select %gt3A_471, %broadcast_in_dim3A_371, %broadcast_in_dim3A_373 : vector<16xi1>, vector<16xf32>
      %add3A_477 = arith.addf %scan3A_366, %select_n3A_476 : vector<16xf32>
      %select_n3A_478 = arith.select %gt3A_471, %sub3A_468, %broadcast_in_dim3A_373 : vector<16xi1>, vector<16xf32>
      %add3A_479 = arith.addf %scan3A_367, %select_n3A_478 : vector<16xf32>
      %add3A_480 = arith.addf %scan3A_368, %sub3A_468 : vector<16xf32>
      %sub3A_481 = arith.subf %get3A_386, %get3A_396 : vector<16xf32>
      %abs3A_482 = math.absf %sub3A_481 : vector<16xf32>
      %add3A_483 = arith.addf %scan3A_369, %abs3A_482 : vector<16xf32>
      %mul3A_484 = arith.constant 64 : i32
      %mul3A_485 = arith.muli %scan3A_362, %mul3A_484 : i32
      %add3A_486 = arith.constant 16 : i32
      %add3A_487 = arith.addi %mul3A_485, %add3A_486 : i32
      %get3A_488 = arith.constant 0 : i32
      %get3A_489 = arith.index_cast %get3A_488 : i32 to index
      %get3A_490 = arith.index_cast %add3A_487 : i32 to index
      %get3A_491 = tpu.vector_load %arg7[%get3A_489, %get3A_490] {strides = array<i32>} : memref<2x8192xf32, #tpu.memory_space<vmem>>, vector<1x16xf32>,
      %get3A_492 = vector.shape_cast %get3A_491 : vector<1x16xf32> to vector<16xf32>
      %get3A_493 = arith.constant 0 : i32
      %get3A_494 = arith.index_cast %get3A_493 : i32 to index
      %get3A_495 = arith.index_cast %add3A_487 : i32 to index
      %get3A_496 = tpu.vector_load %arg8[%get3A_494, %get3A_495] {strides = array<i32>} : memref<2x8192xf32, #tpu.memory_space<vmem>>, vector<1x16xf32>,
      %get3A_497 = vector.shape_cast %get3A_496 : vector<1x16xf32> to vector<16xf32>
      %get3A_498 = arith.constant 0 : i32
      %get3A_499 = arith.index_cast %get3A_498 : i32 to index
      %get3A_500 = arith.index_cast %add3A_487 : i32 to index
      %get3A_501 = tpu.vector_load %arg9[%get3A_499, %get3A_500] {strides = array<i32>} : memref<2x8192xf32, #tpu.memory_space<vmem>>, vector<1x16xf32>,
      %get3A_502 = vector.shape_cast %get3A_501 : vector<1x16xf32> to vector<16xf32>
      %get3A_503 = arith.constant 0 : i32
      %get3A_504 = arith.index_cast %get3A_503 : i32 to index
      %get3A_505 = arith.index_cast %add3A_487 : i32 to index
      %get3A_506 = tpu.vector_load %arg10[%get3A_504, %get3A_505] {strides = array<i32>} : memref<2x8192xf32, #tpu.memory_space<vmem>>, vector<1x16xf32>,
      %get3A_507 = vector.shape_cast %get3A_506 : vector<1x16xf32> to vector<16xf32>
      %abs3A_508 = math.absf %get3A_492 : vector<16xf32>
      %neg3A_509 = arith.constant 0.000000e+00 : f32
      %neg3A_510 = vector.broadcast %neg3A_509 : f32 to vector<16xf32>
      %neg3A_511 = arith.subf %neg3A_510, %abs3A_508 : vector<16xf32>
      %exp3A_512 = math.exp %neg3A_511 : vector<16xf32>
      %add3A_513 = arith.constant 2.000000e+00 : f32
      %add3A_514 = vector.broadcast %add3A_513 : f32 to vector<16xf32>
      %add3A_515 = arith.addf %add3A_514, %exp3A_512 : vector<16xf32>
      %div3A_516 = arith.divf %exp3A_512, %add3A_515 : vector<16xf32>
      %mul3A_517 = arith.mulf %div3A_516, %div3A_516 : vector<16xf32>
      %mul3A_518 = arith.constant 2.000000e+00 : f32
      %mul3A_519 = vector.broadcast %mul3A_518 : f32 to vector<16xf32>
      %mul3A_520 = arith.mulf %mul3A_519, %div3A_516 : vector<16xf32>
      %mul3A_521 = arith.constant 0.142857149 : f32
      %mul3A_522 = vector.broadcast %mul3A_521 : f32 to vector<16xf32>
      %mul3A_523 = arith.mulf %mul3A_517, %mul3A_522 : vector<16xf32>
      %add3A_524 = arith.constant 2.000000e-01 : f32
      %add3A_525 = vector.broadcast %add3A_524 : f32 to vector<16xf32>
      %add3A_526 = arith.addf %add3A_525, %mul3A_523 : vector<16xf32>
      %mul3A_527 = arith.mulf %mul3A_517, %add3A_526 : vector<16xf32>
      %add3A_528 = arith.constant 0.333333343 : f32
      %add3A_529 = vector.broadcast %add3A_528 : f32 to vector<16xf32>
      %add3A_530 = arith.addf %add3A_529, %mul3A_527 : vector<16xf32>
      %mul3A_531 = arith.mulf %mul3A_517, %add3A_530 : vector<16xf32>
      %add3A_532 = arith.constant 1.000000e+00 : f32
      %add3A_533 = vector.broadcast %add3A_532 : f32 to vector<16xf32>
      %add3A_534 = arith.addf %add3A_533, %mul3A_531 : vector<16xf32>
      %mul3A_535 = arith.mulf %mul3A_520, %add3A_534 : vector<16xf32>
      %max3A_536 = arith.constant 0.000000e+00 : f32
      %max3A_537 = vector.broadcast %max3A_536 : f32 to vector<16xf32>
      %max3A_538 = arith.maximumf %get3A_492, %max3A_537 : vector<16xf32>
      %add3A_539 = arith.addf %max3A_538, %mul3A_535 : vector<16xf32>
      %mul3A_540 = arith.mulf %get3A_502, %get3A_492 : vector<16xf32>
      %sub3A_541 = arith.subf %add3A_539, %mul3A_540 : vector<16xf32>
      %gt3A_542 = arith.constant 5.000000e-01 : f32
      %gt3A_543 = vector.broadcast %gt3A_542 : f32 to vector<16xf32>
      %gt3A_544 = arith.cmpf ogt, %get3A_502, %gt3A_543 : vector<16xf32>
      %sub3A_545 = arith.subf %get3A_492, %get3A_497 : vector<16xf32>
      %mul3A_546 = arith.constant 5.000000e+01 : f32
      %mul3A_547 = vector.broadcast %mul3A_546 : f32 to vector<16xf32>
      %mul3A_548 = arith.mulf %mul3A_547, %sub3A_545 : vector<16xf32>
      %sub3A_549 = arith.subf %get3A_502, %get3A_507 : vector<16xf32>
      %mul3A_550 = arith.constant 5.000000e+01 : f32
      %mul3A_551 = vector.broadcast %mul3A_550 : f32 to vector<16xf32>
      %mul3A_552 = arith.mulf %mul3A_551, %sub3A_549 : vector<16xf32>
      %abs3A_553 = math.absf %mul3A_548 : vector<16xf32>
      %neg3A_554 = arith.constant 0.000000e+00 : f32
      %neg3A_555 = vector.broadcast %neg3A_554 : f32 to vector<16xf32>
      %neg3A_556 = arith.subf %neg3A_555, %abs3A_553 : vector<16xf32>
      %exp3A_557 = math.exp %neg3A_556 : vector<16xf32>
      %add3A_558 = arith.constant 2.000000e+00 : f32
      %add3A_559 = vector.broadcast %add3A_558 : f32 to vector<16xf32>
      %add3A_560 = arith.addf %add3A_559, %exp3A_557 : vector<16xf32>
      %div3A_561 = arith.divf %exp3A_557, %add3A_560 : vector<16xf32>
      %mul3A_562 = arith.mulf %div3A_561, %div3A_561 : vector<16xf32>
      %mul3A_563 = arith.constant 2.000000e+00 : f32
      %mul3A_564 = vector.broadcast %mul3A_563 : f32 to vector<16xf32>
      %mul3A_565 = arith.mulf %mul3A_564, %div3A_561 : vector<16xf32>
      %mul3A_566 = arith.constant 0.142857149 : f32
      %mul3A_567 = vector.broadcast %mul3A_566 : f32 to vector<16xf32>
      %mul3A_568 = arith.mulf %mul3A_562, %mul3A_567 : vector<16xf32>
      %add3A_569 = arith.constant 2.000000e-01 : f32
      %add3A_570 = vector.broadcast %add3A_569 : f32 to vector<16xf32>
      %add3A_571 = arith.addf %add3A_570, %mul3A_568 : vector<16xf32>
      %mul3A_572 = arith.mulf %mul3A_562, %add3A_571 : vector<16xf32>
      %add3A_573 = arith.constant 0.333333343 : f32
      %add3A_574 = vector.broadcast %add3A_573 : f32 to vector<16xf32>
      %add3A_575 = arith.addf %add3A_574, %mul3A_572 : vector<16xf32>
      %mul3A_576 = arith.mulf %mul3A_562, %add3A_575 : vector<16xf32>
      %add3A_577 = arith.constant 1.000000e+00 : f32
      %add3A_578 = vector.broadcast %add3A_577 : f32 to vector<16xf32>
      %add3A_579 = arith.addf %add3A_578, %mul3A_576 : vector<16xf32>
      %mul3A_580 = arith.mulf %mul3A_565, %add3A_579 : vector<16xf32>
      %max3A_581 = arith.constant 0.000000e+00 : f32
      %max3A_582 = vector.broadcast %max3A_581 : f32 to vector<16xf32>
      %max3A_583 = arith.maximumf %mul3A_548, %max3A_582 : vector<16xf32>
      %add3A_584 = arith.addf %max3A_583, %mul3A_580 : vector<16xf32>
      %mul3A_585 = arith.mulf %mul3A_552, %mul3A_548 : vector<16xf32>
      %sub3A_586 = arith.subf %add3A_584, %mul3A_585 : vector<16xf32>
      %gt3A_587 = arith.constant 5.000000e-01 : f32
      %gt3A_588 = vector.broadcast %gt3A_587 : f32 to vector<16xf32>
      %gt3A_589 = arith.cmpf ogt, %mul3A_552, %gt3A_588 : vector<16xf32>
      %select_n3A_590 = arith.select %gt3A_544, %broadcast_in_dim3A_371, %broadcast_in_dim3A_373 : vector<16xi1>, vector<16xf32>
      %add3A_591 = arith.addf %add3A_472, %select_n3A_590 : vector<16xf32>
      %select_n3A_592 = arith.select %gt3A_544, %sub3A_541, %broadcast_in_dim3A_373 : vector<16xi1>, vector<16xf32>
      %add3A_593 = arith.addf %add3A_474, %select_n3A_592 : vector<16xf32>
      %add3A_594 = arith.addf %add3A_475, %sub3A_541 : vector<16xf32>
      %select_n3A_595 = arith.select %gt3A_589, %broadcast_in_dim3A_371, %broadcast_in_dim3A_373 : vector<16xi1>, vector<16xf32>
      %add3A_596 = arith.addf %add3A_477, %select_n3A_595 : vector<16xf32>
      %select_n3A_597 = arith.select %gt3A_589, %sub3A_586, %broadcast_in_dim3A_373 : vector<16xi1>, vector<16xf32>
      %add3A_598 = arith.addf %add3A_479, %select_n3A_597 : vector<16xf32>
      %add3A_599 = arith.addf %add3A_480, %sub3A_586 : vector<16xf32>
      %sub3A_600 = arith.subf %get3A_497, %get3A_507 : vector<16xf32>
      %abs3A_601 = math.absf %sub3A_600 : vector<16xf32>
      %add3A_602 = arith.addf %add3A_483, %abs3A_601 : vector<16xf32>
      %mul3A_603 = arith.constant 64 : i32
      %mul3A_604 = arith.muli %scan3A_362, %mul3A_603 : i32
      %add3A_605 = arith.constant 32 : i32
      %add3A_606 = arith.addi %mul3A_604, %add3A_605 : i32
      %get3A_607 = arith.constant 0 : i32
      %get3A_608 = arith.index_cast %get3A_607 : i32 to index
      %get3A_609 = arith.index_cast %add3A_606 : i32 to index
      %get3A_610 = tpu.vector_load %arg7[%get3A_608, %get3A_609] {strides = array<i32>} : memref<2x8192xf32, #tpu.memory_space<vmem>>, vector<1x16xf32>,
      %get3A_611 = vector.shape_cast %get3A_610 : vector<1x16xf32> to vector<16xf32>
      %get3A_612 = arith.constant 0 : i32
      %get3A_613 = arith.index_cast %get3A_612 : i32 to index
      %get3A_614 = arith.index_cast %add3A_606 : i32 to index
      %get3A_615 = tpu.vector_load %arg8[%get3A_613, %get3A_614] {strides = array<i32>} : memref<2x8192xf32, #tpu.memory_space<vmem>>, vector<1x16xf32>,
      %get3A_616 = vector.shape_cast %get3A_615 : vector<1x16xf32> to vector<16xf32>
      %get3A_617 = arith.constant 0 : i32
      %get3A_618 = arith.index_cast %get3A_617 : i32 to index
      %get3A_619 = arith.index_cast %add3A_606 : i32 to index
      %get3A_620 = tpu.vector_load %arg9[%get3A_618, %get3A_619] {strides = array<i32>} : memref<2x8192xf32, #tpu.memory_space<vmem>>, vector<1x16xf32>,
      %get3A_621 = vector.shape_cast %get3A_620 : vector<1x16xf32> to vector<16xf32>
      %get3A_622 = arith.constant 0 : i32
      %get3A_623 = arith.index_cast %get3A_622 : i32 to index
      %get3A_624 = arith.index_cast %add3A_606 : i32 to index
      %get3A_625 = tpu.vector_load %arg10[%get3A_623, %get3A_624] {strides = array<i32>} : memref<2x8192xf32, #tpu.memory_space<vmem>>, vector<1x16xf32>,
      %get3A_626 = vector.shape_cast %get3A_625 : vector<1x16xf32> to vector<16xf32>
      %abs3A_627 = math.absf %get3A_611 : vector<16xf32>
      %neg3A_628 = arith.constant 0.000000e+00 : f32
      %neg3A_629 = vector.broadcast %neg3A_628 : f32 to vector<16xf32>
      %neg3A_630 = arith.subf %neg3A_629, %abs3A_627 : vector<16xf32>
      %exp3A_631 = math.exp %neg3A_630 : vector<16xf32>
      %add3A_632 = arith.constant 2.000000e+00 : f32
      %add3A_633 = vector.broadcast %add3A_632 : f32 to vector<16xf32>
      %add3A_634 = arith.addf %add3A_633, %exp3A_631 : vector<16xf32>
      %div3A_635 = arith.divf %exp3A_631, %add3A_634 : vector<16xf32>
      %mul3A_636 = arith.mulf %div3A_635, %div3A_635 : vector<16xf32>
      %mul3A_637 = arith.constant 2.000000e+00 : f32
      %mul3A_638 = vector.broadcast %mul3A_637 : f32 to vector<16xf32>
      %mul3A_639 = arith.mulf %mul3A_638, %div3A_635 : vector<16xf32>
      %mul3A_640 = arith.constant 0.142857149 : f32
      %mul3A_641 = vector.broadcast %mul3A_640 : f32 to vector<16xf32>
      %mul3A_642 = arith.mulf %mul3A_636, %mul3A_641 : vector<16xf32>
      %add3A_643 = arith.constant 2.000000e-01 : f32
      %add3A_644 = vector.broadcast %add3A_643 : f32 to vector<16xf32>
      %add3A_645 = arith.addf %add3A_644, %mul3A_642 : vector<16xf32>
      %mul3A_646 = arith.mulf %mul3A_636, %add3A_645 : vector<16xf32>
      %add3A_647 = arith.constant 0.333333343 : f32
      %add3A_648 = vector.broadcast %add3A_647 : f32 to vector<16xf32>
      %add3A_649 = arith.addf %add3A_648, %mul3A_646 : vector<16xf32>
      %mul3A_650 = arith.mulf %mul3A_636, %add3A_649 : vector<16xf32>
      %add3A_651 = arith.constant 1.000000e+00 : f32
      %add3A_652 = vector.broadcast %add3A_651 : f32 to vector<16xf32>
      %add3A_653 = arith.addf %add3A_652, %mul3A_650 : vector<16xf32>
      %mul3A_654 = arith.mulf %mul3A_639, %add3A_653 : vector<16xf32>
      %max3A_655 = arith.constant 0.000000e+00 : f32
      %max3A_656 = vector.broadcast %max3A_655 : f32 to vector<16xf32>
      %max3A_657 = arith.maximumf %get3A_611, %max3A_656 : vector<16xf32>
      %add3A_658 = arith.addf %max3A_657, %mul3A_654 : vector<16xf32>
      %mul3A_659 = arith.mulf %get3A_621, %get3A_611 : vector<16xf32>
      %sub3A_660 = arith.subf %add3A_658, %mul3A_659 : vector<16xf32>
      %gt3A_661 = arith.constant 5.000000e-01 : f32
      %gt3A_662 = vector.broadcast %gt3A_661 : f32 to vector<16xf32>
      %gt3A_663 = arith.cmpf ogt, %get3A_621, %gt3A_662 : vector<16xf32>
      %sub3A_664 = arith.subf %get3A_611, %get3A_616 : vector<16xf32>
      %mul3A_665 = arith.constant 5.000000e+01 : f32
      %mul3A_666 = vector.broadcast %mul3A_665 : f32 to vector<16xf32>
      %mul3A_667 = arith.mulf %mul3A_666, %sub3A_664 : vector<16xf32>
      %sub3A_668 = arith.subf %get3A_621, %get3A_626 : vector<16xf32>
      %mul3A_669 = arith.constant 5.000000e+01 : f32
      %mul3A_670 = vector.broadcast %mul3A_669 : f32 to vector<16xf32>
      %mul3A_671 = arith.mulf %mul3A_670, %sub3A_668 : vector<16xf32>
      %abs3A_672 = math.absf %mul3A_667 : vector<16xf32>
      %neg3A_673 = arith.constant 0.000000e+00 : f32
      %neg3A_674 = vector.broadcast %neg3A_673 : f32 to vector<16xf32>
      %neg3A_675 = arith.subf %neg3A_674, %abs3A_672 : vector<16xf32>
      %exp3A_676 = math.exp %neg3A_675 : vector<16xf32>
      %add3A_677 = arith.constant 2.000000e+00 : f32
      %add3A_678 = vector.broadcast %add3A_677 : f32 to vector<16xf32>
      %add3A_679 = arith.addf %add3A_678, %exp3A_676 : vector<16xf32>
      %div3A_680 = arith.divf %exp3A_676, %add3A_679 : vector<16xf32>
      %mul3A_681 = arith.mulf %div3A_680, %div3A_680 : vector<16xf32>
      %mul3A_682 = arith.constant 2.000000e+00 : f32
      %mul3A_683 = vector.broadcast %mul3A_682 : f32 to vector<16xf32>
      %mul3A_684 = arith.mulf %mul3A_683, %div3A_680 : vector<16xf32>
      %mul3A_685 = arith.constant 0.142857149 : f32
      %mul3A_686 = vector.broadcast %mul3A_685 : f32 to vector<16xf32>
      %mul3A_687 = arith.mulf %mul3A_681, %mul3A_686 : vector<16xf32>
      %add3A_688 = arith.constant 2.000000e-01 : f32
      %add3A_689 = vector.broadcast %add3A_688 : f32 to vector<16xf32>
      %add3A_690 = arith.addf %add3A_689, %mul3A_687 : vector<16xf32>
      %mul3A_691 = arith.mulf %mul3A_681, %add3A_690 : vector<16xf32>
      %add3A_692 = arith.constant 0.333333343 : f32
      %add3A_693 = vector.broadcast %add3A_692 : f32 to vector<16xf32>
      %add3A_694 = arith.addf %add3A_693, %mul3A_691 : vector<16xf32>
      %mul3A_695 = arith.mulf %mul3A_681, %add3A_694 : vector<16xf32>
      %add3A_696 = arith.constant 1.000000e+00 : f32
      %add3A_697 = vector.broadcast %add3A_696 : f32 to vector<16xf32>
      %add3A_698 = arith.addf %add3A_697, %mul3A_695 : vector<16xf32>
      %mul3A_699 = arith.mulf %mul3A_684, %add3A_698 : vector<16xf32>
      %max3A_700 = arith.constant 0.000000e+00 : f32
      %max3A_701 = vector.broadcast %max3A_700 : f32 to vector<16xf32>
      %max3A_702 = arith.maximumf %mul3A_667, %max3A_701 : vector<16xf32>
      %add3A_703 = arith.addf %max3A_702, %mul3A_699 : vector<16xf32>
      %mul3A_704 = arith.mulf %mul3A_671, %mul3A_667 : vector<16xf32>
      %sub3A_705 = arith.subf %add3A_703, %mul3A_704 : vector<16xf32>
      %gt3A_706 = arith.constant 5.000000e-01 : f32
      %gt3A_707 = vector.broadcast %gt3A_706 : f32 to vector<16xf32>
      %gt3A_708 = arith.cmpf ogt, %mul3A_671, %gt3A_707 : vector<16xf32>
      %select_n3A_709 = arith.select %gt3A_663, %broadcast_in_dim3A_371, %broadcast_in_dim3A_373 : vector<16xi1>, vector<16xf32>
      %add3A_710 = arith.addf %add3A_591, %select_n3A_709 : vector<16xf32>
      %select_n3A_711 = arith.select %gt3A_663, %sub3A_660, %broadcast_in_dim3A_373 : vector<16xi1>, vector<16xf32>
      %add3A_712 = arith.addf %add3A_593, %select_n3A_711 : vector<16xf32>
      %add3A_713 = arith.addf %add3A_594, %sub3A_660 : vector<16xf32>
      %select_n3A_714 = arith.select %gt3A_708, %broadcast_in_dim3A_371, %broadcast_in_dim3A_373 : vector<16xi1>, vector<16xf32>
      %add3A_715 = arith.addf %add3A_596, %select_n3A_714 : vector<16xf32>
      %select_n3A_716 = arith.select %gt3A_708, %sub3A_705, %broadcast_in_dim3A_373 : vector<16xi1>, vector<16xf32>
      %add3A_717 = arith.addf %add3A_598, %select_n3A_716 : vector<16xf32>
      %add3A_718 = arith.addf %add3A_599, %sub3A_705 : vector<16xf32>
      %sub3A_719 = arith.subf %get3A_616, %get3A_626 : vector<16xf32>
      %abs3A_720 = math.absf %sub3A_719 : vector<16xf32>
      %add3A_721 = arith.addf %add3A_602, %abs3A_720 : vector<16xf32>
      %mul3A_722 = arith.constant 64 : i32
      %mul3A_723 = arith.muli %scan3A_362, %mul3A_722 : i32
      %add3A_724 = arith.constant 48 : i32
      %add3A_725 = arith.addi %mul3A_723, %add3A_724 : i32
      %get3A_726 = arith.constant 0 : i32
      %get3A_727 = arith.index_cast %get3A_726 : i32 to index
      %get3A_728 = arith.index_cast %add3A_725 : i32 to index
      %get3A_729 = tpu.vector_load %arg7[%get3A_727, %get3A_728] {strides = array<i32>} : memref<2x8192xf32, #tpu.memory_space<vmem>>, vector<1x16xf32>,
      %get3A_730 = vector.shape_cast %get3A_729 : vector<1x16xf32> to vector<16xf32>
      %get3A_731 = arith.constant 0 : i32
      %get3A_732 = arith.index_cast %get3A_731 : i32 to index
      %get3A_733 = arith.index_cast %add3A_725 : i32 to index
      %get3A_734 = tpu.vector_load %arg8[%get3A_732, %get3A_733] {strides = array<i32>} : memref<2x8192xf32, #tpu.memory_space<vmem>>, vector<1x16xf32>,
      %get3A_735 = vector.shape_cast %get3A_734 : vector<1x16xf32> to vector<16xf32>
      %get3A_736 = arith.constant 0 : i32
      %get3A_737 = arith.index_cast %get3A_736 : i32 to index
      %get3A_738 = arith.index_cast %add3A_725 : i32 to index
      %get3A_739 = tpu.vector_load %arg9[%get3A_737, %get3A_738] {strides = array<i32>} : memref<2x8192xf32, #tpu.memory_space<vmem>>, vector<1x16xf32>,
      %get3A_740 = vector.shape_cast %get3A_739 : vector<1x16xf32> to vector<16xf32>
      %get3A_741 = arith.constant 0 : i32
      %get3A_742 = arith.index_cast %get3A_741 : i32 to index
      %get3A_743 = arith.index_cast %add3A_725 : i32 to index
      %get3A_744 = tpu.vector_load %arg10[%get3A_742, %get3A_743] {strides = array<i32>} : memref<2x8192xf32, #tpu.memory_space<vmem>>, vector<1x16xf32>,
      %get3A_745 = vector.shape_cast %get3A_744 : vector<1x16xf32> to vector<16xf32>
      %abs3A_746 = math.absf %get3A_730 : vector<16xf32>
      %neg3A_747 = arith.constant 0.000000e+00 : f32
      %neg3A_748 = vector.broadcast %neg3A_747 : f32 to vector<16xf32>
      %neg3A_749 = arith.subf %neg3A_748, %abs3A_746 : vector<16xf32>
      %exp3A_750 = math.exp %neg3A_749 : vector<16xf32>
      %add3A_751 = arith.constant 2.000000e+00 : f32
      %add3A_752 = vector.broadcast %add3A_751 : f32 to vector<16xf32>
      %add3A_753 = arith.addf %add3A_752, %exp3A_750 : vector<16xf32>
      %div3A_754 = arith.divf %exp3A_750, %add3A_753 : vector<16xf32>
      %mul3A_755 = arith.mulf %div3A_754, %div3A_754 : vector<16xf32>
      %mul3A_756 = arith.constant 2.000000e+00 : f32
      %mul3A_757 = vector.broadcast %mul3A_756 : f32 to vector<16xf32>
      %mul3A_758 = arith.mulf %mul3A_757, %div3A_754 : vector<16xf32>
      %mul3A_759 = arith.constant 0.142857149 : f32
      %mul3A_760 = vector.broadcast %mul3A_759 : f32 to vector<16xf32>
      %mul3A_761 = arith.mulf %mul3A_755, %mul3A_760 : vector<16xf32>
      %add3A_762 = arith.constant 2.000000e-01 : f32
      %add3A_763 = vector.broadcast %add3A_762 : f32 to vector<16xf32>
      %add3A_764 = arith.addf %add3A_763, %mul3A_761 : vector<16xf32>
      %mul3A_765 = arith.mulf %mul3A_755, %add3A_764 : vector<16xf32>
      %add3A_766 = arith.constant 0.333333343 : f32
      %add3A_767 = vector.broadcast %add3A_766 : f32 to vector<16xf32>
      %add3A_768 = arith.addf %add3A_767, %mul3A_765 : vector<16xf32>
      %mul3A_769 = arith.mulf %mul3A_755, %add3A_768 : vector<16xf32>
      %add3A_770 = arith.constant 1.000000e+00 : f32
      %add3A_771 = vector.broadcast %add3A_770 : f32 to vector<16xf32>
      %add3A_772 = arith.addf %add3A_771, %mul3A_769 : vector<16xf32>
      %mul3A_773 = arith.mulf %mul3A_758, %add3A_772 : vector<16xf32>
      %max3A_774 = arith.constant 0.000000e+00 : f32
      %max3A_775 = vector.broadcast %max3A_774 : f32 to vector<16xf32>
      %max3A_776 = arith.maximumf %get3A_730, %max3A_775 : vector<16xf32>
      %add3A_777 = arith.addf %max3A_776, %mul3A_773 : vector<16xf32>
      %mul3A_778 = arith.mulf %get3A_740, %get3A_730 : vector<16xf32>
      %sub3A_779 = arith.subf %add3A_777, %mul3A_778 : vector<16xf32>
      %gt3A_780 = arith.constant 5.000000e-01 : f32
      %gt3A_781 = vector.broadcast %gt3A_780 : f32 to vector<16xf32>
      %gt3A_782 = arith.cmpf ogt, %get3A_740, %gt3A_781 : vector<16xf32>
      %sub3A_783 = arith.subf %get3A_730, %get3A_735 : vector<16xf32>
      %mul3A_784 = arith.constant 5.000000e+01 : f32
      %mul3A_785 = vector.broadcast %mul3A_784 : f32 to vector<16xf32>
      %mul3A_786 = arith.mulf %mul3A_785, %sub3A_783 : vector<16xf32>
      %sub3A_787 = arith.subf %get3A_740, %get3A_745 : vector<16xf32>
      %mul3A_788 = arith.constant 5.000000e+01 : f32
      %mul3A_789 = vector.broadcast %mul3A_788 : f32 to vector<16xf32>
      %mul3A_790 = arith.mulf %mul3A_789, %sub3A_787 : vector<16xf32>
      %abs3A_791 = math.absf %mul3A_786 : vector<16xf32>
      %neg3A_792 = arith.constant 0.000000e+00 : f32
      %neg3A_793 = vector.broadcast %neg3A_792 : f32 to vector<16xf32>
      %neg3A_794 = arith.subf %neg3A_793, %abs3A_791 : vector<16xf32>
      %exp3A_795 = math.exp %neg3A_794 : vector<16xf32>
      %add3A_796 = arith.constant 2.000000e+00 : f32
      %add3A_797 = vector.broadcast %add3A_796 : f32 to vector<16xf32>
      %add3A_798 = arith.addf %add3A_797, %exp3A_795 : vector<16xf32>
      %div3A_799 = arith.divf %exp3A_795, %add3A_798 : vector<16xf32>
      %mul3A_800 = arith.mulf %div3A_799, %div3A_799 : vector<16xf32>
      %mul3A_801 = arith.constant 2.000000e+00 : f32
      %mul3A_802 = vector.broadcast %mul3A_801 : f32 to vector<16xf32>
      %mul3A_803 = arith.mulf %mul3A_802, %div3A_799 : vector<16xf32>
      %mul3A_804 = arith.constant 0.142857149 : f32
      %mul3A_805 = vector.broadcast %mul3A_804 : f32 to vector<16xf32>
      %mul3A_806 = arith.mulf %mul3A_800, %mul3A_805 : vector<16xf32>
      %add3A_807 = arith.constant 2.000000e-01 : f32
      %add3A_808 = vector.broadcast %add3A_807 : f32 to vector<16xf32>
      %add3A_809 = arith.addf %add3A_808, %mul3A_806 : vector<16xf32>
      %mul3A_810 = arith.mulf %mul3A_800, %add3A_809 : vector<16xf32>
      %add3A_811 = arith.constant 0.333333343 : f32
      %add3A_812 = vector.broadcast %add3A_811 : f32 to vector<16xf32>
      %add3A_813 = arith.addf %add3A_812, %mul3A_810 : vector<16xf32>
      %mul3A_814 = arith.mulf %mul3A_800, %add3A_813 : vector<16xf32>
      %add3A_815 = arith.constant 1.000000e+00 : f32
      %add3A_816 = vector.broadcast %add3A_815 : f32 to vector<16xf32>
      %add3A_817 = arith.addf %add3A_816, %mul3A_814 : vector<16xf32>
      %mul3A_818 = arith.mulf %mul3A_803, %add3A_817 : vector<16xf32>
      %max3A_819 = arith.constant 0.000000e+00 : f32
      %max3A_820 = vector.broadcast %max3A_819 : f32 to vector<16xf32>
      %max3A_821 = arith.maximumf %mul3A_786, %max3A_820 : vector<16xf32>
      %add3A_822 = arith.addf %max3A_821, %mul3A_818 : vector<16xf32>
      %mul3A_823 = arith.mulf %mul3A_790, %mul3A_786 : vector<16xf32>
      %sub3A_824 = arith.subf %add3A_822, %mul3A_823 : vector<16xf32>
      %gt3A_825 = arith.constant 5.000000e-01 : f32
      %gt3A_826 = vector.broadcast %gt3A_825 : f32 to vector<16xf32>
      %gt3A_827 = arith.cmpf ogt, %mul3A_790, %gt3A_826 : vector<16xf32>
      %select_n3A_828 = arith.select %gt3A_782, %broadcast_in_dim3A_371, %broadcast_in_dim3A_373 : vector<16xi1>, vector<16xf32>
      %add3A_829 = arith.addf %add3A_710, %select_n3A_828 : vector<16xf32>
      %select_n3A_830 = arith.select %gt3A_782, %sub3A_779, %broadcast_in_dim3A_373 : vector<16xi1>, vector<16xf32>
      %add3A_831 = arith.addf %add3A_712, %select_n3A_830 : vector<16xf32>
      %add3A_832 = arith.addf %add3A_713, %sub3A_779 : vector<16xf32>
      %select_n3A_833 = arith.select %gt3A_827, %broadcast_in_dim3A_371, %broadcast_in_dim3A_373 : vector<16xi1>, vector<16xf32>
      %add3A_834 = arith.addf %add3A_715, %select_n3A_833 : vector<16xf32>
      %select_n3A_835 = arith.select %gt3A_827, %sub3A_824, %broadcast_in_dim3A_373 : vector<16xi1>, vector<16xf32>
      %add3A_836 = arith.addf %add3A_717, %select_n3A_835 : vector<16xf32>
      %add3A_837 = arith.addf %add3A_718, %sub3A_824 : vector<16xf32>
      %sub3A_838 = arith.subf %get3A_735, %get3A_745 : vector<16xf32>
      %abs3A_839 = math.absf %sub3A_838 : vector<16xf32>
      %add3A_840 = arith.addf %add3A_721, %abs3A_839 : vector<16xf32>
      scf.yield %add3A_829, %add3A_831, %add3A_832, %add3A_834, %add3A_836, %add3A_837, %add3A_840 : vector<16xf32>, vector<16xf32>, vector<16xf32>, vector<16xf32>, vector<16xf32>, vector<16xf32>, vector<16xf32>
    }
    %scan3A_278 = arith.constant 128 : i32
    %dma_wait3A_279 = arith.constant 1 : i32
    %dma_wait3A_280 = arith.constant 0 : i32
    %dma_wait3A_281 = tpu.memref_slice %arg7[%dma_wait3A_279, %dma_wait3A_280] : memref<2x8192xf32, #tpu.memory_space<vmem>> -> memref<1x8192xf32, #tpu.memory_space<vmem>>
    %dma_wait3A_282 = tpu.memref_squeeze %dma_wait3A_281 : memref<1x8192xf32, #tpu.memory_space<vmem>> -> memref<8192xf32, #tpu.memory_space<vmem>>
    %dma_wait3A_283 = tpu.memref_slice %arg2[%add3A_236] : memref<1048576xf32, #tpu.memory_space<hbm>> -> memref<8192xf32, #tpu.memory_space<hbm>>
    %dma_wait3A_284 = arith.constant 0 : i32
    %dma_wait3A_285 = tpu.memref_slice %arg7[%dma_wait3A_279, %dma_wait3A_284] : memref<2x8192xf32, #tpu.memory_space<vmem>> -> memref<1x8192xf32, #tpu.memory_space<vmem>>
    %dma_wait3A_286 = tpu.memref_squeeze %dma_wait3A_285 : memref<1x8192xf32, #tpu.memory_space<vmem>> -> memref<8192xf32, #tpu.memory_space<vmem>>
    %dma_wait3A_287 = tpu.memref_slice %arg2[%add3A_236] : memref<1048576xf32, #tpu.memory_space<hbm>> -> memref<8192xf32, #tpu.memory_space<hbm>>
    tpu.wait_dma2 semaphore(%arg12 : memref<!tpu.dma_semaphore, #tpu.memory_space<semaphore_mem>>) src(%dma_wait3A_287 : memref<8192xf32, #tpu.memory_space<hbm>>) dst(%dma_wait3A_286 : memref<8192xf32, #tpu.memory_space<vmem>>)
    %dma_wait3A_288 = arith.constant 1 : i32
    %dma_wait3A_289 = arith.constant 0 : i32
    %dma_wait3A_290 = tpu.memref_slice %arg8[%dma_wait3A_288, %dma_wait3A_289] : memref<2x8192xf32, #tpu.memory_space<vmem>> -> memref<1x8192xf32, #tpu.memory_space<vmem>>
    %dma_wait3A_291 = tpu.memref_squeeze %dma_wait3A_290 : memref<1x8192xf32, #tpu.memory_space<vmem>> -> memref<8192xf32, #tpu.memory_space<vmem>>
    %dma_wait3A_292 = tpu.memref_slice %arg3[%add3A_236] : memref<1048576xf32, #tpu.memory_space<hbm>> -> memref<8192xf32, #tpu.memory_space<hbm>>
    %dma_wait3A_293 = arith.constant 0 : i32
    %dma_wait3A_294 = tpu.memref_slice %arg8[%dma_wait3A_288, %dma_wait3A_293] : memref<2x8192xf32, #tpu.memory_space<vmem>> -> memref<1x8192xf32, #tpu.memory_space<vmem>>
    %dma_wait3A_295 = tpu.memref_squeeze %dma_wait3A_294 : memref<1x8192xf32, #tpu.memory_space<vmem>> -> memref<8192xf32, #tpu.memory_space<vmem>>
    %dma_wait3A_296 = tpu.memref_slice %arg3[%add3A_236] : memref<1048576xf32, #tpu.memory_space<hbm>> -> memref<8192xf32, #tpu.memory_space<hbm>>
    tpu.wait_dma2 semaphore(%arg12 : memref<!tpu.dma_semaphore, #tpu.memory_space<semaphore_mem>>) src(%dma_wait3A_296 : memref<8192xf32, #tpu.memory_space<hbm>>) dst(%dma_wait3A_295 : memref<8192xf32, #tpu.memory_space<vmem>>)
    %dma_wait3A_297 = arith.constant 1 : i32
    %dma_wait3A_298 = arith.constant 0 : i32
    %dma_wait3A_299 = tpu.memref_slice %arg9[%dma_wait3A_297, %dma_wait3A_298] : memref<2x8192xf32, #tpu.memory_space<vmem>> -> memref<1x8192xf32, #tpu.memory_space<vmem>>
    %dma_wait3A_300 = tpu.memref_squeeze %dma_wait3A_299 : memref<1x8192xf32, #tpu.memory_space<vmem>> -> memref<8192xf32, #tpu.memory_space<vmem>>
    %dma_wait3A_301 = tpu.memref_slice %arg4[%add3A_236] : memref<1048576xf32, #tpu.memory_space<hbm>> -> memref<8192xf32, #tpu.memory_space<hbm>>
    %dma_wait3A_302 = arith.constant 0 : i32
    %dma_wait3A_303 = tpu.memref_slice %arg9[%dma_wait3A_297, %dma_wait3A_302] : memref<2x8192xf32, #tpu.memory_space<vmem>> -> memref<1x8192xf32, #tpu.memory_space<vmem>>
    %dma_wait3A_304 = tpu.memref_squeeze %dma_wait3A_303 : memref<1x8192xf32, #tpu.memory_space<vmem>> -> memref<8192xf32, #tpu.memory_space<vmem>>
    %dma_wait3A_305 = tpu.memref_slice %arg4[%add3A_236] : memref<1048576xf32, #tpu.memory_space<hbm>> -> memref<8192xf32, #tpu.memory_space<hbm>>
    tpu.wait_dma2 semaphore(%arg12 : memref<!tpu.dma_semaphore, #tpu.memory_space<semaphore_mem>>) src(%dma_wait3A_305 : memref<8192xf32, #tpu.memory_space<hbm>>) dst(%dma_wait3A_304 : memref<8192xf32, #tpu.memory_space<vmem>>)
    %dma_wait3A_306 = arith.constant 1 : i32
    %dma_wait3A_307 = arith.constant 0 : i32
    %dma_wait3A_308 = tpu.memref_slice %arg10[%dma_wait3A_306, %dma_wait3A_307] : memref<2x8192xf32, #tpu.memory_space<vmem>> -> memref<1x8192xf32, #tpu.memory_space<vmem>>
    %dma_wait3A_309 = tpu.memref_squeeze %dma_wait3A_308 : memref<1x8192xf32, #tpu.memory_space<vmem>> -> memref<8192xf32, #tpu.memory_space<vmem>>
    %dma_wait3A_310 = tpu.memref_slice %arg5[%add3A_236] : memref<1048576xf32, #tpu.memory_space<hbm>> -> memref<8192xf32, #tpu.memory_space<hbm>>
    %dma_wait3A_311 = arith.constant 0 : i32
    %dma_wait3A_312 = tpu.memref_slice %arg10[%dma_wait3A_306, %dma_wait3A_311] : memref<2x8192xf32, #tpu.memory_space<vmem>> -> memref<1x8192xf32, #tpu.memory_space<vmem>>
    %dma_wait3A_313 = tpu.memref_squeeze %dma_wait3A_312 : memref<1x8192xf32, #tpu.memory_space<vmem>> -> memref<8192xf32, #tpu.memory_space<vmem>>
    %dma_wait3A_314 = tpu.memref_slice %arg5[%add3A_236] : memref<1048576xf32, #tpu.memory_space<hbm>> -> memref<8192xf32, #tpu.memory_space<hbm>>
    tpu.wait_dma2 semaphore(%arg12 : memref<!tpu.dma_semaphore, #tpu.memory_space<semaphore_mem>>) src(%dma_wait3A_314 : memref<8192xf32, #tpu.memory_space<hbm>>) dst(%dma_wait3A_313 : memref<8192xf32, #tpu.memory_space<vmem>>)
    %scan3A_315 = arith.constant 0 : i32
    %scan3A_316 = arith.constant 128 : i32
    %scan3A_317 = arith.addi %scan3A_315, %scan3A_316 : i32
    %scan3A_318 = arith.constant 1 : i32
    %scan3A_319:7 = scf.for %scan3A_362 = %scan3A_315 to %scan3A_317 step %scan3A_318 iter_args(%scan3A_363 = %scan3A_277#0, %scan3A_364 = %scan3A_277#1, %scan3A_365 = %scan3A_277#2, %scan3A_366 = %scan3A_277#3, %scan3A_367 = %scan3A_277#4, %scan3A_368 = %scan3A_277#5, %scan3A_369 = %scan3A_277#6) -> (vector<16xf32>, vector<16xf32>, vector<16xf32>, vector<16xf32>, vector<16xf32>, vector<16xf32>, vector<16xf32>)  : i32 {
      %broadcast_in_dim3A_370 = arith.constant 1.000000e+00 : f32
      %broadcast_in_dim3A_371 = vector.broadcast %broadcast_in_dim3A_370 : f32 to vector<16xf32>
      %broadcast_in_dim3A_372 = arith.constant 0.000000e+00 : f32
      %broadcast_in_dim3A_373 = vector.broadcast %broadcast_in_dim3A_372 : f32 to vector<16xf32>
      %mul3A_374 = arith.constant 64 : i32
      %mul3A_375 = arith.muli %scan3A_362, %mul3A_374 : i32
      %add3A_376 = arith.constant 0 : i32
      %add3A_377 = arith.addi %mul3A_375, %add3A_376 : i32
      %get3A = arith.constant 1 : i32
      %get3A_378 = arith.index_cast %get3A : i32 to index
      %get3A_379 = arith.index_cast %add3A_377 : i32 to index
      %get3A_380 = tpu.vector_load %arg7[%get3A_378, %get3A_379] {strides = array<i32>} : memref<2x8192xf32, #tpu.memory_space<vmem>>, vector<1x16xf32>,
      %get3A_381 = vector.shape_cast %get3A_380 : vector<1x16xf32> to vector<16xf32>
      %get3A_382 = arith.constant 1 : i32
      %get3A_383 = arith.index_cast %get3A_382 : i32 to index
      %get3A_384 = arith.index_cast %add3A_377 : i32 to index
      %get3A_385 = tpu.vector_load %arg8[%get3A_383, %get3A_384] {strides = array<i32>} : memref<2x8192xf32, #tpu.memory_space<vmem>>, vector<1x16xf32>,
      %get3A_386 = vector.shape_cast %get3A_385 : vector<1x16xf32> to vector<16xf32>
      %get3A_387 = arith.constant 1 : i32
      %get3A_388 = arith.index_cast %get3A_387 : i32 to index
      %get3A_389 = arith.index_cast %add3A_377 : i32 to index
      %get3A_390 = tpu.vector_load %arg9[%get3A_388, %get3A_389] {strides = array<i32>} : memref<2x8192xf32, #tpu.memory_space<vmem>>, vector<1x16xf32>,
      %get3A_391 = vector.shape_cast %get3A_390 : vector<1x16xf32> to vector<16xf32>
      %get3A_392 = arith.constant 1 : i32
      %get3A_393 = arith.index_cast %get3A_392 : i32 to index
      %get3A_394 = arith.index_cast %add3A_377 : i32 to index
      %get3A_395 = tpu.vector_load %arg10[%get3A_393, %get3A_394] {strides = array<i32>} : memref<2x8192xf32, #tpu.memory_space<vmem>>, vector<1x16xf32>,
      %get3A_396 = vector.shape_cast %get3A_395 : vector<1x16xf32> to vector<16xf32>
      %abs3A = math.absf %get3A_381 : vector<16xf32>
      %neg3A = arith.constant 0.000000e+00 : f32
      %neg3A_397 = vector.broadcast %neg3A : f32 to vector<16xf32>
      %neg3A_398 = arith.subf %neg3A_397, %abs3A : vector<16xf32>
      %exp3A = math.exp %neg3A_398 : vector<16xf32>
      %add3A_399 = arith.constant 2.000000e+00 : f32
      %add3A_400 = vector.broadcast %add3A_399 : f32 to vector<16xf32>
      %add3A_401 = arith.addf %add3A_400, %exp3A : vector<16xf32>
      %div3A = arith.divf %exp3A, %add3A_401 : vector<16xf32>
      %mul3A_402 = arith.mulf %div3A, %div3A : vector<16xf32>
      %mul3A_403 = arith.constant 2.000000e+00 : f32
      %mul3A_404 = vector.broadcast %mul3A_403 : f32 to vector<16xf32>
      %mul3A_405 = arith.mulf %mul3A_404, %div3A : vector<16xf32>
      %mul3A_406 = arith.constant 0.142857149 : f32
      %mul3A_407 = vector.broadcast %mul3A_406 : f32 to vector<16xf32>
      %mul3A_408 = arith.mulf %mul3A_402, %mul3A_407 : vector<16xf32>
      %add3A_409 = arith.constant 2.000000e-01 : f32
      %add3A_410 = vector.broadcast %add3A_409 : f32 to vector<16xf32>
      %add3A_411 = arith.addf %add3A_410, %mul3A_408 : vector<16xf32>
      %mul3A_412 = arith.mulf %mul3A_402, %add3A_411 : vector<16xf32>
      %add3A_413 = arith.constant 0.333333343 : f32
      %add3A_414 = vector.broadcast %add3A_413 : f32 to vector<16xf32>
      %add3A_415 = arith.addf %add3A_414, %mul3A_412 : vector<16xf32>
      %mul3A_416 = arith.mulf %mul3A_402, %add3A_415 : vector<16xf32>
      %add3A_417 = arith.constant 1.000000e+00 : f32
      %add3A_418 = vector.broadcast %add3A_417 : f32 to vector<16xf32>
      %add3A_419 = arith.addf %add3A_418, %mul3A_416 : vector<16xf32>
      %mul3A_420 = arith.mulf %mul3A_405, %add3A_419 : vector<16xf32>
      %max3A = arith.constant 0.000000e+00 : f32
      %max3A_421 = vector.broadcast %max3A : f32 to vector<16xf32>
      %max3A_422 = arith.maximumf %get3A_381, %max3A_421 : vector<16xf32>
      %add3A_423 = arith.addf %max3A_422, %mul3A_420 : vector<16xf32>
      %mul3A_424 = arith.mulf %get3A_391, %get3A_381 : vector<16xf32>
      %sub3A = arith.subf %add3A_423, %mul3A_424 : vector<16xf32>
      %gt3A = arith.constant 5.000000e-01 : f32
      %gt3A_425 = vector.broadcast %gt3A : f32 to vector<16xf32>
      %gt3A_426 = arith.cmpf ogt, %get3A_391, %gt3A_425 : vector<16xf32>
      %sub3A_427 = arith.subf %get3A_381, %get3A_386 : vector<16xf32>
      %mul3A_428 = arith.constant 5.000000e+01 : f32
      %mul3A_429 = vector.broadcast %mul3A_428 : f32 to vector<16xf32>
      %mul3A_430 = arith.mulf %mul3A_429, %sub3A_427 : vector<16xf32>
      %sub3A_431 = arith.subf %get3A_391, %get3A_396 : vector<16xf32>
      %mul3A_432 = arith.constant 5.000000e+01 : f32
      %mul3A_433 = vector.broadcast %mul3A_432 : f32 to vector<16xf32>
      %mul3A_434 = arith.mulf %mul3A_433, %sub3A_431 : vector<16xf32>
      %abs3A_435 = math.absf %mul3A_430 : vector<16xf32>
      %neg3A_436 = arith.constant 0.000000e+00 : f32
      %neg3A_437 = vector.broadcast %neg3A_436 : f32 to vector<16xf32>
      %neg3A_438 = arith.subf %neg3A_437, %abs3A_435 : vector<16xf32>
      %exp3A_439 = math.exp %neg3A_438 : vector<16xf32>
      %add3A_440 = arith.constant 2.000000e+00 : f32
      %add3A_441 = vector.broadcast %add3A_440 : f32 to vector<16xf32>
      %add3A_442 = arith.addf %add3A_441, %exp3A_439 : vector<16xf32>
      %div3A_443 = arith.divf %exp3A_439, %add3A_442 : vector<16xf32>
      %mul3A_444 = arith.mulf %div3A_443, %div3A_443 : vector<16xf32>
      %mul3A_445 = arith.constant 2.000000e+00 : f32
      %mul3A_446 = vector.broadcast %mul3A_445 : f32 to vector<16xf32>
      %mul3A_447 = arith.mulf %mul3A_446, %div3A_443 : vector<16xf32>
      %mul3A_448 = arith.constant 0.142857149 : f32
      %mul3A_449 = vector.broadcast %mul3A_448 : f32 to vector<16xf32>
      %mul3A_450 = arith.mulf %mul3A_444, %mul3A_449 : vector<16xf32>
      %add3A_451 = arith.constant 2.000000e-01 : f32
      %add3A_452 = vector.broadcast %add3A_451 : f32 to vector<16xf32>
      %add3A_453 = arith.addf %add3A_452, %mul3A_450 : vector<16xf32>
      %mul3A_454 = arith.mulf %mul3A_444, %add3A_453 : vector<16xf32>
      %add3A_455 = arith.constant 0.333333343 : f32
      %add3A_456 = vector.broadcast %add3A_455 : f32 to vector<16xf32>
      %add3A_457 = arith.addf %add3A_456, %mul3A_454 : vector<16xf32>
      %mul3A_458 = arith.mulf %mul3A_444, %add3A_457 : vector<16xf32>
      %add3A_459 = arith.constant 1.000000e+00 : f32
      %add3A_460 = vector.broadcast %add3A_459 : f32 to vector<16xf32>
      %add3A_461 = arith.addf %add3A_460, %mul3A_458 : vector<16xf32>
      %mul3A_462 = arith.mulf %mul3A_447, %add3A_461 : vector<16xf32>
      %max3A_463 = arith.constant 0.000000e+00 : f32
      %max3A_464 = vector.broadcast %max3A_463 : f32 to vector<16xf32>
      %max3A_465 = arith.maximumf %mul3A_430, %max3A_464 : vector<16xf32>
      %add3A_466 = arith.addf %max3A_465, %mul3A_462 : vector<16xf32>
      %mul3A_467 = arith.mulf %mul3A_434, %mul3A_430 : vector<16xf32>
      %sub3A_468 = arith.subf %add3A_466, %mul3A_467 : vector<16xf32>
      %gt3A_469 = arith.constant 5.000000e-01 : f32
      %gt3A_470 = vector.broadcast %gt3A_469 : f32 to vector<16xf32>
      %gt3A_471 = arith.cmpf ogt, %mul3A_434, %gt3A_470 : vector<16xf32>
      %select_n3A = arith.select %gt3A_426, %broadcast_in_dim3A_371, %broadcast_in_dim3A_373 : vector<16xi1>, vector<16xf32>
      %add3A_472 = arith.addf %scan3A_363, %select_n3A : vector<16xf32>
      %select_n3A_473 = arith.select %gt3A_426, %sub3A, %broadcast_in_dim3A_373 : vector<16xi1>, vector<16xf32>
      %add3A_474 = arith.addf %scan3A_364, %select_n3A_473 : vector<16xf32>
      %add3A_475 = arith.addf %scan3A_365, %sub3A : vector<16xf32>
      %select_n3A_476 = arith.select %gt3A_471, %broadcast_in_dim3A_371, %broadcast_in_dim3A_373 : vector<16xi1>, vector<16xf32>
      %add3A_477 = arith.addf %scan3A_366, %select_n3A_476 : vector<16xf32>
      %select_n3A_478 = arith.select %gt3A_471, %sub3A_468, %broadcast_in_dim3A_373 : vector<16xi1>, vector<16xf32>
      %add3A_479 = arith.addf %scan3A_367, %select_n3A_478 : vector<16xf32>
      %add3A_480 = arith.addf %scan3A_368, %sub3A_468 : vector<16xf32>
      %sub3A_481 = arith.subf %get3A_386, %get3A_396 : vector<16xf32>
      %abs3A_482 = math.absf %sub3A_481 : vector<16xf32>
      %add3A_483 = arith.addf %scan3A_369, %abs3A_482 : vector<16xf32>
      %mul3A_484 = arith.constant 64 : i32
      %mul3A_485 = arith.muli %scan3A_362, %mul3A_484 : i32
      %add3A_486 = arith.constant 16 : i32
      %add3A_487 = arith.addi %mul3A_485, %add3A_486 : i32
      %get3A_488 = arith.constant 1 : i32
      %get3A_489 = arith.index_cast %get3A_488 : i32 to index
      %get3A_490 = arith.index_cast %add3A_487 : i32 to index
      %get3A_491 = tpu.vector_load %arg7[%get3A_489, %get3A_490] {strides = array<i32>} : memref<2x8192xf32, #tpu.memory_space<vmem>>, vector<1x16xf32>,
      %get3A_492 = vector.shape_cast %get3A_491 : vector<1x16xf32> to vector<16xf32>
      %get3A_493 = arith.constant 1 : i32
      %get3A_494 = arith.index_cast %get3A_493 : i32 to index
      %get3A_495 = arith.index_cast %add3A_487 : i32 to index
      %get3A_496 = tpu.vector_load %arg8[%get3A_494, %get3A_495] {strides = array<i32>} : memref<2x8192xf32, #tpu.memory_space<vmem>>, vector<1x16xf32>,
      %get3A_497 = vector.shape_cast %get3A_496 : vector<1x16xf32> to vector<16xf32>
      %get3A_498 = arith.constant 1 : i32
      %get3A_499 = arith.index_cast %get3A_498 : i32 to index
      %get3A_500 = arith.index_cast %add3A_487 : i32 to index
      %get3A_501 = tpu.vector_load %arg9[%get3A_499, %get3A_500] {strides = array<i32>} : memref<2x8192xf32, #tpu.memory_space<vmem>>, vector<1x16xf32>,
      %get3A_502 = vector.shape_cast %get3A_501 : vector<1x16xf32> to vector<16xf32>
      %get3A_503 = arith.constant 1 : i32
      %get3A_504 = arith.index_cast %get3A_503 : i32 to index
      %get3A_505 = arith.index_cast %add3A_487 : i32 to index
      %get3A_506 = tpu.vector_load %arg10[%get3A_504, %get3A_505] {strides = array<i32>} : memref<2x8192xf32, #tpu.memory_space<vmem>>, vector<1x16xf32>,
      %get3A_507 = vector.shape_cast %get3A_506 : vector<1x16xf32> to vector<16xf32>
      %abs3A_508 = math.absf %get3A_492 : vector<16xf32>
      %neg3A_509 = arith.constant 0.000000e+00 : f32
      %neg3A_510 = vector.broadcast %neg3A_509 : f32 to vector<16xf32>
      %neg3A_511 = arith.subf %neg3A_510, %abs3A_508 : vector<16xf32>
      %exp3A_512 = math.exp %neg3A_511 : vector<16xf32>
      %add3A_513 = arith.constant 2.000000e+00 : f32
      %add3A_514 = vector.broadcast %add3A_513 : f32 to vector<16xf32>
      %add3A_515 = arith.addf %add3A_514, %exp3A_512 : vector<16xf32>
      %div3A_516 = arith.divf %exp3A_512, %add3A_515 : vector<16xf32>
      %mul3A_517 = arith.mulf %div3A_516, %div3A_516 : vector<16xf32>
      %mul3A_518 = arith.constant 2.000000e+00 : f32
      %mul3A_519 = vector.broadcast %mul3A_518 : f32 to vector<16xf32>
      %mul3A_520 = arith.mulf %mul3A_519, %div3A_516 : vector<16xf32>
      %mul3A_521 = arith.constant 0.142857149 : f32
      %mul3A_522 = vector.broadcast %mul3A_521 : f32 to vector<16xf32>
      %mul3A_523 = arith.mulf %mul3A_517, %mul3A_522 : vector<16xf32>
      %add3A_524 = arith.constant 2.000000e-01 : f32
      %add3A_525 = vector.broadcast %add3A_524 : f32 to vector<16xf32>
      %add3A_526 = arith.addf %add3A_525, %mul3A_523 : vector<16xf32>
      %mul3A_527 = arith.mulf %mul3A_517, %add3A_526 : vector<16xf32>
      %add3A_528 = arith.constant 0.333333343 : f32
      %add3A_529 = vector.broadcast %add3A_528 : f32 to vector<16xf32>
      %add3A_530 = arith.addf %add3A_529, %mul3A_527 : vector<16xf32>
      %mul3A_531 = arith.mulf %mul3A_517, %add3A_530 : vector<16xf32>
      %add3A_532 = arith.constant 1.000000e+00 : f32
      %add3A_533 = vector.broadcast %add3A_532 : f32 to vector<16xf32>
      %add3A_534 = arith.addf %add3A_533, %mul3A_531 : vector<16xf32>
      %mul3A_535 = arith.mulf %mul3A_520, %add3A_534 : vector<16xf32>
      %max3A_536 = arith.constant 0.000000e+00 : f32
      %max3A_537 = vector.broadcast %max3A_536 : f32 to vector<16xf32>
      %max3A_538 = arith.maximumf %get3A_492, %max3A_537 : vector<16xf32>
      %add3A_539 = arith.addf %max3A_538, %mul3A_535 : vector<16xf32>
      %mul3A_540 = arith.mulf %get3A_502, %get3A_492 : vector<16xf32>
      %sub3A_541 = arith.subf %add3A_539, %mul3A_540 : vector<16xf32>
      %gt3A_542 = arith.constant 5.000000e-01 : f32
      %gt3A_543 = vector.broadcast %gt3A_542 : f32 to vector<16xf32>
      %gt3A_544 = arith.cmpf ogt, %get3A_502, %gt3A_543 : vector<16xf32>
      %sub3A_545 = arith.subf %get3A_492, %get3A_497 : vector<16xf32>
      %mul3A_546 = arith.constant 5.000000e+01 : f32
      %mul3A_547 = vector.broadcast %mul3A_546 : f32 to vector<16xf32>
      %mul3A_548 = arith.mulf %mul3A_547, %sub3A_545 : vector<16xf32>
      %sub3A_549 = arith.subf %get3A_502, %get3A_507 : vector<16xf32>
      %mul3A_550 = arith.constant 5.000000e+01 : f32
      %mul3A_551 = vector.broadcast %mul3A_550 : f32 to vector<16xf32>
      %mul3A_552 = arith.mulf %mul3A_551, %sub3A_549 : vector<16xf32>
      %abs3A_553 = math.absf %mul3A_548 : vector<16xf32>
      %neg3A_554 = arith.constant 0.000000e+00 : f32
      %neg3A_555 = vector.broadcast %neg3A_554 : f32 to vector<16xf32>
      %neg3A_556 = arith.subf %neg3A_555, %abs3A_553 : vector<16xf32>
      %exp3A_557 = math.exp %neg3A_556 : vector<16xf32>
      %add3A_558 = arith.constant 2.000000e+00 : f32
      %add3A_559 = vector.broadcast %add3A_558 : f32 to vector<16xf32>
      %add3A_560 = arith.addf %add3A_559, %exp3A_557 : vector<16xf32>
      %div3A_561 = arith.divf %exp3A_557, %add3A_560 : vector<16xf32>
      %mul3A_562 = arith.mulf %div3A_561, %div3A_561 : vector<16xf32>
      %mul3A_563 = arith.constant 2.000000e+00 : f32
      %mul3A_564 = vector.broadcast %mul3A_563 : f32 to vector<16xf32>
      %mul3A_565 = arith.mulf %mul3A_564, %div3A_561 : vector<16xf32>
      %mul3A_566 = arith.constant 0.142857149 : f32
      %mul3A_567 = vector.broadcast %mul3A_566 : f32 to vector<16xf32>
      %mul3A_568 = arith.mulf %mul3A_562, %mul3A_567 : vector<16xf32>
      %add3A_569 = arith.constant 2.000000e-01 : f32
      %add3A_570 = vector.broadcast %add3A_569 : f32 to vector<16xf32>
      %add3A_571 = arith.addf %add3A_570, %mul3A_568 : vector<16xf32>
      %mul3A_572 = arith.mulf %mul3A_562, %add3A_571 : vector<16xf32>
      %add3A_573 = arith.constant 0.333333343 : f32
      %add3A_574 = vector.broadcast %add3A_573 : f32 to vector<16xf32>
      %add3A_575 = arith.addf %add3A_574, %mul3A_572 : vector<16xf32>
      %mul3A_576 = arith.mulf %mul3A_562, %add3A_575 : vector<16xf32>
      %add3A_577 = arith.constant 1.000000e+00 : f32
      %add3A_578 = vector.broadcast %add3A_577 : f32 to vector<16xf32>
      %add3A_579 = arith.addf %add3A_578, %mul3A_576 : vector<16xf32>
      %mul3A_580 = arith.mulf %mul3A_565, %add3A_579 : vector<16xf32>
      %max3A_581 = arith.constant 0.000000e+00 : f32
      %max3A_582 = vector.broadcast %max3A_581 : f32 to vector<16xf32>
      %max3A_583 = arith.maximumf %mul3A_548, %max3A_582 : vector<16xf32>
      %add3A_584 = arith.addf %max3A_583, %mul3A_580 : vector<16xf32>
      %mul3A_585 = arith.mulf %mul3A_552, %mul3A_548 : vector<16xf32>
      %sub3A_586 = arith.subf %add3A_584, %mul3A_585 : vector<16xf32>
      %gt3A_587 = arith.constant 5.000000e-01 : f32
      %gt3A_588 = vector.broadcast %gt3A_587 : f32 to vector<16xf32>
      %gt3A_589 = arith.cmpf ogt, %mul3A_552, %gt3A_588 : vector<16xf32>
      %select_n3A_590 = arith.select %gt3A_544, %broadcast_in_dim3A_371, %broadcast_in_dim3A_373 : vector<16xi1>, vector<16xf32>
      %add3A_591 = arith.addf %add3A_472, %select_n3A_590 : vector<16xf32>
      %select_n3A_592 = arith.select %gt3A_544, %sub3A_541, %broadcast_in_dim3A_373 : vector<16xi1>, vector<16xf32>
      %add3A_593 = arith.addf %add3A_474, %select_n3A_592 : vector<16xf32>
      %add3A_594 = arith.addf %add3A_475, %sub3A_541 : vector<16xf32>
      %select_n3A_595 = arith.select %gt3A_589, %broadcast_in_dim3A_371, %broadcast_in_dim3A_373 : vector<16xi1>, vector<16xf32>
      %add3A_596 = arith.addf %add3A_477, %select_n3A_595 : vector<16xf32>
      %select_n3A_597 = arith.select %gt3A_589, %sub3A_586, %broadcast_in_dim3A_373 : vector<16xi1>, vector<16xf32>
      %add3A_598 = arith.addf %add3A_479, %select_n3A_597 : vector<16xf32>
      %add3A_599 = arith.addf %add3A_480, %sub3A_586 : vector<16xf32>
      %sub3A_600 = arith.subf %get3A_497, %get3A_507 : vector<16xf32>
      %abs3A_601 = math.absf %sub3A_600 : vector<16xf32>
      %add3A_602 = arith.addf %add3A_483, %abs3A_601 : vector<16xf32>
      %mul3A_603 = arith.constant 64 : i32
      %mul3A_604 = arith.muli %scan3A_362, %mul3A_603 : i32
      %add3A_605 = arith.constant 32 : i32
      %add3A_606 = arith.addi %mul3A_604, %add3A_605 : i32
      %get3A_607 = arith.constant 1 : i32
      %get3A_608 = arith.index_cast %get3A_607 : i32 to index
      %get3A_609 = arith.index_cast %add3A_606 : i32 to index
      %get3A_610 = tpu.vector_load %arg7[%get3A_608, %get3A_609] {strides = array<i32>} : memref<2x8192xf32, #tpu.memory_space<vmem>>, vector<1x16xf32>,
      %get3A_611 = vector.shape_cast %get3A_610 : vector<1x16xf32> to vector<16xf32>
      %get3A_612 = arith.constant 1 : i32
      %get3A_613 = arith.index_cast %get3A_612 : i32 to index
      %get3A_614 = arith.index_cast %add3A_606 : i32 to index
      %get3A_615 = tpu.vector_load %arg8[%get3A_613, %get3A_614] {strides = array<i32>} : memref<2x8192xf32, #tpu.memory_space<vmem>>, vector<1x16xf32>,
      %get3A_616 = vector.shape_cast %get3A_615 : vector<1x16xf32> to vector<16xf32>
      %get3A_617 = arith.constant 1 : i32
      %get3A_618 = arith.index_cast %get3A_617 : i32 to index
      %get3A_619 = arith.index_cast %add3A_606 : i32 to index
      %get3A_620 = tpu.vector_load %arg9[%get3A_618, %get3A_619] {strides = array<i32>} : memref<2x8192xf32, #tpu.memory_space<vmem>>, vector<1x16xf32>,
      %get3A_621 = vector.shape_cast %get3A_620 : vector<1x16xf32> to vector<16xf32>
      %get3A_622 = arith.constant 1 : i32
      %get3A_623 = arith.index_cast %get3A_622 : i32 to index
      %get3A_624 = arith.index_cast %add3A_606 : i32 to index
      %get3A_625 = tpu.vector_load %arg10[%get3A_623, %get3A_624] {strides = array<i32>} : memref<2x8192xf32, #tpu.memory_space<vmem>>, vector<1x16xf32>,
      %get3A_626 = vector.shape_cast %get3A_625 : vector<1x16xf32> to vector<16xf32>
      %abs3A_627 = math.absf %get3A_611 : vector<16xf32>
      %neg3A_628 = arith.constant 0.000000e+00 : f32
      %neg3A_629 = vector.broadcast %neg3A_628 : f32 to vector<16xf32>
      %neg3A_630 = arith.subf %neg3A_629, %abs3A_627 : vector<16xf32>
      %exp3A_631 = math.exp %neg3A_630 : vector<16xf32>
      %add3A_632 = arith.constant 2.000000e+00 : f32
      %add3A_633 = vector.broadcast %add3A_632 : f32 to vector<16xf32>
      %add3A_634 = arith.addf %add3A_633, %exp3A_631 : vector<16xf32>
      %div3A_635 = arith.divf %exp3A_631, %add3A_634 : vector<16xf32>
      %mul3A_636 = arith.mulf %div3A_635, %div3A_635 : vector<16xf32>
      %mul3A_637 = arith.constant 2.000000e+00 : f32
      %mul3A_638 = vector.broadcast %mul3A_637 : f32 to vector<16xf32>
      %mul3A_639 = arith.mulf %mul3A_638, %div3A_635 : vector<16xf32>
      %mul3A_640 = arith.constant 0.142857149 : f32
      %mul3A_641 = vector.broadcast %mul3A_640 : f32 to vector<16xf32>
      %mul3A_642 = arith.mulf %mul3A_636, %mul3A_641 : vector<16xf32>
      %add3A_643 = arith.constant 2.000000e-01 : f32
      %add3A_644 = vector.broadcast %add3A_643 : f32 to vector<16xf32>
      %add3A_645 = arith.addf %add3A_644, %mul3A_642 : vector<16xf32>
      %mul3A_646 = arith.mulf %mul3A_636, %add3A_645 : vector<16xf32>
      %add3A_647 = arith.constant 0.333333343 : f32
      %add3A_648 = vector.broadcast %add3A_647 : f32 to vector<16xf32>
      %add3A_649 = arith.addf %add3A_648, %mul3A_646 : vector<16xf32>
      %mul3A_650 = arith.mulf %mul3A_636, %add3A_649 : vector<16xf32>
      %add3A_651 = arith.constant 1.000000e+00 : f32
      %add3A_652 = vector.broadcast %add3A_651 : f32 to vector<16xf32>
      %add3A_653 = arith.addf %add3A_652, %mul3A_650 : vector<16xf32>
      %mul3A_654 = arith.mulf %mul3A_639, %add3A_653 : vector<16xf32>
      %max3A_655 = arith.constant 0.000000e+00 : f32
      %max3A_656 = vector.broadcast %max3A_655 : f32 to vector<16xf32>
      %max3A_657 = arith.maximumf %get3A_611, %max3A_656 : vector<16xf32>
      %add3A_658 = arith.addf %max3A_657, %mul3A_654 : vector<16xf32>
      %mul3A_659 = arith.mulf %get3A_621, %get3A_611 : vector<16xf32>
      %sub3A_660 = arith.subf %add3A_658, %mul3A_659 : vector<16xf32>
      %gt3A_661 = arith.constant 5.000000e-01 : f32
      %gt3A_662 = vector.broadcast %gt3A_661 : f32 to vector<16xf32>
      %gt3A_663 = arith.cmpf ogt, %get3A_621, %gt3A_662 : vector<16xf32>
      %sub3A_664 = arith.subf %get3A_611, %get3A_616 : vector<16xf32>
      %mul3A_665 = arith.constant 5.000000e+01 : f32
      %mul3A_666 = vector.broadcast %mul3A_665 : f32 to vector<16xf32>
      %mul3A_667 = arith.mulf %mul3A_666, %sub3A_664 : vector<16xf32>
      %sub3A_668 = arith.subf %get3A_621, %get3A_626 : vector<16xf32>
      %mul3A_669 = arith.constant 5.000000e+01 : f32
      %mul3A_670 = vector.broadcast %mul3A_669 : f32 to vector<16xf32>
      %mul3A_671 = arith.mulf %mul3A_670, %sub3A_668 : vector<16xf32>
      %abs3A_672 = math.absf %mul3A_667 : vector<16xf32>
      %neg3A_673 = arith.constant 0.000000e+00 : f32
      %neg3A_674 = vector.broadcast %neg3A_673 : f32 to vector<16xf32>
      %neg3A_675 = arith.subf %neg3A_674, %abs3A_672 : vector<16xf32>
      %exp3A_676 = math.exp %neg3A_675 : vector<16xf32>
      %add3A_677 = arith.constant 2.000000e+00 : f32
      %add3A_678 = vector.broadcast %add3A_677 : f32 to vector<16xf32>
      %add3A_679 = arith.addf %add3A_678, %exp3A_676 : vector<16xf32>
      %div3A_680 = arith.divf %exp3A_676, %add3A_679 : vector<16xf32>
      %mul3A_681 = arith.mulf %div3A_680, %div3A_680 : vector<16xf32>
      %mul3A_682 = arith.constant 2.000000e+00 : f32
      %mul3A_683 = vector.broadcast %mul3A_682 : f32 to vector<16xf32>
      %mul3A_684 = arith.mulf %mul3A_683, %div3A_680 : vector<16xf32>
      %mul3A_685 = arith.constant 0.142857149 : f32
      %mul3A_686 = vector.broadcast %mul3A_685 : f32 to vector<16xf32>
      %mul3A_687 = arith.mulf %mul3A_681, %mul3A_686 : vector<16xf32>
      %add3A_688 = arith.constant 2.000000e-01 : f32
      %add3A_689 = vector.broadcast %add3A_688 : f32 to vector<16xf32>
      %add3A_690 = arith.addf %add3A_689, %mul3A_687 : vector<16xf32>
      %mul3A_691 = arith.mulf %mul3A_681, %add3A_690 : vector<16xf32>
      %add3A_692 = arith.constant 0.333333343 : f32
      %add3A_693 = vector.broadcast %add3A_692 : f32 to vector<16xf32>
      %add3A_694 = arith.addf %add3A_693, %mul3A_691 : vector<16xf32>
      %mul3A_695 = arith.mulf %mul3A_681, %add3A_694 : vector<16xf32>
      %add3A_696 = arith.constant 1.000000e+00 : f32
      %add3A_697 = vector.broadcast %add3A_696 : f32 to vector<16xf32>
      %add3A_698 = arith.addf %add3A_697, %mul3A_695 : vector<16xf32>
      %mul3A_699 = arith.mulf %mul3A_684, %add3A_698 : vector<16xf32>
      %max3A_700 = arith.constant 0.000000e+00 : f32
      %max3A_701 = vector.broadcast %max3A_700 : f32 to vector<16xf32>
      %max3A_702 = arith.maximumf %mul3A_667, %max3A_701 : vector<16xf32>
      %add3A_703 = arith.addf %max3A_702, %mul3A_699 : vector<16xf32>
      %mul3A_704 = arith.mulf %mul3A_671, %mul3A_667 : vector<16xf32>
      %sub3A_705 = arith.subf %add3A_703, %mul3A_704 : vector<16xf32>
      %gt3A_706 = arith.constant 5.000000e-01 : f32
      %gt3A_707 = vector.broadcast %gt3A_706 : f32 to vector<16xf32>
      %gt3A_708 = arith.cmpf ogt, %mul3A_671, %gt3A_707 : vector<16xf32>
      %select_n3A_709 = arith.select %gt3A_663, %broadcast_in_dim3A_371, %broadcast_in_dim3A_373 : vector<16xi1>, vector<16xf32>
      %add3A_710 = arith.addf %add3A_591, %select_n3A_709 : vector<16xf32>
      %select_n3A_711 = arith.select %gt3A_663, %sub3A_660, %broadcast_in_dim3A_373 : vector<16xi1>, vector<16xf32>
      %add3A_712 = arith.addf %add3A_593, %select_n3A_711 : vector<16xf32>
      %add3A_713 = arith.addf %add3A_594, %sub3A_660 : vector<16xf32>
      %select_n3A_714 = arith.select %gt3A_708, %broadcast_in_dim3A_371, %broadcast_in_dim3A_373 : vector<16xi1>, vector<16xf32>
      %add3A_715 = arith.addf %add3A_596, %select_n3A_714 : vector<16xf32>
      %select_n3A_716 = arith.select %gt3A_708, %sub3A_705, %broadcast_in_dim3A_373 : vector<16xi1>, vector<16xf32>
      %add3A_717 = arith.addf %add3A_598, %select_n3A_716 : vector<16xf32>
      %add3A_718 = arith.addf %add3A_599, %sub3A_705 : vector<16xf32>
      %sub3A_719 = arith.subf %get3A_616, %get3A_626 : vector<16xf32>
      %abs3A_720 = math.absf %sub3A_719 : vector<16xf32>
      %add3A_721 = arith.addf %add3A_602, %abs3A_720 : vector<16xf32>
      %mul3A_722 = arith.constant 64 : i32
      %mul3A_723 = arith.muli %scan3A_362, %mul3A_722 : i32
      %add3A_724 = arith.constant 48 : i32
      %add3A_725 = arith.addi %mul3A_723, %add3A_724 : i32
      %get3A_726 = arith.constant 1 : i32
      %get3A_727 = arith.index_cast %get3A_726 : i32 to index
      %get3A_728 = arith.index_cast %add3A_725 : i32 to index
      %get3A_729 = tpu.vector_load %arg7[%get3A_727, %get3A_728] {strides = array<i32>} : memref<2x8192xf32, #tpu.memory_space<vmem>>, vector<1x16xf32>,
      %get3A_730 = vector.shape_cast %get3A_729 : vector<1x16xf32> to vector<16xf32>
      %get3A_731 = arith.constant 1 : i32
      %get3A_732 = arith.index_cast %get3A_731 : i32 to index
      %get3A_733 = arith.index_cast %add3A_725 : i32 to index
      %get3A_734 = tpu.vector_load %arg8[%get3A_732, %get3A_733] {strides = array<i32>} : memref<2x8192xf32, #tpu.memory_space<vmem>>, vector<1x16xf32>,
      %get3A_735 = vector.shape_cast %get3A_734 : vector<1x16xf32> to vector<16xf32>
      %get3A_736 = arith.constant 1 : i32
      %get3A_737 = arith.index_cast %get3A_736 : i32 to index
      %get3A_738 = arith.index_cast %add3A_725 : i32 to index
      %get3A_739 = tpu.vector_load %arg9[%get3A_737, %get3A_738] {strides = array<i32>} : memref<2x8192xf32, #tpu.memory_space<vmem>>, vector<1x16xf32>,
      %get3A_740 = vector.shape_cast %get3A_739 : vector<1x16xf32> to vector<16xf32>
      %get3A_741 = arith.constant 1 : i32
      %get3A_742 = arith.index_cast %get3A_741 : i32 to index
      %get3A_743 = arith.index_cast %add3A_725 : i32 to index
      %get3A_744 = tpu.vector_load %arg10[%get3A_742, %get3A_743] {strides = array<i32>} : memref<2x8192xf32, #tpu.memory_space<vmem>>, vector<1x16xf32>,
      %get3A_745 = vector.shape_cast %get3A_744 : vector<1x16xf32> to vector<16xf32>
      %abs3A_746 = math.absf %get3A_730 : vector<16xf32>
      %neg3A_747 = arith.constant 0.000000e+00 : f32
      %neg3A_748 = vector.broadcast %neg3A_747 : f32 to vector<16xf32>
      %neg3A_749 = arith.subf %neg3A_748, %abs3A_746 : vector<16xf32>
      %exp3A_750 = math.exp %neg3A_749 : vector<16xf32>
      %add3A_751 = arith.constant 2.000000e+00 : f32
      %add3A_752 = vector.broadcast %add3A_751 : f32 to vector<16xf32>
      %add3A_753 = arith.addf %add3A_752, %exp3A_750 : vector<16xf32>
      %div3A_754 = arith.divf %exp3A_750, %add3A_753 : vector<16xf32>
      %mul3A_755 = arith.mulf %div3A_754, %div3A_754 : vector<16xf32>
      %mul3A_756 = arith.constant 2.000000e+00 : f32
      %mul3A_757 = vector.broadcast %mul3A_756 : f32 to vector<16xf32>
      %mul3A_758 = arith.mulf %mul3A_757, %div3A_754 : vector<16xf32>
      %mul3A_759 = arith.constant 0.142857149 : f32
      %mul3A_760 = vector.broadcast %mul3A_759 : f32 to vector<16xf32>
      %mul3A_761 = arith.mulf %mul3A_755, %mul3A_760 : vector<16xf32>
      %add3A_762 = arith.constant 2.000000e-01 : f32
      %add3A_763 = vector.broadcast %add3A_762 : f32 to vector<16xf32>
      %add3A_764 = arith.addf %add3A_763, %mul3A_761 : vector<16xf32>
      %mul3A_765 = arith.mulf %mul3A_755, %add3A_764 : vector<16xf32>
      %add3A_766 = arith.constant 0.333333343 : f32
      %add3A_767 = vector.broadcast %add3A_766 : f32 to vector<16xf32>
      %add3A_768 = arith.addf %add3A_767, %mul3A_765 : vector<16xf32>
      %mul3A_769 = arith.mulf %mul3A_755, %add3A_768 : vector<16xf32>
      %add3A_770 = arith.constant 1.000000e+00 : f32
      %add3A_771 = vector.broadcast %add3A_770 : f32 to vector<16xf32>
      %add3A_772 = arith.addf %add3A_771, %mul3A_769 : vector<16xf32>
      %mul3A_773 = arith.mulf %mul3A_758, %add3A_772 : vector<16xf32>
      %max3A_774 = arith.constant 0.000000e+00 : f32
      %max3A_775 = vector.broadcast %max3A_774 : f32 to vector<16xf32>
      %max3A_776 = arith.maximumf %get3A_730, %max3A_775 : vector<16xf32>
      %add3A_777 = arith.addf %max3A_776, %mul3A_773 : vector<16xf32>
      %mul3A_778 = arith.mulf %get3A_740, %get3A_730 : vector<16xf32>
      %sub3A_779 = arith.subf %add3A_777, %mul3A_778 : vector<16xf32>
      %gt3A_780 = arith.constant 5.000000e-01 : f32
      %gt3A_781 = vector.broadcast %gt3A_780 : f32 to vector<16xf32>
      %gt3A_782 = arith.cmpf ogt, %get3A_740, %gt3A_781 : vector<16xf32>
      %sub3A_783 = arith.subf %get3A_730, %get3A_735 : vector<16xf32>
      %mul3A_784 = arith.constant 5.000000e+01 : f32
      %mul3A_785 = vector.broadcast %mul3A_784 : f32 to vector<16xf32>
      %mul3A_786 = arith.mulf %mul3A_785, %sub3A_783 : vector<16xf32>
      %sub3A_787 = arith.subf %get3A_740, %get3A_745 : vector<16xf32>
      %mul3A_788 = arith.constant 5.000000e+01 : f32
      %mul3A_789 = vector.broadcast %mul3A_788 : f32 to vector<16xf32>
      %mul3A_790 = arith.mulf %mul3A_789, %sub3A_787 : vector<16xf32>
      %abs3A_791 = math.absf %mul3A_786 : vector<16xf32>
      %neg3A_792 = arith.constant 0.000000e+00 : f32
      %neg3A_793 = vector.broadcast %neg3A_792 : f32 to vector<16xf32>
      %neg3A_794 = arith.subf %neg3A_793, %abs3A_791 : vector<16xf32>
      %exp3A_795 = math.exp %neg3A_794 : vector<16xf32>
      %add3A_796 = arith.constant 2.000000e+00 : f32
      %add3A_797 = vector.broadcast %add3A_796 : f32 to vector<16xf32>
      %add3A_798 = arith.addf %add3A_797, %exp3A_795 : vector<16xf32>
      %div3A_799 = arith.divf %exp3A_795, %add3A_798 : vector<16xf32>
      %mul3A_800 = arith.mulf %div3A_799, %div3A_799 : vector<16xf32>
      %mul3A_801 = arith.constant 2.000000e+00 : f32
      %mul3A_802 = vector.broadcast %mul3A_801 : f32 to vector<16xf32>
      %mul3A_803 = arith.mulf %mul3A_802, %div3A_799 : vector<16xf32>
      %mul3A_804 = arith.constant 0.142857149 : f32
      %mul3A_805 = vector.broadcast %mul3A_804 : f32 to vector<16xf32>
      %mul3A_806 = arith.mulf %mul3A_800, %mul3A_805 : vector<16xf32>
      %add3A_807 = arith.constant 2.000000e-01 : f32
      %add3A_808 = vector.broadcast %add3A_807 : f32 to vector<16xf32>
      %add3A_809 = arith.addf %add3A_808, %mul3A_806 : vector<16xf32>
      %mul3A_810 = arith.mulf %mul3A_800, %add3A_809 : vector<16xf32>
      %add3A_811 = arith.constant 0.333333343 : f32
      %add3A_812 = vector.broadcast %add3A_811 : f32 to vector<16xf32>
      %add3A_813 = arith.addf %add3A_812, %mul3A_810 : vector<16xf32>
      %mul3A_814 = arith.mulf %mul3A_800, %add3A_813 : vector<16xf32>
      %add3A_815 = arith.constant 1.000000e+00 : f32
      %add3A_816 = vector.broadcast %add3A_815 : f32 to vector<16xf32>
      %add3A_817 = arith.addf %add3A_816, %mul3A_814 : vector<16xf32>
      %mul3A_818 = arith.mulf %mul3A_803, %add3A_817 : vector<16xf32>
      %max3A_819 = arith.constant 0.000000e+00 : f32
      %max3A_820 = vector.broadcast %max3A_819 : f32 to vector<16xf32>
      %max3A_821 = arith.maximumf %mul3A_786, %max3A_820 : vector<16xf32>
      %add3A_822 = arith.addf %max3A_821, %mul3A_818 : vector<16xf32>
      %mul3A_823 = arith.mulf %mul3A_790, %mul3A_786 : vector<16xf32>
      %sub3A_824 = arith.subf %add3A_822, %mul3A_823 : vector<16xf32>
      %gt3A_825 = arith.constant 5.000000e-01 : f32
      %gt3A_826 = vector.broadcast %gt3A_825 : f32 to vector<16xf32>
      %gt3A_827 = arith.cmpf ogt, %mul3A_790, %gt3A_826 : vector<16xf32>
      %select_n3A_828 = arith.select %gt3A_782, %broadcast_in_dim3A_371, %broadcast_in_dim3A_373 : vector<16xi1>, vector<16xf32>
      %add3A_829 = arith.addf %add3A_710, %select_n3A_828 : vector<16xf32>
      %select_n3A_830 = arith.select %gt3A_782, %sub3A_779, %broadcast_in_dim3A_373 : vector<16xi1>, vector<16xf32>
      %add3A_831 = arith.addf %add3A_712, %select_n3A_830 : vector<16xf32>
      %add3A_832 = arith.addf %add3A_713, %sub3A_779 : vector<16xf32>
      %select_n3A_833 = arith.select %gt3A_827, %broadcast_in_dim3A_371, %broadcast_in_dim3A_373 : vector<16xi1>, vector<16xf32>
      %add3A_834 = arith.addf %add3A_715, %select_n3A_833 : vector<16xf32>
      %select_n3A_835 = arith.select %gt3A_827, %sub3A_824, %broadcast_in_dim3A_373 : vector<16xi1>, vector<16xf32>
      %add3A_836 = arith.addf %add3A_717, %select_n3A_835 : vector<16xf32>
      %add3A_837 = arith.addf %add3A_718, %sub3A_824 : vector<16xf32>
      %sub3A_838 = arith.subf %get3A_735, %get3A_745 : vector<16xf32>
      %abs3A_839 = math.absf %sub3A_838 : vector<16xf32>
      %add3A_840 = arith.addf %add3A_721, %abs3A_839 : vector<16xf32>
      scf.yield %add3A_829, %add3A_831, %add3A_832, %add3A_834, %add3A_836, %add3A_837, %add3A_840 : vector<16xf32>, vector<16xf32>, vector<16xf32>, vector<16xf32>, vector<16xf32>, vector<16xf32>, vector<16xf32>
    }
    %scan3A_320 = arith.constant 128 : i32
    %swap3A = arith.constant 0 : i32
    %swap3A_321 = arith.index_cast %swap3A : i32 to index
    %swap3A_322 = arith.constant 0 : index
    %swap3A_323 = tpu.vector_load %arg13[%swap3A_321, %swap3A_322] {strides = array<i32>} : memref<7x16xf32, #tpu.memory_space<vmem>>, vector<1x16xf32>,
    %swap3A_324 = vector.shape_cast %swap3A_323 : vector<1x16xf32> to vector<16xf32>
    %swap3A_325 = vector.shape_cast %scan3A_319#0 : vector<16xf32> to vector<1x16xf32>
    tpu.vector_store %arg13[%swap3A_321, %swap3A_322], %swap3A_325 {strides = array<i32>} : memref<7x16xf32, #tpu.memory_space<vmem>>, vector<1x16xf32>,
    %swap3A_326 = arith.constant 1 : i32
    %swap3A_327 = arith.index_cast %swap3A_326 : i32 to index
    %swap3A_328 = arith.constant 0 : index
    %swap3A_329 = tpu.vector_load %arg13[%swap3A_327, %swap3A_328] {strides = array<i32>} : memref<7x16xf32, #tpu.memory_space<vmem>>, vector<1x16xf32>,
    %swap3A_330 = vector.shape_cast %swap3A_329 : vector<1x16xf32> to vector<16xf32>
    %swap3A_331 = vector.shape_cast %scan3A_319#1 : vector<16xf32> to vector<1x16xf32>
    tpu.vector_store %arg13[%swap3A_327, %swap3A_328], %swap3A_331 {strides = array<i32>} : memref<7x16xf32, #tpu.memory_space<vmem>>, vector<1x16xf32>,
    %swap3A_332 = arith.constant 2 : i32
    %swap3A_333 = arith.index_cast %swap3A_332 : i32 to index
    %swap3A_334 = arith.constant 0 : index
    %swap3A_335 = tpu.vector_load %arg13[%swap3A_333, %swap3A_334] {strides = array<i32>} : memref<7x16xf32, #tpu.memory_space<vmem>>, vector<1x16xf32>,
    %swap3A_336 = vector.shape_cast %swap3A_335 : vector<1x16xf32> to vector<16xf32>
    %swap3A_337 = vector.shape_cast %scan3A_319#2 : vector<16xf32> to vector<1x16xf32>
    tpu.vector_store %arg13[%swap3A_333, %swap3A_334], %swap3A_337 {strides = array<i32>} : memref<7x16xf32, #tpu.memory_space<vmem>>, vector<1x16xf32>,
    %swap3A_338 = arith.constant 3 : i32
    %swap3A_339 = arith.index_cast %swap3A_338 : i32 to index
    %swap3A_340 = arith.constant 0 : index
    %swap3A_341 = tpu.vector_load %arg13[%swap3A_339, %swap3A_340] {strides = array<i32>} : memref<7x16xf32, #tpu.memory_space<vmem>>, vector<1x16xf32>,
    %swap3A_342 = vector.shape_cast %swap3A_341 : vector<1x16xf32> to vector<16xf32>
    %swap3A_343 = vector.shape_cast %scan3A_319#3 : vector<16xf32> to vector<1x16xf32>
    tpu.vector_store %arg13[%swap3A_339, %swap3A_340], %swap3A_343 {strides = array<i32>} : memref<7x16xf32, #tpu.memory_space<vmem>>, vector<1x16xf32>,
    %swap3A_344 = arith.constant 4 : i32
    %swap3A_345 = arith.index_cast %swap3A_344 : i32 to index
    %swap3A_346 = arith.constant 0 : index
    %swap3A_347 = tpu.vector_load %arg13[%swap3A_345, %swap3A_346] {strides = array<i32>} : memref<7x16xf32, #tpu.memory_space<vmem>>, vector<1x16xf32>,
    %swap3A_348 = vector.shape_cast %swap3A_347 : vector<1x16xf32> to vector<16xf32>
    %swap3A_349 = vector.shape_cast %scan3A_319#4 : vector<16xf32> to vector<1x16xf32>
    tpu.vector_store %arg13[%swap3A_345, %swap3A_346], %swap3A_349 {strides = array<i32>} : memref<7x16xf32, #tpu.memory_space<vmem>>, vector<1x16xf32>,
    %swap3A_350 = arith.constant 5 : i32
    %swap3A_351 = arith.index_cast %swap3A_350 : i32 to index
    %swap3A_352 = arith.constant 0 : index
    %swap3A_353 = tpu.vector_load %arg13[%swap3A_351, %swap3A_352] {strides = array<i32>} : memref<7x16xf32, #tpu.memory_space<vmem>>, vector<1x16xf32>,
    %swap3A_354 = vector.shape_cast %swap3A_353 : vector<1x16xf32> to vector<16xf32>
    %swap3A_355 = vector.shape_cast %scan3A_319#5 : vector<16xf32> to vector<1x16xf32>
    tpu.vector_store %arg13[%swap3A_351, %swap3A_352], %swap3A_355 {strides = array<i32>} : memref<7x16xf32, #tpu.memory_space<vmem>>, vector<1x16xf32>,
    %swap3A_356 = arith.constant 6 : i32
    %swap3A_357 = arith.index_cast %swap3A_356 : i32 to index
    %swap3A_358 = arith.constant 0 : index
    %swap3A_359 = tpu.vector_load %arg13[%swap3A_357, %swap3A_358] {strides = array<i32>} : memref<7x16xf32, #tpu.memory_space<vmem>>, vector<1x16xf32>,
    %swap3A_360 = vector.shape_cast %swap3A_359 : vector<1x16xf32> to vector<16xf32>
    %swap3A_361 = vector.shape_cast %scan3A_319#6 : vector<16xf32> to vector<1x16xf32>
    tpu.vector_store %arg13[%swap3A_357, %swap3A_358], %swap3A_361 {strides = array<i32>} : memref<7x16xf32, #tpu.memory_space<vmem>>, vector<1x16xf32>,
    "tpu.region"() ({
      %run_scoped3A = tpu.sem_alloc : memref<!tpu.dma_semaphore, #tpu.memory_space<semaphore_mem>>
      %dma_start3A_362 = arith.constant 0 : i32
      %dma_start3A_363 = arith.constant 0 : i32
      %dma_start3A_364 = tpu.memref_slice %arg6[%add3A, %dma_start3A_362, %dma_start3A_363] : memref<32x7x16xf32, #tpu.memory_space<hbm>> -> memref<1x7x16xf32, #tpu.memory_space<hbm>>
      %dma_start3A_365 = tpu.memref_squeeze %dma_start3A_364 : memref<1x7x16xf32, #tpu.memory_space<hbm>> -> memref<7x16xf32, #tpu.memory_space<hbm>>
      %dma_start3A_366 = arith.constant 0 : i32
      %dma_start3A_367 = arith.constant 0 : i32
      %dma_start3A_368 = tpu.memref_slice %arg6[%add3A, %dma_start3A_366, %dma_start3A_367] : memref<32x7x16xf32, #tpu.memory_space<hbm>> -> memref<1x7x16xf32, #tpu.memory_space<hbm>>
      %dma_start3A_369 = tpu.memref_squeeze %dma_start3A_368 : memref<1x7x16xf32, #tpu.memory_space<hbm>> -> memref<7x16xf32, #tpu.memory_space<hbm>>
      tpu.enqueue_dma source(%arg13 : memref<7x16xf32, #tpu.memory_space<vmem>>) target(%dma_start3A_369 : memref<7x16xf32, #tpu.memory_space<hbm>>) target_semaphore(%run_scoped3A : memref<!tpu.dma_semaphore, #tpu.memory_space<semaphore_mem>>)
      %dma_wait3A_370 = arith.constant 0 : i32
      %dma_wait3A_371 = arith.constant 0 : i32
      %dma_wait3A_372 = tpu.memref_slice %arg6[%add3A, %dma_wait3A_370, %dma_wait3A_371] : memref<32x7x16xf32, #tpu.memory_space<hbm>> -> memref<1x7x16xf32, #tpu.memory_space<hbm>>
      %dma_wait3A_373 = tpu.memref_squeeze %dma_wait3A_372 : memref<1x7x16xf32, #tpu.memory_space<hbm>> -> memref<7x16xf32, #tpu.memory_space<hbm>>
      %dma_wait3A_374 = arith.constant 0 : i32
      %dma_wait3A_375 = arith.constant 0 : i32
      %dma_wait3A_376 = tpu.memref_slice %arg6[%add3A, %dma_wait3A_374, %dma_wait3A_375] : memref<32x7x16xf32, #tpu.memory_space<hbm>> -> memref<1x7x16xf32, #tpu.memory_space<hbm>>
      %dma_wait3A_377 = tpu.memref_squeeze %dma_wait3A_376 : memref<1x7x16xf32, #tpu.memory_space<hbm>> -> memref<7x16xf32, #tpu.memory_space<hbm>>
      tpu.wait_dma2 semaphore(%run_scoped3A : memref<!tpu.dma_semaphore, #tpu.memory_space<semaphore_mem>>) src(%arg13 : memref<7x16xf32, #tpu.memory_space<vmem>>) dst(%dma_wait3A_377 : memref<7x16xf32, #tpu.memory_space<hbm>>)
      tpu.yield
    }) : () -> ()
    return
  }
}

module attributes {stable_mosaic.version = 14 : i64} {
  func.func @_stats_body(%arg0: i32, %arg1: memref<256x512xf32, #tpu.memory_space<vmem>>, %arg2: memref<256x512xf32, #tpu.memory_space<vmem>>, %arg3: memref<256x512xf32, #tpu.memory_space<vmem>>, %arg4: memref<256x512xf32, #tpu.memory_space<vmem>>, %arg5: memref<1x512xf32, #tpu.memory_space<vmem>>, %arg6: memref<1x512xf32, #tpu.memory_space<vmem>>, %arg7: memref<1x512xf32, #tpu.memory_space<vmem>>, %arg8: memref<1x512xf32, #tpu.memory_space<vmem>>, %arg9: memref<1x512xf32, #tpu.memory_space<vmem>>, %arg10: memref<1x512xf32, #tpu.memory_space<vmem>>, %arg11: memref<1x512xf32, #tpu.memory_space<vmem>>) attributes {dimension_semantics = [#tpu.dimension_semantics<arbitrary>], iteration_bounds = array<i64: 24>, scalar_prefetch = 0 : i64, scratch_operands = 0 : i64, tpu.core_type = #tpu.core_type<tc>, window_params = [{transform_indices = @transform_0, window_bounds = array<i64: 256, 512>}, {transform_indices = @transform_1, window_bounds = array<i64: 256, 512>}, {transform_indices = @transform_2, window_bounds = array<i64: 256, 512>}, {transform_indices = @transform_3, window_bounds = array<i64: 256, 512>}, {pipeline_mode = #tpu.pipeline_mode<synchronous>, transform_indices = @transform_4, window_bounds = array<i64: 1, 512>}, {pipeline_mode = #tpu.pipeline_mode<synchronous>, transform_indices = @transform_5, window_bounds = array<i64: 1, 512>}, {pipeline_mode = #tpu.pipeline_mode<synchronous>, transform_indices = @transform_6, window_bounds = array<i64: 1, 512>}, {pipeline_mode = #tpu.pipeline_mode<synchronous>, transform_indices = @transform_7, window_bounds = array<i64: 1, 512>}, {pipeline_mode = #tpu.pipeline_mode<synchronous>, transform_indices = @transform_8, window_bounds = array<i64: 1, 512>}, {pipeline_mode = #tpu.pipeline_mode<synchronous>, transform_indices = @transform_9, window_bounds = array<i64: 1, 512>}, {pipeline_mode = #tpu.pipeline_mode<synchronous>, transform_indices = @transform_10, window_bounds = array<i64: 1, 512>}]} {
    %eq3A = arith.constant 0 : i32
    %eq3A_0 = arith.cmpi eq, %arg0, %eq3A : i32
    %convert_element_type3A = arith.extui %eq3A_0 : i1 to i32
    %cond3A = arith.constant 0 : i32
    %cond3A_1 = arith.cmpi ne, %convert_element_type3A, %cond3A : i32
    scf.if %cond3A_1 {
      %broadcast_in_dim3A_115 = arith.constant 0.000000e+00 : f32
      %broadcast_in_dim3A_116 = vector.broadcast %broadcast_in_dim3A_115 : f32 to vector<1x512xf32>
      %swap3A_117 = arith.constant 0 : index
      %swap3A_118 = arith.constant 0 : index
      %swap3A_119 = vector.load %arg5[%swap3A_117, %swap3A_118] : memref<1x512xf32, #tpu.memory_space<vmem>>, vector<1x512xf32>
      tpu.vector_store %arg5[%swap3A_117, %swap3A_118], %broadcast_in_dim3A_116 {strides = array<i32>} : memref<1x512xf32, #tpu.memory_space<vmem>>, vector<1x512xf32>,
      %broadcast_in_dim3A_120 = arith.constant 0.000000e+00 : f32
      %broadcast_in_dim3A_121 = vector.broadcast %broadcast_in_dim3A_120 : f32 to vector<1x512xf32>
      %swap3A_122 = arith.constant 0 : index
      %swap3A_123 = arith.constant 0 : index
      %swap3A_124 = vector.load %arg6[%swap3A_122, %swap3A_123] : memref<1x512xf32, #tpu.memory_space<vmem>>, vector<1x512xf32>
      tpu.vector_store %arg6[%swap3A_122, %swap3A_123], %broadcast_in_dim3A_121 {strides = array<i32>} : memref<1x512xf32, #tpu.memory_space<vmem>>, vector<1x512xf32>,
      %broadcast_in_dim3A_125 = arith.constant 0.000000e+00 : f32
      %broadcast_in_dim3A_126 = vector.broadcast %broadcast_in_dim3A_125 : f32 to vector<1x512xf32>
      %swap3A_127 = arith.constant 0 : index
      %swap3A_128 = arith.constant 0 : index
      %swap3A_129 = vector.load %arg7[%swap3A_127, %swap3A_128] : memref<1x512xf32, #tpu.memory_space<vmem>>, vector<1x512xf32>
      tpu.vector_store %arg7[%swap3A_127, %swap3A_128], %broadcast_in_dim3A_126 {strides = array<i32>} : memref<1x512xf32, #tpu.memory_space<vmem>>, vector<1x512xf32>,
      %broadcast_in_dim3A_130 = arith.constant 0.000000e+00 : f32
      %broadcast_in_dim3A_131 = vector.broadcast %broadcast_in_dim3A_130 : f32 to vector<1x512xf32>
      %swap3A_132 = arith.constant 0 : index
      %swap3A_133 = arith.constant 0 : index
      %swap3A_134 = vector.load %arg8[%swap3A_132, %swap3A_133] : memref<1x512xf32, #tpu.memory_space<vmem>>, vector<1x512xf32>
      tpu.vector_store %arg8[%swap3A_132, %swap3A_133], %broadcast_in_dim3A_131 {strides = array<i32>} : memref<1x512xf32, #tpu.memory_space<vmem>>, vector<1x512xf32>,
      %broadcast_in_dim3A_135 = arith.constant 0.000000e+00 : f32
      %broadcast_in_dim3A_136 = vector.broadcast %broadcast_in_dim3A_135 : f32 to vector<1x512xf32>
      %swap3A_137 = arith.constant 0 : index
      %swap3A_138 = arith.constant 0 : index
      %swap3A_139 = vector.load %arg9[%swap3A_137, %swap3A_138] : memref<1x512xf32, #tpu.memory_space<vmem>>, vector<1x512xf32>
      tpu.vector_store %arg9[%swap3A_137, %swap3A_138], %broadcast_in_dim3A_136 {strides = array<i32>} : memref<1x512xf32, #tpu.memory_space<vmem>>, vector<1x512xf32>,
      %broadcast_in_dim3A_140 = arith.constant 0.000000e+00 : f32
      %broadcast_in_dim3A_141 = vector.broadcast %broadcast_in_dim3A_140 : f32 to vector<1x512xf32>
      %swap3A_142 = arith.constant 0 : index
      %swap3A_143 = arith.constant 0 : index
      %swap3A_144 = vector.load %arg10[%swap3A_142, %swap3A_143] : memref<1x512xf32, #tpu.memory_space<vmem>>, vector<1x512xf32>
      tpu.vector_store %arg10[%swap3A_142, %swap3A_143], %broadcast_in_dim3A_141 {strides = array<i32>} : memref<1x512xf32, #tpu.memory_space<vmem>>, vector<1x512xf32>,
      %broadcast_in_dim3A_145 = arith.constant 0.000000e+00 : f32
      %broadcast_in_dim3A_146 = vector.broadcast %broadcast_in_dim3A_145 : f32 to vector<1x512xf32>
      %swap3A_147 = arith.constant 0 : index
      %swap3A_148 = arith.constant 0 : index
      %swap3A_149 = vector.load %arg11[%swap3A_147, %swap3A_148] : memref<1x512xf32, #tpu.memory_space<vmem>>, vector<1x512xf32>
      tpu.vector_store %arg11[%swap3A_147, %swap3A_148], %broadcast_in_dim3A_146 {strides = array<i32>} : memref<1x512xf32, #tpu.memory_space<vmem>>, vector<1x512xf32>,
    } else {
    }
    %get3A = arith.constant 0 : index
    %get3A_2 = arith.constant 0 : index
    %get3A_3 = vector.load %arg1[%get3A, %get3A_2] : memref<256x512xf32, #tpu.memory_space<vmem>>, vector<256x512xf32>
    %get3A_4 = arith.constant 0 : index
    %get3A_5 = arith.constant 0 : index
    %get3A_6 = vector.load %arg2[%get3A_4, %get3A_5] : memref<256x512xf32, #tpu.memory_space<vmem>>, vector<256x512xf32>
    %get3A_7 = arith.constant 0 : index
    %get3A_8 = arith.constant 0 : index
    %get3A_9 = vector.load %arg3[%get3A_7, %get3A_8] : memref<256x512xf32, #tpu.memory_space<vmem>>, vector<256x512xf32>
    %get3A_10 = arith.constant 0 : index
    %get3A_11 = arith.constant 0 : index
    %get3A_12 = vector.load %arg4[%get3A_10, %get3A_11] : memref<256x512xf32, #tpu.memory_space<vmem>>, vector<256x512xf32>
    %max3A = arith.constant 0.000000e+00 : f32
    %max3A_13 = vector.broadcast %max3A : f32 to vector<256x512xf32>
    %max3A_14 = arith.maximumf %get3A_3, %max3A_13 : vector<256x512xf32>
    %abs3A = math.absf %get3A_3 : vector<256x512xf32>
    %neg3A = arith.constant 0.000000e+00 : f32
    %neg3A_15 = vector.broadcast %neg3A : f32 to vector<256x512xf32>
    %neg3A_16 = arith.subf %neg3A_15, %abs3A : vector<256x512xf32>
    %exp3A = math.exp %neg3A_16 : vector<256x512xf32>
    %log1p3A = math.log1p %exp3A : vector<256x512xf32>
    %add3A = arith.addf %max3A_14, %log1p3A : vector<256x512xf32>
    %mul3A = arith.mulf %get3A_9, %get3A_3 : vector<256x512xf32>
    %sub3A = arith.subf %add3A, %mul3A : vector<256x512xf32>
    %gt3A = arith.constant 5.000000e-01 : f32
    %gt3A_17 = vector.broadcast %gt3A : f32 to vector<256x512xf32>
    %gt3A_18 = arith.cmpf ogt, %get3A_9, %gt3A_17 : vector<256x512xf32>
    %sub3A_19 = arith.subf %get3A_3, %get3A_6 : vector<256x512xf32>
    %mul3A_20 = arith.constant 5.000000e+01 : f32
    %mul3A_21 = vector.broadcast %mul3A_20 : f32 to vector<256x512xf32>
    %mul3A_22 = arith.mulf %mul3A_21, %sub3A_19 : vector<256x512xf32>
    %sub3A_23 = arith.subf %get3A_9, %get3A_12 : vector<256x512xf32>
    %mul3A_24 = arith.constant 5.000000e+01 : f32
    %mul3A_25 = vector.broadcast %mul3A_24 : f32 to vector<256x512xf32>
    %mul3A_26 = arith.mulf %mul3A_25, %sub3A_23 : vector<256x512xf32>
    %max3A_27 = arith.constant 0.000000e+00 : f32
    %max3A_28 = vector.broadcast %max3A_27 : f32 to vector<256x512xf32>
    %max3A_29 = arith.maximumf %mul3A_22, %max3A_28 : vector<256x512xf32>
    %abs3A_30 = math.absf %mul3A_22 : vector<256x512xf32>
    %neg3A_31 = arith.constant 0.000000e+00 : f32
    %neg3A_32 = vector.broadcast %neg3A_31 : f32 to vector<256x512xf32>
    %neg3A_33 = arith.subf %neg3A_32, %abs3A_30 : vector<256x512xf32>
    %exp3A_34 = math.exp %neg3A_33 : vector<256x512xf32>
    %log1p3A_35 = math.log1p %exp3A_34 : vector<256x512xf32>
    %add3A_36 = arith.addf %max3A_29, %log1p3A_35 : vector<256x512xf32>
    %mul3A_37 = arith.mulf %mul3A_26, %mul3A_22 : vector<256x512xf32>
    %sub3A_38 = arith.subf %add3A_36, %mul3A_37 : vector<256x512xf32>
    %gt3A_39 = arith.constant 5.000000e-01 : f32
    %gt3A_40 = vector.broadcast %gt3A_39 : f32 to vector<256x512xf32>
    %gt3A_41 = arith.cmpf ogt, %mul3A_26, %gt3A_40 : vector<256x512xf32>
    %broadcast_in_dim3A = arith.constant 0.000000e+00 : f32
    %broadcast_in_dim3A_42 = vector.broadcast %broadcast_in_dim3A : f32 to vector<256x512xf32>
    %broadcast_in_dim3A_43 = arith.constant 1.000000e+00 : f32
    %broadcast_in_dim3A_44 = vector.broadcast %broadcast_in_dim3A_43 : f32 to vector<1x256xf32>
    %get3A_45 = arith.constant 0 : index
    %get3A_46 = arith.constant 0 : index
    %get3A_47 = vector.load %arg5[%get3A_45, %get3A_46] : memref<1x512xf32, #tpu.memory_space<vmem>>, vector<1x512xf32>
    %broadcast_in_dim3A_48 = arith.constant 1.000000e+00 : f32
    %broadcast_in_dim3A_49 = vector.broadcast %broadcast_in_dim3A_48 : f32 to vector<256x512xf32>
    %select_n3A = arith.select %gt3A_18, %broadcast_in_dim3A_49, %broadcast_in_dim3A_42 : vector<256x512xi1>, vector<256x512xf32>
    %dot_general3A = arith.constant dense<0.000000e+00> : vector<1x512xf32>
    %dot_general3A_50 = tpu.matmul %broadcast_in_dim3A_44, %select_n3A, %dot_general3A {dimension_numbers = #tpu.dot_dimension_numbers<[1], [0], [0], [1], [0, 0, 1, 1], [], []>, transpose_lhs_hint = false} : vector<1x256xf32>, vector<256x512xf32>, vector<1x512xf32> -> vector<1x512xf32>
    %add3A_51 = arith.addf %get3A_47, %dot_general3A_50 : vector<1x512xf32>
    %swap3A = arith.constant 0 : index
    %swap3A_52 = arith.constant 0 : index
    %swap3A_53 = vector.load %arg5[%swap3A, %swap3A_52] : memref<1x512xf32, #tpu.memory_space<vmem>>, vector<1x512xf32>
    tpu.vector_store %arg5[%swap3A, %swap3A_52], %add3A_51 {strides = array<i32>} : memref<1x512xf32, #tpu.memory_space<vmem>>, vector<1x512xf32>,
    %get3A_54 = arith.constant 0 : index
    %get3A_55 = arith.constant 0 : index
    %get3A_56 = vector.load %arg6[%get3A_54, %get3A_55] : memref<1x512xf32, #tpu.memory_space<vmem>>, vector<1x512xf32>
    %select_n3A_57 = arith.select %gt3A_18, %sub3A, %broadcast_in_dim3A_42 : vector<256x512xi1>, vector<256x512xf32>
    %dot_general3A_58 = arith.constant dense<0.000000e+00> : vector<1x512xf32>
    %dot_general3A_59 = tpu.matmul %broadcast_in_dim3A_44, %select_n3A_57, %dot_general3A_58 {dimension_numbers = #tpu.dot_dimension_numbers<[1], [0], [0], [1], [0, 0, 1, 1], [], []>, transpose_lhs_hint = false} : vector<1x256xf32>, vector<256x512xf32>, vector<1x512xf32> -> vector<1x512xf32>
    %add3A_60 = arith.addf %get3A_56, %dot_general3A_59 : vector<1x512xf32>
    %swap3A_61 = arith.constant 0 : index
    %swap3A_62 = arith.constant 0 : index
    %swap3A_63 = vector.load %arg6[%swap3A_61, %swap3A_62] : memref<1x512xf32, #tpu.memory_space<vmem>>, vector<1x512xf32>
    tpu.vector_store %arg6[%swap3A_61, %swap3A_62], %add3A_60 {strides = array<i32>} : memref<1x512xf32, #tpu.memory_space<vmem>>, vector<1x512xf32>,
    %get3A_64 = arith.constant 0 : index
    %get3A_65 = arith.constant 0 : index
    %get3A_66 = vector.load %arg7[%get3A_64, %get3A_65] : memref<1x512xf32, #tpu.memory_space<vmem>>, vector<1x512xf32>
    %dot_general3A_67 = arith.constant dense<0.000000e+00> : vector<1x512xf32>
    %dot_general3A_68 = tpu.matmul %broadcast_in_dim3A_44, %sub3A, %dot_general3A_67 {dimension_numbers = #tpu.dot_dimension_numbers<[1], [0], [0], [1], [0, 0, 1, 1], [], []>, transpose_lhs_hint = false} : vector<1x256xf32>, vector<256x512xf32>, vector<1x512xf32> -> vector<1x512xf32>
    %add3A_69 = arith.addf %get3A_66, %dot_general3A_68 : vector<1x512xf32>
    %swap3A_70 = arith.constant 0 : index
    %swap3A_71 = arith.constant 0 : index
    %swap3A_72 = vector.load %arg7[%swap3A_70, %swap3A_71] : memref<1x512xf32, #tpu.memory_space<vmem>>, vector<1x512xf32>
    tpu.vector_store %arg7[%swap3A_70, %swap3A_71], %add3A_69 {strides = array<i32>} : memref<1x512xf32, #tpu.memory_space<vmem>>, vector<1x512xf32>,
    %get3A_73 = arith.constant 0 : index
    %get3A_74 = arith.constant 0 : index
    %get3A_75 = vector.load %arg8[%get3A_73, %get3A_74] : memref<1x512xf32, #tpu.memory_space<vmem>>, vector<1x512xf32>
    %broadcast_in_dim3A_76 = arith.constant 1.000000e+00 : f32
    %broadcast_in_dim3A_77 = vector.broadcast %broadcast_in_dim3A_76 : f32 to vector<256x512xf32>
    %select_n3A_78 = arith.select %gt3A_41, %broadcast_in_dim3A_77, %broadcast_in_dim3A_42 : vector<256x512xi1>, vector<256x512xf32>
    %dot_general3A_79 = arith.constant dense<0.000000e+00> : vector<1x512xf32>
    %dot_general3A_80 = tpu.matmul %broadcast_in_dim3A_44, %select_n3A_78, %dot_general3A_79 {dimension_numbers = #tpu.dot_dimension_numbers<[1], [0], [0], [1], [0, 0, 1, 1], [], []>, transpose_lhs_hint = false} : vector<1x256xf32>, vector<256x512xf32>, vector<1x512xf32> -> vector<1x512xf32>
    %add3A_81 = arith.addf %get3A_75, %dot_general3A_80 : vector<1x512xf32>
    %swap3A_82 = arith.constant 0 : index
    %swap3A_83 = arith.constant 0 : index
    %swap3A_84 = vector.load %arg8[%swap3A_82, %swap3A_83] : memref<1x512xf32, #tpu.memory_space<vmem>>, vector<1x512xf32>
    tpu.vector_store %arg8[%swap3A_82, %swap3A_83], %add3A_81 {strides = array<i32>} : memref<1x512xf32, #tpu.memory_space<vmem>>, vector<1x512xf32>,
    %get3A_85 = arith.constant 0 : index
    %get3A_86 = arith.constant 0 : index
    %get3A_87 = vector.load %arg9[%get3A_85, %get3A_86] : memref<1x512xf32, #tpu.memory_space<vmem>>, vector<1x512xf32>
    %select_n3A_88 = arith.select %gt3A_41, %sub3A_38, %broadcast_in_dim3A_42 : vector<256x512xi1>, vector<256x512xf32>
    %dot_general3A_89 = arith.constant dense<0.000000e+00> : vector<1x512xf32>
    %dot_general3A_90 = tpu.matmul %broadcast_in_dim3A_44, %select_n3A_88, %dot_general3A_89 {dimension_numbers = #tpu.dot_dimension_numbers<[1], [0], [0], [1], [0, 0, 1, 1], [], []>, transpose_lhs_hint = false} : vector<1x256xf32>, vector<256x512xf32>, vector<1x512xf32> -> vector<1x512xf32>
    %add3A_91 = arith.addf %get3A_87, %dot_general3A_90 : vector<1x512xf32>
    %swap3A_92 = arith.constant 0 : index
    %swap3A_93 = arith.constant 0 : index
    %swap3A_94 = vector.load %arg9[%swap3A_92, %swap3A_93] : memref<1x512xf32, #tpu.memory_space<vmem>>, vector<1x512xf32>
    tpu.vector_store %arg9[%swap3A_92, %swap3A_93], %add3A_91 {strides = array<i32>} : memref<1x512xf32, #tpu.memory_space<vmem>>, vector<1x512xf32>,
    %get3A_95 = arith.constant 0 : index
    %get3A_96 = arith.constant 0 : index
    %get3A_97 = vector.load %arg10[%get3A_95, %get3A_96] : memref<1x512xf32, #tpu.memory_space<vmem>>, vector<1x512xf32>
    %dot_general3A_98 = arith.constant dense<0.000000e+00> : vector<1x512xf32>
    %dot_general3A_99 = tpu.matmul %broadcast_in_dim3A_44, %sub3A_38, %dot_general3A_98 {dimension_numbers = #tpu.dot_dimension_numbers<[1], [0], [0], [1], [0, 0, 1, 1], [], []>, transpose_lhs_hint = false} : vector<1x256xf32>, vector<256x512xf32>, vector<1x512xf32> -> vector<1x512xf32>
    %add3A_100 = arith.addf %get3A_97, %dot_general3A_99 : vector<1x512xf32>
    %swap3A_101 = arith.constant 0 : index
    %swap3A_102 = arith.constant 0 : index
    %swap3A_103 = vector.load %arg10[%swap3A_101, %swap3A_102] : memref<1x512xf32, #tpu.memory_space<vmem>>, vector<1x512xf32>
    tpu.vector_store %arg10[%swap3A_101, %swap3A_102], %add3A_100 {strides = array<i32>} : memref<1x512xf32, #tpu.memory_space<vmem>>, vector<1x512xf32>,
    %get3A_104 = arith.constant 0 : index
    %get3A_105 = arith.constant 0 : index
    %get3A_106 = vector.load %arg11[%get3A_104, %get3A_105] : memref<1x512xf32, #tpu.memory_space<vmem>>, vector<1x512xf32>
    %sub3A_107 = arith.subf %get3A_6, %get3A_12 : vector<256x512xf32>
    %abs3A_108 = math.absf %sub3A_107 : vector<256x512xf32>
    %dot_general3A_109 = arith.constant dense<0.000000e+00> : vector<1x512xf32>
    %dot_general3A_110 = tpu.matmul %broadcast_in_dim3A_44, %abs3A_108, %dot_general3A_109 {dimension_numbers = #tpu.dot_dimension_numbers<[1], [0], [0], [1], [0, 0, 1, 1], [], []>, transpose_lhs_hint = false} : vector<1x256xf32>, vector<256x512xf32>, vector<1x512xf32> -> vector<1x512xf32>
    %add3A_111 = arith.addf %get3A_106, %dot_general3A_110 : vector<1x512xf32>
    %swap3A_112 = arith.constant 0 : index
    %swap3A_113 = arith.constant 0 : index
    %swap3A_114 = vector.load %arg11[%swap3A_112, %swap3A_113] : memref<1x512xf32, #tpu.memory_space<vmem>>, vector<1x512xf32>
    tpu.vector_store %arg11[%swap3A_112, %swap3A_113], %add3A_111 {strides = array<i32>} : memref<1x512xf32, #tpu.memory_space<vmem>>, vector<1x512xf32>,
    return
  }
  func.func @transform_0(%arg0: i32) -> (i32, i32) {
    %c0_i32 = arith.constant 0 : i32
    %c0_i32_0 = arith.constant 0 : i32
    return %arg0, %c0_i32 : i32, i32
  }
  func.func @transform_1(%arg0: i32) -> (i32, i32) {
    %c0_i32 = arith.constant 0 : i32
    %c0_i32_0 = arith.constant 0 : i32
    return %arg0, %c0_i32 : i32, i32
  }
  func.func @transform_2(%arg0: i32) -> (i32, i32) {
    %c0_i32 = arith.constant 0 : i32
    %c0_i32_0 = arith.constant 0 : i32
    return %arg0, %c0_i32 : i32, i32
  }
  func.func @transform_3(%arg0: i32) -> (i32, i32) {
    %c0_i32 = arith.constant 0 : i32
    %c0_i32_0 = arith.constant 0 : i32
    return %arg0, %c0_i32 : i32, i32
  }
  func.func @transform_4(%arg0: i32) -> (i32, i32) {
    %c0_i32 = arith.constant 0 : i32
    %c0_i32_0 = arith.constant 0 : i32
    %c0_i32_1 = arith.constant 0 : i32
    return %c0_i32, %c0_i32_0 : i32, i32
  }
  func.func @transform_5(%arg0: i32) -> (i32, i32) {
    %c0_i32 = arith.constant 0 : i32
    %c0_i32_0 = arith.constant 0 : i32
    %c0_i32_1 = arith.constant 0 : i32
    return %c0_i32, %c0_i32_0 : i32, i32
  }
  func.func @transform_6(%arg0: i32) -> (i32, i32) {
    %c0_i32 = arith.constant 0 : i32
    %c0_i32_0 = arith.constant 0 : i32
    %c0_i32_1 = arith.constant 0 : i32
    return %c0_i32, %c0_i32_0 : i32, i32
  }
  func.func @transform_7(%arg0: i32) -> (i32, i32) {
    %c0_i32 = arith.constant 0 : i32
    %c0_i32_0 = arith.constant 0 : i32
    %c0_i32_1 = arith.constant 0 : i32
    return %c0_i32, %c0_i32_0 : i32, i32
  }
  func.func @transform_8(%arg0: i32) -> (i32, i32) {
    %c0_i32 = arith.constant 0 : i32
    %c0_i32_0 = arith.constant 0 : i32
    %c0_i32_1 = arith.constant 0 : i32
    return %c0_i32, %c0_i32_0 : i32, i32
  }
  func.func @transform_9(%arg0: i32) -> (i32, i32) {
    %c0_i32 = arith.constant 0 : i32
    %c0_i32_0 = arith.constant 0 : i32
    %c0_i32_1 = arith.constant 0 : i32
    return %c0_i32, %c0_i32_0 : i32, i32
  }
  func.func @transform_10(%arg0: i32) -> (i32, i32) {
    %c0_i32 = arith.constant 0 : i32
    %c0_i32_0 = arith.constant 0 : i32
    %c0_i32_1 = arith.constant 0 : i32
    return %c0_i32, %c0_i32_0 : i32, i32
  }
}

module attributes {stable_mosaic.version = 14 : i64} {
  func.func @_negloss_b_body(%arg0: i32, %arg1: memref<256x512xf32, #tpu.memory_space<vmem>>, %arg2: memref<256x512xf32, #tpu.memory_space<vmem>>, %arg3: memref<256x512xf32, #tpu.memory_space<vmem>>, %arg4: memref<256x512xf32, #tpu.memory_space<vmem>>, %arg5: memref<256x512xf32, #tpu.memory_space<vmem>>) attributes {dimension_semantics = [#tpu.dimension_semantics<arbitrary>], iteration_bounds = array<i64: 32>, scalar_prefetch = 0 : i64, scratch_operands = 0 : i64, tpu.core_type = #tpu.core_type<tc>, window_params = [{transform_indices = @transform_0, window_bounds = array<i64: 256, 512>}, {transform_indices = @transform_1, window_bounds = array<i64: 256, 512>}, {transform_indices = @transform_2, window_bounds = array<i64: 256, 512>}, {transform_indices = @transform_3, window_bounds = array<i64: 256, 512>}, {transform_indices = @transform_4, window_bounds = array<i64: 256, 512>}]} {
    %get3A = arith.constant 0 : index
    %get3A_0 = arith.constant 0 : index
    %get3A_1 = vector.load %arg1[%get3A, %get3A_0] : memref<256x512xf32, #tpu.memory_space<vmem>>, vector<256x512xf32>
    %get3A_2 = arith.constant 0 : index
    %get3A_3 = arith.constant 0 : index
    %get3A_4 = vector.load %arg2[%get3A_2, %get3A_3] : memref<256x512xf32, #tpu.memory_space<vmem>>, vector<256x512xf32>
    %sub3A = arith.subf %get3A_1, %get3A_4 : vector<256x512xf32>
    %mul3A = arith.constant 5.000000e+01 : f32
    %mul3A_5 = vector.broadcast %mul3A : f32 to vector<256x512xf32>
    %mul3A_6 = arith.mulf %mul3A_5, %sub3A : vector<256x512xf32>
    %get3A_7 = arith.constant 0 : index
    %get3A_8 = arith.constant 0 : index
    %get3A_9 = vector.load %arg3[%get3A_7, %get3A_8] : memref<256x512xf32, #tpu.memory_space<vmem>>, vector<256x512xf32>
    %get3A_10 = arith.constant 0 : index
    %get3A_11 = arith.constant 0 : index
    %get3A_12 = vector.load %arg4[%get3A_10, %get3A_11] : memref<256x512xf32, #tpu.memory_space<vmem>>, vector<256x512xf32>
    %sub3A_13 = arith.subf %get3A_9, %get3A_12 : vector<256x512xf32>
    %mul3A_14 = arith.constant 5.000000e+01 : f32
    %mul3A_15 = vector.broadcast %mul3A_14 : f32 to vector<256x512xf32>
    %mul3A_16 = arith.mulf %mul3A_15, %sub3A_13 : vector<256x512xf32>
    %max3A = arith.constant 0.000000e+00 : f32
    %max3A_17 = vector.broadcast %max3A : f32 to vector<256x512xf32>
    %max3A_18 = arith.maximumf %mul3A_6, %max3A_17 : vector<256x512xf32>
    %abs3A = math.absf %mul3A_6 : vector<256x512xf32>
    %neg3A = arith.constant 0.000000e+00 : f32
    %neg3A_19 = vector.broadcast %neg3A : f32 to vector<256x512xf32>
    %neg3A_20 = arith.subf %neg3A_19, %abs3A : vector<256x512xf32>
    %exp3A = math.exp %neg3A_20 : vector<256x512xf32>
    %log1p3A = math.log1p %exp3A : vector<256x512xf32>
    %add3A = arith.addf %max3A_18, %log1p3A : vector<256x512xf32>
    %mul3A_21 = arith.mulf %mul3A_16, %mul3A_6 : vector<256x512xf32>
    %sub3A_22 = arith.subf %add3A, %mul3A_21 : vector<256x512xf32>
    %gt3A = arith.constant 5.000000e-01 : f32
    %gt3A_23 = vector.broadcast %gt3A : f32 to vector<256x512xf32>
    %gt3A_24 = arith.cmpf ogt, %mul3A_16, %gt3A_23 : vector<256x512xf32>
    %jit3A = arith.constant 0xFF800000 : f32
    %broadcast_in_dim3A = vector.broadcast %jit3A : f32 to vector<256x512xf32>
    %select_n3A = arith.select %gt3A_24, %broadcast_in_dim3A, %sub3A_22 : vector<256x512xi1>, vector<256x512xf32>
    %swap3A = arith.constant 0 : index
    %swap3A_25 = arith.constant 0 : index
    %swap3A_26 = vector.load %arg5[%swap3A, %swap3A_25] : memref<256x512xf32, #tpu.memory_space<vmem>>, vector<256x512xf32>
    tpu.vector_store %arg5[%swap3A, %swap3A_25], %select_n3A {strides = array<i32>} : memref<256x512xf32, #tpu.memory_space<vmem>>, vector<256x512xf32>,
    return
  }
  func.func @transform_0(%arg0: i32) -> (i32, i32) {
    %c0_i32 = arith.constant 0 : i32
    %c0_i32_0 = arith.constant 0 : i32
    return %arg0, %c0_i32 : i32, i32
  }
  func.func @transform_1(%arg0: i32) -> (i32, i32) {
    %c0_i32 = arith.constant 0 : i32
    %c0_i32_0 = arith.constant 0 : i32
    return %arg0, %c0_i32 : i32, i32
  }
  func.func @transform_2(%arg0: i32) -> (i32, i32) {
    %c0_i32 = arith.constant 0 : i32
    %c0_i32_0 = arith.constant 0 : i32
    return %arg0, %c0_i32 : i32, i32
  }
  func.func @transform_3(%arg0: i32) -> (i32, i32) {
    %c0_i32 = arith.constant 0 : i32
    %c0_i32_0 = arith.constant 0 : i32
    return %arg0, %c0_i32 : i32, i32
  }
  func.func @transform_4(%arg0: i32) -> (i32, i32) {
    %c0_i32 = arith.constant 0 : i32
    %c0_i32_0 = arith.constant 0 : i32
    return %arg0, %c0_i32 : i32, i32
  }
}

module attributes {stable_mosaic.version = 14 : i64} {
  func.func @_countsum_body(%arg0: i32, %arg1: memref<1x1xf32, #tpu.memory_space<smem>>, %arg2: memref<256x512xf32, #tpu.memory_space<vmem>>, %arg3: memref<1x512xf32, #tpu.memory_space<vmem>>, %arg4: memref<1x512xf32, #tpu.memory_space<vmem>>) attributes {dimension_semantics = [#tpu.dimension_semantics<arbitrary>], iteration_bounds = array<i64: 32>, scalar_prefetch = 0 : i64, scratch_operands = 0 : i64, tpu.core_type = #tpu.core_type<tc>, window_params = [{transform_indices = @transform_0, window_bounds = array<i64: 1, 1>}, {transform_indices = @transform_1, window_bounds = array<i64: 256, 512>}, {pipeline_mode = #tpu.pipeline_mode<synchronous>, transform_indices = @transform_2, window_bounds = array<i64: 1, 512>}, {pipeline_mode = #tpu.pipeline_mode<synchronous>, transform_indices = @transform_3, window_bounds = array<i64: 1, 512>}]} {
    %eq3A = arith.constant 0 : i32
    %eq3A_0 = arith.cmpi eq, %arg0, %eq3A : i32
    %convert_element_type3A = arith.extui %eq3A_0 : i1 to i32
    %cond3A = arith.constant 0 : i32
    %cond3A_1 = arith.cmpi ne, %convert_element_type3A, %cond3A : i32
    scf.if %cond3A_1 {
      %broadcast_in_dim3A_30 = arith.constant 0.000000e+00 : f32
      %broadcast_in_dim3A_31 = vector.broadcast %broadcast_in_dim3A_30 : f32 to vector<1x512xf32>
      %swap3A_32 = arith.constant 0 : index
      %swap3A_33 = arith.constant 0 : index
      %swap3A_34 = vector.load %arg3[%swap3A_32, %swap3A_33] : memref<1x512xf32, #tpu.memory_space<vmem>>, vector<1x512xf32>
      tpu.vector_store %arg3[%swap3A_32, %swap3A_33], %broadcast_in_dim3A_31 {strides = array<i32>} : memref<1x512xf32, #tpu.memory_space<vmem>>, vector<1x512xf32>,
      %broadcast_in_dim3A_35 = arith.constant 0.000000e+00 : f32
      %broadcast_in_dim3A_36 = vector.broadcast %broadcast_in_dim3A_35 : f32 to vector<1x512xf32>
      %swap3A_37 = arith.constant 0 : index
      %swap3A_38 = arith.constant 0 : index
      %swap3A_39 = vector.load %arg4[%swap3A_37, %swap3A_38] : memref<1x512xf32, #tpu.memory_space<vmem>>, vector<1x512xf32>
      tpu.vector_store %arg4[%swap3A_37, %swap3A_38], %broadcast_in_dim3A_36 {strides = array<i32>} : memref<1x512xf32, #tpu.memory_space<vmem>>, vector<1x512xf32>,
    } else {
    }
    %get3A = arith.constant 0 : index
    %get3A_2 = arith.constant 0 : index
    %get3A_3 = vector.load %arg2[%get3A, %get3A_2] : memref<256x512xf32, #tpu.memory_space<vmem>>, vector<256x512xf32>
    %get3A_4 = arith.constant 0 : index
    %get3A_5 = arith.constant 0 : index
    %get3A_6 = memref.load %arg1[%get3A_4, %get3A_5] : memref<1x1xf32, #tpu.memory_space<smem>>
    %gt3A = vector.broadcast %get3A_6 : f32 to vector<256x512xf32>
    %gt3A_7 = arith.cmpf ogt, %get3A_3, %gt3A : vector<256x512xf32>
    %get3A_8 = arith.constant 0 : index
    %get3A_9 = arith.constant 0 : index
    %get3A_10 = vector.load %arg3[%get3A_8, %get3A_9] : memref<1x512xf32, #tpu.memory_space<vmem>>, vector<1x512xf32>
    %jit3A = arith.constant 1.000000e+00 : f32
    %jit3A_11 = arith.constant 0.000000e+00 : f32
    %broadcast_in_dim3A = vector.broadcast %jit3A : f32 to vector<256x512xf32>
    %broadcast_in_dim3A_12 = vector.broadcast %jit3A_11 : f32 to vector<256x512xf32>
    %select_n3A = arith.select %gt3A_7, %broadcast_in_dim3A, %broadcast_in_dim3A_12 : vector<256x512xi1>, vector<256x512xf32>
    %reduce_sum3A = arith.constant dense<0.000000e+00> : vector<512xf32>
    %reduce_sum3A_13 = vector.multi_reduction <add>, %select_n3A, %reduce_sum3A [0] : vector<256x512xf32> to vector<512xf32>
    %broadcast_in_dim3A_14 = vector.shape_cast %reduce_sum3A_13 : vector<512xf32> to vector<1x512xf32>
    %add3A = arith.addf %get3A_10, %broadcast_in_dim3A_14 : vector<1x512xf32>
    %swap3A = arith.constant 0 : index
    %swap3A_15 = arith.constant 0 : index
    %swap3A_16 = vector.load %arg3[%swap3A, %swap3A_15] : memref<1x512xf32, #tpu.memory_space<vmem>>, vector<1x512xf32>
    tpu.vector_store %arg3[%swap3A, %swap3A_15], %add3A {strides = array<i32>} : memref<1x512xf32, #tpu.memory_space<vmem>>, vector<1x512xf32>,
    %get3A_17 = arith.constant 0 : index
    %get3A_18 = arith.constant 0 : index
    %get3A_19 = vector.load %arg4[%get3A_17, %get3A_18] : memref<1x512xf32, #tpu.memory_space<vmem>>, vector<1x512xf32>
    %jit3A_20 = arith.constant 0.000000e+00 : f32
    %broadcast_in_dim3A_21 = vector.broadcast %jit3A_20 : f32 to vector<256x512xf32>
    %select_n3A_22 = arith.select %gt3A_7, %get3A_3, %broadcast_in_dim3A_21 : vector<256x512xi1>, vector<256x512xf32>
    %reduce_sum3A_23 = arith.constant dense<0.000000e+00> : vector<512xf32>
    %reduce_sum3A_24 = vector.multi_reduction <add>, %select_n3A_22, %reduce_sum3A_23 [0] : vector<256x512xf32> to vector<512xf32>
    %broadcast_in_dim3A_25 = vector.shape_cast %reduce_sum3A_24 : vector<512xf32> to vector<1x512xf32>
    %add3A_26 = arith.addf %get3A_19, %broadcast_in_dim3A_25 : vector<1x512xf32>
    %swap3A_27 = arith.constant 0 : index
    %swap3A_28 = arith.constant 0 : index
    %swap3A_29 = vector.load %arg4[%swap3A_27, %swap3A_28] : memref<1x512xf32, #tpu.memory_space<vmem>>, vector<1x512xf32>
    tpu.vector_store %arg4[%swap3A_27, %swap3A_28], %add3A_26 {strides = array<i32>} : memref<1x512xf32, #tpu.memory_space<vmem>>, vector<1x512xf32>,
    return
  }
  func.func @transform_0(%arg0: i32) -> (i32, i32) {
    %c0_i32 = arith.constant 0 : i32
    %c0_i32_0 = arith.constant 0 : i32
    %c0_i32_1 = arith.constant 0 : i32
    return %c0_i32, %c0_i32_0 : i32, i32
  }
  func.func @transform_1(%arg0: i32) -> (i32, i32) {
    %c0_i32 = arith.constant 0 : i32
    %c0_i32_0 = arith.constant 0 : i32
    return %arg0, %c0_i32 : i32, i32
  }
  func.func @transform_2(%arg0: i32) -> (i32, i32) {
    %c0_i32 = arith.constant 0 : i32
    %c0_i32_0 = arith.constant 0 : i32
    %c0_i32_1 = arith.constant 0 : i32
    return %c0_i32, %c0_i32_0 : i32, i32
  }
  func.func @transform_3(%arg0: i32) -> (i32, i32) {
    %c0_i32 = arith.constant 0 : i32
    %c0_i32_0 = arith.constant 0 : i32
    %c0_i32_1 = arith.constant 0 : i32
    return %c0_i32, %c0_i32_0 : i32, i32
  }
}

module attributes {stable_mosaic.version = 14 : i64} {
  func.func @_countsum_body(%arg0: i32, %arg1: memref<1x1xf32, #tpu.memory_space<smem>>, %arg2: memref<256x512xf32, #tpu.memory_space<vmem>>, %arg3: memref<1x512xf32, #tpu.memory_space<vmem>>, %arg4: memref<1x512xf32, #tpu.memory_space<vmem>>) attributes {dimension_semantics = [#tpu.dimension_semantics<arbitrary>], iteration_bounds = array<i64: 32>, scalar_prefetch = 0 : i64, scratch_operands = 0 : i64, tpu.core_type = #tpu.core_type<tc>, window_params = [{transform_indices = @transform_0, window_bounds = array<i64: 1, 1>}, {transform_indices = @transform_1, window_bounds = array<i64: 256, 512>}, {pipeline_mode = #tpu.pipeline_mode<synchronous>, transform_indices = @transform_2, window_bounds = array<i64: 1, 512>}, {pipeline_mode = #tpu.pipeline_mode<synchronous>, transform_indices = @transform_3, window_bounds = array<i64: 1, 512>}]} {
    %eq3A = arith.constant 0 : i32
    %eq3A_0 = arith.cmpi eq, %arg0, %eq3A : i32
    %convert_element_type3A = arith.extui %eq3A_0 : i1 to i32
    %cond3A = arith.constant 0 : i32
    %cond3A_1 = arith.cmpi ne, %convert_element_type3A, %cond3A : i32
    scf.if %cond3A_1 {
      %broadcast_in_dim3A_30 = arith.constant 0.000000e+00 : f32
      %broadcast_in_dim3A_31 = vector.broadcast %broadcast_in_dim3A_30 : f32 to vector<1x512xf32>
      %swap3A_32 = arith.constant 0 : index
      %swap3A_33 = arith.constant 0 : index
      %swap3A_34 = vector.load %arg3[%swap3A_32, %swap3A_33] : memref<1x512xf32, #tpu.memory_space<vmem>>, vector<1x512xf32>
      tpu.vector_store %arg3[%swap3A_32, %swap3A_33], %broadcast_in_dim3A_31 {strides = array<i32>} : memref<1x512xf32, #tpu.memory_space<vmem>>, vector<1x512xf32>,
      %broadcast_in_dim3A_35 = arith.constant 0.000000e+00 : f32
      %broadcast_in_dim3A_36 = vector.broadcast %broadcast_in_dim3A_35 : f32 to vector<1x512xf32>
      %swap3A_37 = arith.constant 0 : index
      %swap3A_38 = arith.constant 0 : index
      %swap3A_39 = vector.load %arg4[%swap3A_37, %swap3A_38] : memref<1x512xf32, #tpu.memory_space<vmem>>, vector<1x512xf32>
      tpu.vector_store %arg4[%swap3A_37, %swap3A_38], %broadcast_in_dim3A_36 {strides = array<i32>} : memref<1x512xf32, #tpu.memory_space<vmem>>, vector<1x512xf32>,
    } else {
    }
    %get3A = arith.constant 0 : index
    %get3A_2 = arith.constant 0 : index
    %get3A_3 = vector.load %arg2[%get3A, %get3A_2] : memref<256x512xf32, #tpu.memory_space<vmem>>, vector<256x512xf32>
    %get3A_4 = arith.constant 0 : index
    %get3A_5 = arith.constant 0 : index
    %get3A_6 = memref.load %arg1[%get3A_4, %get3A_5] : memref<1x1xf32, #tpu.memory_space<smem>>
    %gt3A = vector.broadcast %get3A_6 : f32 to vector<256x512xf32>
    %gt3A_7 = arith.cmpf ogt, %get3A_3, %gt3A : vector<256x512xf32>
    %get3A_8 = arith.constant 0 : index
    %get3A_9 = arith.constant 0 : index
    %get3A_10 = vector.load %arg3[%get3A_8, %get3A_9] : memref<1x512xf32, #tpu.memory_space<vmem>>, vector<1x512xf32>
    %jit3A = arith.constant 1.000000e+00 : f32
    %jit3A_11 = arith.constant 0.000000e+00 : f32
    %broadcast_in_dim3A = vector.broadcast %jit3A : f32 to vector<256x512xf32>
    %broadcast_in_dim3A_12 = vector.broadcast %jit3A_11 : f32 to vector<256x512xf32>
    %select_n3A = arith.select %gt3A_7, %broadcast_in_dim3A, %broadcast_in_dim3A_12 : vector<256x512xi1>, vector<256x512xf32>
    %reduce_sum3A = arith.constant dense<0.000000e+00> : vector<512xf32>
    %reduce_sum3A_13 = vector.multi_reduction <add>, %select_n3A, %reduce_sum3A [0] : vector<256x512xf32> to vector<512xf32>
    %broadcast_in_dim3A_14 = vector.shape_cast %reduce_sum3A_13 : vector<512xf32> to vector<1x512xf32>
    %add3A = arith.addf %get3A_10, %broadcast_in_dim3A_14 : vector<1x512xf32>
    %swap3A = arith.constant 0 : index
    %swap3A_15 = arith.constant 0 : index
    %swap3A_16 = vector.load %arg3[%swap3A, %swap3A_15] : memref<1x512xf32, #tpu.memory_space<vmem>>, vector<1x512xf32>
    tpu.vector_store %arg3[%swap3A, %swap3A_15], %add3A {strides = array<i32>} : memref<1x512xf32, #tpu.memory_space<vmem>>, vector<1x512xf32>,
    %get3A_17 = arith.constant 0 : index
    %get3A_18 = arith.constant 0 : index
    %get3A_19 = vector.load %arg4[%get3A_17, %get3A_18] : memref<1x512xf32, #tpu.memory_space<vmem>>, vector<1x512xf32>
    %jit3A_20 = arith.constant 0.000000e+00 : f32
    %broadcast_in_dim3A_21 = vector.broadcast %jit3A_20 : f32 to vector<256x512xf32>
    %select_n3A_22 = arith.select %gt3A_7, %get3A_3, %broadcast_in_dim3A_21 : vector<256x512xi1>, vector<256x512xf32>
    %reduce_sum3A_23 = arith.constant dense<0.000000e+00> : vector<512xf32>
    %reduce_sum3A_24 = vector.multi_reduction <add>, %select_n3A_22, %reduce_sum3A_23 [0] : vector<256x512xf32> to vector<512xf32>
    %broadcast_in_dim3A_25 = vector.shape_cast %reduce_sum3A_24 : vector<512xf32> to vector<1x512xf32>
    %add3A_26 = arith.addf %get3A_19, %broadcast_in_dim3A_25 : vector<1x512xf32>
    %swap3A_27 = arith.constant 0 : index
    %swap3A_28 = arith.constant 0 : index
    %swap3A_29 = vector.load %arg4[%swap3A_27, %swap3A_28] : memref<1x512xf32, #tpu.memory_space<vmem>>, vector<1x512xf32>
    tpu.vector_store %arg4[%swap3A_27, %swap3A_28], %add3A_26 {strides = array<i32>} : memref<1x512xf32, #tpu.memory_space<vmem>>, vector<1x512xf32>,
    return
  }
  func.func @transform_0(%arg0: i32) -> (i32, i32) {
    %c0_i32 = arith.constant 0 : i32
    %c0_i32_0 = arith.constant 0 : i32
    %c0_i32_1 = arith.constant 0 : i32
    return %c0_i32, %c0_i32_0 : i32, i32
  }
  func.func @transform_1(%arg0: i32) -> (i32, i32) {
    %c0_i32 = arith.constant 0 : i32
    %c0_i32_0 = arith.constant 0 : i32
    return %arg0, %c0_i32 : i32, i32
  }
  func.func @transform_2(%arg0: i32) -> (i32, i32) {
    %c0_i32 = arith.constant 0 : i32
    %c0_i32_0 = arith.constant 0 : i32
    %c0_i32_1 = arith.constant 0 : i32
    return %c0_i32, %c0_i32_0 : i32, i32
  }
  func.func @transform_3(%arg0: i32) -> (i32, i32) {
    %c0_i32 = arith.constant 0 : i32
    %c0_i32_0 = arith.constant 0 : i32
    %c0_i32_1 = arith.constant 0 : i32
    return %c0_i32, %c0_i32_0 : i32, i32
  }
}

module attributes {stable_mosaic.version = 14 : i64} {
  func.func @_negloss_s_body(%arg0: i32, %arg1: memref<256x512xf32, #tpu.memory_space<vmem>>, %arg2: memref<256x512xf32, #tpu.memory_space<vmem>>, %arg3: memref<256x512xf32, #tpu.memory_space<vmem>>) attributes {dimension_semantics = [#tpu.dimension_semantics<arbitrary>], iteration_bounds = array<i64: 32>, scalar_prefetch = 0 : i64, scratch_operands = 0 : i64, tpu.core_type = #tpu.core_type<tc>, window_params = [{transform_indices = @transform_0, window_bounds = array<i64: 256, 512>}, {transform_indices = @transform_1, window_bounds = array<i64: 256, 512>}, {transform_indices = @transform_2, window_bounds = array<i64: 256, 512>}]} {
    %get3A = arith.constant 0 : index
    %get3A_0 = arith.constant 0 : index
    %get3A_1 = vector.load %arg1[%get3A, %get3A_0] : memref<256x512xf32, #tpu.memory_space<vmem>>, vector<256x512xf32>
    %get3A_2 = arith.constant 0 : index
    %get3A_3 = arith.constant 0 : index
    %get3A_4 = vector.load %arg2[%get3A_2, %get3A_3] : memref<256x512xf32, #tpu.memory_space<vmem>>, vector<256x512xf32>
    %max3A = arith.constant 0.000000e+00 : f32
    %max3A_5 = vector.broadcast %max3A : f32 to vector<256x512xf32>
    %max3A_6 = arith.maximumf %get3A_1, %max3A_5 : vector<256x512xf32>
    %abs3A = math.absf %get3A_1 : vector<256x512xf32>
    %neg3A = arith.constant 0.000000e+00 : f32
    %neg3A_7 = vector.broadcast %neg3A : f32 to vector<256x512xf32>
    %neg3A_8 = arith.subf %neg3A_7, %abs3A : vector<256x512xf32>
    %exp3A = math.exp %neg3A_8 : vector<256x512xf32>
    %log1p3A = math.log1p %exp3A : vector<256x512xf32>
    %add3A = arith.addf %max3A_6, %log1p3A : vector<256x512xf32>
    %mul3A = arith.mulf %get3A_4, %get3A_1 : vector<256x512xf32>
    %sub3A = arith.subf %add3A, %mul3A : vector<256x512xf32>
    %gt3A = arith.constant 5.000000e-01 : f32
    %gt3A_9 = vector.broadcast %gt3A : f32 to vector<256x512xf32>
    %gt3A_10 = arith.cmpf ogt, %get3A_4, %gt3A_9 : vector<256x512xf32>
    %jit3A = arith.constant 0xFF800000 : f32
    %broadcast_in_dim3A = vector.broadcast %jit3A : f32 to vector<256x512xf32>
    %select_n3A = arith.select %gt3A_10, %broadcast_in_dim3A, %sub3A : vector<256x512xi1>, vector<256x512xf32>
    %swap3A = arith.constant 0 : index
    %swap3A_11 = arith.constant 0 : index
    %swap3A_12 = vector.load %arg3[%swap3A, %swap3A_11] : memref<256x512xf32, #tpu.memory_space<vmem>>, vector<256x512xf32>
    tpu.vector_store %arg3[%swap3A, %swap3A_11], %select_n3A {strides = array<i32>} : memref<256x512xf32, #tpu.memory_space<vmem>>, vector<256x512xf32>,
    return
  }
  func.func @transform_0(%arg0: i32) -> (i32, i32) {
    %c0_i32 = arith.constant 0 : i32
    %c0_i32_0 = arith.constant 0 : i32
    return %arg0, %c0_i32 : i32, i32
  }
  func.func @transform_1(%arg0: i32) -> (i32, i32) {
    %c0_i32 = arith.constant 0 : i32
    %c0_i32_0 = arith.constant 0 : i32
    return %arg0, %c0_i32 : i32, i32
  }
  func.func @transform_2(%arg0: i32) -> (i32, i32) {
    %c0_i32 = arith.constant 0 : i32
    %c0_i32_0 = arith.constant 0 : i32
    return %arg0, %c0_i32 : i32, i32
  }
}

</mosaic_0001>

<sc_bundles>
// kernel: kernel.4.cloned.1.call-start
scs
__scs_entry_jumppad:
0x0: {  	(pc) =	sbr.rel $0x88, $3  }
0x1: {  	(tag) =	ssettag $0x0;
	lr =	simm.s32 $0x1  }
0x2: {  	[smem:$0x3F9D] =	sst lr;
	_ =	strace $0xD0000000  }
0x3: {  	_ = 	snop  }
0x4: {  	_ = 	snop  }
0x5: {  	_ = 	snop  }
0x6: {  	_ = 	snop  }
0x7: {  	_ = 	snop  }
__scs_overlays_trampoline_lowered:
0x8: {  	[smem:$0x3FAC] =	sst s0  }
0x9: {  	[smem:$0x3FAD] =	sst s1  }
0xa: {  	[smem:$0x3FAE] =	sst s2  }
0xb: {  	[smem:$0x3FAF] =	sst s3  }
0xc: {  	[smem:$0x3FB0] =	sst s4  }
0xd: {  	[smem:$0x3FB1] =	sst s5  }
0xe: {  	[smem:$0x3FB2] =	sst s6  }
0xf: {  	[smem:$0x3FB3] =	sst s7  }
0x10: {  	[smem:$0x3FB4] =	sst s8  }
0x11: {  	[smem:$0x3FB5] =	sst s9;
	s0 =	simm.s32 @!p0 $0x0  }
0x12: {  	s1 =	sld [smem:$0x3F9B];
	s0 =	simm.s32 @p0 $0x1  }
0x13: {  	[smem:$0x3FB6] =	sst s0;
	s0 =	simm.s32 @!p1 $0x0  }
0x14: {  	s2 =	sld [smem:$0x3F9A];
	s0 =	simm.s32 @p1 $0x1  }
0x15: {  	[smem:$0x3FB7] =	sst s0;
	s0 =	simm.s32 @!p2 $0x0  }
0x16: {  	s3 =	sld [smem:$0x3FDB];
	s0 =	simm.s32 @p2 $0x1  }
0x17: {  	s4 =	simm.s32 $0x1BF5;
	[smem:$0x3FB9] =	sst s0  }
0x18: {  	s0 =	sld [smem:$0x3F9C];
	_ =	swait.ge [sflag:s4], $0x0  }
0x19: {  	s7 =	sld [smem:$0x3F9D]  }
0x1a: {  	s8 =	sadd.s32 $0xFFFFE003, lr  }
0x1b: {  	s9 =	sadd.s32 $0xFFFFFEF7, lr;
	s5 =	simm.s32 $0xFFFFFFFF;
	p2 =	slt.u32 s8, $0xFFFFF086  }
0x1c: {  	p1 =	slt.u32 s9, $0xF7A;
	s5 =	simm.s32 @!p2 $0x0  }
0x1d: {  	s5 =	simm.s32 @p1 $0x1;
	p0 =	seq.s32 s7, s2  }
0x1e: {  	s7 =	smul.u32 @!p0 $0xF7A, s2;
	p2 =	seq.s32 @!p0 s5, $0x0  }
0x1f: {  	s9 =	smul.u32 $0xF7A, s1;
	s8 =	simm.s32 @!p0 $0x1BF5;
	p2 =	por !p2, p0  }
0x20: {  	[sflag:s8] =	ssyncset.s32 @!p0 $0xFFFFF086;
	s6 =	sadd.s32 @!p0 s3, s7;
	s7 =	simm.s32 @!p0 $0x108  }
0x21: {  	s3 =	sadd.s32 s3, s9;
	s6 =	sadd.s32 @!p0 $0x88, s6;
	s7 =	simm.s32 @p2 $0x1082  }
0x22: {  	[simem:s7], [sflag:s8] =	dma.local @!p0 [hbm:s6], $0xF7A  }
0x23: {  	s9 =	sor.u32 $0xD0000000, s2;
	s6 =	simm.s32 $0x108;
	_ =	swait.ge @!p0 [sflag:s8], $0x0  }
0x24: {  	s3 =	sadd.s32 $0x88, s3;
	s6 =	simm.s32 @!p1 $0x1082;
	[sflag:s4] =	ssyncset.s32 $0xFFFFF086  }
0x25: {  	[simem:s6], [sflag:s4] =	dma.local [hbm:s3], $0xF7A  }
0x26: {  	[smem:$0x3F9D] =	sst s1;
	(tag) =	ssettag s2;
	_ =	strace s9  }
0x27: {  	s1 =	sld [smem:$0x3FAD]  }
0x28: {  	s2 =	sld [smem:$0x3FAE]  }
0x29: {  	s4 =	sld [smem:$0x3FB0]  }
0x2a: {  	p0 =	seq.s32 s5, $0x0;
	s5 =	sld [smem:$0x3FB1]  }
0x2b: {  	s6 =	sld [smem:$0x3FB2]  }
0x2c: {  	s7 =	sld [smem:$0x3FB3]  }
0x2d: {  	s3 =	simm.s32 $0x108;
	s8 =	sld [smem:$0x3FB4]  }
0x2e: {  	s3 =	simm.s32 @!p0 $0x1082;
	s9 =	sld [smem:$0x3FB5]  }
0x2f: {  	lr =	sadd.s32 s0, s3;
	s0 =	sld [smem:$0x3FAC]  }
0x30: {  	s3 =	sld [smem:$0x3FAF]  }
0x31: {  	[smem:$0x3FB8] =	sst s10  }
0x32: {  	s10 =	sld [smem:$0x3FB6];
	_ =	sdelay $0x3  }
0x33: {  	p0 =	seq.s32 s10, $0x1;
	s10 =	sld [smem:$0x3FB8];
	_ =	sdelay $0x3  }
0x34: {  	[smem:$0x3FB8] =	sst s10  }
0x35: {  	s10 =	sld [smem:$0x3FB7];
	_ =	sdelay $0x3  }
0x36: {  	p1 =	seq.s32 s10, $0x1;
	s10 =	sld [smem:$0x3FB8];
	_ =	sdelay $0x3  }
0x37: {  	[smem:$0x3FB8] =	sst s10  }
0x38: {  	s10 =	sld [smem:$0x3FB9]  }
0x39: {  	_ = 	snop;
	(pc) =	sbr.ind lr, $3  }
0x3a: {  	_ = 	snop  }
0x3b: {  	_ = 	snop  }
0x3c: {  	p2 =	seq.s32 s10, $0x1;
	s10 =	sld [smem:$0x3FB8]  }
0x3d: {  	_ =	shalt  }
0x3e: {  	_ =	shalt  }
0x3f: {  	_ =	shalt  }
0x40: {  	_ =	shalt  }
0x41: {  	_ =	shalt  }
0x42: {  	_ =	shalt  }
0x43: {  	_ =	shalt  }
0x44: {  	_ =	shalt  }
0x45: {  	_ =	shalt  }
0x46: {  	_ =	shalt  }
0x47: {  	_ =	shalt  }
0x48: {  	_ =	shalt  }
0x49: {  	_ =	shalt  }
0x4a: {  	_ =	shalt  }
0x4b: {  	_ =	shalt  }
0x4c: {  	_ =	shalt  }
0x4d: {  	_ =	shalt  }
0x4e: {  	_ =	shalt  }
0x4f: {  	_ =	shalt  }
0x50: {  	_ =	shalt  }
0x51: {  	_ =	shalt  }
0x52: {  	_ =	shalt  }
0x53: {  	_ =	shalt  }
0x54: {  	_ =	shalt  }
0x55: {  	_ =	shalt  }
0x56: {  	_ =	shalt  }
0x57: {  	_ =	shalt  }
0x58: {  	_ =	shalt  }
0x59: {  	_ =	shalt  }
0x5a: {  	_ =	shalt  }
0x5b: {  	_ =	shalt  }
0x5c: {  	_ =	shalt  }
0x5d: {  	_ =	shalt  }
0x5e: {  	_ =	shalt  }
0x5f: {  	_ =	shalt  }
0x60: {  	_ =	shalt  }
0x61: {  	_ =	shalt  }
0x62: {  	_ =	shalt  }
0x63: {  	_ =	shalt  }
0x64: {  	_ =	shalt  }
0x65: {  	_ =	shalt  }
0x66: {  	_ =	shalt  }
0x67: {  	_ =	shalt  }
0x68: {  	_ =	shalt  }
0x69: {  	_ =	shalt  }
0x6a: {  	_ =	shalt  }
0x6b: {  	_ =	shalt  }
0x6c: {  	_ =	shalt  }
0x6d: {  	_ =	shalt  }
0x6e: {  	_ =	shalt  }
0x6f: {  	_ =	shalt  }
0x70: {  	_ =	shalt  }
0x71: {  	_ =	shalt  }
0x72: {  	_ =	shalt  }
0x73: {  	_ =	shalt  }
0x74: {  	_ =	shalt  }
0x75: {  	_ =	shalt  }
0x76: {  	_ =	shalt  }
0x77: {  	_ =	shalt  }
0x78: {  	_ =	shalt  }
0x79: {  	_ =	shalt  }
0x7a: {  	_ =	shalt  }
0x7b: {  	_ =	shalt  }
0x7c: {  	_ =	shalt  }
0x7d: {  	_ =	shalt  }
0x7e: {  	_ =	shalt  }
0x7f: {  	_ =	shalt  }
0x80: {  	_ =	shalt  }
0x81: {  	_ =	shalt  }
0x82: {  	_ =	shalt  }
0x83: {  	_ =	shalt  }
0x84: {  	_ =	shalt  }
0x85: {  	_ =	shalt  }
0x86: {  	_ =	shalt  }
0x87: {  	_ =	shalt  }
.Lfunc_end0:
.L_simem_size_0:
called_computation_lowered:
.L_overlay_start_0:
0x88: {  	s2 =	sld [smem:$0x3FD9]  }
0x89: {  	s3 =	sld [smem:$0x3FFE];
	_ =	sdelay $0x1  }
0x8a: {  	s1 =	srdreg.scid  }
0x8b: {  	s0 =	sand.u32 $0x1, s1  }
0x8c: {  	s16 =	sshll.u32 s0, $0xA;
	s2 =	sadd.s32 s3, s2  }
0x8d: {  	s2 =	sadd.s32 s2, s16  }
0x8e: {  	[smem:$0x3FC4] =	sst s2  }
0x8f: {  	_ = 	snop  }
0x90: {  	(tm) =	ssettm $0x1  }
0x91: {  	s17 =	sld [smem:$0x3FFB];
	_ =	sdelay $0x3  }
0x92: {  	_ =	strace s17  }
0x93: {  	s2 =	sld [smem:$0x3FFC];
	_ =	sdelay $0x3  }
0x94: {  	_ =	strace s2  }
0x95: {  	s2 =	sld [smem:$0x3FFD];
	_ =	sdelay $0x3  }
0x96: {  	_ =	strace s2  }
0x97: {  	_ =	strace $0x8FFFFFFF  }
0x98: {  	s18 =	sld [smem:$0x3FDB];
	_ =	sdelay $0x1  }
0x99: {  	s19 =	simm.s32 $_scs_section_size  }
0x9a: {  	s4 =	simm.s32 $_size__tile_overlayer_lowered;
	s5 =	simm.s32 $_tile_overlayer_lowered  }
0x9b: {  	s22 =	simm.s32 $0x1BFF;
	s21 =	sshll.u32 s5, $0x1;
	s2 =	sadd.s32 s19, s18  }
0x9c: {  	s6 =	simm.s32 $0x0;
	s20 =	sshll.u32 s4, $0x1;
	s4 =	sadd.s32 s21, s2  }
0x9d: {  	[timem:s6], [sflag:s22] =	dma.local [hbm:s4], s20  }
0x9e: {  	_ =	swait.ge [sflag:s22], s20  }
0x9f: {  	s3 =	ssub.s32 $0x0, s20;
	[sflag:s22] =	ssyncset.done $0x0  }
0xa0: {  	[sflag:s22] =	ssyncadd.s32 s3;
	_ =	sdelay $0x1  }
0xa1: {  	s23 =	simm.s32 $0x1B8B  }
0xa2: {  	_ =	swait.ge [sflag:s23], $0x1  }
0xa3: {  	[sflag:s23] =	ssyncset.done $0x0  }
0xa4: {  	s25 =	simm.s32 $0x1B8E;
	s24 =	sld [smem:$0x3FFE];
	[sflag:s23] =	ssyncadd.s32 $0xFFFFFFFF  }
0xa5: {  	s26 =	simm.s32 $execute0_lowered;
	[smem:$0x3FD2] =	sst s25  }
0xa6: {  	s4 =	sshll.u32 s26, $0x1;
	_ =	strace $0x80000046;
	[dreg:$0x1] =	wrdreg $0xFFFFFFFF  }
0xa7: {  	s28 =	simm.s32 $_size_execute0_lowered;
	s2 =	sadd.s32 s2, s4;
	[dreg:$0x0] =	wrdreg $0x0  }
0xa8: {  	s4 =	sshll.u32 s28, $0x1;
	[dreg:$0x2] =	wrdreg s2  }
0xa9: {  	[dreg:$0x3] =	wrdreg s4  }
0xaa: {  	[dreg:$0x4] =	wrdreg $0xC0  }
0xab: {  	_ =	task [dreg:s6], $0x5FFFF  }
0xac: {  	[dreg:$0x1] =	wrdreg $0xFFFFFFFF  }
0xad: {  	[dreg:$0x0] =	wrdreg $0x60  }
0xae: {  	[dreg:$0x2] =	wrdreg s24  }
0xaf: {  	[dreg:$0x3] =	wrdreg $0x9  }
0xb0: {  	_ =	task.clear_ibuf [dreg:s6], $0x4FFFF;
	_ =	strace $0x90000046  }
0xb1: {  	s29 =	simm.s32 $0x9;
	_ =	strace $0x80000048  }
0xb2: {  	_ =	swait.ge [sflag:s29], $0x1  }
0xb3: {  	[sflag:s29] =	ssyncadd.s32 $0xFFFFFFFF  }
0xb4: {  	_ =	strace $0x90000048  }
0xb5: {  	_ =	sfence  }
0xb6: {  	s30 =	sld [smem:$0x0];
	_ =	sdelay $0x2  }
0xb7: {  	s31 =	sshll.u32 s1, $0xD;
	s1 =	sshrl.u32 s1, $0x2  }
0xb8: {  	s3 =	sand.u32 $0x4000, s31;
	s1 =	sadd.s32 s1, s30  }
0xb9: {  	s0 =	sor.u32 s3, s0;
	s1 =	sshll.u32 s1, $0x11  }
0xba: {  	s0 =	sor.u32 s1, s0  }
0xbb: {  	s0 =	sadd.s32 $0x8F2B, s0  }
0xbc: {  	[sflag:s0] =	ssyncadd.remote.s32 $0x1  }
0xbd: {  	_ =	sfence.sel $0xFFFF  }
0xbe: {  	[dreg:$0x0] =	wrdreg $0xFFFFFFFF;
	(pc) =	sbr.abs _section_cstart, $3  }
0xbf: {  	[dreg:$0x1] =	wrdreg $0xFFFFFFFF  }
0xc0: {  	_ =	task.clear_ibuf [dreg:s6], $0x2FFFF;
	_ =	strace $0x9FFFFFFF  }
0xc1: {  	(tm) =	ssettm $0x7FFFFFFF  }
tec
execute0_lowered:
.L_overlay_start_1:
0x0: {  	(tag) =	ssettag $0x1  }
0x1: {  	s0 =	rddreg [dreg:$0x0];
	s2 =	simm.s32 $0x0  }
0x2: {  	s3 =	srdreg.scid;
	s1 =	stileid.u32;
	s22 =	simm.s32 $0x2  }
0x3: {  	s23 =	simm.s32 $0x10000;
	s24 =	simm.s32 $0x3;
	s25 =	simm.s32 $0x0  }
0x4: {  	[smem:$0x7FF] =	sst s2;
	s3 =	sand.u32 $0x1, s3;
	s4 =	sshll.u32 s1, $0x1  }
0x5: {  	s15 =	sadd.s32 $0x60000, s0;
	s17 =	sadd.s32 $0x20000, s0;
	s18 =	sadd.s32 $0x40000, s0  }
0x6: {  	_ =	strace $0x80000047;
	s4 =	sor.u32 s3, s4;
	s3 =	ssub.s32 $0x2, s3  }
0x7: {  	s5 =	sshll.u32 s4, $0x7;
	s31 =	sshrl.u32 s3, $0x1;
	s14 =	sshll.u32 s4, $0xC  }
0x8: {  	s19 =	sadd.s32 s5, s0;
	s20 =	ssub.s32 s3, s31;
	s3 =	sadd.s32 s15, s14  }
0x9: {  	s4 =	sadd.s32 s0, s14;
	s5 =	sadd.s32 s17, s14;
	s6 =	sadd.s32 s18, s14  }
0xa: {  	s10 =	sor.u32 $0x400, s14;
	s16 =	sor.u32 $0x800, s14;
	s21 =	sor.u32 $0xC00, s14  }
0xb: {  	s7 =	sadd.s32 s15, s10;
	s8 =	sadd.s32 s0, s10;
	s9 =	sadd.s32 s17, s10  }
0xc: {  	s10 =	sadd.s32 s18, s10;
	s11 =	sadd.s32 s15, s16;
	s12 =	sadd.s32 s0, s16  }
0xd: {  	s13 =	sadd.s32 s17, s16;
	s14 =	sadd.s32 s18, s16;
	s15 =	sadd.s32 s15, s21  }
0xe: {  	s16 =	sadd.s32 s0, s21;
	s17 =	sadd.s32 s17, s21;
	s18 =	sadd.s32 s18, s21  }
0xf: {  	v0 =	vimm.f32 $0.0e+00;
	s19 =	sadd.s32 $0x80000, s19;
	s20 =	smax.u32 s20, $0x1;
	s21 =	simm.s32 $0x1  }
.LBB2_1:
0x10: {  	s0 =	simm.s32 $0x10  }
0x11: {  	s29 =	sadd.s32 $0x0, s3;
	s26 =	simm.s32 $0x100;
	s28 =	simm.s32 $0x0  }
.LBB2_2:
0x12: {  	[tilespmem:s28], [sflag:$0x1] =	stream.linear.gather [hbm4b:s29+s2], $0x80, $0x38;
	[tilespmem:$0x10400] =	vst v63  }
0x13: {  	s29 =	smov.u32 s0;
	s28 =	smov.u32 s26;
	p0 =	sne.s32 s0, $0x3F0  }
.Ltmp0:
0x14: {  	s0 =	sadd.s32 $0x10, s0;
	(pc) =	sbr.rel @p0 .LBB2_2-.Ltmp0, $2  }
0x15: {  	_ =	sdelay $0x2  }
0x16: {  	s26 =	sadd.s32 $0x100, s26;
	s29 =	sadd.s32 s29, s3  }
0x17: {  	[tilespmem:s28], [sflag:$0x1] =	stream.linear.gather [hbm4b:s29+s2], $0x80, $0x38;
	[tilespmem:$0x10400] =	vst v63  }
0x18: {  	s0 =	simm.s32 $0x4000  }
0x19: {  	s26 =	simm.s32 $0x10;
	s29 =	sadd.s32 $0x0, s4;
	s28 =	simm.s32 $0x4100  }
.LBB2_4:
0x1a: {  	[tilespmem:s0], [sflag:$0x1] =	stream.linear.gather [hbm4b:s29+s2], $0x80, $0x38;
	[tilespmem:$0x10400] =	vst v63  }
0x1b: {  	s29 =	smov.u32 s26;
	s0 =	smov.u32 s28;
	p0 =	sne.s32 s26, $0x3F0  }
.Ltmp1:
0x1c: {  	s26 =	sadd.s32 $0x10, s26;
	(pc) =	sbr.rel @p0 .LBB2_4-.Ltmp1, $2  }
0x1d: {  	_ =	sdelay $0x2  }
0x1e: {  	s28 =	sadd.s32 $0x100, s28;
	s29 =	sadd.s32 s29, s4  }
0x1f: {  	[tilespmem:s0], [sflag:$0x1] =	stream.linear.gather [hbm4b:s29+s2], $0x80, $0x38;
	[tilespmem:$0x10400] =	vst v63  }
0x20: {  	s0 =	simm.s32 $0x8000  }
0x21: {  	s26 =	simm.s32 $0x10;
	s29 =	sadd.s32 $0x0, s5;
	s28 =	simm.s32 $0x8100  }
.LBB2_6:
0x22: {  	[tilespmem:s0], [sflag:$0x1] =	stream.linear.gather [hbm4b:s29+s2], $0x80, $0x38;
	[tilespmem:$0x10400] =	vst v63  }
0x23: {  	s29 =	smov.u32 s26;
	s0 =	smov.u32 s28;
	p0 =	sne.s32 s26, $0x3F0  }
.Ltmp2:
0x24: {  	s26 =	sadd.s32 $0x10, s26;
	(pc) =	sbr.rel @p0 .LBB2_6-.Ltmp2, $2  }
0x25: {  	_ =	sdelay $0x2  }
0x26: {  	s28 =	sadd.s32 $0x100, s28;
	s29 =	sadd.s32 s29, s5  }
0x27: {  	[tilespmem:s0], [sflag:$0x1] =	stream.linear.gather [hbm4b:s29+s2], $0x80, $0x38;
	[tilespmem:$0x10400] =	vst v63  }
0x28: {  	s0 =	simm.s32 $0xC000  }
0x29: {  	s26 =	simm.s32 $0x10;
	s29 =	sadd.s32 $0x0, s6;
	s28 =	simm.s32 $0xC100  }
.LBB2_8:
0x2a: {  	[tilespmem:s0], [sflag:$0x1] =	stream.linear.gather [hbm4b:s29+s2], $0x80, $0x38;
	[tilespmem:$0x10400] =	vst v63  }
0x2b: {  	s29 =	smov.u32 s26;
	s0 =	smov.u32 s28;
	p0 =	sne.s32 s26, $0x3F0  }
.Ltmp3:
0x2c: {  	s26 =	sadd.s32 $0x10, s26;
	(pc) =	sbr.rel @p0 .LBB2_8-.Ltmp3, $2  }
0x2d: {  	_ =	sdelay $0x2  }
0x2e: {  	s28 =	sadd.s32 $0x100, s28;
	s29 =	sadd.s32 s29, s6  }
0x2f: {  	[tilespmem:s0], [sflag:$0x1] =	stream.linear.gather [hbm4b:s29+s2], $0x80, $0x38;
	[tilespmem:$0x10400] =	vst v63  }
0x30: {  	_ =	swait.ge [sflag:s21], $0x2000  }
0x31: {  	[sflag:s21] =	ssyncset.done $0x0  }
0x32: {  	[sflag:s21] =	ssyncadd.s32 $0xFFFFE000  }
0x33: {  	_ =	swait.ge [sflag:s21], $0x2000  }
0x34: {  	[sflag:s21] =	ssyncset.done $0x0  }
0x35: {  	[sflag:s21] =	ssyncadd.s32 $0xFFFFE000  }
0x36: {  	_ =	swait.ge [sflag:s21], $0x2000  }
0x37: {  	[sflag:s21] =	ssyncset.done $0x0  }
0x38: {  	[sflag:s21] =	ssyncadd.s32 $0xFFFFE000  }
0x39: {  	_ =	swait.ge [sflag:s21], $0x2000  }
0x3a: {  	s0 =	simm.s32 $0x80;
	s26 =	simm.s32 $0x10;
	[sflag:s21] =	ssyncset.done $0x0  }
0x3b: {  	s29 =	sadd.s32 $0x0, s7;
	s28 =	simm.s32 $0x180;
	[sflag:s21] =	ssyncadd.s32 $0xFFFFE000  }
.LBB2_10:
0x3c: {  	[tilespmem:s0], [sflag:$0x2] =	stream.linear.gather [hbm4b:s29+s2], $0x80, $0x38;
	[tilespmem:$0x10400] =	vst v63  }
0x3d: {  	s29 =	smov.u32 s26;
	s0 =	smov.u32 s28;
	p0 =	sne.s32 s26, $0x3F0  }
.Ltmp4:
0x3e: {  	s26 =	sadd.s32 $0x10, s26;
	(pc) =	sbr.rel @p0 .LBB2_10-.Ltmp4, $2  }
0x3f: {  	_ =	sdelay $0x2  }
0x40: {  	s28 =	sadd.s32 $0x100, s28;
	s29 =	sadd.s32 s29, s7  }
0x41: {  	[tilespmem:s0], [sflag:$0x2] =	stream.linear.gather [hbm4b:s29+s2], $0x80, $0x38;
	[tilespmem:$0x10400] =	vst v63  }
0x42: {  	s0 =	simm.s32 $0x4080  }
0x43: {  	s26 =	simm.s32 $0x10;
	s29 =	sadd.s32 $0x0, s8;
	s28 =	simm.s32 $0x4180  }
.LBB2_12:
0x44: {  	[tilespmem:s0], [sflag:$0x2] =	stream.linear.gather [hbm4b:s29+s2], $0x80, $0x38;
	[tilespmem:$0x10400] =	vst v63  }
0x45: {  	s29 =	smov.u32 s26;
	s0 =	smov.u32 s28;
	p0 =	sne.s32 s26, $0x3F0  }
.Ltmp5:
0x46: {  	s26 =	sadd.s32 $0x10, s26;
	(pc) =	sbr.rel @p0 .LBB2_12-.Ltmp5, $2  }
0x47: {  	_ =	sdelay $0x2  }
0x48: {  	s28 =	sadd.s32 $0x100, s28;
	s29 =	sadd.s32 s29, s8  }
0x49: {  	[tilespmem:s0], [sflag:$0x2] =	stream.linear.gather [hbm4b:s29+s2], $0x80, $0x38;
	[tilespmem:$0x10400] =	vst v63  }
0x4a: {  	s0 =	simm.s32 $0x8080  }
0x4b: {  	s26 =	simm.s32 $0x10;
	s29 =	sadd.s32 $0x0, s9;
	s28 =	simm.s32 $0x8180  }
.LBB2_14:
0x4c: {  	[tilespmem:s0], [sflag:$0x2] =	stream.linear.gather [hbm4b:s29+s2], $0x80, $0x38;
	[tilespmem:$0x10400] =	vst v63  }
0x4d: {  	s29 =	smov.u32 s26;
	s0 =	smov.u32 s28;
	p0 =	sne.s32 s26, $0x3F0  }
.Ltmp6:
0x4e: {  	s26 =	sadd.s32 $0x10, s26;
	(pc) =	sbr.rel @p0 .LBB2_14-.Ltmp6, $2  }
0x4f: {  	_ =	sdelay $0x2  }
0x50: {  	s28 =	sadd.s32 $0x100, s28;
	s29 =	sadd.s32 s29, s9  }
0x51: {  	[tilespmem:s0], [sflag:$0x2] =	stream.linear.gather [hbm4b:s29+s2], $0x80, $0x38;
	[tilespmem:$0x10400] =	vst v63  }
0x52: {  	s26 =	simm.s32 $0x0;
	s0 =	simm.s32 $0xC080;
	s28 =	simm.s32 $0x0  }
.LBB2_16:
0x53: {  	p0 =	sne.s32 s28, $0x3F0  }
.Ltmp7:
0x54: {  	_ = 	snop;
	(pc) =	sbr.rel @p0 .LBB2_16-.Ltmp7, $4  }
0x55: {  	_ = 	snop  }
0x56: {  	s29 =	sadd.s32 s28, s10  }
0x57: {  	[tilespmem:s0], [sflag:$0x2] =	stream.linear.gather [hbm4b:s29+s26], $0x80, $0x38;
	[tilespmem:$0x10400] =	vst v63  }
0x58: {  	s28 =	sadd.s32 $0x10, s28;
	s0 =	sadd.s32 $0x100, s0  }
0x59: {  	s0 =	sand.u32 $0x40, s26;
	s28 =	sand.u32 $0x3F00, s26  }
0x5a: {  	s29 =	sor.u32 s0, s28  }
0x5b: {  	v18 =	vld [tilespmem:s29+$0x30]  }
0x5c: {  	v2 =	vld [tilespmem:s29+$0x4030]  }
0x5d: {  	v16 =	vld [tilespmem:s29+$0x20]  }
0x5e: {  	v17 =	vld [tilespmem:s29+$0x4020]  }
0x5f: {  	v15 =	vld [tilespmem:s29+$0x10]  }
0x60: {  	v20 =	vld [tilespmem:s29+$0x4010]  }
0x61: {  	v14 =	vld [tilespmem:s29+$0x0]  }
0x62: {  	v19 =	vld [tilespmem:s29+$0x4000]  }
0x63: {  	v13 =	vld [tilespmem:s29+$0x8030];
	_ =	sdelay $0x1  }
0x64: {  	v1 =	vimm.f32 $0.0e+00  }
0x65: {  	v3 =	vand.u32 $0x7FFFFFFF, v16;
	v4 =	vand.u32 $0x7FFFFFFF, v18;
	v5 =	vsub.f32 v18, v2  }
0x66: {  	v6 =	vand.u32 $0x7FFFFFFF, v15;
	v7 =	vsub.f32 v15, v20;
	v8 =	vsub.f32 v16, v17  }
0x67: {  	v9 =	vand.u32 $0x7FFFFFFF, v14;
	v10 =	vsub.f32 v14, v19;
	vm0 =	vgt.f32 v13, $5.000000000e-01  }
0x68: {  	v4 =	vsub.f32 $0.0e+00, v4;
	v3 =	vsub.f32 $0.0e+00, v3;
	v11 =	vmul.f32 $5.000000000e+01, v8  }
0x69: {  	v12 =	vmul.f32 $5.000000000e+01, v5;
	v5 =	vsub.f32 $0.0e+00, v6;
	v6 =	vmul.f32 $5.000000000e+01, v7  }
0x6a: {  	v7 =	vsub.f32 $0.0e+00, v9;
	v10 =	vmul.f32 $5.000000000e+01, v10;
	v4 =	vmul.f32 $1.442695020e+00, v4  }
0x6b: {  	v22 =	vld [tilespmem:s29+$0xC030];
	v8 =	vimm.f32 $0.0e+00;
	v3 =	vmul.f32 $1.442695020e+00, v3;
	v5 =	vmul.f32 $1.442695020e+00, v5  }
0x6c: {  	v9 =	vimm.f32 $0.0e+00;
	(erf) = vpow2.f32 v4;
	v4 =	vmul.f32 $1.442695020e+00, v7  }
0x6d: {  	v7 =	vand.u32 $0x7FFFFFFF, v12;
	(erf) = vpow2.f32 v3;
	v3 =	vand.u32 $0x7FFFFFFF, v11  }
0x6e: {  	v23 =	vld [tilespmem:s29+$0x8020];
	v7 =	vsub.f32 $0.0e+00, v7;
	(erf) = vpow2.f32 v5;
	v5 =	vand.u32 $0x7FFFFFFF, v6  }
0x6f: {  	v25 =	vld [tilespmem:s29+$0xC020];
	v3 =	vsub.f32 $0.0e+00, v3;
	(erf) = vpow2.f32 v4;
	v4 =	vand.u32 $0x7FFFFFFF, v10  }
0x70: {  	v26 =	vld [tilespmem:s29+$0x8010];
	v27 =	vsub.f32 $0.0e+00, v5;
	v21 =	vmul.f32 $1.442695020e+00, v7;
	v7 =	vsub.f32 v2, v22  }
0x71: {  	v29 =	vld [tilespmem:s29+$0xC010];
	v5 =	vimm.f32 $0.0e+00;
	v2 =	vimm.f32 $0.0e+00;
	v30 =	vsub.f32 $0.0e+00, v4  }
0x72: {  	s28 =	simm.s32 $0x40;
	v28 =	vld [tilespmem:s29+$0x8000];
	v24 =	vmul.f32 $1.442695020e+00, v3;
	v3 =	vimm.f32 $0.0e+00;
	v4 =	vimm.f32 $0.0e+00  }
.LBB2_18:
0x73: {  	p0 =	sne.s32 s28, $0x1FC0;
	v31 =	vld [tilespmem:s29+$0xC000];
	v27 =	vmul.f32 $1.442695020e+00, v27;
	vm1 =	vgt.f32 v23, $5.000000000e-01;
	(erf) = vpow2.f32 v21  }
0x74: {  	v35 =	vmul.f32 $1.442695020e+00, v30;
	v32 =	vsub.f32 v17, v25;
	(erf) = vpow2.f32 v24  }
0x75: {  	v17 =	vmul.f32 v13, v18;
	vm2 =	vgt.f32 v26, $5.000000000e-01;
	(erf) = vpow2.f32 v27  }
0x76: {  	v21 =	vmax.f32 v18, $0.0e+00;
	v33 =	vsub.f32 v20, v29;
	(erf) = vpow2.f32 v35;
	v30 =	vpop (erf)  }
0x77: {  	v18 =	vmul.f32 v23, v16;
	vm4 =	vgt.f32 v28, $5.000000000e-01;
	v27 =	vadd.f32 $2.000000000e+00, v30;
	v34 =	vpop (erf)  }
0x78: {  	v24 =	vmax.f32 v16, $0.0e+00;
	v19 =	vsub.f32 v19, v31;
	v35 =	vadd.f32 $2.000000000e+00, v34;
	v36 =	vpop (erf)  }
0x79: {  	v20 =	vmul.f32 v26, v15;
	v16 =	vadd.f32 $2.000000000e+00, v36;
	v37 =	vpop (erf);
	(erf) = vrcp.f32 v27  }
0x7a: {  	v39 =	vsub.f32 v13, v22;
	v40 =	vadd.f32 $2.000000000e+00, v37;
	(erf) = vrcp.f32 v35  }
0x7b: {  	v22 =	vmul.f32 v28, v14;
	v27 =	vmax.f32 v15, $0.0e+00;
	(erf) = vrcp.f32 v16  }
0x7c: {  	v26 =	vsub.f32 v26, v29;
	v35 =	vsub.f32 v23, v25;
	(erf) = vrcp.f32 v40;
	v38 =	vpop (erf)  }
0x7d: {  	v29 =	vmax.f32 v14, $0.0e+00;
	v28 =	vsub.f32 v28, v31;
	v13 =	vadd.f32 $2.000000000e+00, v38;
	v31 =	vpop (erf)  }
0x7e: {  	v15 =	vsel vm0, $0x3F800000, v0;
	v16 =	vsel vm1, $0x3F800000, v0;
	v14 =	vadd.f32 $2.000000000e+00, v31;
	v40 =	vpop (erf)  }
0x7f: {  	v23 =	vsel vm2, $0x3F800000, v0;
	v41 =	vadd.f32 $2.000000000e+00, v40;
	v42 =	vpop (erf);
	(erf) = vrcp.f32 v13  }
0x80: {  	v25 =	vsel vm4, $0x3F800000, v0;
	v43 =	vadd.f32 $2.000000000e+00, v42;
	(erf) = vrcp.f32 v14  }
0x81: {  	v44 =	vmul.f32 $5.000000000e+01, v39;
	v13 =	vand.u32 $0x7FFFFFFF, v32;
	(erf) = vrcp.f32 v41  }
0x82: {  	v14 =	vand.u32 $0x7FFFFFFF, v33;
	v33 =	vmul.f32 $5.000000000e+01, v35;
	(erf) = vrcp.f32 v43;
	v35 =	vpop (erf)  }
0x83: {  	v26 =	vmul.f32 $5.000000000e+01, v26;
	v28 =	vmul.f32 $5.000000000e+01, v28;
	v19 =	vand.u32 $0x7FFFFFFF, v19;
	v39 =	vpop (erf)  }
0x84: {  	vm3 =	vgt.f32 v44, $5.000000000e-01;
	v35 =	vmul.f32 v35, v30;
	v30 =	vmul.f32 v44, v12;
	v32 =	vpop (erf)  }
0x85: {  	vm5 =	vgt.f32 v33, $5.000000000e-01;
	v34 =	vmul.f32 v39, v34;
	v32 =	vmul.f32 v32, v36;
	v36 =	vpop (erf)  }
0x86: {  	vm6 =	vgt.f32 v26, $5.000000000e-01;
	v36 =	vmul.f32 v36, v37;
	v37 =	vmul.f32 v35, v35  }
0x87: {  	v12 =	vmax.f32 v12, $0.0e+00;
	v41 =	vmul.f32 v34, v34;
	v39 =	vmul.f32 v32, v32  }
0x88: {  	v35 =	vadd.f32 v35, v35;
	v43 =	vmul.f32 v36, v36;
	v44 =	vmul.f32 $1.428571490e-01, v37;
	v45 =	vpop (erf)  }
0x89: {  	v34 =	vadd.f32 v34, v34;
	v47 =	vmul.f32 $1.428571490e-01, v41;
	v46 =	vmul.f32 $1.428571490e-01, v39;
	v48 =	vpop (erf)  }
0x8a: {  	v32 =	vadd.f32 v32, v32;
	v38 =	vmul.f32 v45, v38;
	v31 =	vmul.f32 v48, v31;
	v45 =	vpop (erf)  }
0x8b: {  	v36 =	vadd.f32 v36, v36;
	v48 =	vmul.f32 $1.428571490e-01, v43;
	v40 =	vmul.f32 v45, v40;
	v45 =	vpop (erf)  }
0x8c: {  	v49 =	vadd.f32 v38, v38;
	v42 =	vmul.f32 v45, v42;
	v45 =	vadd.f32 v31, v31  }
0x8d: {  	v47 =	vadd.f32 $2.000000030e-01, v47;
	v44 =	vadd.f32 $2.000000030e-01, v44;
	v38 =	vmul.f32 v38, v38  }
0x8e: {  	v46 =	vadd.f32 $2.000000030e-01, v46;
	v31 =	vmul.f32 v31, v31;
	v50 =	vmul.f32 v40, v40  }
0x8f: {  	v48 =	vadd.f32 $2.000000030e-01, v48;
	v44 =	vmul.f32 v44, v37;
	v51 =	vmul.f32 v42, v42  }
0x90: {  	v47 =	vmul.f32 v47, v41;
	v46 =	vmul.f32 v46, v39;
	v40 =	vadd.f32 v40, v40  }
0x91: {  	v52 =	vmul.f32 $1.428571490e-01, v38;
	v48 =	vmul.f32 v48, v43;
	v42 =	vadd.f32 v42, v42  }
0x92: {  	v47 =	vadd.f32 $3.333333430e-01, v47;
	v53 =	vmul.f32 $1.428571490e-01, v31;
	v44 =	vadd.f32 $3.333333430e-01, v44  }
0x93: {  	v46 =	vadd.f32 $3.333333430e-01, v46;
	v54 =	vmul.f32 $1.428571490e-01, v50;
	v52 =	vadd.f32 $2.000000030e-01, v52  }
0x94: {  	v48 =	vadd.f32 $3.333333430e-01, v48;
	v55 =	vmul.f32 $1.428571490e-01, v51;
	v53 =	vadd.f32 $2.000000030e-01, v53  }
0x95: {  	v41 =	vmul.f32 v47, v41;
	v37 =	vmul.f32 v44, v37;
	v54 =	vadd.f32 $2.000000030e-01, v54  }
0x96: {  	v39 =	vmul.f32 v46, v39;
	v46 =	vmul.f32 v52, v38;
	v44 =	vadd.f32 $2.000000030e-01, v55  }
0x97: {  	v43 =	vmul.f32 v48, v43;
	v47 =	vmul.f32 v53, v31;
	v37 =	vadd.f32 $1.000000000e+00, v37  }
0x98: {  	v41 =	vadd.f32 $1.000000000e+00, v41;
	v39 =	vadd.f32 $1.000000000e+00, v39;
	v48 =	vmul.f32 v54, v50  }
0x99: {  	v46 =	vadd.f32 $3.333333430e-01, v46;
	v43 =	vadd.f32 $1.000000000e+00, v43;
	v44 =	vmul.f32 v44, v51  }
0x9a: {  	v34 =	vmul.f32 v41, v34;
	v41 =	vadd.f32 $3.333333430e-01, v47;
	v35 =	vmul.f32 v37, v35  }
0x9b: {  	v32 =	vmul.f32 v39, v32;
	v37 =	vadd.f32 $3.333333430e-01, v48;
	v38 =	vmul.f32 v46, v38  }
0x9c: {  	v36 =	vmul.f32 v43, v36;
	v39 =	vadd.f32 $3.333333430e-01, v44;
	v31 =	vmul.f32 v41, v31  }
0x9d: {  	v24 =	vadd.f32 v34, v24;
	v21 =	vadd.f32 v35, v21;
	v37 =	vmul.f32 v37, v50  }
0x9e: {  	v27 =	vadd.f32 v32, v27;
	v32 =	vadd.f32 $1.000000000e+00, v38;
	v34 =	vmul.f32 v39, v51  }
0x9f: {  	v33 =	vmul.f32 v33, v11;
	v29 =	vadd.f32 v36, v29;
	v31 =	vadd.f32 $1.000000000e+00, v31  }
0xa0: {  	v11 =	vmax.f32 v11, $0.0e+00;
	v35 =	vadd.f32 $1.000000000e+00, v37;
	v34 =	vadd.f32 $1.000000000e+00, v34  }
0xa1: {  	v36 =	vmax.f32 v6, $0.0e+00;
	v18 =	vsub.f32 v24, v18;
	v17 =	vsub.f32 v21, v17  }
0xa2: {  	v20 =	vsub.f32 v27, v20;
	v24 =	vmul.f32 v32, v49;
	v21 =	vmul.f32 v31, v45  }
0xa3: {  	v22 =	vsub.f32 v29, v22;
	v29 =	vmul.f32 v35, v40;
	v27 =	vmul.f32 v34, v42  }
0xa4: {  	v31 =	vmax.f32 v10, $0.0e+00;
	v12 =	vadd.f32 v24, v12;
	v11 =	vadd.f32 v21, v11  }
0xa5: {  	vm7 =	vgt.f32 v28, $5.000000000e-01;
	v24 =	vadd.f32 v29, v36;
	v21 =	vadd.f32 v27, v31  }
0xa6: {  	v1 =	vadd.f32 v25, v1;
	v25 =	vnsel vm4, $0x0, v22;
	v12 =	vsub.f32 v12, v30  }
0xa7: {  	v10 =	vmul.f32 v28, v10;
	v5 =	vadd.f32 v22, v5;
	v3 =	vadd.f32 v25, v3  }
0xa8: {  	v1 =	vadd.f32 v23, v1;
	v22 =	vnsel vm2, $0x0, v20;
	v11 =	vsub.f32 v11, v33  }
0xa9: {  	s26 =	sadd.s32 $0x80, s26;
	v6 =	vmul.f32 v26, v6;
	v5 =	vadd.f32 v20, v5;
	v3 =	vadd.f32 v22, v3  }
0xaa: {  	s0 =	sand.u32 $0x40, s28;
	s29 =	sand.u32 $0x3F00, s26;
	v1 =	vadd.f32 v16, v1;
	v16 =	vnsel vm1, $0x0, v18;
	v10 =	vsub.f32 v21, v10  }
0xab: {  	s29 =	sor.u32 s0, s29;
	v20 =	vsel vm7, $0x3F800000, v0;
	v5 =	vadd.f32 v18, v5;
	v3 =	vadd.f32 v16, v3  }
0xac: {  	v1 =	vadd.f32 v15, v1;
	v15 =	vnsel vm0, $0x0, v17;
	v6 =	vsub.f32 v24, v6;
	v18 =	vld [tilespmem:s29+$0x30]  }
0xad: {  	v21 =	vnsel vm7, $0x0, v10;
	v5 =	vadd.f32 v17, v5;
	v3 =	vadd.f32 v15, v3;
	v31 =	vld [tilespmem:s29+$0x4030]  }
0xae: {  	v8 =	vadd.f32 v20, v8;
	v20 =	vsel vm6, $0x3F800000, v0;
	v9 =	vadd.f32 v21, v9;
	v16 =	vld [tilespmem:s29+$0x20]  }
0xaf: {  	v4 =	vadd.f32 v19, v4;
	v2 =	vadd.f32 v10, v2;
	v10 =	vnsel vm6, $0x0, v6;
	v17 =	vld [tilespmem:s29+$0x4020]  }
0xb0: {  	v8 =	vadd.f32 v20, v8;
	v9 =	vadd.f32 v10, v9;
	v10 =	vsel vm5, $0x3F800000, v0;
	v15 =	vld [tilespmem:s29+$0x10]  }
0xb1: {  	v4 =	vadd.f32 v14, v4;
	v2 =	vadd.f32 v6, v2;
	v6 =	vnsel vm5, $0x0, v11;
	v20 =	vld [tilespmem:s29+$0x4010]  }
0xb2: {  	v8 =	vadd.f32 v10, v8;
	v6 =	vadd.f32 v6, v9;
	v9 =	vsel vm3, $0x3F800000, v0;
	v14 =	vld [tilespmem:s29+$0x0]  }
0xb3: {  	v4 =	vadd.f32 v13, v4;
	v2 =	vadd.f32 v11, v2;
	v10 =	vnsel vm3, $0x0, v12;
	v19 =	vld [tilespmem:s29+$0x4000]  }
0xb4: {  	v8 =	vadd.f32 v9, v8;
	v9 =	vadd.f32 v10, v6;
	v6 =	vand.u32 $0x7FFFFFFF, v7  }
0xb5: {  	v2 =	vadd.f32 v12, v2;
	v4 =	vadd.f32 v6, v4;
	v7 =	vand.u32 $0x7FFFFFFF, v18  }
0xb6: {  	v10 =	vsub.f32 v18, v31;
	v7 =	vsub.f32 $0.0e+00, v7;
	v6 =	vand.u32 $0x7FFFFFFF, v16  }
0xb7: {  	v11 =	vsub.f32 v16, v17;
	v21 =	vand.u32 $0x7FFFFFFF, v15;
	v22 =	vsub.f32 v15, v20;
	v13 =	vld [tilespmem:s29+$0x8030]  }
0xb8: {  	v12 =	vmul.f32 $5.000000000e+01, v10;
	v23 =	vand.u32 $0x7FFFFFFF, v14;
	v24 =	vsub.f32 v14, v19  }
0xb9: {  	v25 =	vsub.f32 $0.0e+00, v6;
	v7 =	vmul.f32 $1.442695020e+00, v7;
	v11 =	vmul.f32 $5.000000000e+01, v11  }
0xba: {  	v21 =	vsub.f32 $0.0e+00, v21;
	v26 =	vand.u32 $0x7FFFFFFF, v12;
	v6 =	vmul.f32 $5.000000000e+01, v22  }
0xbb: {  	v23 =	vsub.f32 $0.0e+00, v23;
	v10 =	vmul.f32 $5.000000000e+01, v24;
	v24 =	vmul.f32 $1.442695020e+00, v25  }
0xbc: {  	v21 =	vmul.f32 $1.442695020e+00, v21;
	v22 =	vld [tilespmem:s29+$0xC030];
	vm0 =	vgt.f32 v13, $5.000000000e-01;
	(erf) = vpow2.f32 v7  }
.Ltmp8:
0xbd: {  	v7 =	vmul.f32 $1.442695020e+00, v23;
	v23 =	vld [tilespmem:s29+$0x8020];
	(erf) = vpow2.f32 v24;
	(pc) =	sbr.rel @p0 .LBB2_18-.Ltmp8, $4  }
0xbe: {  	v28 =	vsub.f32 $0.0e+00, v26;
	v24 =	vand.u32 $0x7FFFFFFF, v11;
	v25 =	vld [tilespmem:s29+$0xC020];
	(erf) = vpow2.f32 v21  }
0xbf: {  	v21 =	vand.u32 $0x7FFFFFFF, v6;
	v24 =	vsub.f32 $0.0e+00, v24;
	v26 =	vld [tilespmem:s29+$0x8010];
	(erf) = vpow2.f32 v7  }
0xc0: {  	v7 =	vand.u32 $0x7FFFFFFF, v10;
	v27 =	vsub.f32 $0.0e+00, v21;
	v21 =	vmul.f32 $1.442695020e+00, v28;
	v29 =	vld [tilespmem:s29+$0xC010]  }
0xc1: {  	s28 =	sadd.s32 $0x40, s28;
	v30 =	vsub.f32 $0.0e+00, v7;
	v24 =	vmul.f32 $1.442695020e+00, v24;
	v28 =	vld [tilespmem:s29+$0x8000];
	v7 =	vsub.f32 v31, v22  }
0xc2: {  	v27 =	vmul.f32 $1.442695020e+00, v27;
	vm1 =	vgt.f32 v23, $5.000000000e-01  }
0xc3: {  	(erf) = vpow2.f32 v21;
	v21 =	vmax.f32 v18, $0.0e+00;
	v35 =	vmax.f32 v16, $0.0e+00  }
0xc4: {  	v38 =	vsub.f32 v13, v22;
	v30 =	vmul.f32 $1.442695020e+00, v30;
	v32 =	vsub.f32 v17, v25  }
0xc5: {  	(erf) = vpow2.f32 v24;
	v17 =	vmul.f32 v13, v18;
	v50 =	vsub.f32 v23, v25  }
0xc6: {  	v18 =	vsel vm1, $0x3F800000, v0;
	vm2 =	vgt.f32 v26, $5.000000000e-01;
	(erf) = vpow2.f32 v27  }
0xc7: {  	v55 =	vmul.f32 $5.000000000e+01, v38;
	v62 =	vsub.f32 v20, v29;
	(erf) = vpow2.f32 v30  }
0xc8: {  	v31 =	vld [tilespmem:s29+$0xC000];
	v20 =	vmul.f32 v23, v16;
	v49 =	vsub.f32 v26, v29;
	v29 =	vmax.f32 v14, $0.0e+00  }
0xc9: {  	v63 =	vpop (erf);
	v23 =	vsel vm2, $0x3F800000, v0;
	v13 =	vand.u32 $0x7FFFFFFF, v32;
	v24 =	vmul.f32 $5.000000000e+01, v50  }
0xca: {  	vm3 =	vgt.f32 v28, $5.000000000e-01;
	v45 =	vadd.f32 $2.000000000e+00, v63;
	v46 =	vpop (erf);
	v22 =	vmul.f32 v28, v14  }
0xcb: {  	v38 =	vmul.f32 v55, v12;
	vm4 =	vgt.f32 v55, $5.000000000e-01;
	v34 =	vadd.f32 $2.000000000e+00, v46;
	v36 =	vpop (erf)  }
0xcc: {  	v12 =	vmax.f32 v12, $0.0e+00;
	v47 =	vadd.f32 $2.000000000e+00, v36;
	v37 =	vpop (erf);
	(erf) = vrcp.f32 v45  }
0xcd: {  	v33 =	vsub.f32 v19, v31;
	v48 =	vadd.f32 $2.000000000e+00, v37;
	(erf) = vrcp.f32 v34  }
0xce: {  	v19 =	vmul.f32 v26, v15;
	v51 =	vsub.f32 v28, v31;
	(erf) = vrcp.f32 v47  }
0xcf: {  	v43 =	vsel vm3, $0x3F800000, v0;
	v14 =	vand.u32 $0x7FFFFFFF, v62;
	(erf) = vrcp.f32 v48;
	v25 =	vpop (erf)  }
0xd0: {  	v26 =	vmul.f32 $5.000000000e+01, v49;
	vm5 =	vgt.f32 v24, $5.000000000e-01;
	v52 =	vadd.f32 $2.000000000e+00, v25;
	v53 =	vpop (erf)  }
0xd1: {  	v24 =	vmul.f32 v24, v11;
	v11 =	vmax.f32 v11, $0.0e+00;
	v54 =	vadd.f32 $2.000000000e+00, v53;
	v39 =	vpop (erf)  }
0xd2: {  	v1 =	vadd.f32 v43, v1;
	v40 =	vadd.f32 $2.000000000e+00, v39;
	v41 =	vpop (erf);
	(erf) = vrcp.f32 v52  }
0xd3: {  	v34 =	vmax.f32 v15, $0.0e+00;
	v42 =	vadd.f32 $2.000000000e+00, v41;
	(erf) = vrcp.f32 v54  }
0xd4: {  	v28 =	vmul.f32 $5.000000000e+01, v51;
	v16 =	vand.u32 $0x7FFFFFFF, v33;
	(erf) = vrcp.f32 v40  }
0xd5: {  	v1 =	vadd.f32 v23, v1;
	v4 =	vadd.f32 v16, v4;
	(erf) = vrcp.f32 v42;
	v56 =	vpop (erf)  }
0xd6: {  	v15 =	vsel vm0, $0x3F800000, v0;
	vm7 =	vgt.f32 v28, $5.000000000e-01;
	v57 =	vpop (erf);
	v27 =	vmul.f32 v56, v63  }
0xd7: {  	v1 =	vadd.f32 v18, v1;
	v4 =	vadd.f32 v14, v4;
	v58 =	vpop (erf);
	v30 =	vmul.f32 v57, v46  }
0xd8: {  	v32 =	vmul.f32 v58, v36;
	v59 =	vpop (erf);
	v60 =	vmul.f32 v27, v27;
	v27 =	vadd.f32 v27, v27  }
0xd9: {  	v33 =	vmul.f32 v59, v37;
	v62 =	vmul.f32 v30, v30;
	v30 =	vadd.f32 v30, v30  }
0xda: {  	v61 =	vmul.f32 v32, v32;
	v44 =	vmul.f32 $1.428571490e-01, v60;
	v32 =	vadd.f32 v32, v32  }
0xdb: {  	v63 =	vmul.f32 v33, v33;
	v45 =	vpop (erf);
	v47 =	vmul.f32 $1.428571490e-01, v62;
	v33 =	vadd.f32 v33, v33  }
0xdc: {  	v46 =	vmul.f32 $1.428571490e-01, v61;
	v48 =	vpop (erf);
	v25 =	vmul.f32 v45, v25;
	v44 =	vadd.f32 $2.000000030e-01, v44  }
0xdd: {  	v31 =	vmul.f32 v48, v53;
	v55 =	vpop (erf);
	v56 =	vmul.f32 $1.428571490e-01, v63;
	v47 =	vadd.f32 $2.000000030e-01, v47  }
0xde: {  	v39 =	vmul.f32 v55, v39;
	v57 =	vpop (erf);
	v49 =	vadd.f32 v25, v25;
	v25 =	vmul.f32 v25, v25  }
0xdf: {  	v46 =	vadd.f32 $2.000000030e-01, v46;
	v44 =	vmul.f32 v44, v60;
	v41 =	vmul.f32 v57, v41  }
0xe0: {  	v58 =	vadd.f32 v31, v31;
	v31 =	vmul.f32 v31, v31;
	v47 =	vmul.f32 v47, v62  }
0xe1: {  	v48 =	vadd.f32 $2.000000030e-01, v56;
	v50 =	vmul.f32 v39, v39;
	v46 =	vmul.f32 v46, v61  }
0xe2: {  	v39 =	vadd.f32 v39, v39;
	v52 =	vmul.f32 $1.428571490e-01, v25;
	v44 =	vadd.f32 $3.333333430e-01, v44  }
0xe3: {  	v51 =	vmul.f32 v41, v41;
	v48 =	vmul.f32 v48, v63;
	v41 =	vadd.f32 v41, v41  }
0xe4: {  	v47 =	vadd.f32 $3.333333430e-01, v47;
	v53 =	vmul.f32 $1.428571490e-01, v31;
	v46 =	vadd.f32 $3.333333430e-01, v46  }
0xe5: {  	v54 =	vmul.f32 $1.428571490e-01, v50;
	v52 =	vadd.f32 $2.000000030e-01, v52;
	v36 =	vmul.f32 v44, v60  }
0xe6: {  	v48 =	vadd.f32 $3.333333430e-01, v48;
	v55 =	vmul.f32 $1.428571490e-01, v51;
	v53 =	vadd.f32 $2.000000030e-01, v53  }
0xe7: {  	v40 =	vmul.f32 v47, v62;
	v54 =	vadd.f32 $2.000000030e-01, v54;
	v37 =	vmul.f32 v46, v61  }
0xe8: {  	v60 =	vmul.f32 v52, v25;
	v36 =	vadd.f32 $1.000000000e+00, v36;
	v52 =	vmax.f32 v6, $0.0e+00  }
0xe9: {  	v59 =	vadd.f32 $2.000000030e-01, v55;
	v42 =	vmul.f32 v48, v63;
	v61 =	vmul.f32 v53, v31  }
0xea: {  	v40 =	vadd.f32 $1.000000000e+00, v40;
	v37 =	vadd.f32 $1.000000000e+00, v37;
	v62 =	vmul.f32 v54, v50  }
0xeb: {  	v46 =	vadd.f32 $3.333333430e-01, v60;
	v27 =	vmul.f32 v36, v27;
	v42 =	vadd.f32 $1.000000000e+00, v42  }
0xec: {  	v44 =	vmul.f32 v59, v51;
	v30 =	vmul.f32 v40, v30;
	v63 =	vadd.f32 $3.333333430e-01, v61  }
0xed: {  	v32 =	vmul.f32 v37, v32;
	v47 =	vadd.f32 $3.333333430e-01, v62;
	v25 =	vmul.f32 v46, v25  }
0xee: {  	v21 =	vadd.f32 v27, v21;
	v33 =	vmul.f32 v42, v33;
	v48 =	vadd.f32 $3.333333430e-01, v44  }
0xef: {  	v31 =	vmul.f32 v63, v31;
	v30 =	vadd.f32 v30, v35;
	v32 =	vadd.f32 v32, v34  }
0xf0: {  	v36 =	vmul.f32 v47, v50;
	v25 =	vadd.f32 $1.000000000e+00, v25;
	v17 =	vsub.f32 v21, v17  }
0xf1: {  	v50 =	vmul.f32 v48, v51;
	v29 =	vadd.f32 v33, v29;
	v31 =	vadd.f32 $1.000000000e+00, v31  }
0xf2: {  	v6 =	vmul.f32 v26, v6;
	v20 =	vsub.f32 v30, v20;
	v51 =	vadd.f32 $1.000000000e+00, v36  }
0xf3: {  	v25 =	vmul.f32 v25, v49;
	v27 =	vadd.f32 $1.000000000e+00, v50;
	v53 =	vmul.f32 v31, v58  }
0xf4: {  	v19 =	vsub.f32 v32, v19;
	v22 =	vsub.f32 v29, v22;
	v54 =	vmul.f32 v51, v39  }
0xf5: {  	v12 =	vadd.f32 v25, v12;
	v27 =	vmul.f32 v27, v41;
	v11 =	vadd.f32 v53, v11  }
0xf6: {  	v58 =	vnsel vm3, $0x0, v22;
	v5 =	vadd.f32 v22, v5;
	v57 =	vadd.f32 v54, v52  }
0xf7: {  	v55 =	vmax.f32 v10, $0.0e+00;
	v12 =	vsub.f32 v12, v38;
	v3 =	vadd.f32 v58, v3  }
0xf8: {  	v59 =	vnsel vm2, $0x0, v19;
	v56 =	vadd.f32 v27, v55;
	v5 =	vadd.f32 v19, v5  }
0xf9: {  	v10 =	vmul.f32 v28, v10;
	v11 =	vsub.f32 v11, v24;
	v3 =	vadd.f32 v59, v3  }
0xfa: {  	_ =	swait.ge [sflag:s22], $0x2000;
	v60 =	vnsel vm1, $0x0, v20;
	v62 =	vsub.f32 v57, v6;
	v20 =	vadd.f32 v20, v5  }
0xfb: {  	[sflag:s22] =	ssyncset.done $0x0;
	v61 =	vsel vm7, $0x3F800000, v0;
	v10 =	vsub.f32 v56, v10;
	v18 =	vadd.f32 v60, v3  }
0xfc: {  	[sflag:s22] =	ssyncadd.s32 $0xFFFFE000;
	v3 =	vadd.f32 v15, v1;
	v1 =	vnsel vm0, $0x0, v17;
	v6 =	vadd.f32 v17, v20  }
0xfd: {  	_ =	swait.ge [sflag:s22], $0x2000;
	v63 =	vnsel vm7, $0x0, v10;
	v2 =	vadd.f32 v10, v2;
	v5 =	vadd.f32 v1, v18  }
0xfe: {  	vm6 =	vgt.f32 v26, $5.000000000e-01;
	[sflag:s22] =	ssyncset.done $0x0;
	v1 =	vadd.f32 v61, v8;
	v8 =	vadd.f32 v63, v9  }
0xff: {  	[sflag:s22] =	ssyncadd.s32 $0xFFFFE000;
	v10 =	vnsel vm6, $0x0, v62;
	v9 =	vsel vm6, $0x3F800000, v0;
	v2 =	vadd.f32 v62, v2  }
0x100: {  	_ =	swait.ge [sflag:s22], $0x2000;
	v1 =	vadd.f32 v9, v1;
	v8 =	vadd.f32 v10, v8  }
0x101: {  	[sflag:s22] =	ssyncset.done $0x0;
	v9 =	vsel vm5, $0x3F800000, v0;
	v10 =	vnsel vm5, $0x0, v11;
	v2 =	vadd.f32 v11, v2  }
0x102: {  	[sflag:s22] =	ssyncadd.s32 $0xFFFFE000;
	v1 =	vadd.f32 v9, v1;
	v8 =	vadd.f32 v10, v8  }
0x103: {  	_ =	swait.ge [sflag:s22], $0x2000;
	v11 =	vnsel vm4, $0x0, v12;
	v9 =	vsel vm4, $0x3F800000, v0;
	v10 =	vadd.f32 v13, v4  }
0x104: {  	s0 =	simm.s32 $0x0;
	s26 =	simm.s32 $0x10;
	v7 =	vand.u32 $0x7FFFFFFF, v7;
	[sflag:s22] =	ssyncset.done $0x0;
	v4 =	vadd.f32 v9, v1;
	v8 =	vadd.f32 v11, v8  }
0x105: {  	s29 =	sadd.s32 $0x0, s11;
	s28 =	simm.s32 $0x100;
	[sflag:s22] =	ssyncadd.s32 $0xFFFFE000;
	v1 =	vadd.f32 v12, v2;
	v2 =	vadd.f32 v7, v10  }
.LBB2_20:
0x106: {  	[tilespmem:s0], [sflag:$0x1] =	stream.linear.gather [hbm4b:s29+s2], $0x80, $0x38;
	[tilespmem:$0x10400] =	vst v63  }
0x107: {  	s29 =	smov.u32 s26;
	s0 =	smov.u32 s28;
	p0 =	sne.s32 s26, $0x3F0  }
.Ltmp9:
0x108: {  	s26 =	sadd.s32 $0x10, s26;
	(pc) =	sbr.rel @p0 .LBB2_20-.Ltmp9, $2  }
0x109: {  	_ =	sdelay $0x2  }
0x10a: {  	s28 =	sadd.s32 $0x100, s28;
	s29 =	sadd.s32 s29, s11  }
0x10b: {  	[tilespmem:s0], [sflag:$0x1] =	stream.linear.gather [hbm4b:s29+s2], $0x80, $0x38;
	[tilespmem:$0x10400] =	vst v63  }
0x10c: {  	s0 =	simm.s32 $0x4000  }
0x10d: {  	s26 =	simm.s32 $0x10;
	s29 =	sadd.s32 $0x0, s12;
	s28 =	simm.s32 $0x4100  }
.LBB2_22:
0x10e: {  	[tilespmem:s0], [sflag:$0x1] =	stream.linear.gather [hbm4b:s29+s2], $0x80, $0x38;
	[tilespmem:$0x10400] =	vst v63  }
0x10f: {  	s29 =	smov.u32 s26;
	s0 =	smov.u32 s28;
	p0 =	sne.s32 s26, $0x3F0  }
.Ltmp10:
0x110: {  	s26 =	sadd.s32 $0x10, s26;
	(pc) =	sbr.rel @p0 .LBB2_22-.Ltmp10, $2  }
0x111: {  	_ =	sdelay $0x2  }
0x112: {  	s28 =	sadd.s32 $0x100, s28;
	s29 =	sadd.s32 s29, s12  }
0x113: {  	[tilespmem:s0], [sflag:$0x1] =	stream.linear.gather [hbm4b:s29+s2], $0x80, $0x38;
	[tilespmem:$0x10400] =	vst v63  }
0x114: {  	s0 =	simm.s32 $0x8000  }
0x115: {  	s26 =	simm.s32 $0x10;
	s29 =	sadd.s32 $0x0, s13;
	s28 =	simm.s32 $0x8100  }
.LBB2_24:
0x116: {  	[tilespmem:s0], [sflag:$0x1] =	stream.linear.gather [hbm4b:s29+s2], $0x80, $0x38;
	[tilespmem:$0x10400] =	vst v63  }
0x117: {  	s29 =	smov.u32 s26;
	s0 =	smov.u32 s28;
	p0 =	sne.s32 s26, $0x3F0  }
.Ltmp11:
0x118: {  	s26 =	sadd.s32 $0x10, s26;
	(pc) =	sbr.rel @p0 .LBB2_24-.Ltmp11, $2  }
0x119: {  	_ =	sdelay $0x2  }
0x11a: {  	s28 =	sadd.s32 $0x100, s28;
	s29 =	sadd.s32 s29, s13  }
0x11b: {  	[tilespmem:s0], [sflag:$0x1] =	stream.linear.gather [hbm4b:s29+s2], $0x80, $0x38;
	[tilespmem:$0x10400] =	vst v63  }
0x11c: {  	s26 =	simm.s32 $0x0;
	s0 =	simm.s32 $0xC000;
	s28 =	simm.s32 $0x0  }
.LBB2_26:
0x11d: {  	p0 =	sne.s32 s28, $0x3F0  }
.Ltmp12:
0x11e: {  	_ = 	snop;
	(pc) =	sbr.rel @p0 .LBB2_26-.Ltmp12, $4  }
0x11f: {  	_ = 	snop  }
0x120: {  	s29 =	sadd.s32 s28, s14  }
0x121: {  	[tilespmem:s0], [sflag:$0x1] =	stream.linear.gather [hbm4b:s29+s26], $0x80, $0x38;
	[tilespmem:$0x10400] =	vst v63  }
0x122: {  	s28 =	sadd.s32 $0x10, s28;
	s0 =	sadd.s32 $0x100, s0  }
0x123: {  	p0 =	por $0x0, $0x0;
	s0 =	simm.s32 $0x1  }
0x124: {  	s0 =	simm.s32 @!p0 $0x0  }
0x125: {  	s0 =	sshll.u32 s0, $0x6  }
0x126: {  	s0 =	sadd.s32 $0x0, s0  }
0x127: {  	s28 =	sor.u32 $0xB0, s0  }
0x128: {  	v19 =	vld [tilespmem:s28+$0x0]  }
0x129: {  	s31 =	sor.u32 $0xA0, s0;
	v18 =	vld [tilespmem:s28+$0x4000]  }
0x12a: {  	v16 =	vld [tilespmem:s31+$0x0]  }
0x12b: {  	s30 =	sor.u32 $0x90, s0;
	v20 =	vld [tilespmem:s31+$0x4000]  }
0x12c: {  	v15 =	vld [tilespmem:s30+$0x0]  }
0x12d: {  	s29 =	sor.u32 $0x80, s0;
	v21 =	vld [tilespmem:s30+$0x4000]  }
0x12e: {  	v14 =	vld [tilespmem:s29+$0x0]  }
0x12f: {  	v17 =	vld [tilespmem:s29+$0x4000];
	_ =	sdelay $0x2  }
0x130: {  	v7 =	vand.u32 $0x7FFFFFFF, v16;
	v9 =	vand.u32 $0x7FFFFFFF, v19;
	v11 =	vsub.f32 v19, v18  }
0x131: {  	v13 =	vld [tilespmem:s28+$0x8000];
	v22 =	vand.u32 $0x7FFFFFFF, v15;
	v23 =	vsub.f32 v15, v21;
	v10 =	vsub.f32 v16, v20  }
0x132: {  	v24 =	vand.u32 $0x7FFFFFFF, v14;
	v25 =	vsub.f32 v14, v17;
	v9 =	vsub.f32 $0.0e+00, v9  }
0x133: {  	v26 =	vsub.f32 $0.0e+00, v7;
	v10 =	vmul.f32 $5.000000000e+01, v10;
	v12 =	vmul.f32 $5.000000000e+01, v11  }
0x134: {  	v11 =	vsub.f32 $0.0e+00, v22;
	v7 =	vmul.f32 $5.000000000e+01, v23;
	v22 =	vmul.f32 $1.442695020e+00, v9  }
0x135: {  	v24 =	vsub.f32 $0.0e+00, v24;
	v9 =	vmul.f32 $5.000000000e+01, v25;
	v25 =	vmul.f32 $1.442695020e+00, v26  }
0x136: {  	vm0 =	vgt.f32 v13, $5.000000000e-01;
	v23 =	vld [tilespmem:s28+$0xC000];
	v27 =	vmul.f32 $1.442695020e+00, v11;
	(erf) = vpow2.f32 v22  }
0x137: {  	v29 =	vmul.f32 $1.442695020e+00, v24;
	v24 =	vld [tilespmem:s31+$0x8000];
	v11 =	vand.u32 $0x7FFFFFFF, v12;
	(erf) = vpow2.f32 v25  }
0x138: {  	v26 =	vld [tilespmem:s31+$0xC000];
	v22 =	vand.u32 $0x7FFFFFFF, v10;
	v11 =	vsub.f32 $0.0e+00, v11;
	(erf) = vpow2.f32 v27  }
0x139: {  	v28 =	vld [tilespmem:s30+$0x8000];
	s28 =	simm.s32 $0x40;
	v25 =	vand.u32 $0x7FFFFFFF, v7;
	v22 =	vsub.f32 $0.0e+00, v22;
	(erf) = vpow2.f32 v29  }
.LBB2_28:
0x13a: {  	p1 =	sne.s32 s28, $0x1FC0;
	v27 =	vand.u32 $0x7FFFFFFF, v9;
	v29 =	vld [tilespmem:s30+$0xC000];
	v25 =	vsub.f32 $0.0e+00, v25;
	v30 =	vmul.f32 $1.442695020e+00, v11  }
0x13b: {  	v31 =	vld [tilespmem:s29+$0x8000];
	v27 =	vsub.f32 $0.0e+00, v27;
	v22 =	vmul.f32 $1.442695020e+00, v22;
	v11 =	vsub.f32 v18, v23  }
0x13c: {  	v32 =	vld [tilespmem:s29+$0xC000];
	v25 =	vmul.f32 $1.442695020e+00, v25;
	vm1 =	vgt.f32 v24, $5.000000000e-01;
	(erf) = vpow2.f32 v30  }
0x13d: {  	v27 =	vmul.f32 $1.442695020e+00, v27;
	v30 =	vsub.f32 v20, v26;
	(erf) = vpow2.f32 v22  }
0x13e: {  	v18 =	vmul.f32 v13, v19;
	vm2 =	vgt.f32 v28, $5.000000000e-01;
	(erf) = vpow2.f32 v25  }
0x13f: {  	v22 =	vmax.f32 v19, $0.0e+00;
	v33 =	vsub.f32 v21, v29;
	(erf) = vpow2.f32 v27;
	v34 =	vpop (erf)  }
0x140: {  	v19 =	vmul.f32 v24, v16;
	vm4 =	vgt.f32 v31, $5.000000000e-01;
	v21 =	vadd.f32 $2.000000000e+00, v34;
	v35 =	vpop (erf)  }
0x141: {  	v25 =	vmax.f32 v16, $0.0e+00;
	v17 =	vsub.f32 v17, v32;
	v27 =	vadd.f32 $2.000000000e+00, v35;
	v36 =	vpop (erf)  }
0x142: {  	v20 =	vmul.f32 v28, v15;
	v16 =	vadd.f32 $2.000000000e+00, v36;
	v37 =	vpop (erf);
	(erf) = vrcp.f32 v21  }
0x143: {  	v38 =	vsub.f32 v13, v23;
	v21 =	vadd.f32 $2.000000000e+00, v37;
	(erf) = vrcp.f32 v27  }
0x144: {  	v23 =	vmul.f32 v31, v14;
	v27 =	vmax.f32 v15, $0.0e+00;
	(erf) = vrcp.f32 v16  }
0x145: {  	v24 =	vsub.f32 v24, v26;
	v39 =	vsub.f32 v28, v29;
	(erf) = vrcp.f32 v21;
	v40 =	vpop (erf)  }
0x146: {  	v29 =	vmax.f32 v14, $0.0e+00;
	v28 =	vsub.f32 v31, v32;
	v13 =	vadd.f32 $2.000000000e+00, v40;
	v31 =	vpop (erf)  }
0x147: {  	v15 =	vsel vm0, $0x3F800000, v0;
	v16 =	vsel vm1, $0x3F800000, v0;
	v14 =	vadd.f32 $2.000000000e+00, v31;
	v32 =	vpop (erf)  }
0x148: {  	v21 =	vsel vm2, $0x3F800000, v0;
	v41 =	vadd.f32 $2.000000000e+00, v32;
	v42 =	vpop (erf);
	(erf) = vrcp.f32 v13  }
0x149: {  	v26 =	vsel vm4, $0x3F800000, v0;
	v43 =	vadd.f32 $2.000000000e+00, v42;
	(erf) = vrcp.f32 v14  }
0x14a: {  	v44 =	vmul.f32 $5.000000000e+01, v38;
	v13 =	vand.u32 $0x7FFFFFFF, v30;
	(erf) = vrcp.f32 v41  }
0x14b: {  	v14 =	vand.u32 $0x7FFFFFFF, v33;
	v33 =	vmul.f32 $5.000000000e+01, v24;
	(erf) = vrcp.f32 v43;
	v30 =	vpop (erf)  }
0x14c: {  	v28 =	vmul.f32 $5.000000000e+01, v28;
	v17 =	vand.u32 $0x7FFFFFFF, v17;
	v24 =	vmul.f32 $5.000000000e+01, v39;
	v39 =	vpop (erf)  }
0x14d: {  	vm3 =	vgt.f32 v44, $5.000000000e-01;
	v34 =	vmul.f32 v30, v34;
	v30 =	vmul.f32 v44, v12;
	v38 =	vpop (erf)  }
0x14e: {  	vm5 =	vgt.f32 v33, $5.000000000e-01;
	v35 =	vmul.f32 v39, v35;
	v36 =	vmul.f32 v38, v36;
	v38 =	vpop (erf)  }
0x14f: {  	vm6 =	vgt.f32 v24, $5.000000000e-01;
	v37 =	vmul.f32 v38, v37;
	v38 =	vmul.f32 v34, v34  }
0x150: {  	v12 =	vmax.f32 v12, $0.0e+00;
	v41 =	vmul.f32 v35, v35;
	v39 =	vmul.f32 v36, v36  }
0x151: {  	v34 =	vadd.f32 v34, v34;
	v43 =	vmul.f32 v37, v37;
	v44 =	vmul.f32 $1.428571490e-01, v38;
	v45 =	vpop (erf)  }
0x152: {  	v35 =	vadd.f32 v35, v35;
	v47 =	vmul.f32 $1.428571490e-01, v41;
	v46 =	vmul.f32 $1.428571490e-01, v39;
	v48 =	vpop (erf)  }
0x153: {  	v36 =	vadd.f32 v36, v36;
	v40 =	vmul.f32 v45, v40;
	v31 =	vmul.f32 v48, v31;
	v45 =	vpop (erf)  }
0x154: {  	v37 =	vadd.f32 v37, v37;
	v48 =	vmul.f32 $1.428571490e-01, v43;
	v32 =	vmul.f32 v45, v32;
	v45 =	vpop (erf)  }
0x155: {  	v49 =	vadd.f32 v40, v40;
	v42 =	vmul.f32 v45, v42;
	v45 =	vadd.f32 v31, v31  }
0x156: {  	v47 =	vadd.f32 $2.000000030e-01, v47;
	v44 =	vadd.f32 $2.000000030e-01, v44;
	v40 =	vmul.f32 v40, v40  }
0x157: {  	v46 =	vadd.f32 $2.000000030e-01, v46;
	v31 =	vmul.f32 v31, v31;
	v50 =	vmul.f32 v32, v32  }
0x158: {  	v48 =	vadd.f32 $2.000000030e-01, v48;
	v44 =	vmul.f32 v44, v38;
	v51 =	vmul.f32 v42, v42  }
0x159: {  	v47 =	vmul.f32 v47, v41;
	v46 =	vmul.f32 v46, v39;
	v32 =	vadd.f32 v32, v32  }
0x15a: {  	v52 =	vmul.f32 $1.428571490e-01, v40;
	v48 =	vmul.f32 v48, v43;
	v42 =	vadd.f32 v42, v42  }
0x15b: {  	v47 =	vadd.f32 $3.333333430e-01, v47;
	v53 =	vmul.f32 $1.428571490e-01, v31;
	v44 =	vadd.f32 $3.333333430e-01, v44  }
0x15c: {  	v46 =	vadd.f32 $3.333333430e-01, v46;
	v54 =	vmul.f32 $1.428571490e-01, v50;
	v52 =	vadd.f32 $2.000000030e-01, v52  }
0x15d: {  	v48 =	vadd.f32 $3.333333430e-01, v48;
	v55 =	vmul.f32 $1.428571490e-01, v51;
	v53 =	vadd.f32 $2.000000030e-01, v53  }
0x15e: {  	v41 =	vmul.f32 v47, v41;
	v38 =	vmul.f32 v44, v38;
	v54 =	vadd.f32 $2.000000030e-01, v54  }
0x15f: {  	v39 =	vmul.f32 v46, v39;
	v46 =	vmul.f32 v52, v40;
	v44 =	vadd.f32 $2.000000030e-01, v55  }
0x160: {  	v43 =	vmul.f32 v48, v43;
	v47 =	vmul.f32 v53, v31;
	v38 =	vadd.f32 $1.000000000e+00, v38  }
0x161: {  	v41 =	vadd.f32 $1.000000000e+00, v41;
	v39 =	vadd.f32 $1.000000000e+00, v39;
	v48 =	vmul.f32 v54, v50  }
0x162: {  	v46 =	vadd.f32 $3.333333430e-01, v46;
	v43 =	vadd.f32 $1.000000000e+00, v43;
	v44 =	vmul.f32 v44, v51  }
0x163: {  	v35 =	vmul.f32 v41, v35;
	v41 =	vadd.f32 $3.333333430e-01, v47;
	v34 =	vmul.f32 v38, v34  }
0x164: {  	v36 =	vmul.f32 v39, v36;
	v38 =	vadd.f32 $3.333333430e-01, v48;
	v39 =	vmul.f32 v46, v40  }
0x165: {  	v37 =	vmul.f32 v43, v37;
	v40 =	vadd.f32 $3.333333430e-01, v44;
	v31 =	vmul.f32 v41, v31  }
0x166: {  	v25 =	vadd.f32 v35, v25;
	v22 =	vadd.f32 v34, v22;
	v38 =	vmul.f32 v38, v50  }
0x167: {  	v27 =	vadd.f32 v36, v27;
	v35 =	vadd.f32 $1.000000000e+00, v39;
	v34 =	vmul.f32 v40, v51  }
0x168: {  	v33 =	vmul.f32 v33, v10;
	v29 =	vadd.f32 v37, v29;
	v31 =	vadd.f32 $1.000000000e+00, v31  }
0x169: {  	v10 =	vmax.f32 v10, $0.0e+00;
	v36 =	vadd.f32 $1.000000000e+00, v38;
	v34 =	vadd.f32 $1.000000000e+00, v34  }
0x16a: {  	v37 =	vmax.f32 v7, $0.0e+00;
	v19 =	vsub.f32 v25, v19;
	v22 =	vsub.f32 v22, v18  }
0x16b: {  	v18 =	vsub.f32 v27, v20;
	v25 =	vmul.f32 v35, v49;
	v20 =	vmul.f32 v31, v45  }
0x16c: {  	v23 =	vsub.f32 v29, v23;
	v29 =	vmul.f32 v36, v32;
	v27 =	vmul.f32 v34, v42  }
0x16d: {  	v31 =	vmax.f32 v9, $0.0e+00;
	v12 =	vadd.f32 v25, v12;
	v10 =	vadd.f32 v20, v10  }
0x16e: {  	vm7 =	vgt.f32 v28, $5.000000000e-01;
	v25 =	vadd.f32 v29, v37;
	v20 =	vadd.f32 v27, v31  }
0x16f: {  	v3 =	vadd.f32 v26, v3;
	v26 =	vnsel vm4, $0x0, v23;
	v12 =	vsub.f32 v12, v30  }
0x170: {  	p0 =	por !p0, !p0;
	s0 =	simm.s32 $0x1;
	v9 =	vmul.f32 v28, v9;
	v6 =	vadd.f32 v23, v6;
	v5 =	vadd.f32 v26, v5  }
0x171: {  	s0 =	simm.s32 @!p0 $0x0;
	v3 =	vadd.f32 v21, v3;
	v21 =	vnsel vm2, $0x0, v18;
	v10 =	vsub.f32 v10, v33  }
0x172: {  	s26 =	sadd.s32 $0x80, s26;
	s0 =	sshll.u32 s0, $0x6;
	v7 =	vmul.f32 v24, v7;
	v6 =	vadd.f32 v18, v6;
	v5 =	vadd.f32 v21, v5  }
0x173: {  	s29 =	sadd.s32 s0, s26;
	v3 =	vadd.f32 v16, v3;
	v16 =	vnsel vm1, $0x0, v19;
	v9 =	vsub.f32 v20, v9  }
0x174: {  	s31 =	sor.u32 $0xB0, s29;
	v20 =	vsel vm7, $0x3F800000, v0;
	v6 =	vadd.f32 v19, v6;
	v5 =	vadd.f32 v16, v5  }
0x175: {  	v3 =	vadd.f32 v15, v3;
	v15 =	vnsel vm0, $0x0, v22;
	v7 =	vsub.f32 v25, v7;
	v19 =	vld [tilespmem:s31+$0x0]  }
0x176: {  	s0 =	sor.u32 $0xA0, s29;
	v21 =	vnsel vm7, $0x0, v9;
	v6 =	vadd.f32 v22, v6;
	v5 =	vadd.f32 v15, v5;
	v18 =	vld [tilespmem:s31+$0x4000]  }
0x177: {  	v4 =	vadd.f32 v20, v4;
	v8 =	vadd.f32 v21, v8;
	v21 =	vsel vm6, $0x3F800000, v0;
	v16 =	vld [tilespmem:s0+$0x0]  }
0x178: {  	s30 =	sor.u32 $0x90, s29;
	v2 =	vadd.f32 v17, v2;
	v1 =	vadd.f32 v9, v1;
	v9 =	vnsel vm6, $0x0, v7;
	v20 =	vld [tilespmem:s0+$0x4000]  }
0x179: {  	v4 =	vadd.f32 v21, v4;
	v8 =	vadd.f32 v9, v8;
	v9 =	vsel vm5, $0x3F800000, v0;
	v15 =	vld [tilespmem:s30+$0x0]  }
0x17a: {  	s29 =	sor.u32 $0x80, s29;
	v2 =	vadd.f32 v14, v2;
	v1 =	vadd.f32 v7, v1;
	v7 =	vnsel vm5, $0x0, v10;
	v21 =	vld [tilespmem:s30+$0x4000]  }
0x17b: {  	v4 =	vadd.f32 v9, v4;
	v7 =	vadd.f32 v7, v8;
	v8 =	vsel vm3, $0x3F800000, v0;
	v14 =	vld [tilespmem:s29+$0x0]  }
0x17c: {  	v2 =	vadd.f32 v13, v2;
	v1 =	vadd.f32 v10, v1;
	v9 =	vnsel vm3, $0x0, v12;
	v17 =	vld [tilespmem:s29+$0x4000]  }
0x17d: {  	v4 =	vadd.f32 v8, v4;
	v8 =	vadd.f32 v9, v7;
	v7 =	vand.u32 $0x7FFFFFFF, v11  }
0x17e: {  	v1 =	vadd.f32 v12, v1;
	v2 =	vadd.f32 v7, v2  }
0x17f: {  	v9 =	vand.u32 $0x7FFFFFFF, v19;
	v11 =	vsub.f32 v19, v18;
	v7 =	vand.u32 $0x7FFFFFFF, v16  }
0x180: {  	v10 =	vsub.f32 v16, v20;
	v22 =	vand.u32 $0x7FFFFFFF, v15;
	v23 =	vsub.f32 v15, v21;
	v13 =	vld [tilespmem:s31+$0x8000]  }
0x181: {  	v9 =	vsub.f32 $0.0e+00, v9;
	v24 =	vand.u32 $0x7FFFFFFF, v14;
	v25 =	vsub.f32 v14, v17  }
0x182: {  	v26 =	vsub.f32 $0.0e+00, v7;
	v12 =	vmul.f32 $5.000000000e+01, v11;
	v10 =	vmul.f32 $5.000000000e+01, v10  }
0x183: {  	v11 =	vsub.f32 $0.0e+00, v22;
	v22 =	vmul.f32 $1.442695020e+00, v9;
	v7 =	vmul.f32 $5.000000000e+01, v23  }
.Ltmp13:
0x184: {  	v24 =	vsub.f32 $0.0e+00, v24;
	v9 =	vmul.f32 $5.000000000e+01, v25;
	v25 =	vmul.f32 $1.442695020e+00, v26;
	(pc) =	sbr.rel @p1 .LBB2_28-.Ltmp13, $4  }
0x185: {  	v27 =	vmul.f32 $1.442695020e+00, v11;
	v23 =	vld [tilespmem:s31+$0xC000];
	vm0 =	vgt.f32 v13, $5.000000000e-01;
	(erf) = vpow2.f32 v22  }
0x186: {  	v11 =	vand.u32 $0x7FFFFFFF, v12;
	v29 =	vmul.f32 $1.442695020e+00, v24;
	v24 =	vld [tilespmem:s0+$0x8000];
	(erf) = vpow2.f32 v25  }
0x187: {  	v11 =	vsub.f32 $0.0e+00, v11;
	v22 =	vand.u32 $0x7FFFFFFF, v10;
	v26 =	vld [tilespmem:s0+$0xC000];
	(erf) = vpow2.f32 v27  }
0x188: {  	s28 =	sadd.s32 $0x40, s28;
	v25 =	vand.u32 $0x7FFFFFFF, v7;
	v22 =	vsub.f32 $0.0e+00, v22;
	v28 =	vld [tilespmem:s30+$0x8000];
	(erf) = vpow2.f32 v29  }
0x189: {  	v27 =	vand.u32 $0x7FFFFFFF, v9  }
0x18a: {  	v25 =	vsub.f32 $0.0e+00, v25;
	v30 =	vmul.f32 $1.442695020e+00, v11;
	v35 =	vmax.f32 v16, $0.0e+00  }
0x18b: {  	v29 =	vld [tilespmem:s30+$0xC000];
	v40 =	vmax.f32 v15, $0.0e+00;
	v27 =	vsub.f32 $0.0e+00, v27;
	v22 =	vmul.f32 $1.442695020e+00, v22  }
0x18c: {  	v31 =	vld [tilespmem:s29+$0x8000];
	v11 =	vsub.f32 v18, v23;
	v18 =	vmul.f32 v13, v19;
	v39 =	vsub.f32 v13, v23  }
0x18d: {  	v32 =	vld [tilespmem:s29+$0xC000];
	v25 =	vmul.f32 $1.442695020e+00, v25;
	vm1 =	vgt.f32 v24, $5.000000000e-01;
	(erf) = vpow2.f32 v30  }
0x18e: {  	v27 =	vmul.f32 $1.442695020e+00, v27;
	v61 =	vsub.f32 v20, v26;
	(erf) = vpow2.f32 v22  }
0x18f: {  	v49 =	vsub.f32 v24, v26;
	v26 =	vmax.f32 v14, $0.0e+00;
	v55 =	vmul.f32 $5.000000000e+01, v39  }
0x190: {  	vm2 =	vgt.f32 v28, $5.000000000e-01;
	(erf) = vpow2.f32 v25;
	v20 =	vmul.f32 v28, v15  }
0x191: {  	v15 =	vsel vm0, $0x3F800000, v0;
	v62 =	vsub.f32 v21, v29;
	v21 =	vmax.f32 v19, $0.0e+00  }
0x192: {  	(erf) = vpow2.f32 v27;
	v63 =	vpop (erf);
	vm3 =	vgt.f32 v31, $5.000000000e-01;
	v34 =	vsub.f32 v17, v32  }
0x193: {  	v19 =	vmul.f32 v24, v16;
	v48 =	vsub.f32 v28, v29;
	v45 =	vadd.f32 $2.000000000e+00, v63;
	v33 =	vpop (erf)  }
0x194: {  	v22 =	vmul.f32 v31, v14;
	v50 =	vsub.f32 v31, v32;
	v46 =	vadd.f32 $2.000000000e+00, v33;
	v36 =	vpop (erf)  }
0x195: {  	v17 =	vsel vm1, $0x3F800000, v0;
	v47 =	vadd.f32 $2.000000000e+00, v36;
	v37 =	vpop (erf);
	(erf) = vrcp.f32 v45  }
0x196: {  	v23 =	vsel vm2, $0x3F800000, v0;
	v38 =	vadd.f32 $2.000000000e+00, v37;
	(erf) = vrcp.f32 v46  }
0x197: {  	v13 =	vand.u32 $0x7FFFFFFF, v61;
	v25 =	vmul.f32 $5.000000000e+01, v49;
	(erf) = vrcp.f32 v47  }
0x198: {  	vm4 =	vgt.f32 v55, $5.000000000e-01;
	v43 =	vsel vm3, $0x3F800000, v0;
	(erf) = vrcp.f32 v38;
	v24 =	vpop (erf)  }
0x199: {  	v14 =	vand.u32 $0x7FFFFFFF, v62;
	v29 =	vmul.f32 $5.000000000e+01, v50;
	v51 =	vadd.f32 $2.000000000e+00, v24;
	v31 =	vpop (erf)  }
0x19a: {  	v16 =	vand.u32 $0x7FFFFFFF, v34;
	v28 =	vmul.f32 $5.000000000e+01, v48;
	v52 =	vadd.f32 $2.000000000e+00, v31;
	v53 =	vpop (erf)  }
0x19b: {  	vm5 =	vgt.f32 v25, $5.000000000e-01;
	v54 =	vadd.f32 $2.000000000e+00, v53;
	v41 =	vpop (erf);
	(erf) = vrcp.f32 v51  }
0x19c: {  	v3 =	vadd.f32 v43, v3;
	v42 =	vadd.f32 $2.000000000e+00, v41;
	(erf) = vrcp.f32 v52  }
0x19d: {  	v25 =	vmul.f32 v25, v10;
	v2 =	vadd.f32 v16, v2;
	(erf) = vrcp.f32 v54  }
0x19e: {  	vm7 =	vgt.f32 v29, $5.000000000e-01;
	v3 =	vadd.f32 v23, v3;
	(erf) = vrcp.f32 v42;
	v56 =	vpop (erf)  }
0x19f: {  	v2 =	vadd.f32 v14, v2;
	v38 =	vmul.f32 v55, v12;
	v57 =	vpop (erf);
	v27 =	vmul.f32 v56, v63  }
0x1a0: {  	v12 =	vmax.f32 v12, $0.0e+00;
	v3 =	vadd.f32 v17, v3;
	v58 =	vpop (erf);
	v33 =	vmul.f32 v57, v33  }
0x1a1: {  	v30 =	vmul.f32 v58, v36;
	v59 =	vpop (erf);
	v60 =	vmul.f32 v27, v27;
	v27 =	vadd.f32 v27, v27  }
0x1a2: {  	v34 =	vmul.f32 v59, v37;
	v62 =	vmul.f32 v33, v33;
	v33 =	vadd.f32 v33, v33  }
0x1a3: {  	v61 =	vmul.f32 v30, v30;
	v44 =	vmul.f32 $1.428571490e-01, v60;
	v30 =	vadd.f32 v30, v30  }
0x1a4: {  	v63 =	vmul.f32 v34, v34;
	v45 =	vpop (erf);
	v47 =	vmul.f32 $1.428571490e-01, v62;
	v34 =	vadd.f32 v34, v34  }
0x1a5: {  	v46 =	vmul.f32 $1.428571490e-01, v61;
	v48 =	vpop (erf);
	v24 =	vmul.f32 v45, v24;
	v44 =	vadd.f32 $2.000000030e-01, v44  }
0x1a6: {  	v31 =	vmul.f32 v48, v31;
	v54 =	vpop (erf);
	v55 =	vmul.f32 $1.428571490e-01, v63;
	v47 =	vadd.f32 $2.000000030e-01, v47  }
0x1a7: {  	v32 =	vmul.f32 v54, v53;
	v56 =	vpop (erf);
	v49 =	vadd.f32 v24, v24;
	v24 =	vmul.f32 v24, v24  }
0x1a8: {  	v46 =	vadd.f32 $2.000000030e-01, v46;
	v44 =	vmul.f32 v44, v60;
	v41 =	vmul.f32 v56, v41  }
0x1a9: {  	v45 =	vadd.f32 v31, v31;
	v31 =	vmul.f32 v31, v31;
	v47 =	vmul.f32 v47, v62  }
0x1aa: {  	v48 =	vadd.f32 $2.000000030e-01, v55;
	v50 =	vmul.f32 v32, v32;
	v46 =	vmul.f32 v46, v61  }
0x1ab: {  	v32 =	vadd.f32 v32, v32;
	v52 =	vmul.f32 $1.428571490e-01, v24;
	v44 =	vadd.f32 $3.333333430e-01, v44  }
0x1ac: {  	v51 =	vmul.f32 v41, v41;
	v48 =	vmul.f32 v48, v63;
	v41 =	vadd.f32 v41, v41  }
0x1ad: {  	v47 =	vadd.f32 $3.333333430e-01, v47;
	v53 =	vmul.f32 $1.428571490e-01, v31;
	v46 =	vadd.f32 $3.333333430e-01, v46  }
0x1ae: {  	v54 =	vmul.f32 $1.428571490e-01, v50;
	v52 =	vadd.f32 $2.000000030e-01, v52;
	v36 =	vmul.f32 v44, v60  }
0x1af: {  	v48 =	vadd.f32 $3.333333430e-01, v48;
	v55 =	vmul.f32 $1.428571490e-01, v51;
	v53 =	vadd.f32 $2.000000030e-01, v53  }
0x1b0: {  	v39 =	vmul.f32 v47, v62;
	v54 =	vadd.f32 $2.000000030e-01, v54;
	v37 =	vmul.f32 v46, v61  }
0x1b1: {  	v58 =	vmul.f32 v52, v24;
	v36 =	vadd.f32 $1.000000000e+00, v36;
	v57 =	vadd.f32 $2.000000030e-01, v55  }
0x1b2: {  	v42 =	vmul.f32 v48, v63;
	v59 =	vmul.f32 v53, v31;
	v39 =	vadd.f32 $1.000000000e+00, v39  }
0x1b3: {  	v37 =	vadd.f32 $1.000000000e+00, v37;
	v60 =	vmul.f32 v54, v50;
	v46 =	vadd.f32 $3.333333430e-01, v58  }
0x1b4: {  	v27 =	vmul.f32 v36, v27;
	v54 =	vmul.f32 v29, v9;
	v42 =	vadd.f32 $1.000000000e+00, v42  }
0x1b5: {  	v44 =	vmul.f32 v57, v51;
	v33 =	vmul.f32 v39, v33;
	v61 =	vadd.f32 $3.333333430e-01, v59  }
0x1b6: {  	v30 =	vmul.f32 v37, v30;
	v62 =	vadd.f32 $3.333333430e-01, v60;
	v24 =	vmul.f32 v46, v24  }
0x1b7: {  	v21 =	vadd.f32 v27, v21;
	v46 =	vmax.f32 v7, $0.0e+00;
	v34 =	vmul.f32 v42, v34  }
0x1b8: {  	v63 =	vadd.f32 $3.333333430e-01, v44;
	v31 =	vmul.f32 v61, v31;
	v33 =	vadd.f32 v33, v35  }
0x1b9: {  	v44 =	vmax.f32 v10, $0.0e+00;
	v30 =	vadd.f32 v30, v40;
	v24 =	vadd.f32 $1.000000000e+00, v24  }
0x1ba: {  	v36 =	vmul.f32 v62, v50;
	v18 =	vsub.f32 v21, v18;
	v26 =	vadd.f32 v34, v26  }
0x1bb: {  	v50 =	vmax.f32 v9, $0.0e+00;
	v31 =	vadd.f32 $1.000000000e+00, v31;
	v19 =	vsub.f32 v33, v19  }
0x1bc: {  	v39 =	vmul.f32 v63, v51;
	v63 =	vadd.f32 v13, v2;
	v42 =	vadd.f32 $1.000000000e+00, v36  }
0x1bd: {  	v24 =	vmul.f32 v24, v49;
	v47 =	vmul.f32 v31, v45;
	v22 =	vsub.f32 v26, v22  }
0x1be: {  	v20 =	vsub.f32 v30, v20;
	v27 =	vadd.f32 $1.000000000e+00, v39;
	v49 =	vmul.f32 v42, v32  }
0x1bf: {  	v12 =	vadd.f32 v24, v12;
	v10 =	vadd.f32 v47, v44;
	v53 =	vnsel vm3, $0x0, v22  }
0x1c0: {  	v48 =	vmul.f32 v27, v41;
	v6 =	vadd.f32 v22, v6;
	v5 =	vadd.f32 v53, v5  }
0x1c1: {  	v55 =	vnsel vm2, $0x0, v20;
	v52 =	vadd.f32 v49, v46;
	v12 =	vsub.f32 v12, v38  }
0x1c2: {  	v7 =	vmul.f32 v28, v7;
	v51 =	vadd.f32 v48, v50;
	v5 =	vadd.f32 v55, v5  }
0x1c3: {  	_ =	swait.ge [sflag:s21], $0x2000;
	v56 =	vnsel vm1, $0x0, v19;
	v10 =	vsub.f32 v10, v25;
	v6 =	vadd.f32 v20, v6  }
0x1c4: {  	[sflag:s21] =	ssyncset.done $0x0;
	v57 =	vsel vm7, $0x3F800000, v0;
	v9 =	vsub.f32 v51, v54;
	v5 =	vadd.f32 v56, v5  }
0x1c5: {  	[sflag:s21] =	ssyncadd.s32 $0xFFFFE000;
	v58 =	vsub.f32 v52, v7;
	v7 =	vadd.f32 v15, v3;
	v3 =	vnsel vm0, $0x0, v18  }
0x1c6: {  	_ =	swait.ge [sflag:s21], $0x2000;
	v6 =	vadd.f32 v19, v6;
	v59 =	vnsel vm7, $0x0, v9;
	v5 =	vadd.f32 v3, v5  }
0x1c7: {  	vm6 =	vgt.f32 v28, $5.000000000e-01;
	[sflag:s21] =	ssyncset.done $0x0;
	v3 =	vadd.f32 v57, v4;
	v4 =	vadd.f32 v59, v8  }
0x1c8: {  	[sflag:s21] =	ssyncadd.s32 $0xFFFFE000;
	v60 =	vnsel vm6, $0x0, v58;
	v1 =	vadd.f32 v9, v1;
	v8 =	vsel vm6, $0x3F800000, v0  }
0x1c9: {  	_ =	swait.ge [sflag:s21], $0x2000;
	v3 =	vadd.f32 v8, v3;
	v4 =	vadd.f32 v60, v4  }
0x1ca: {  	[sflag:s21] =	ssyncset.done $0x0;
	v61 =	vnsel vm5, $0x0, v10;
	v1 =	vadd.f32 v58, v1;
	v8 =	vsel vm5, $0x3F800000, v0  }
0x1cb: {  	[sflag:s21] =	ssyncadd.s32 $0xFFFFE000;
	v2 =	vnsel vm4, $0x0, v12;
	v3 =	vadd.f32 v8, v3;
	v4 =	vadd.f32 v61, v4  }
0x1cc: {  	_ =	swait.ge [sflag:s21], $0x2000;
	v6 =	vadd.f32 v18, v6;
	v62 =	vadd.f32 v10, v1;
	v8 =	vsel vm4, $0x3F800000, v0  }
0x1cd: {  	s0 =	simm.s32 $0x80;
	s26 =	simm.s32 $0x10;
	[sflag:s21] =	ssyncset.done $0x0;
	v1 =	vadd.f32 v8, v3;
	v2 =	vadd.f32 v2, v4;
	v4 =	vand.u32 $0x7FFFFFFF, v11  }
0x1ce: {  	s29 =	sadd.s32 $0x0, s15;
	s28 =	simm.s32 $0x180;
	[sflag:s21] =	ssyncadd.s32 $0xFFFFE000;
	v3 =	vadd.f32 v12, v62;
	v4 =	vadd.f32 v4, v63  }
.LBB2_30:
0x1cf: {  	[tilespmem:s0], [sflag:$0x2] =	stream.linear.gather [hbm4b:s29+s2], $0x80, $0x38;
	[tilespmem:$0x10400] =	vst v63  }
0x1d0: {  	s29 =	smov.u32 s26;
	s0 =	smov.u32 s28;
	p0 =	sne.s32 s26, $0x3F0  }
.Ltmp14:
0x1d1: {  	s26 =	sadd.s32 $0x10, s26;
	(pc) =	sbr.rel @p0 .LBB2_30-.Ltmp14, $2  }
0x1d2: {  	_ =	sdelay $0x2  }
0x1d3: {  	s28 =	sadd.s32 $0x100, s28;
	s29 =	sadd.s32 s29, s15  }
0x1d4: {  	[tilespmem:s0], [sflag:$0x2] =	stream.linear.gather [hbm4b:s29+s2], $0x80, $0x38;
	[tilespmem:$0x10400] =	vst v63  }
0x1d5: {  	s0 =	simm.s32 $0x4080  }
0x1d6: {  	s26 =	simm.s32 $0x10;
	s29 =	sadd.s32 $0x0, s16;
	s28 =	simm.s32 $0x4180  }
.LBB2_32:
0x1d7: {  	[tilespmem:s0], [sflag:$0x2] =	stream.linear.gather [hbm4b:s29+s2], $0x80, $0x38;
	[tilespmem:$0x10400] =	vst v63  }
0x1d8: {  	s29 =	smov.u32 s26;
	s0 =	smov.u32 s28;
	p0 =	sne.s32 s26, $0x3F0  }
.Ltmp15:
0x1d9: {  	s26 =	sadd.s32 $0x10, s26;
	(pc) =	sbr.rel @p0 .LBB2_32-.Ltmp15, $2  }
0x1da: {  	_ =	sdelay $0x2  }
0x1db: {  	s28 =	sadd.s32 $0x100, s28;
	s29 =	sadd.s32 s29, s16  }
0x1dc: {  	[tilespmem:s0], [sflag:$0x2] =	stream.linear.gather [hbm4b:s29+s2], $0x80, $0x38;
	[tilespmem:$0x10400] =	vst v63  }
0x1dd: {  	s0 =	simm.s32 $0x8080  }
0x1de: {  	s26 =	simm.s32 $0x10;
	s29 =	sadd.s32 $0x0, s17;
	s28 =	simm.s32 $0x8180  }
.LBB2_34:
0x1df: {  	[tilespmem:s0], [sflag:$0x2] =	stream.linear.gather [hbm4b:s29+s2], $0x80, $0x38;
	[tilespmem:$0x10400] =	vst v63  }
0x1e0: {  	s29 =	smov.u32 s26;
	s0 =	smov.u32 s28;
	p0 =	sne.s32 s26, $0x3F0  }
.Ltmp16:
0x1e1: {  	s26 =	sadd.s32 $0x10, s26;
	(pc) =	sbr.rel @p0 .LBB2_34-.Ltmp16, $2  }
0x1e2: {  	_ =	sdelay $0x2  }
0x1e3: {  	s28 =	sadd.s32 $0x100, s28;
	s29 =	sadd.s32 s29, s17  }
0x1e4: {  	[tilespmem:s0], [sflag:$0x2] =	stream.linear.gather [hbm4b:s29+s2], $0x80, $0x38;
	[tilespmem:$0x10400] =	vst v63  }
0x1e5: {  	s26 =	simm.s32 $0x0;
	s0 =	simm.s32 $0xC080  }
0x1e6: {  	s28 =	simm.s32 $0x10;
	s30 =	sadd.s32 $0x0, s18;
	s29 =	simm.s32 $0xC180  }
.LBB2_36:
0x1e7: {  	[tilespmem:s0], [sflag:$0x2] =	stream.linear.gather [hbm4b:s30+s26], $0x80, $0x38;
	[tilespmem:$0x10400] =	vst v63  }
0x1e8: {  	s30 =	smov.u32 s28;
	s0 =	smov.u32 s29;
	p0 =	sne.s32 s28, $0x3F0  }
.Ltmp17:
0x1e9: {  	s28 =	sadd.s32 $0x10, s28;
	(pc) =	sbr.rel @p0 .LBB2_36-.Ltmp17, $2  }
0x1ea: {  	_ =	sdelay $0x2  }
0x1eb: {  	s29 =	sadd.s32 $0x100, s29;
	s30 =	sadd.s32 s30, s18  }
0x1ec: {  	[tilespmem:s0], [sflag:$0x2] =	stream.linear.gather [hbm4b:s30+s26], $0x80, $0x38;
	[tilespmem:$0x10400] =	vst v63  }
0x1ed: {  	s31 =	sand.u32 $0x40, s26;
	s28 =	sand.u32 $0x3F00, s26  }
0x1ee: {  	s29 =	sor.u32 s31, s28  }
0x1ef: {  	v19 =	vld [tilespmem:s29+$0x30]  }
0x1f0: {  	v8 =	vld [tilespmem:s29+$0x4030]  }
0x1f1: {  	v17 =	vld [tilespmem:s29+$0x20]  }
0x1f2: {  	v16 =	vld [tilespmem:s29+$0x4020]  }
0x1f3: {  	v15 =	vld [tilespmem:s29+$0x10]  }
0x1f4: {  	v20 =	vld [tilespmem:s29+$0x4010]  }
0x1f5: {  	v14 =	vld [tilespmem:s29+$0x0]  }
0x1f6: {  	v18 =	vld [tilespmem:s29+$0x4000];
	_ =	sdelay $0x2  }
0x1f7: {  	v9 =	vand.u32 $0x7FFFFFFF, v17;
	v10 =	vand.u32 $0x7FFFFFFF, v19;
	v12 =	vsub.f32 v19, v8  }
0x1f8: {  	v13 =	vld [tilespmem:s29+$0x8030];
	v21 =	vand.u32 $0x7FFFFFFF, v15;
	v22 =	vsub.f32 v15, v20;
	v11 =	vsub.f32 v17, v16  }
0x1f9: {  	v23 =	vand.u32 $0x7FFFFFFF, v14;
	v24 =	vsub.f32 v14, v18;
	v10 =	vsub.f32 $0.0e+00, v10  }
0x1fa: {  	v25 =	vsub.f32 $0.0e+00, v9;
	v11 =	vmul.f32 $5.000000000e+01, v11;
	v12 =	vmul.f32 $5.000000000e+01, v12  }
0x1fb: {  	v21 =	vsub.f32 $0.0e+00, v21;
	v9 =	vmul.f32 $5.000000000e+01, v22;
	v22 =	vld [tilespmem:s29+$0xC030];
	v26 =	vmul.f32 $1.442695020e+00, v10  }
0x1fc: {  	v23 =	vsub.f32 $0.0e+00, v23;
	v10 =	vmul.f32 $5.000000000e+01, v24;
	v24 =	vmul.f32 $1.442695020e+00, v25  }
0x1fd: {  	vm0 =	vgt.f32 v13, $5.000000000e-01;
	v21 =	vmul.f32 $1.442695020e+00, v21;
	(erf) = vpow2.f32 v26  }
0x1fe: {  	v23 =	vmul.f32 $1.442695020e+00, v23;
	v25 =	vld [tilespmem:s29+$0x8020];
	v27 =	vand.u32 $0x7FFFFFFF, v12;
	(erf) = vpow2.f32 v24  }
0x1ff: {  	v28 =	vld [tilespmem:s29+$0x8010];
	v27 =	vsub.f32 $0.0e+00, v27;
	v24 =	vand.u32 $0x7FFFFFFF, v11;
	(erf) = vpow2.f32 v21  }
0x200: {  	v26 =	vld [tilespmem:s29+$0xC020];
	v21 =	vand.u32 $0x7FFFFFFF, v9;
	v31 =	vsub.f32 $0.0e+00, v24;
	v8 =	vsub.f32 v8, v22  }
0x201: {  	v29 =	vld [tilespmem:s29+$0xC010];
	(erf) = vpow2.f32 v23;
	v23 =	vand.u32 $0x7FFFFFFF, v10;
	v24 =	vsub.f32 $0.0e+00, v21  }
0x202: {  	s28 =	simm.s32 $0x40;
	v30 =	vld [tilespmem:s29+$0x8000];
	v21 =	vmul.f32 $1.442695020e+00, v27;
	v27 =	vsub.f32 $0.0e+00, v23;
	v23 =	vmul.f32 $1.442695020e+00, v31  }
.LBB2_38:
0x203: {  	v24 =	vmul.f32 $1.442695020e+00, v24;
	vm1 =	vgt.f32 v25, $5.000000000e-01  }
0x204: {  	p0 =	sne.s32 s28, $0x1FC0;
	v31 =	vld [tilespmem:s29+$0xC000];
	(erf) = vpow2.f32 v21;
	v21 =	vmax.f32 v19, $0.0e+00;
	v38 =	vsub.f32 v13, v22  }
0x205: {  	v27 =	vmul.f32 $1.442695020e+00, v27;
	v32 =	vsub.f32 v16, v26;
	(erf) = vpow2.f32 v23  }
0x206: {  	v16 =	vmul.f32 v13, v19;
	vm2 =	vgt.f32 v28, $5.000000000e-01;
	(erf) = vpow2.f32 v24  }
0x207: {  	v19 =	vmul.f32 v25, v17;
	v33 =	vsub.f32 v20, v29;
	(erf) = vpow2.f32 v27;
	v34 =	vpop (erf)  }
0x208: {  	v26 =	vsub.f32 v25, v26;
	vm4 =	vgt.f32 v30, $5.000000000e-01;
	v23 =	vadd.f32 $2.000000000e+00, v34;
	v35 =	vpop (erf)  }
0x209: {  	v24 =	vmax.f32 v17, $0.0e+00;
	v18 =	vsub.f32 v18, v31;
	v27 =	vadd.f32 $2.000000000e+00, v35;
	v36 =	vpop (erf)  }
0x20a: {  	v20 =	vmul.f32 v28, v15;
	v17 =	vadd.f32 $2.000000000e+00, v36;
	v37 =	vpop (erf);
	(erf) = vrcp.f32 v23  }
0x20b: {  	v8 =	vand.u32 $0x7FFFFFFF, v8;
	v23 =	vadd.f32 $2.000000000e+00, v37;
	(erf) = vrcp.f32 v27  }
0x20c: {  	v22 =	vmul.f32 v30, v14;
	v27 =	vmax.f32 v15, $0.0e+00;
	(erf) = vrcp.f32 v17  }
0x20d: {  	v45 =	vmul.f32 $5.000000000e+01, v38;
	v39 =	vsub.f32 v28, v29;
	(erf) = vrcp.f32 v23;
	v40 =	vpop (erf)  }
0x20e: {  	v29 =	vmax.f32 v14, $0.0e+00;
	v28 =	vsub.f32 v30, v31;
	v13 =	vadd.f32 $2.000000000e+00, v40;
	v31 =	vpop (erf)  }
0x20f: {  	v15 =	vsel vm0, $0x3F800000, v0;
	v17 =	vsel vm1, $0x3F800000, v0;
	v14 =	vadd.f32 $2.000000000e+00, v31;
	v41 =	vpop (erf)  }
0x210: {  	v23 =	vsel vm2, $0x3F800000, v0;
	v44 =	vadd.f32 $2.000000000e+00, v41;
	v42 =	vpop (erf);
	(erf) = vrcp.f32 v13  }
0x211: {  	v25 =	vsel vm4, $0x3F800000, v0;
	v43 =	vadd.f32 $2.000000000e+00, v42;
	(erf) = vrcp.f32 v14  }
0x212: {  	vm3 =	vgt.f32 v45, $5.000000000e-01;
	v13 =	vand.u32 $0x7FFFFFFF, v32;
	(erf) = vrcp.f32 v44  }
0x213: {  	v14 =	vand.u32 $0x7FFFFFFF, v33;
	v33 =	vmul.f32 $5.000000000e+01, v26;
	(erf) = vrcp.f32 v43;
	v30 =	vpop (erf)  }
0x214: {  	v28 =	vmul.f32 $5.000000000e+01, v28;
	v18 =	vand.u32 $0x7FFFFFFF, v18;
	v26 =	vmul.f32 $5.000000000e+01, v39;
	v38 =	vpop (erf)  }
0x215: {  	v7 =	vadd.f32 v25, v7;
	v34 =	vmul.f32 v30, v34;
	v30 =	vmul.f32 v45, v12;
	v32 =	vpop (erf)  }
0x216: {  	vm5 =	vgt.f32 v33, $5.000000000e-01;
	v35 =	vmul.f32 v38, v35;
	v32 =	vmul.f32 v32, v36;
	v36 =	vpop (erf)  }
0x217: {  	vm6 =	vgt.f32 v26, $5.000000000e-01;
	v36 =	vmul.f32 v36, v37;
	v37 =	vmul.f32 v34, v34  }
0x218: {  	v12 =	vmax.f32 v12, $0.0e+00;
	v39 =	vmul.f32 v35, v35;
	v38 =	vmul.f32 v32, v32  }
0x219: {  	v34 =	vadd.f32 v34, v34;
	v43 =	vmul.f32 v36, v36;
	v44 =	vmul.f32 $1.428571490e-01, v37;
	v45 =	vpop (erf)  }
0x21a: {  	v35 =	vadd.f32 v35, v35;
	v47 =	vmul.f32 $1.428571490e-01, v39;
	v46 =	vmul.f32 $1.428571490e-01, v38;
	v48 =	vpop (erf)  }
0x21b: {  	v32 =	vadd.f32 v32, v32;
	v40 =	vmul.f32 v45, v40;
	v31 =	vmul.f32 v48, v31;
	v45 =	vpop (erf)  }
0x21c: {  	v36 =	vadd.f32 v36, v36;
	v48 =	vmul.f32 $1.428571490e-01, v43;
	v41 =	vmul.f32 v45, v41;
	v45 =	vpop (erf)  }
0x21d: {  	v49 =	vadd.f32 v40, v40;
	v42 =	vmul.f32 v45, v42;
	v45 =	vadd.f32 v31, v31  }
0x21e: {  	v47 =	vadd.f32 $2.000000030e-01, v47;
	v44 =	vadd.f32 $2.000000030e-01, v44;
	v40 =	vmul.f32 v40, v40  }
0x21f: {  	v46 =	vadd.f32 $2.000000030e-01, v46;
	v31 =	vmul.f32 v31, v31;
	v50 =	vmul.f32 v41, v41  }
0x220: {  	v48 =	vadd.f32 $2.000000030e-01, v48;
	v44 =	vmul.f32 v44, v37;
	v51 =	vmul.f32 v42, v42  }
0x221: {  	v47 =	vmul.f32 v47, v39;
	v46 =	vmul.f32 v46, v38;
	v41 =	vadd.f32 v41, v41  }
0x222: {  	v52 =	vmul.f32 $1.428571490e-01, v40;
	v48 =	vmul.f32 v48, v43;
	v42 =	vadd.f32 v42, v42  }
0x223: {  	v47 =	vadd.f32 $3.333333430e-01, v47;
	v53 =	vmul.f32 $1.428571490e-01, v31;
	v44 =	vadd.f32 $3.333333430e-01, v44  }
0x224: {  	v46 =	vadd.f32 $3.333333430e-01, v46;
	v54 =	vmul.f32 $1.428571490e-01, v50;
	v52 =	vadd.f32 $2.000000030e-01, v52  }
0x225: {  	v48 =	vadd.f32 $3.333333430e-01, v48;
	v55 =	vmul.f32 $1.428571490e-01, v51;
	v53 =	vadd.f32 $2.000000030e-01, v53  }
0x226: {  	v39 =	vmul.f32 v47, v39;
	v37 =	vmul.f32 v44, v37;
	v54 =	vadd.f32 $2.000000030e-01, v54  }
0x227: {  	v38 =	vmul.f32 v46, v38;
	v46 =	vmul.f32 v52, v40;
	v44 =	vadd.f32 $2.000000030e-01, v55  }
0x228: {  	v43 =	vmul.f32 v48, v43;
	v47 =	vmul.f32 v53, v31;
	v37 =	vadd.f32 $1.000000000e+00, v37  }
0x229: {  	v39 =	vadd.f32 $1.000000000e+00, v39;
	v38 =	vadd.f32 $1.000000000e+00, v38;
	v48 =	vmul.f32 v54, v50  }
0x22a: {  	v46 =	vadd.f32 $3.333333430e-01, v46;
	v43 =	vadd.f32 $1.000000000e+00, v43;
	v44 =	vmul.f32 v44, v51  }
0x22b: {  	v35 =	vmul.f32 v39, v35;
	v39 =	vadd.f32 $3.333333430e-01, v47;
	v34 =	vmul.f32 v37, v34  }
0x22c: {  	v32 =	vmul.f32 v38, v32;
	v37 =	vadd.f32 $3.333333430e-01, v48;
	v38 =	vmul.f32 v46, v40  }
0x22d: {  	v36 =	vmul.f32 v43, v36;
	v40 =	vadd.f32 $3.333333430e-01, v44;
	v31 =	vmul.f32 v39, v31  }
0x22e: {  	v24 =	vadd.f32 v35, v24;
	v21 =	vadd.f32 v34, v21;
	v37 =	vmul.f32 v37, v50  }
0x22f: {  	v27 =	vadd.f32 v32, v27;
	v32 =	vadd.f32 $1.000000000e+00, v38;
	v34 =	vmul.f32 v40, v51  }
0x230: {  	v33 =	vmul.f32 v33, v11;
	v29 =	vadd.f32 v36, v29;
	v31 =	vadd.f32 $1.000000000e+00, v31  }
0x231: {  	v11 =	vmax.f32 v11, $0.0e+00;
	v35 =	vadd.f32 $1.000000000e+00, v37;
	v34 =	vadd.f32 $1.000000000e+00, v34  }
0x232: {  	v36 =	vmax.f32 v9, $0.0e+00;
	v19 =	vsub.f32 v24, v19;
	v16 =	vsub.f32 v21, v16  }
0x233: {  	v20 =	vsub.f32 v27, v20;
	v24 =	vmul.f32 v32, v49;
	v21 =	vmul.f32 v31, v45  }
0x234: {  	v22 =	vsub.f32 v29, v22;
	v29 =	vmul.f32 v35, v41;
	v27 =	vmul.f32 v34, v42  }
0x235: {  	v31 =	vmax.f32 v10, $0.0e+00;
	v12 =	vadd.f32 v24, v12;
	v11 =	vadd.f32 v21, v11  }
0x236: {  	vm7 =	vgt.f32 v28, $5.000000000e-01;
	v24 =	vadd.f32 v29, v36;
	v21 =	vadd.f32 v27, v31  }
0x237: {  	v4 =	vadd.f32 v18, v4;
	v25 =	vnsel vm4, $0x0, v22;
	v12 =	vsub.f32 v12, v30  }
0x238: {  	v10 =	vmul.f32 v28, v10;
	v6 =	vadd.f32 v22, v6;
	v5 =	vadd.f32 v25, v5  }
0x239: {  	v7 =	vadd.f32 v23, v7;
	v22 =	vnsel vm2, $0x0, v20;
	v11 =	vsub.f32 v11, v33  }
0x23a: {  	s26 =	sadd.s32 $0x80, s26;
	v9 =	vmul.f32 v26, v9;
	v6 =	vadd.f32 v20, v6;
	v5 =	vadd.f32 v22, v5  }
0x23b: {  	s0 =	sand.u32 $0x40, s28;
	s29 =	sand.u32 $0x3F00, s26;
	v7 =	vadd.f32 v17, v7;
	v17 =	vnsel vm1, $0x0, v19;
	v10 =	vsub.f32 v21, v10  }
0x23c: {  	s29 =	sor.u32 s0, s29;
	v20 =	vsel vm7, $0x3F800000, v0;
	v6 =	vadd.f32 v19, v6;
	v5 =	vadd.f32 v17, v5  }
0x23d: {  	v7 =	vadd.f32 v15, v7;
	v15 =	vnsel vm0, $0x0, v16;
	v9 =	vsub.f32 v24, v9;
	v19 =	vld [tilespmem:s29+$0x30]  }
0x23e: {  	v21 =	vnsel vm7, $0x0, v10;
	v6 =	vadd.f32 v16, v6;
	v5 =	vadd.f32 v15, v5;
	v31 =	vld [tilespmem:s29+$0x4030]  }
0x23f: {  	v1 =	vadd.f32 v20, v1;
	v20 =	vsel vm6, $0x3F800000, v0;
	v2 =	vadd.f32 v21, v2;
	v17 =	vld [tilespmem:s29+$0x20]  }
0x240: {  	v4 =	vadd.f32 v14, v4;
	v3 =	vadd.f32 v10, v3;
	v10 =	vnsel vm6, $0x0, v9;
	v16 =	vld [tilespmem:s29+$0x4020]  }
0x241: {  	v1 =	vadd.f32 v20, v1;
	v2 =	vadd.f32 v10, v2;
	v10 =	vsel vm5, $0x3F800000, v0;
	v15 =	vld [tilespmem:s29+$0x10]  }
0x242: {  	v4 =	vadd.f32 v13, v4;
	v3 =	vadd.f32 v9, v3;
	v9 =	vnsel vm5, $0x0, v11;
	v20 =	vld [tilespmem:s29+$0x4010]  }
0x243: {  	v1 =	vadd.f32 v10, v1;
	v2 =	vadd.f32 v9, v2;
	v9 =	vsel vm3, $0x3F800000, v0;
	v14 =	vld [tilespmem:s29+$0x0]  }
0x244: {  	v4 =	vadd.f32 v8, v4;
	v3 =	vadd.f32 v11, v3;
	v10 =	vnsel vm3, $0x0, v12;
	v18 =	vld [tilespmem:s29+$0x4000]  }
0x245: {  	v1 =	vadd.f32 v9, v1;
	v2 =	vadd.f32 v10, v2  }
0x246: {  	v3 =	vadd.f32 v12, v3;
	v9 =	vand.u32 $0x7FFFFFFF, v19;
	v10 =	vsub.f32 v19, v31  }
0x247: {  	v25 =	vsub.f32 $0.0e+00, v9;
	v8 =	vand.u32 $0x7FFFFFFF, v17;
	v11 =	vsub.f32 v17, v16  }
0x248: {  	v8 =	vsub.f32 $0.0e+00, v8;
	v21 =	vand.u32 $0x7FFFFFFF, v15;
	v22 =	vsub.f32 v15, v20;
	v13 =	vld [tilespmem:s29+$0x8030]  }
0x249: {  	v12 =	vmul.f32 $5.000000000e+01, v10;
	v23 =	vand.u32 $0x7FFFFFFF, v14;
	v24 =	vsub.f32 v14, v18  }
0x24a: {  	v25 =	vmul.f32 $1.442695020e+00, v25;
	v11 =	vmul.f32 $5.000000000e+01, v11;
	v21 =	vsub.f32 $0.0e+00, v21  }
0x24b: {  	v8 =	vmul.f32 $1.442695020e+00, v8;
	v9 =	vmul.f32 $5.000000000e+01, v22;
	v23 =	vsub.f32 $0.0e+00, v23  }
0x24c: {  	v21 =	vmul.f32 $1.442695020e+00, v21;
	v10 =	vmul.f32 $5.000000000e+01, v24  }
0x24d: {  	v23 =	vmul.f32 $1.442695020e+00, v23;
	v22 =	vld [tilespmem:s29+$0xC030];
	vm0 =	vgt.f32 v13, $5.000000000e-01;
	(erf) = vpow2.f32 v25  }
.Ltmp18:
0x24e: {  	v24 =	vand.u32 $0x7FFFFFFF, v12;
	v25 =	vld [tilespmem:s29+$0x8020];
	(erf) = vpow2.f32 v8;
	(pc) =	sbr.rel @p0 .LBB2_38-.Ltmp18, $4  }
0x24f: {  	v27 =	vsub.f32 $0.0e+00, v24;
	v8 =	vand.u32 $0x7FFFFFFF, v11;
	v26 =	vld [tilespmem:s29+$0xC020];
	(erf) = vpow2.f32 v21  }
0x250: {  	v21 =	vand.u32 $0x7FFFFFFF, v9;
	v8 =	vsub.f32 $0.0e+00, v8;
	v28 =	vld [tilespmem:s29+$0x8010];
	(erf) = vpow2.f32 v23  }
0x251: {  	v23 =	vand.u32 $0x7FFFFFFF, v10;
	v24 =	vsub.f32 $0.0e+00, v21;
	v21 =	vmul.f32 $1.442695020e+00, v27;
	v29 =	vld [tilespmem:s29+$0xC010]  }
0x252: {  	s28 =	sadd.s32 $0x40, s28;
	v27 =	vsub.f32 $0.0e+00, v23;
	v23 =	vmul.f32 $1.442695020e+00, v8;
	v30 =	vld [tilespmem:s29+$0x8000];
	v8 =	vsub.f32 v31, v22  }
0x253: {  	v24 =	vmul.f32 $1.442695020e+00, v24  }
0x254: {  	vm1 =	vgt.f32 v25, $5.000000000e-01;
	(erf) = vpow2.f32 v21;
	v35 =	vmax.f32 v17, $0.0e+00  }
0x255: {  	v38 =	vsub.f32 v13, v22;
	v21 =	vmul.f32 $1.442695020e+00, v27;
	v27 =	vsub.f32 v16, v26  }
0x256: {  	v31 =	vld [tilespmem:s29+$0xC000];
	(erf) = vpow2.f32 v23;
	v16 =	vmul.f32 v13, v19;
	v23 =	vmax.f32 v19, $0.0e+00  }
0x257: {  	v19 =	vmul.f32 v25, v17;
	v25 =	vsub.f32 v25, v26;
	(erf) = vpow2.f32 v24  }
0x258: {  	vm2 =	vgt.f32 v28, $5.000000000e-01;
	v24 =	vsub.f32 v20, v29;
	(erf) = vpow2.f32 v21  }
0x259: {  	v32 =	vpop (erf);
	v21 =	vmul.f32 v28, v15;
	v28 =	vsub.f32 v28, v29;
	v29 =	vmax.f32 v14, $0.0e+00  }
0x25a: {  	v25 =	vmul.f32 $5.000000000e+01, v25;
	vm4 =	vgt.f32 v30, $5.000000000e-01;
	v20 =	vadd.f32 $2.000000000e+00, v32  }
0x25b: {  	v33 =	vpop (erf);
	v22 =	vmul.f32 v30, v14;
	v14 =	vsel vm0, $0x3F800000, v0;
	v18 =	vsub.f32 v18, v31  }
0x25c: {  	v34 =	vadd.f32 $2.000000000e+00, v33;
	v36 =	vpop (erf);
	v30 =	vsub.f32 v30, v31;
	v43 =	vsel vm4, $0x3F800000, v0  }
0x25d: {  	vm5 =	vgt.f32 v25, $5.000000000e-01;
	v17 =	vadd.f32 $2.000000000e+00, v36;
	v37 =	vpop (erf);
	(erf) = vrcp.f32 v20  }
0x25e: {  	v25 =	vmul.f32 v25, v11;
	v20 =	vadd.f32 $2.000000000e+00, v37;
	(erf) = vrcp.f32 v34  }
0x25f: {  	v11 =	vmax.f32 v11, $0.0e+00;
	v7 =	vadd.f32 v43, v7;
	(erf) = vrcp.f32 v17  }
0x260: {  	v34 =	vmax.f32 v15, $0.0e+00;
	v15 =	vsel vm1, $0x3F800000, v0;
	(erf) = vrcp.f32 v20;
	v26 =	vpop (erf)  }
0x261: {  	v30 =	vmul.f32 $5.000000000e+01, v30;
	v18 =	vand.u32 $0x7FFFFFFF, v18;
	v13 =	vadd.f32 $2.000000000e+00, v26;
	v31 =	vpop (erf)  }
0x262: {  	v4 =	vadd.f32 v18, v4;
	v20 =	vsel vm2, $0x3F800000, v0;
	v17 =	vadd.f32 $2.000000000e+00, v31;
	v39 =	vpop (erf)  }
0x263: {  	v7 =	vadd.f32 v20, v7;
	v40 =	vadd.f32 $2.000000000e+00, v39;
	(erf) = vrcp.f32 v13  }
0x264: {  	v41 =	vpop (erf);
	v13 =	vand.u32 $0x7FFFFFFF, v27;
	v27 =	vmul.f32 $5.000000000e+01, v38;
	(erf) = vrcp.f32 v17  }
0x265: {  	vm7 =	vgt.f32 v30, $5.000000000e-01;
	v42 =	vadd.f32 $2.000000000e+00, v41;
	(erf) = vrcp.f32 v40  }
0x266: {  	v7 =	vadd.f32 v15, v7;
	v17 =	vand.u32 $0x7FFFFFFF, v24;
	v24 =	vmul.f32 $5.000000000e+01, v28;
	v61 =	vpop (erf)  }
0x267: {  	v38 =	vmul.f32 v27, v12;
	vm3 =	vgt.f32 v27, $5.000000000e-01;
	(erf) = vrcp.f32 v42;
	v28 =	vpop (erf)  }
0x268: {  	v12 =	vmax.f32 v12, $0.0e+00;
	v4 =	vadd.f32 v17, v4;
	v32 =	vmul.f32 v61, v32;
	v27 =	vpop (erf)  }
0x269: {  	vm6 =	vgt.f32 v24, $5.000000000e-01;
	v28 =	vmul.f32 v28, v33;
	v27 =	vmul.f32 v27, v36;
	v62 =	vpop (erf)  }
0x26a: {  	v63 =	vmul.f32 v32, v32;
	v32 =	vadd.f32 v32, v32;
	v33 =	vmul.f32 v62, v37  }
0x26b: {  	v58 =	vmul.f32 v28, v28;
	v28 =	vadd.f32 v28, v28;
	v57 =	vmul.f32 v27, v27  }
0x26c: {  	v44 =	vmul.f32 $1.428571490e-01, v63;
	v27 =	vadd.f32 v27, v27;
	v59 =	vmul.f32 v33, v33;
	v45 =	vpop (erf)  }
0x26d: {  	v47 =	vmul.f32 $1.428571490e-01, v58;
	v33 =	vadd.f32 v33, v33;
	v46 =	vmul.f32 $1.428571490e-01, v57;
	v48 =	vpop (erf)  }
0x26e: {  	v26 =	vmul.f32 v45, v26;
	v44 =	vadd.f32 $2.000000030e-01, v44;
	v31 =	vmul.f32 v48, v31;
	v60 =	vpop (erf)  }
0x26f: {  	v61 =	vmul.f32 $1.428571490e-01, v59;
	v47 =	vadd.f32 $2.000000030e-01, v47;
	v39 =	vmul.f32 v60, v39  }
0x270: {  	v62 =	vpop (erf);
	v49 =	vadd.f32 v26, v26;
	v26 =	vmul.f32 v26, v26;
	v46 =	vadd.f32 $2.000000030e-01, v46  }
0x271: {  	v44 =	vmul.f32 v44, v63;
	v41 =	vmul.f32 v62, v41;
	v45 =	vadd.f32 v31, v31  }
0x272: {  	v31 =	vmul.f32 v31, v31;
	v48 =	vadd.f32 $2.000000030e-01, v61;
	v47 =	vmul.f32 v47, v58  }
0x273: {  	v50 =	vmul.f32 v39, v39;
	v46 =	vmul.f32 v46, v57;
	v39 =	vadd.f32 v39, v39  }
0x274: {  	v52 =	vmul.f32 $1.428571490e-01, v26;
	v44 =	vadd.f32 $3.333333430e-01, v44;
	v51 =	vmul.f32 v41, v41  }
0x275: {  	v48 =	vmul.f32 v48, v59;
	v41 =	vadd.f32 v41, v41;
	v47 =	vadd.f32 $3.333333430e-01, v47  }
0x276: {  	v53 =	vmul.f32 $1.428571490e-01, v31;
	v46 =	vadd.f32 $3.333333430e-01, v46;
	v54 =	vmul.f32 $1.428571490e-01, v50  }
0x277: {  	v52 =	vadd.f32 $2.000000030e-01, v52;
	v36 =	vmul.f32 v44, v63;
	v48 =	vadd.f32 $3.333333430e-01, v48  }
0x278: {  	_ =	swait.ge [sflag:s22], $0x2000;
	v55 =	vmul.f32 $1.428571490e-01, v51;
	v53 =	vadd.f32 $2.000000030e-01, v53;
	v40 =	vmul.f32 v47, v58  }
0x279: {  	[sflag:s22] =	ssyncset.done $0x0;
	v54 =	vadd.f32 $2.000000030e-01, v54;
	v37 =	vmul.f32 v46, v57;
	v36 =	vadd.f32 $1.000000000e+00, v36  }
0x27a: {  	[sflag:s22] =	ssyncadd.s32 $0xFFFFE000;
	v63 =	vadd.f32 $2.000000030e-01, v55;
	v55 =	vmul.f32 v52, v26;
	v42 =	vmul.f32 v48, v59  }
0x27b: {  	_ =	swait.ge [sflag:s22], $0x2000;
	v56 =	vmul.f32 v53, v31;
	v40 =	vadd.f32 $1.000000000e+00, v40;
	v37 =	vadd.f32 $1.000000000e+00, v37  }
0x27c: {  	[sflag:s22] =	ssyncset.done $0x0;
	v57 =	vmul.f32 v54, v50;
	v32 =	vmul.f32 v36, v32;
	v42 =	vadd.f32 $1.000000000e+00, v42  }
0x27d: {  	[sflag:s22] =	ssyncadd.s32 $0xFFFFE000;
	v44 =	vmul.f32 v63, v51;
	v46 =	vadd.f32 $3.333333430e-01, v55;
	v28 =	vmul.f32 v40, v28  }
0x27e: {  	_ =	swait.ge [sflag:s22], $0x2000;
	v58 =	vadd.f32 $3.333333430e-01, v56;
	v63 =	vmax.f32 v9, $0.0e+00;
	v27 =	vmul.f32 v37, v27  }
0x27f: {  	p0 =	por $0x0, $0x0;
	s0 =	simm.s32 $0x1;
	[sflag:s22] =	ssyncset.done $0x0;
	v59 =	vadd.f32 $3.333333430e-01, v57;
	v23 =	vadd.f32 v32, v23;
	v26 =	vmul.f32 v46, v26  }
0x280: {  	s0 =	simm.s32 @!p0 $0x0;
	[sflag:s22] =	ssyncadd.s32 $0xFFFFE000;
	v33 =	vmul.f32 v42, v33;
	v60 =	vadd.f32 $3.333333430e-01, v44;
	v28 =	vadd.f32 v28, v35  }
0x281: {  	s0 =	sshll.u32 s0, $0x6;
	_ =	swait.ge [sflag:s22], $0x2000;
	v31 =	vmul.f32 v58, v31;
	v27 =	vadd.f32 v27, v34;
	v16 =	vsub.f32 v23, v16  }
0x282: {  	s0 =	sadd.s32 $0x0, s0;
	[sflag:s22] =	ssyncset.done $0x0;
	v36 =	vmul.f32 v59, v50;
	v26 =	vadd.f32 $1.000000000e+00, v26;
	v29 =	vadd.f32 v33, v29  }
0x283: {  	s30 =	sor.u32 $0x80, s0;
	[sflag:s22] =	ssyncadd.s32 $0xFFFFE000;
	v61 =	vmul.f32 v60, v51;
	v31 =	vadd.f32 $1.000000000e+00, v31;
	v19 =	vsub.f32 v28, v19  }
0x284: {  	v9 =	vmul.f32 v24, v9;
	v17 =	vld [tilespmem:s30+$0x0];
	v62 =	vadd.f32 $1.000000000e+00, v36;
	v21 =	vsub.f32 v27, v21  }
0x285: {  	v32 =	vadd.f32 $1.000000000e+00, v61;
	v23 =	vmul.f32 v31, v45;
	v26 =	vmul.f32 v26, v49  }
0x286: {  	v22 =	vsub.f32 v29, v22;
	v29 =	vmax.f32 v10, $0.0e+00;
	v28 =	vmul.f32 v62, v39  }
0x287: {  	v27 =	vmul.f32 v32, v41;
	v11 =	vadd.f32 v23, v11;
	v12 =	vadd.f32 v26, v12  }
0x288: {  	v10 =	vmul.f32 v30, v10;
	v6 =	vadd.f32 v22, v6;
	v26 =	vadd.f32 v28, v63  }
0x289: {  	v24 =	vand.u32 $0x7FFFFFFF, v17;
	v23 =	vadd.f32 v27, v29;
	v12 =	vsub.f32 v12, v38  }
0x28a: {  	v27 =	vnsel vm4, $0x0, v22;
	v11 =	vsub.f32 v11, v25;
	v6 =	vadd.f32 v21, v6  }
0x28b: {  	v15 =	vnsel vm1, $0x0, v19;
	v24 =	vsub.f32 $0.0e+00, v24;
	v5 =	vadd.f32 v27, v5  }
0x28c: {  	v20 =	vnsel vm2, $0x0, v21;
	v9 =	vsub.f32 v26, v9;
	v10 =	vsub.f32 v23, v10  }
0x28d: {  	s29 =	sor.u32 $0x90, s0;
	v19 =	vadd.f32 v19, v6;
	v5 =	vadd.f32 v20, v5;
	v20 =	vsel vm7, $0x3F800000, v0  }
0x28e: {  	s28 =	sor.u32 $0xA0, s0;
	v18 =	vld [tilespmem:s29+$0x4000];
	v6 =	vnsel vm0, $0x0, v16;
	v29 =	vmul.f32 $1.442695020e+00, v24;
	v1 =	vadd.f32 v20, v1  }
0x28f: {  	s26 =	sor.u32 $0xB0, s0;
	v20 =	vld [tilespmem:s28+$0x4000];
	v21 =	vadd.f32 v15, v5;
	v5 =	vadd.f32 v14, v7;
	v14 =	vnsel vm7, $0x0, v10  }
0x290: {  	v3 =	vadd.f32 v10, v3;
	v15 =	vld [tilespmem:s26+$0x0];
	v2 =	vadd.f32 v14, v2;
	v14 =	vsel vm6, $0x3F800000, v0  }
0x291: {  	v7 =	vadd.f32 v16, v19;
	v19 =	vld [tilespmem:s26+$0x4000];
	v10 =	vnsel vm6, $0x0, v9;
	v1 =	vadd.f32 v14, v1  }
0x292: {  	v16 =	vld [tilespmem:s28+$0x0];
	v3 =	vadd.f32 v9, v3;
	v2 =	vadd.f32 v10, v2;
	v10 =	vsel vm5, $0x3F800000, v0  }
0x293: {  	v9 =	vnsel vm5, $0x0, v11;
	v6 =	vadd.f32 v6, v21;
	v14 =	vld [tilespmem:s29+$0x0];
	v1 =	vadd.f32 v10, v1  }
0x294: {  	v21 =	vld [tilespmem:s30+$0x4000];
	v10 =	vadd.f32 v11, v3;
	v2 =	vadd.f32 v9, v2;
	v9 =	vsel vm3, $0x3F800000, v0  }
0x295: {  	v11 =	vadd.f32 v13, v4;
	v3 =	vnsel vm3, $0x0, v12;
	v4 =	vadd.f32 v9, v1  }
0x296: {  	v1 =	vand.u32 $0x7FFFFFFF, v8;
	v3 =	vadd.f32 v3, v2;
	v2 =	vadd.f32 v12, v10  }
0x297: {  	v8 =	vand.u32 $0x7FFFFFFF, v16;
	v1 =	vadd.f32 v1, v11;
	v11 =	vsub.f32 v15, v19  }
0x298: {  	v9 =	vand.u32 $0x7FFFFFFF, v15;
	v23 =	vsub.f32 v14, v18;
	v10 =	vsub.f32 v16, v20  }
0x299: {  	v13 =	vld [tilespmem:s26+$0x8000];
	v22 =	vand.u32 $0x7FFFFFFF, v14;
	v25 =	vsub.f32 v17, v21;
	v9 =	vsub.f32 $0.0e+00, v9  }
0x29a: {  	v26 =	vsub.f32 $0.0e+00, v8;
	v10 =	vmul.f32 $5.000000000e+01, v10;
	v12 =	vmul.f32 $5.000000000e+01, v11  }
0x29b: {  	v11 =	vsub.f32 $0.0e+00, v22;
	v8 =	vmul.f32 $5.000000000e+01, v23;
	v22 =	vmul.f32 $1.442695020e+00, v9  }
0x29c: {  	v9 =	vmul.f32 $5.000000000e+01, v25;
	v25 =	vmul.f32 $1.442695020e+00, v26  }
0x29d: {  	v23 =	vld [tilespmem:s26+$0xC000];
	v27 =	vmul.f32 $1.442695020e+00, v11;
	(erf) = vpow2.f32 v22  }
0x29e: {  	v24 =	vld [tilespmem:s28+$0x8000];
	vm0 =	vgt.f32 v13, $5.000000000e-01;
	v11 =	vand.u32 $0x7FFFFFFF, v12;
	(erf) = vpow2.f32 v25  }
0x29f: {  	v26 =	vld [tilespmem:s28+$0xC000];
	v22 =	vand.u32 $0x7FFFFFFF, v10;
	v11 =	vsub.f32 $0.0e+00, v11;
	(erf) = vpow2.f32 v27  }
0x2a0: {  	v28 =	vld [tilespmem:s29+$0x8000];
	s26 =	simm.s32 $0x0;
	s28 =	simm.s32 $0x40;
	v25 =	vand.u32 $0x7FFFFFFF, v8;
	v22 =	vsub.f32 $0.0e+00, v22;
	(erf) = vpow2.f32 v29  }
.LBB2_40:
0x2a1: {  	p1 =	sne.s32 s28, $0x1FC0;
	v27 =	vand.u32 $0x7FFFFFFF, v9;
	v29 =	vld [tilespmem:s29+$0xC000];
	v25 =	vsub.f32 $0.0e+00, v25;
	v30 =	vmul.f32 $1.442695020e+00, v11  }
0x2a2: {  	v31 =	vld [tilespmem:s30+$0x8000];
	v27 =	vsub.f32 $0.0e+00, v27;
	v22 =	vmul.f32 $1.442695020e+00, v22;
	v11 =	vsub.f32 v19, v23  }
0x2a3: {  	v32 =	vld [tilespmem:s30+$0xC000];
	v25 =	vmul.f32 $1.442695020e+00, v25;
	vm1 =	vgt.f32 v24, $5.000000000e-01;
	(erf) = vpow2.f32 v30  }
0x2a4: {  	v27 =	vmul.f32 $1.442695020e+00, v27;
	v30 =	vsub.f32 v20, v26;
	(erf) = vpow2.f32 v22  }
0x2a5: {  	v19 =	vmul.f32 v13, v15;
	vm2 =	vgt.f32 v28, $5.000000000e-01;
	(erf) = vpow2.f32 v25  }
0x2a6: {  	v22 =	vmax.f32 v15, $0.0e+00;
	v18 =	vsub.f32 v18, v29;
	(erf) = vpow2.f32 v27;
	v33 =	vpop (erf)  }
0x2a7: {  	v20 =	vmul.f32 v24, v16;
	vm4 =	vgt.f32 v31, $5.000000000e-01;
	v15 =	vadd.f32 $2.000000000e+00, v33;
	v34 =	vpop (erf)  }
0x2a8: {  	v25 =	vmax.f32 v16, $0.0e+00;
	v35 =	vsub.f32 v21, v32;
	v21 =	vadd.f32 $2.000000000e+00, v34;
	v36 =	vpop (erf)  }
0x2a9: {  	v16 =	vmul.f32 v28, v14;
	v37 =	vadd.f32 $2.000000000e+00, v36;
	v38 =	vpop (erf);
	(erf) = vrcp.f32 v15  }
0x2aa: {  	v39 =	vsub.f32 v13, v23;
	v15 =	vadd.f32 $2.000000000e+00, v38;
	(erf) = vrcp.f32 v21  }
0x2ab: {  	v27 =	vmax.f32 v14, $0.0e+00;
	v23 =	vmul.f32 v31, v17;
	(erf) = vrcp.f32 v37  }
0x2ac: {  	v24 =	vsub.f32 v24, v26;
	v37 =	vsub.f32 v28, v29;
	(erf) = vrcp.f32 v15;
	v40 =	vpop (erf)  }
0x2ad: {  	v29 =	vmax.f32 v17, $0.0e+00;
	v28 =	vsub.f32 v31, v32;
	v13 =	vadd.f32 $2.000000000e+00, v40;
	v31 =	vpop (erf)  }
0x2ae: {  	v14 =	vsel vm0, $0x3F800000, v0;
	v15 =	vsel vm1, $0x3F800000, v0;
	v17 =	vadd.f32 $2.000000000e+00, v31;
	v32 =	vpop (erf)  }
0x2af: {  	v21 =	vsel vm2, $0x3F800000, v0;
	v41 =	vadd.f32 $2.000000000e+00, v32;
	v42 =	vpop (erf);
	(erf) = vrcp.f32 v13  }
0x2b0: {  	v26 =	vsel vm4, $0x3F800000, v0;
	v43 =	vadd.f32 $2.000000000e+00, v42;
	(erf) = vrcp.f32 v17  }
0x2b1: {  	v39 =	vmul.f32 $5.000000000e+01, v39;
	v13 =	vand.u32 $0x7FFFFFFF, v30;
	(erf) = vrcp.f32 v41  }
0x2b2: {  	v17 =	vand.u32 $0x7FFFFFFF, v18;
	v41 =	vmul.f32 $5.000000000e+01, v24;
	(erf) = vrcp.f32 v43;
	v30 =	vpop (erf)  }
0x2b3: {  	v28 =	vmul.f32 $5.000000000e+01, v28;
	v18 =	vand.u32 $0x7FFFFFFF, v35;
	v24 =	vmul.f32 $5.000000000e+01, v37;
	v35 =	vpop (erf)  }
0x2b4: {  	vm3 =	vgt.f32 v39, $5.000000000e-01;
	v33 =	vmul.f32 v30, v33;
	v30 =	vmul.f32 v39, v12;
	v37 =	vpop (erf)  }
0x2b5: {  	vm5 =	vgt.f32 v41, $5.000000000e-01;
	v34 =	vmul.f32 v35, v34;
	v36 =	vmul.f32 v37, v36;
	v35 =	vpop (erf)  }
0x2b6: {  	vm6 =	vgt.f32 v24, $5.000000000e-01;
	v37 =	vmul.f32 v33, v33;
	v35 =	vmul.f32 v35, v38  }
0x2b7: {  	v12 =	vmax.f32 v12, $0.0e+00;
	v39 =	vmul.f32 v34, v34;
	v38 =	vmul.f32 v36, v36  }
0x2b8: {  	v33 =	vadd.f32 v33, v33;
	v44 =	vmul.f32 $1.428571490e-01, v37;
	v43 =	vmul.f32 v35, v35;
	v45 =	vpop (erf)  }
0x2b9: {  	v34 =	vadd.f32 v34, v34;
	v47 =	vmul.f32 $1.428571490e-01, v39;
	v46 =	vmul.f32 $1.428571490e-01, v38;
	v48 =	vpop (erf)  }
0x2ba: {  	v36 =	vadd.f32 v36, v36;
	v40 =	vmul.f32 v45, v40;
	v31 =	vmul.f32 v48, v31;
	v45 =	vpop (erf)  }
0x2bb: {  	v35 =	vadd.f32 v35, v35;
	v48 =	vmul.f32 $1.428571490e-01, v43;
	v32 =	vmul.f32 v45, v32;
	v45 =	vpop (erf)  }
0x2bc: {  	v49 =	vadd.f32 v40, v40;
	v42 =	vmul.f32 v45, v42;
	v45 =	vadd.f32 v31, v31  }
0x2bd: {  	v44 =	vadd.f32 $2.000000030e-01, v44;
	v47 =	vadd.f32 $2.000000030e-01, v47;
	v40 =	vmul.f32 v40, v40  }
0x2be: {  	v46 =	vadd.f32 $2.000000030e-01, v46;
	v31 =	vmul.f32 v31, v31;
	v50 =	vmul.f32 v32, v32  }
0x2bf: {  	v44 =	vmul.f32 v44, v37;
	v48 =	vadd.f32 $2.000000030e-01, v48;
	v51 =	vmul.f32 v42, v42  }
0x2c0: {  	v47 =	vmul.f32 v47, v39;
	v46 =	vmul.f32 v46, v38;
	v32 =	vadd.f32 v32, v32  }
0x2c1: {  	v52 =	vmul.f32 $1.428571490e-01, v40;
	v48 =	vmul.f32 v48, v43;
	v42 =	vadd.f32 v42, v42  }
0x2c2: {  	v44 =	vadd.f32 $3.333333430e-01, v44;
	v47 =	vadd.f32 $3.333333430e-01, v47;
	v53 =	vmul.f32 $1.428571490e-01, v31  }
0x2c3: {  	v46 =	vadd.f32 $3.333333430e-01, v46;
	v54 =	vmul.f32 $1.428571490e-01, v50;
	v52 =	vadd.f32 $2.000000030e-01, v52  }
0x2c4: {  	v48 =	vadd.f32 $3.333333430e-01, v48;
	v55 =	vmul.f32 $1.428571490e-01, v51;
	v53 =	vadd.f32 $2.000000030e-01, v53  }
0x2c5: {  	v37 =	vmul.f32 v44, v37;
	v39 =	vmul.f32 v47, v39;
	v54 =	vadd.f32 $2.000000030e-01, v54  }
0x2c6: {  	v38 =	vmul.f32 v46, v38;
	v46 =	vmul.f32 v52, v40;
	v44 =	vadd.f32 $2.000000030e-01, v55  }
0x2c7: {  	v37 =	vadd.f32 $1.000000000e+00, v37;
	v43 =	vmul.f32 v48, v43;
	v47 =	vmul.f32 v53, v31  }
0x2c8: {  	v39 =	vadd.f32 $1.000000000e+00, v39;
	v38 =	vadd.f32 $1.000000000e+00, v38;
	v48 =	vmul.f32 v54, v50  }
0x2c9: {  	v46 =	vadd.f32 $3.333333430e-01, v46;
	v43 =	vadd.f32 $1.000000000e+00, v43;
	v44 =	vmul.f32 v44, v51  }
0x2ca: {  	v33 =	vmul.f32 v37, v33;
	v34 =	vmul.f32 v39, v34;
	v39 =	vadd.f32 $3.333333430e-01, v47  }
0x2cb: {  	v36 =	vmul.f32 v38, v36;
	v37 =	vadd.f32 $3.333333430e-01, v48;
	v38 =	vmul.f32 v46, v40  }
0x2cc: {  	v35 =	vmul.f32 v43, v35;
	v40 =	vadd.f32 $3.333333430e-01, v44;
	v31 =	vmul.f32 v39, v31  }
0x2cd: {  	v22 =	vadd.f32 v33, v22;
	v25 =	vadd.f32 v34, v25;
	v37 =	vmul.f32 v37, v50  }
0x2ce: {  	v27 =	vadd.f32 v36, v27;
	v34 =	vadd.f32 $1.000000000e+00, v38;
	v33 =	vmul.f32 v40, v51  }
0x2cf: {  	v29 =	vadd.f32 v35, v29;
	v31 =	vadd.f32 $1.000000000e+00, v31;
	v35 =	vmul.f32 v41, v10  }
0x2d0: {  	v10 =	vmax.f32 v10, $0.0e+00;
	v36 =	vadd.f32 $1.000000000e+00, v37;
	v33 =	vadd.f32 $1.000000000e+00, v33  }
0x2d1: {  	v22 =	vsub.f32 v22, v19;
	v20 =	vsub.f32 v25, v20;
	v37 =	vmax.f32 v8, $0.0e+00  }
0x2d2: {  	v16 =	vsub.f32 v27, v16;
	v25 =	vmul.f32 v34, v49;
	v19 =	vmul.f32 v31, v45  }
0x2d3: {  	v23 =	vsub.f32 v29, v23;
	v29 =	vmul.f32 v36, v32;
	v27 =	vmul.f32 v33, v42  }
0x2d4: {  	v31 =	vmax.f32 v9, $0.0e+00;
	v12 =	vadd.f32 v25, v12;
	v10 =	vadd.f32 v19, v10  }
0x2d5: {  	vm7 =	vgt.f32 v28, $5.000000000e-01;
	v25 =	vadd.f32 v29, v37;
	v19 =	vadd.f32 v27, v31  }
0x2d6: {  	v5 =	vadd.f32 v26, v5;
	v26 =	vnsel vm4, $0x0, v23;
	v12 =	vsub.f32 v12, v30  }
0x2d7: {  	p0 =	por !p0, !p0;
	s0 =	simm.s32 $0x1;
	v9 =	vmul.f32 v28, v9;
	v7 =	vadd.f32 v23, v7;
	v6 =	vadd.f32 v26, v6  }
0x2d8: {  	s0 =	simm.s32 @!p0 $0x0;
	v5 =	vadd.f32 v21, v5;
	v21 =	vnsel vm2, $0x0, v16;
	v10 =	vsub.f32 v10, v35  }
0x2d9: {  	s26 =	sadd.s32 $0x80, s26;
	s0 =	sshll.u32 s0, $0x6;
	v8 =	vmul.f32 v24, v8;
	v7 =	vadd.f32 v16, v7;
	v6 =	vadd.f32 v21, v6  }
0x2da: {  	s30 =	sadd.s32 s0, s26;
	v5 =	vadd.f32 v15, v5;
	v15 =	vnsel vm1, $0x0, v20;
	v9 =	vsub.f32 v19, v9  }
0x2db: {  	s31 =	sor.u32 $0xB0, s30;
	v21 =	vsel vm7, $0x3F800000, v0;
	v7 =	vadd.f32 v20, v7;
	v6 =	vadd.f32 v15, v6  }
0x2dc: {  	v5 =	vadd.f32 v14, v5;
	v14 =	vnsel vm0, $0x0, v22;
	v8 =	vsub.f32 v25, v8;
	v15 =	vld [tilespmem:s31+$0x0]  }
0x2dd: {  	s0 =	sor.u32 $0xA0, s30;
	v20 =	vnsel vm7, $0x0, v9;
	v7 =	vadd.f32 v22, v7;
	v6 =	vadd.f32 v14, v6;
	v19 =	vld [tilespmem:s31+$0x4000]  }
0x2de: {  	v4 =	vadd.f32 v21, v4;
	v21 =	vsel vm6, $0x3F800000, v0;
	v3 =	vadd.f32 v20, v3;
	v16 =	vld [tilespmem:s0+$0x0]  }
0x2df: {  	s29 =	sor.u32 $0x90, s30;
	v1 =	vadd.f32 v18, v1;
	v2 =	vadd.f32 v9, v2;
	v9 =	vnsel vm6, $0x0, v8;
	v20 =	vld [tilespmem:s0+$0x4000]  }
0x2e0: {  	v4 =	vadd.f32 v21, v4;
	v3 =	vadd.f32 v9, v3;
	v9 =	vsel vm5, $0x3F800000, v0;
	v14 =	vld [tilespmem:s29+$0x0]  }
0x2e1: {  	s30 =	sor.u32 $0x80, s30;
	v1 =	vadd.f32 v17, v1;
	v2 =	vadd.f32 v8, v2;
	v8 =	vnsel vm5, $0x0, v10;
	v18 =	vld [tilespmem:s29+$0x4000]  }
0x2e2: {  	v4 =	vadd.f32 v9, v4;
	v3 =	vadd.f32 v8, v3;
	v8 =	vsel vm3, $0x3F800000, v0;
	v17 =	vld [tilespmem:s30+$0x0]  }
0x2e3: {  	v1 =	vadd.f32 v13, v1;
	v2 =	vadd.f32 v10, v2;
	v9 =	vnsel vm3, $0x0, v12;
	v21 =	vld [tilespmem:s30+$0x4000]  }
0x2e4: {  	v4 =	vadd.f32 v8, v4;
	v8 =	vand.u32 $0x7FFFFFFF, v11;
	v3 =	vadd.f32 v9, v3  }
0x2e5: {  	v2 =	vadd.f32 v12, v2;
	v1 =	vadd.f32 v8, v1  }
0x2e6: {  	v9 =	vand.u32 $0x7FFFFFFF, v15;
	v11 =	vsub.f32 v15, v19;
	v8 =	vand.u32 $0x7FFFFFFF, v16  }
0x2e7: {  	v10 =	vsub.f32 v16, v20;
	v22 =	vand.u32 $0x7FFFFFFF, v14;
	v23 =	vsub.f32 v14, v18;
	v13 =	vld [tilespmem:s31+$0x8000]  }
0x2e8: {  	v9 =	vsub.f32 $0.0e+00, v9;
	v24 =	vand.u32 $0x7FFFFFFF, v17;
	v25 =	vsub.f32 v17, v21  }
0x2e9: {  	v26 =	vsub.f32 $0.0e+00, v8;
	v12 =	vmul.f32 $5.000000000e+01, v11;
	v10 =	vmul.f32 $5.000000000e+01, v10  }
0x2ea: {  	v11 =	vsub.f32 $0.0e+00, v22;
	v22 =	vmul.f32 $1.442695020e+00, v9;
	v8 =	vmul.f32 $5.000000000e+01, v23  }
.Ltmp19:
0x2eb: {  	v24 =	vsub.f32 $0.0e+00, v24;
	v9 =	vmul.f32 $5.000000000e+01, v25;
	v25 =	vmul.f32 $1.442695020e+00, v26;
	(pc) =	sbr.rel @p1 .LBB2_40-.Ltmp19, $4  }
0x2ec: {  	v27 =	vmul.f32 $1.442695020e+00, v11;
	v23 =	vld [tilespmem:s31+$0xC000];
	vm0 =	vgt.f32 v13, $5.000000000e-01;
	(erf) = vpow2.f32 v22  }
0x2ed: {  	v11 =	vand.u32 $0x7FFFFFFF, v12;
	v29 =	vmul.f32 $1.442695020e+00, v24;
	v24 =	vld [tilespmem:s0+$0x8000];
	(erf) = vpow2.f32 v25  }
0x2ee: {  	v11 =	vsub.f32 $0.0e+00, v11;
	v22 =	vand.u32 $0x7FFFFFFF, v10;
	v26 =	vld [tilespmem:s0+$0xC000];
	(erf) = vpow2.f32 v27  }
0x2ef: {  	s28 =	sadd.s32 $0x40, s28;
	v25 =	vand.u32 $0x7FFFFFFF, v8;
	v22 =	vsub.f32 $0.0e+00, v22;
	v28 =	vld [tilespmem:s29+$0x8000];
	(erf) = vpow2.f32 v29  }
0x2f0: {  	v27 =	vand.u32 $0x7FFFFFFF, v9;
	v25 =	vsub.f32 $0.0e+00, v25;
	v30 =	vmul.f32 $1.442695020e+00, v11  }
0x2f1: {  	v35 =	vmax.f32 v16, $0.0e+00;
	v39 =	vmax.f32 v14, $0.0e+00;
	v27 =	vsub.f32 $0.0e+00, v27  }
0x2f2: {  	v29 =	vld [tilespmem:s29+$0xC000];
	v22 =	vmul.f32 $1.442695020e+00, v22;
	v11 =	vsub.f32 v19, v23;
	v19 =	vmul.f32 v13, v15  }
0x2f3: {  	v31 =	vld [tilespmem:s30+$0x8000];
	v38 =	vsub.f32 v13, v23;
	v25 =	vmul.f32 $1.442695020e+00, v25;
	vm1 =	vgt.f32 v24, $5.000000000e-01  }
0x2f4: {  	v32 =	vld [tilespmem:s30+$0xC000];
	(erf) = vpow2.f32 v30;
	v27 =	vmul.f32 $1.442695020e+00, v27;
	v61 =	vsub.f32 v20, v26  }
0x2f5: {  	(erf) = vpow2.f32 v22;
	v22 =	vmax.f32 v15, $0.0e+00;
	v49 =	vsub.f32 v24, v26  }
0x2f6: {  	v15 =	vsel vm0, $0x3F800000, v0;
	v55 =	vmul.f32 $5.000000000e+01, v38;
	vm2 =	vgt.f32 v28, $5.000000000e-01  }
0x2f7: {  	(erf) = vpow2.f32 v25;
	v20 =	vmul.f32 v28, v14;
	v62 =	vsub.f32 v18, v29  }
0x2f8: {  	(erf) = vpow2.f32 v27;
	vm3 =	vgt.f32 v31, $5.000000000e-01;
	v18 =	vmul.f32 v24, v16  }
0x2f9: {  	v63 =	vpop (erf);
	v34 =	vsub.f32 v21, v32;
	v21 =	vmul.f32 v31, v17;
	v48 =	vsub.f32 v28, v29  }
0x2fa: {  	v29 =	vmax.f32 v17, $0.0e+00;
	v50 =	vsub.f32 v31, v32;
	v44 =	vadd.f32 $2.000000000e+00, v63;
	v33 =	vpop (erf)  }
0x2fb: {  	v16 =	vsel vm1, $0x3F800000, v0;
	v23 =	vsel vm2, $0x3F800000, v0;
	v45 =	vadd.f32 $2.000000000e+00, v33;
	v36 =	vpop (erf)  }
0x2fc: {  	v13 =	vand.u32 $0x7FFFFFFF, v61;
	v46 =	vadd.f32 $2.000000000e+00, v36;
	v37 =	vpop (erf);
	(erf) = vrcp.f32 v44  }
0x2fd: {  	v24 =	vmul.f32 $5.000000000e+01, v49;
	v47 =	vadd.f32 $2.000000000e+00, v37;
	(erf) = vrcp.f32 v45  }
0x2fe: {  	v27 =	vmul.f32 v55, v12;
	vm4 =	vgt.f32 v55, $5.000000000e-01;
	(erf) = vrcp.f32 v46  }
0x2ff: {  	v12 =	vmax.f32 v12, $0.0e+00;
	v43 =	vsel vm3, $0x3F800000, v0;
	(erf) = vrcp.f32 v47;
	v26 =	vpop (erf)  }
0x300: {  	v14 =	vand.u32 $0x7FFFFFFF, v62;
	v38 =	vmul.f32 $5.000000000e+01, v50;
	v51 =	vadd.f32 $2.000000000e+00, v26;
	v54 =	vpop (erf)  }
0x301: {  	v17 =	vand.u32 $0x7FFFFFFF, v34;
	v28 =	vmul.f32 $5.000000000e+01, v48;
	v52 =	vadd.f32 $2.000000000e+00, v54;
	v53 =	vpop (erf)  }
0x302: {  	v5 =	vadd.f32 v43, v5;
	v40 =	vadd.f32 $2.000000000e+00, v53;
	(erf) = vrcp.f32 v51  }
0x303: {  	vm5 =	vgt.f32 v24, $5.000000000e-01;
	v1 =	vadd.f32 v17, v1;
	v41 =	vpop (erf);
	(erf) = vrcp.f32 v52  }
0x304: {  	v5 =	vadd.f32 v23, v5;
	v42 =	vadd.f32 $2.000000000e+00, v41;
	(erf) = vrcp.f32 v40  }
0x305: {  	v24 =	vmul.f32 v24, v10;
	vm6 =	vgt.f32 v28, $5.000000000e-01;
	v1 =	vadd.f32 v14, v1;
	v56 =	vpop (erf)  }
0x306: {  	v5 =	vadd.f32 v16, v5;
	(erf) = vrcp.f32 v42;
	v57 =	vpop (erf);
	v25 =	vmul.f32 v56, v63  }
0x307: {  	vm7 =	vgt.f32 v38, $5.000000000e-01;
	v1 =	vadd.f32 v13, v1;
	v58 =	vpop (erf);
	v33 =	vmul.f32 v57, v33  }
0x308: {  	v5 =	vadd.f32 v15, v5;
	v30 =	vmul.f32 v58, v36;
	v59 =	vpop (erf);
	v60 =	vmul.f32 v25, v25  }
0x309: {  	v25 =	vadd.f32 v25, v25;
	v34 =	vmul.f32 v59, v37;
	v62 =	vmul.f32 v33, v33  }
0x30a: {  	v33 =	vadd.f32 v33, v33;
	v61 =	vmul.f32 v30, v30;
	v44 =	vmul.f32 $1.428571490e-01, v60  }
0x30b: {  	v30 =	vadd.f32 v30, v30;
	v63 =	vmul.f32 v34, v34;
	v45 =	vpop (erf);
	v47 =	vmul.f32 $1.428571490e-01, v62  }
0x30c: {  	v34 =	vadd.f32 v34, v34;
	v46 =	vmul.f32 $1.428571490e-01, v61;
	v48 =	vpop (erf);
	v26 =	vmul.f32 v45, v26  }
0x30d: {  	v44 =	vadd.f32 $2.000000030e-01, v44;
	v31 =	vmul.f32 v48, v54;
	v54 =	vpop (erf);
	v55 =	vmul.f32 $1.428571490e-01, v63  }
0x30e: {  	v47 =	vadd.f32 $2.000000030e-01, v47;
	v32 =	vmul.f32 v54, v53;
	v49 =	vadd.f32 v26, v26  }
0x30f: {  	v56 =	vpop (erf);
	v26 =	vmul.f32 v26, v26;
	v46 =	vadd.f32 $2.000000030e-01, v46;
	v44 =	vmul.f32 v44, v60  }
0x310: {  	v41 =	vmul.f32 v56, v41;
	v45 =	vadd.f32 v31, v31;
	v31 =	vmul.f32 v31, v31  }
0x311: {  	v48 =	vadd.f32 $2.000000030e-01, v55;
	v47 =	vmul.f32 v47, v62;
	v50 =	vmul.f32 v32, v32  }
0x312: {  	v46 =	vmul.f32 v46, v61;
	v32 =	vadd.f32 v32, v32;
	v52 =	vmul.f32 $1.428571490e-01, v26  }
0x313: {  	v44 =	vadd.f32 $3.333333430e-01, v44;
	v51 =	vmul.f32 v41, v41;
	v48 =	vmul.f32 v48, v63  }
0x314: {  	v41 =	vadd.f32 v41, v41;
	v47 =	vadd.f32 $3.333333430e-01, v47;
	v53 =	vmul.f32 $1.428571490e-01, v31  }
0x315: {  	v46 =	vadd.f32 $3.333333430e-01, v46;
	v54 =	vmul.f32 $1.428571490e-01, v50;
	v52 =	vadd.f32 $2.000000030e-01, v52  }
0x316: {  	v36 =	vmul.f32 v44, v60;
	v48 =	vadd.f32 $3.333333430e-01, v48;
	v55 =	vmul.f32 $1.428571490e-01, v51  }
0x317: {  	v53 =	vadd.f32 $2.000000030e-01, v53;
	v40 =	vmul.f32 v47, v62;
	v54 =	vadd.f32 $2.000000030e-01, v54  }
0x318: {  	v37 =	vmul.f32 v46, v61;
	v58 =	vmul.f32 v52, v26;
	v36 =	vadd.f32 $1.000000000e+00, v36  }
0x319: {  	v57 =	vadd.f32 $2.000000030e-01, v55;
	v42 =	vmul.f32 v48, v63;
	v59 =	vmul.f32 v53, v31  }
0x31a: {  	v40 =	vadd.f32 $1.000000000e+00, v40;
	v37 =	vadd.f32 $1.000000000e+00, v37;
	v60 =	vmul.f32 v54, v50  }
0x31b: {  	v46 =	vadd.f32 $3.333333430e-01, v58;
	v25 =	vmul.f32 v36, v25;
	v54 =	vsel vm7, $0x3F800000, v0  }
0x31c: {  	v42 =	vadd.f32 $1.000000000e+00, v42;
	v44 =	vmul.f32 v57, v51;
	v33 =	vmul.f32 v40, v33  }
0x31d: {  	v61 =	vadd.f32 $3.333333430e-01, v59;
	v40 =	vmax.f32 v10, $0.0e+00;
	v4 =	vadd.f32 v54, v4  }
0x31e: {  	v57 =	vsel vm6, $0x3F800000, v0;
	v59 =	vsel vm5, $0x3F800000, v0;
	v30 =	vmul.f32 v37, v30  }
0x31f: {  	v62 =	vadd.f32 $3.333333430e-01, v60;
	v26 =	vmul.f32 v46, v26;
	v22 =	vadd.f32 v25, v22  }
0x320: {  	v46 =	vmax.f32 v9, $0.0e+00;
	v34 =	vmul.f32 v42, v34;
	v63 =	vadd.f32 $3.333333430e-01, v44  }
0x321: {  	v31 =	vmul.f32 v61, v31;
	v33 =	vadd.f32 v33, v35;
	v4 =	vadd.f32 v57, v4  }
0x322: {  	v42 =	vmax.f32 v8, $0.0e+00;
	v30 =	vadd.f32 v30, v39;
	v26 =	vadd.f32 $1.000000000e+00, v26  }
0x323: {  	v36 =	vmul.f32 v62, v50;
	v19 =	vsub.f32 v22, v19;
	v29 =	vadd.f32 v34, v29  }
0x324: {  	v37 =	vmul.f32 v63, v51;
	v31 =	vadd.f32 $1.000000000e+00, v31;
	v18 =	vsub.f32 v33, v18  }
0x325: {  	v61 =	vsel vm4, $0x3F800000, v0;
	v4 =	vadd.f32 v59, v4;
	v39 =	vadd.f32 $1.000000000e+00, v36  }
0x326: {  	v63 =	vand.u32 $0x7FFFFFFF, v11;
	v20 =	vsub.f32 v30, v20;
	v25 =	vadd.f32 $1.000000000e+00, v37  }
0x327: {  	v26 =	vmul.f32 v26, v49;
	v1 =	vadd.f32 v63, v1;
	v44 =	vmul.f32 v31, v45  }
0x328: {  	v21 =	vsub.f32 v29, v21;
	v4 =	vadd.f32 v61, v4;
	v25 =	vmul.f32 v25, v41  }
0x329: {  	v45 =	vmul.f32 v39, v32;
	v12 =	vadd.f32 v26, v12;
	v10 =	vadd.f32 v44, v40  }
0x32a: {  	v50 =	vmul.f32 v38, v9;
	v7 =	vadd.f32 v21, v7;
	v47 =	vadd.f32 v25, v46  }
0x32b: {  	v49 =	vnsel vm3, $0x0, v21;
	v48 =	vadd.f32 v45, v42;
	v12 =	vsub.f32 v12, v27  }
0x32c: {  	v52 =	vmul.f32 v28, v8;
	v6 =	vadd.f32 v49, v6;
	v9 =	vsub.f32 v47, v50  }
0x32d: {  	v51 =	vnsel vm2, $0x0, v20;
	v10 =	vsub.f32 v10, v24;
	v7 =	vadd.f32 v20, v7  }
0x32e: {  	v8 =	vsub.f32 v48, v52;
	v56 =	vnsel vm7, $0x0, v9;
	v2 =	vadd.f32 v9, v2  }
0x32f: {  	v53 =	vnsel vm1, $0x0, v18;
	v6 =	vadd.f32 v51, v6;
	v3 =	vadd.f32 v56, v3  }
0x330: {  	v7 =	vadd.f32 v18, v7;
	v58 =	vnsel vm6, $0x0, v8;
	v2 =	vadd.f32 v8, v2  }
0x331: {  	[tilespmem:$0x10000] =	vst v5;
	v55 =	vnsel vm0, $0x0, v19;
	v6 =	vadd.f32 v53, v6;
	v3 =	vadd.f32 v58, v3  }
0x332: {  	[tilespmem:$0x10300] =	vst v1;
	v60 =	vnsel vm5, $0x0, v10;
	v7 =	vadd.f32 v19, v7;
	v2 =	vadd.f32 v10, v2  }
0x333: {  	[tilespmem:$0x10180] =	vst v4;
	v6 =	vadd.f32 v55, v6;
	v3 =	vadd.f32 v60, v3  }
0x334: {  	v62 =	vnsel vm4, $0x0, v12;
	[tilespmem:$0x10100] =	vst v7;
	v2 =	vadd.f32 v12, v2  }
0x335: {  	s25 =	sadd.s32 $0x1, s25;
	[tilespmem:$0x10080] =	vst v6;
	v3 =	vadd.f32 v62, v3  }
0x336: {  	p0 =	sne.s32 s25, s20;
	[tilespmem:$0x10280] =	vst v2  }
.Ltmp20:
0x337: {  	[tilespmem:$0x10200] =	vst v3;
	(pc) =	sbr.rel @p0 .LBB2_1-.Ltmp20, $4  }
0x338: {  	[hbm4b:s19+s2] =	stream.linear.scatter [tilespmem:s23], [sflag:$0x3], $0x380, $0x38;
	[tilespmem:$0x10400] =	vst v63  }
0x339: {  	_ =	swait.ge [sflag:s24], $0x380  }
0x33a: {  	[sflag:s24] =	ssyncset.done $0x0  }
0x33b: {  	[sflag:s24] =	ssyncadd.s32 $0xFFFFFC80  }
0x33c: {  	_ =	sfence.sel $0x180000  }
0x33d: {  	[bflag:$0x0] =	sbarrier.arrive $0xFFFF  }
0x33e: {  	_ =	strace $0x90000047  }
0x33f: {  	[bflag:$0x2] =	sbarrier.arrive $0xFFFF  }
0x340: {  	p0 =	sne.s32 s1, $0x0;
	s0 =	rddreg [dreg:$0x1]  }
0x341: {  	s0 =	sadd.s32 @!p0 $0x100000, s0  }
0x342: {  	[sflag:s0] =	ssyncadd.tile.s32 @!p0 $0x1;
	_ =	shalt  }
.Lfunc_end2:
_tile_overlayer_lowered:
.L_overlay_start_2:
0x343: {  	(tag) =	ssettag $0x2  }
0x344: {  	s0 =	rddreg [dreg:$0x0];
	s2 =	stileid.u32  }
0x345: {  	s1 =	rddreg [dreg:$0x1];
	p0 =	sne.s32 s2, $0x0  }
0x346: {  	s3 =	rddreg [dreg:$0x2];
	[bflag:$0x3] =	sbarrier.arrive $0xFFFF;
	s2 =	simm.s32 @!p0 $0x1C03  }
0x347: {  	[timem:s3], [sflag:s2] =	dma.local @!p0 [hbm:s0], s1  }
0x348: {  	s0 =	simm.s32 @!p0 $0x3  }
0x349: {  	_ =	swait.ge @!p0 [sflag:s0], s1  }
0x34a: {  	s1 =	ssub.s32 @!p0 $0x0, s1;
	[sflag:s0] =	ssyncset.done @!p0 $0x0  }
0x34b: {  	[sflag:s0] =	ssyncadd.s32 @!p0 s1  }
0x34c: {  	[bflag:$0x3] =	sbarrier.arrive $0xFFFF  }
0x34d: {  	_ =	shalt  }

</sc_bundles>
